<compile_context>
chip_gen: v7x
topology: tpu7x:2x2x1
jax: 0.10.2.dev20260603
libtpu: 0.0.44.dev20260713+nightly
codegen_flags: <defaults>
</compile_context>

<pallas_src>
import functools

import jax
import jax.numpy as jnp
from jax import lax
from jax.experimental import pallas as pl
from jax.experimental.pallas import tpu as pltpu
from jax.experimental.pallas import tpu_sc as plsc

_THRESHOLD = 0.5

_NC = 2
_NS = 16
_NW = _NC * _NS

_ROWS = 2 * 192 * 384
_W = 384
_ROWS_PER_W = _ROWS // _NW
_CH = 64
_N_CH = _ROWS_PER_W // _CH
_HALF = _N_CH // 2


def _sc_copy(x_hbm, o_hbm, abufs, bbufs, a_isems, a_osems, b_isems, b_osems):
    sid = lax.axis_index("s")
    wid = sid * _NC + lax.axis_index("c")
    base = wid * _ROWS_PER_W

    def src(chunk):
        return x_hbm.at[pl.ds(base + chunk * _CH, _CH)]

    def dst(chunk):
        return o_hbm.at[pl.ds(base + chunk * _CH, _CH)]

    def a_in(j):
        return pltpu.async_copy(src(2 * j), abufs[j % 2].at[sid], a_isems[j % 2])

    def a_out(j):
        return pltpu.async_copy(abufs[j % 2].at[sid], dst(2 * j), a_osems[j % 2])

    def b_in(j):
        return pltpu.async_copy(src(2 * j + 1), bbufs[j % 2], b_isems[j % 2])

    def b_out(j):
        return pltpu.async_copy(bbufs[j % 2], dst(2 * j + 1), b_osems[j % 2])

    A_in = [a_in(0), None]
    B_in = [b_in(0), None]
    A_out = [None, None]
    B_out = [None, None]
    for j in range(_HALF):
        b = j % 2
        nb = (j + 1) % 2
        if j + 1 < _HALF:
            if j >= 1:
                A_out[nb].wait()
            A_in[nb] = a_in(j + 1)
            if j >= 1:
                B_out[nb].wait()
            B_in[nb] = b_in(j + 1)
        A_in[b].wait()
        A_out[b] = a_out(j)
        B_in[b].wait()
        B_out[b] = b_out(j)
    for c in A_out + B_out:
        if c is not None:
            c.wait()


def kernel(x, heatmap0):
    del heatmap0
    b, c, h, w = x.shape
    x2 = x.reshape(_ROWS, _W)
    mesh = plsc.VectorSubcoreMesh(core_axis_name="c", subcore_axis_name="s")
    run = functools.partial(
        pl.kernel,
        out_type=jax.ShapeDtypeStruct((_ROWS, _W), x.dtype),
        mesh=mesh,
        scratch_types=[
            [pltpu.VMEM_SHARED((_NS, _CH, _W), jnp.float32)] * 2,
            [pltpu.VMEM((_CH, _W), jnp.float32)] * 2,
            [pltpu.SemaphoreType.DMA] * 2,
            [pltpu.SemaphoreType.DMA] * 2,
            [pltpu.SemaphoreType.DMA] * 2,
            [pltpu.SemaphoreType.DMA] * 2,
        ],
    )(_sc_copy)
    out = run(x2)
    return (out.reshape(b, c, h, w), jnp.float32(_THRESHOLD))

# --- scband reference (transcript-rebuilt; emitter-appended) ---
"""Pipeline reference for scband-heat-map-parser-71536975282595 (READ-ONLY COPY).

The authoritative reference and input builder live on the scoring server;
editing this copy changes nothing except your own understanding.
"""

import jax, jax.numpy as jnp
import numpy as np

THRESHOLD = 0.5

def setup_inputs(seed: int = 0) -> dict:
    key = jax.random.key(seed)
    k1, k2 = jax.random.split(key)
    x = jax.random.normal(k1, (2, 192, 384, 384), dtype=jnp.float32)
    heatmap0 = jax.random.normal(k2, (2, 1, 384, 384), dtype=jnp.float32)
    return {"x": x, "heatmap0": heatmap0}

def reference(x, heatmap0):
    # forward takes (x, heatmaps); here heatmaps = [heatmap0]
    # mask_pred preprocessing (detached in the torch code)
    mp = jax.lax.stop_gradient(heatmap0)
    needs_sigmoid = (jnp.max(mp) > 1.0) | (jnp.min(mp) < 0.0)
    mp = jnp.where(needs_sigmoid, jax.nn.sigmoid(mp), mp)
    mask_pred = mp[:, 0, :, :]  # computed but unused on the mask_only path
    # mask_only=True path: return (x, threshold)
    return (x, jnp.float32(THRESHOLD))

if __name__ == "__main__":
    import jax
    _d = setup_inputs()
    print(jax.jit(kernel)(*tuple(_d.values())))

</pallas_src>

<mosaic_0001>
#map = affine_map<(d0, d1) -> (0, 0)>
module attributes {stable_mosaic.version = 14 : i64} {
  func.func @_sc_copy(%arg0: i32, %arg1: i32, %arg2: memref<147456x384xf32, #tpu.memory_space<hbm>>, %arg3: memref<147456x384xf32, #tpu.memory_space<hbm>>, %arg4: memref<16x64x384xf32, #tpu.memory_space<vmem_shared>>, %arg5: memref<16x64x384xf32, #tpu.memory_space<vmem_shared>>, %arg6: memref<64x384xf32, #tpu.memory_space<vmem>>, %arg7: memref<64x384xf32, #tpu.memory_space<vmem>>, %arg8: memref<!tpu.dma_semaphore, #tpu.memory_space<semaphore_mem>>, %arg9: memref<!tpu.dma_semaphore, #tpu.memory_space<semaphore_mem>>, %arg10: memref<!tpu.dma_semaphore, #tpu.memory_space<semaphore_mem>>, %arg11: memref<!tpu.dma_semaphore, #tpu.memory_space<semaphore_mem>>, %arg12: memref<!tpu.dma_semaphore, #tpu.memory_space<semaphore_mem>>, %arg13: memref<!tpu.dma_semaphore, #tpu.memory_space<semaphore_mem>>, %arg14: memref<!tpu.dma_semaphore, #tpu.memory_space<semaphore_mem>>, %arg15: memref<!tpu.dma_semaphore, #tpu.memory_space<semaphore_mem>>) attributes {dimension_semantics = [#tpu.dimension_semantics<core_parallel>, #tpu.dimension_semantics<subcore_parallel>], iteration_bounds = array<i64: 2, 16>, scalar_prefetch = 0 : i64, scratch_operands = 12 : i64, tpu.core_type = #tpu.core_type<sc_vector_subcore>, window_params = [{transform_indices = #map}, {transform_indices = #map}]} {
    %mul3A = arith.constant 2 : i32
    %mul3A_0 = arith.muli %arg1, %mul3A : i32
    %add3A = arith.addi %mul3A_0, %arg0 : i32
    %mul3A_1 = arith.constant 4608 : i32
    %mul3A_2 = arith.muli %add3A, %mul3A_1 : i32
    %add3A_3 = arith.constant 0 : i32
    %add3A_4 = arith.addi %mul3A_2, %add3A_3 : i32
    %dma_start3A = arith.constant 0 : i32
    %dma_start3A_5 = arith.constant 0 : i32
    %dma_start3A_6 = tpu.memref_slice %arg4[%arg1, %dma_start3A, %dma_start3A_5] : memref<16x64x384xf32, #tpu.memory_space<vmem_shared>> -> memref<1x64x384xf32, #tpu.memory_space<vmem_shared>>
    %dma_start3A_7 = tpu.memref_squeeze %dma_start3A_6 : memref<1x64x384xf32, #tpu.memory_space<vmem_shared>> -> memref<64x384xf32, #tpu.memory_space<vmem_shared>>
    %dma_start3A_8 = arith.constant 0 : i32
    %dma_start3A_9 = tpu.memref_slice %arg2[%add3A_4, %dma_start3A_8] : memref<147456x384xf32, #tpu.memory_space<hbm>> -> memref<64x384xf32, #tpu.memory_space<hbm>>
    tpu.enqueue_dma source(%dma_start3A_9 : memref<64x384xf32, #tpu.memory_space<hbm>>) target(%dma_start3A_7 : memref<64x384xf32, #tpu.memory_space<vmem_shared>>) target_semaphore(%arg8 : memref<!tpu.dma_semaphore, #tpu.memory_space<semaphore_mem>>)
    %add3A_10 = arith.constant 64 : i32
    %add3A_11 = arith.addi %mul3A_2, %add3A_10 : i32
    %dma_start3A_12 = arith.constant 0 : i32
    %dma_start3A_13 = tpu.memref_slice %arg2[%add3A_11, %dma_start3A_12] : memref<147456x384xf32, #tpu.memory_space<hbm>> -> memref<64x384xf32, #tpu.memory_space<hbm>>
    %dma_start3A_14 = arith.constant 0 : i32
    %dma_start3A_15 = tpu.memref_slice %arg2[%add3A_11, %dma_start3A_14] : memref<147456x384xf32, #tpu.memory_space<hbm>> -> memref<64x384xf32, #tpu.memory_space<hbm>>
    tpu.enqueue_dma source(%dma_start3A_15 : memref<64x384xf32, #tpu.memory_space<hbm>>) target(%arg6 : memref<64x384xf32, #tpu.memory_space<vmem>>) target_semaphore(%arg12 : memref<!tpu.dma_semaphore, #tpu.memory_space<semaphore_mem>>)
    %add3A_16 = arith.constant 128 : i32
    %add3A_17 = arith.addi %mul3A_2, %add3A_16 : i32
    %dma_start3A_18 = arith.constant 0 : i32
    %dma_start3A_19 = arith.constant 0 : i32
    %dma_start3A_20 = tpu.memref_slice %arg5[%arg1, %dma_start3A_18, %dma_start3A_19] : memref<16x64x384xf32, #tpu.memory_space<vmem_shared>> -> memref<1x64x384xf32, #tpu.memory_space<vmem_shared>>
    %dma_start3A_21 = tpu.memref_squeeze %dma_start3A_20 : memref<1x64x384xf32, #tpu.memory_space<vmem_shared>> -> memref<64x384xf32, #tpu.memory_space<vmem_shared>>
    %dma_start3A_22 = arith.constant 0 : i32
    %dma_start3A_23 = tpu.memref_slice %arg2[%add3A_17, %dma_start3A_22] : memref<147456x384xf32, #tpu.memory_space<hbm>> -> memref<64x384xf32, #tpu.memory_space<hbm>>
    tpu.enqueue_dma source(%dma_start3A_23 : memref<64x384xf32, #tpu.memory_space<hbm>>) target(%dma_start3A_21 : memref<64x384xf32, #tpu.memory_space<vmem_shared>>) target_semaphore(%arg9 : memref<!tpu.dma_semaphore, #tpu.memory_space<semaphore_mem>>)
    %add3A_24 = arith.constant 192 : i32
    %add3A_25 = arith.addi %mul3A_2, %add3A_24 : i32
    %dma_start3A_26 = arith.constant 0 : i32
    %dma_start3A_27 = tpu.memref_slice %arg2[%add3A_25, %dma_start3A_26] : memref<147456x384xf32, #tpu.memory_space<hbm>> -> memref<64x384xf32, #tpu.memory_space<hbm>>
    %dma_start3A_28 = arith.constant 0 : i32
    %dma_start3A_29 = tpu.memref_slice %arg2[%add3A_25, %dma_start3A_28] : memref<147456x384xf32, #tpu.memory_space<hbm>> -> memref<64x384xf32, #tpu.memory_space<hbm>>
    tpu.enqueue_dma source(%dma_start3A_29 : memref<64x384xf32, #tpu.memory_space<hbm>>) target(%arg7 : memref<64x384xf32, #tpu.memory_space<vmem>>) target_semaphore(%arg13 : memref<!tpu.dma_semaphore, #tpu.memory_space<semaphore_mem>>)
    %dma_wait3A = arith.constant 0 : i32
    %dma_wait3A_30 = arith.constant 0 : i32
    %dma_wait3A_31 = tpu.memref_slice %arg4[%arg1, %dma_wait3A, %dma_wait3A_30] : memref<16x64x384xf32, #tpu.memory_space<vmem_shared>> -> memref<1x64x384xf32, #tpu.memory_space<vmem_shared>>
    %dma_wait3A_32 = tpu.memref_squeeze %dma_wait3A_31 : memref<1x64x384xf32, #tpu.memory_space<vmem_shared>> -> memref<64x384xf32, #tpu.memory_space<vmem_shared>>
    %dma_wait3A_33 = arith.constant 0 : i32
    %dma_wait3A_34 = tpu.memref_slice %arg2[%add3A_4, %dma_wait3A_33] : memref<147456x384xf32, #tpu.memory_space<hbm>> -> memref<64x384xf32, #tpu.memory_space<hbm>>
    tpu.wait_dma2 semaphore(%arg8 : memref<!tpu.dma_semaphore, #tpu.memory_space<semaphore_mem>>) src(%dma_wait3A_34 : memref<64x384xf32, #tpu.memory_space<hbm>>) dst(%dma_wait3A_32 : memref<64x384xf32, #tpu.memory_space<vmem_shared>>)
    %add3A_35 = arith.constant 0 : i32
    %add3A_36 = arith.addi %mul3A_2, %add3A_35 : i32
    %dma_start3A_37 = arith.constant 0 : i32
    %dma_start3A_38 = tpu.memref_slice %arg3[%add3A_36, %dma_start3A_37] : memref<147456x384xf32, #tpu.memory_space<hbm>> -> memref<64x384xf32, #tpu.memory_space<hbm>>
    %dma_start3A_39 = arith.constant 0 : i32
    %dma_start3A_40 = arith.constant 0 : i32
    %dma_start3A_41 = tpu.memref_slice %arg4[%arg1, %dma_start3A_39, %dma_start3A_40] : memref<16x64x384xf32, #tpu.memory_space<vmem_shared>> -> memref<1x64x384xf32, #tpu.memory_space<vmem_shared>>
    %dma_start3A_42 = tpu.memref_squeeze %dma_start3A_41 : memref<1x64x384xf32, #tpu.memory_space<vmem_shared>> -> memref<64x384xf32, #tpu.memory_space<vmem_shared>>
    tpu.enqueue_dma source(%dma_start3A_42 : memref<64x384xf32, #tpu.memory_space<vmem_shared>>) target(%dma_start3A_38 : memref<64x384xf32, #tpu.memory_space<hbm>>) target_semaphore(%arg10 : memref<!tpu.dma_semaphore, #tpu.memory_space<semaphore_mem>>)
    %dma_wait3A_43 = arith.constant 0 : i32
    %dma_wait3A_44 = tpu.memref_slice %arg2[%add3A_11, %dma_wait3A_43] : memref<147456x384xf32, #tpu.memory_space<hbm>> -> memref<64x384xf32, #tpu.memory_space<hbm>>
    %dma_wait3A_45 = arith.constant 0 : i32
    %dma_wait3A_46 = tpu.memref_slice %arg2[%add3A_11, %dma_wait3A_45] : memref<147456x384xf32, #tpu.memory_space<hbm>> -> memref<64x384xf32, #tpu.memory_space<hbm>>
    tpu.wait_dma2 semaphore(%arg12 : memref<!tpu.dma_semaphore, #tpu.memory_space<semaphore_mem>>) src(%dma_wait3A_46 : memref<64x384xf32, #tpu.memory_space<hbm>>) dst(%arg6 : memref<64x384xf32, #tpu.memory_space<vmem>>)
    %add3A_47 = arith.constant 64 : i32
    %add3A_48 = arith.addi %mul3A_2, %add3A_47 : i32
    %dma_start3A_49 = arith.constant 0 : i32
    %dma_start3A_50 = tpu.memref_slice %arg3[%add3A_48, %dma_start3A_49] : memref<147456x384xf32, #tpu.memory_space<hbm>> -> memref<64x384xf32, #tpu.memory_space<hbm>>
    %dma_start3A_51 = arith.constant 0 : i32
    %dma_start3A_52 = tpu.memref_slice %arg3[%add3A_48, %dma_start3A_51] : memref<147456x384xf32, #tpu.memory_space<hbm>> -> memref<64x384xf32, #tpu.memory_space<hbm>>
    tpu.enqueue_dma source(%arg6 : memref<64x384xf32, #tpu.memory_space<vmem>>) target(%dma_start3A_52 : memref<64x384xf32, #tpu.memory_space<hbm>>) target_semaphore(%arg14 : memref<!tpu.dma_semaphore, #tpu.memory_space<semaphore_mem>>)
    %dma_wait3A_53 = arith.constant 0 : i32
    %dma_wait3A_54 = tpu.memref_slice %arg3[%add3A_36, %dma_wait3A_53] : memref<147456x384xf32, #tpu.memory_space<hbm>> -> memref<64x384xf32, #tpu.memory_space<hbm>>
    %dma_wait3A_55 = arith.constant 0 : i32
    %dma_wait3A_56 = arith.constant 0 : i32
    %dma_wait3A_57 = tpu.memref_slice %arg4[%arg1, %dma_wait3A_55, %dma_wait3A_56] : memref<16x64x384xf32, #tpu.memory_space<vmem_shared>> -> memref<1x64x384xf32, #tpu.memory_space<vmem_shared>>
    %dma_wait3A_58 = tpu.memref_squeeze %dma_wait3A_57 : memref<1x64x384xf32, #tpu.memory_space<vmem_shared>> -> memref<64x384xf32, #tpu.memory_space<vmem_shared>>
    tpu.wait_dma2 semaphore(%arg10 : memref<!tpu.dma_semaphore, #tpu.memory_space<semaphore_mem>>) src(%dma_wait3A_58 : memref<64x384xf32, #tpu.memory_space<vmem_shared>>) dst(%dma_wait3A_54 : memref<64x384xf32, #tpu.memory_space<hbm>>)
    %add3A_59 = arith.constant 256 : i32
    %add3A_60 = arith.addi %mul3A_2, %add3A_59 : i32
    %dma_start3A_61 = arith.constant 0 : i32
    %dma_start3A_62 = arith.constant 0 : i32
    %dma_start3A_63 = tpu.memref_slice %arg4[%arg1, %dma_start3A_61, %dma_start3A_62] : memref<16x64x384xf32, #tpu.memory_space<vmem_shared>> -> memref<1x64x384xf32, #tpu.memory_space<vmem_shared>>
    %dma_start3A_64 = tpu.memref_squeeze %dma_start3A_63 : memref<1x64x384xf32, #tpu.memory_space<vmem_shared>> -> memref<64x384xf32, #tpu.memory_space<vmem_shared>>
    %dma_start3A_65 = arith.constant 0 : i32
    %dma_start3A_66 = tpu.memref_slice %arg2[%add3A_60, %dma_start3A_65] : memref<147456x384xf32, #tpu.memory_space<hbm>> -> memref<64x384xf32, #tpu.memory_space<hbm>>
    tpu.enqueue_dma source(%dma_start3A_66 : memref<64x384xf32, #tpu.memory_space<hbm>>) target(%dma_start3A_64 : memref<64x384xf32, #tpu.memory_space<vmem_shared>>) target_semaphore(%arg8 : memref<!tpu.dma_semaphore, #tpu.memory_space<semaphore_mem>>)
    %dma_wait3A_67 = arith.constant 0 : i32
    %dma_wait3A_68 = tpu.memref_slice %arg3[%add3A_48, %dma_wait3A_67] : memref<147456x384xf32, #tpu.memory_space<hbm>> -> memref<64x384xf32, #tpu.memory_space<hbm>>
    %dma_wait3A_69 = arith.constant 0 : i32
    %dma_wait3A_70 = tpu.memref_slice %arg3[%add3A_48, %dma_wait3A_69] : memref<147456x384xf32, #tpu.memory_space<hbm>> -> memref<64x384xf32, #tpu.memory_space<hbm>>
    tpu.wait_dma2 semaphore(%arg14 : memref<!tpu.dma_semaphore, #tpu.memory_space<semaphore_mem>>) src(%arg6 : memref<64x384xf32, #tpu.memory_space<vmem>>) dst(%dma_wait3A_70 : memref<64x384xf32, #tpu.memory_space<hbm>>)
    %add3A_71 = arith.constant 320 : i32
    %add3A_72 = arith.addi %mul3A_2, %add3A_71 : i32
    %dma_start3A_73 = arith.constant 0 : i32
    %dma_start3A_74 = tpu.memref_slice %arg2[%add3A_72, %dma_start3A_73] : memref<147456x384xf32, #tpu.memory_space<hbm>> -> memref<64x384xf32, #tpu.memory_space<hbm>>
    %dma_start3A_75 = arith.constant 0 : i32
    %dma_start3A_76 = tpu.memref_slice %arg2[%add3A_72, %dma_start3A_75] : memref<147456x384xf32, #tpu.memory_space<hbm>> -> memref<64x384xf32, #tpu.memory_space<hbm>>
    tpu.enqueue_dma source(%dma_start3A_76 : memref<64x384xf32, #tpu.memory_space<hbm>>) target(%arg6 : memref<64x384xf32, #tpu.memory_space<vmem>>) target_semaphore(%arg12 : memref<!tpu.dma_semaphore, #tpu.memory_space<semaphore_mem>>)
    %dma_wait3A_77 = arith.constant 0 : i32
    %dma_wait3A_78 = arith.constant 0 : i32
    %dma_wait3A_79 = tpu.memref_slice %arg5[%arg1, %dma_wait3A_77, %dma_wait3A_78] : memref<16x64x384xf32, #tpu.memory_space<vmem_shared>> -> memref<1x64x384xf32, #tpu.memory_space<vmem_shared>>
    %dma_wait3A_80 = tpu.memref_squeeze %dma_wait3A_79 : memref<1x64x384xf32, #tpu.memory_space<vmem_shared>> -> memref<64x384xf32, #tpu.memory_space<vmem_shared>>
    %dma_wait3A_81 = arith.constant 0 : i32
    %dma_wait3A_82 = tpu.memref_slice %arg2[%add3A_17, %dma_wait3A_81] : memref<147456x384xf32, #tpu.memory_space<hbm>> -> memref<64x384xf32, #tpu.memory_space<hbm>>
    tpu.wait_dma2 semaphore(%arg9 : memref<!tpu.dma_semaphore, #tpu.memory_space<semaphore_mem>>) src(%dma_wait3A_82 : memref<64x384xf32, #tpu.memory_space<hbm>>) dst(%dma_wait3A_80 : memref<64x384xf32, #tpu.memory_space<vmem_shared>>)
    %add3A_83 = arith.constant 128 : i32
    %add3A_84 = arith.addi %mul3A_2, %add3A_83 : i32
    %dma_start3A_85 = arith.constant 0 : i32
    %dma_start3A_86 = tpu.memref_slice %arg3[%add3A_84, %dma_start3A_85] : memref<147456x384xf32, #tpu.memory_space<hbm>> -> memref<64x384xf32, #tpu.memory_space<hbm>>
    %dma_start3A_87 = arith.constant 0 : i32
    %dma_start3A_88 = arith.constant 0 : i32
    %dma_start3A_89 = tpu.memref_slice %arg5[%arg1, %dma_start3A_87, %dma_start3A_88] : memref<16x64x384xf32, #tpu.memory_space<vmem_shared>> -> memref<1x64x384xf32, #tpu.memory_space<vmem_shared>>
    %dma_start3A_90 = tpu.memref_squeeze %dma_start3A_89 : memref<1x64x384xf32, #tpu.memory_space<vmem_shared>> -> memref<64x384xf32, #tpu.memory_space<vmem_shared>>
    tpu.enqueue_dma source(%dma_start3A_90 : memref<64x384xf32, #tpu.memory_space<vmem_shared>>) target(%dma_start3A_86 : memref<64x384xf32, #tpu.memory_space<hbm>>) target_semaphore(%arg11 : memref<!tpu.dma_semaphore, #tpu.memory_space<semaphore_mem>>)
    %dma_wait3A_91 = arith.constant 0 : i32
    %dma_wait3A_92 = tpu.memref_slice %arg2[%add3A_25, %dma_wait3A_91] : memref<147456x384xf32, #tpu.memory_space<hbm>> -> memref<64x384xf32, #tpu.memory_space<hbm>>
    %dma_wait3A_93 = arith.constant 0 : i32
    %dma_wait3A_94 = tpu.memref_slice %arg2[%add3A_25, %dma_wait3A_93] : memref<147456x384xf32, #tpu.memory_space<hbm>> -> memref<64x384xf32, #tpu.memory_space<hbm>>
    tpu.wait_dma2 semaphore(%arg13 : memref<!tpu.dma_semaphore, #tpu.memory_space<semaphore_mem>>) src(%dma_wait3A_94 : memref<64x384xf32, #tpu.memory_space<hbm>>) dst(%arg7 : memref<64x384xf32, #tpu.memory_space<vmem>>)
    %add3A_95 = arith.constant 192 : i32
    %add3A_96 = arith.addi %mul3A_2, %add3A_95 : i32
    %dma_start3A_97 = arith.constant 0 : i32
    %dma_start3A_98 = tpu.memref_slice %arg3[%add3A_96, %dma_start3A_97] : memref<147456x384xf32, #tpu.memory_space<hbm>> -> memref<64x384xf32, #tpu.memory_space<hbm>>
    %dma_start3A_99 = arith.constant 0 : i32
    %dma_start3A_100 = tpu.memref_slice %arg3[%add3A_96, %dma_start3A_99] : memref<147456x384xf32, #tpu.memory_space<hbm>> -> memref<64x384xf32, #tpu.memory_space<hbm>>
    tpu.enqueue_dma source(%arg7 : memref<64x384xf32, #tpu.memory_space<vmem>>) target(%dma_start3A_100 : memref<64x384xf32, #tpu.memory_space<hbm>>) target_semaphore(%arg15 : memref<!tpu.dma_semaphore, #tpu.memory_space<semaphore_mem>>)
    %dma_wait3A_101 = arith.constant 0 : i32
    %dma_wait3A_102 = tpu.memref_slice %arg3[%add3A_84, %dma_wait3A_101] : memref<147456x384xf32, #tpu.memory_space<hbm>> -> memref<64x384xf32, #tpu.memory_space<hbm>>
    %dma_wait3A_103 = arith.constant 0 : i32
    %dma_wait3A_104 = arith.constant 0 : i32
    %dma_wait3A_105 = tpu.memref_slice %arg5[%arg1, %dma_wait3A_103, %dma_wait3A_104] : memref<16x64x384xf32, #tpu.memory_space<vmem_shared>> -> memref<1x64x384xf32, #tpu.memory_space<vmem_shared>>
    %dma_wait3A_106 = tpu.memref_squeeze %dma_wait3A_105 : memref<1x64x384xf32, #tpu.memory_space<vmem_shared>> -> memref<64x384xf32, #tpu.memory_space<vmem_shared>>
    tpu.wait_dma2 semaphore(%arg11 : memref<!tpu.dma_semaphore, #tpu.memory_space<semaphore_mem>>) src(%dma_wait3A_106 : memref<64x384xf32, #tpu.memory_space<vmem_shared>>) dst(%dma_wait3A_102 : memref<64x384xf32, #tpu.memory_space<hbm>>)
    %add3A_107 = arith.constant 384 : i32
    %add3A_108 = arith.addi %mul3A_2, %add3A_107 : i32
    %dma_start3A_109 = arith.constant 0 : i32
    %dma_start3A_110 = arith.constant 0 : i32
    %dma_start3A_111 = tpu.memref_slice %arg5[%arg1, %dma_start3A_109, %dma_start3A_110] : memref<16x64x384xf32, #tpu.memory_space<vmem_shared>> -> memref<1x64x384xf32, #tpu.memory_space<vmem_shared>>
    %dma_start3A_112 = tpu.memref_squeeze %dma_start3A_111 : memref<1x64x384xf32, #tpu.memory_space<vmem_shared>> -> memref<64x384xf32, #tpu.memory_space<vmem_shared>>
    %dma_start3A_113 = arith.constant 0 : i32
    %dma_start3A_114 = tpu.memref_slice %arg2[%add3A_108, %dma_start3A_113] : memref<147456x384xf32, #tpu.memory_space<hbm>> -> memref<64x384xf32, #tpu.memory_space<hbm>>
    tpu.enqueue_dma source(%dma_start3A_114 : memref<64x384xf32, #tpu.memory_space<hbm>>) target(%dma_start3A_112 : memref<64x384xf32, #tpu.memory_space<vmem_shared>>) target_semaphore(%arg9 : memref<!tpu.dma_semaphore, #tpu.memory_space<semaphore_mem>>)
    %dma_wait3A_115 = arith.constant 0 : i32
    %dma_wait3A_116 = tpu.memref_slice %arg3[%add3A_96, %dma_wait3A_115] : memref<147456x384xf32, #tpu.memory_space<hbm>> -> memref<64x384xf32, #tpu.memory_space<hbm>>
    %dma_wait3A_117 = arith.constant 0 : i32
    %dma_wait3A_118 = tpu.memref_slice %arg3[%add3A_96, %dma_wait3A_117] : memref<147456x384xf32, #tpu.memory_space<hbm>> -> memref<64x384xf32, #tpu.memory_space<hbm>>
    tpu.wait_dma2 semaphore(%arg15 : memref<!tpu.dma_semaphore, #tpu.memory_space<semaphore_mem>>) src(%arg7 : memref<64x384xf32, #tpu.memory_space<vmem>>) dst(%dma_wait3A_118 : memref<64x384xf32, #tpu.memory_space<hbm>>)
    %add3A_119 = arith.constant 448 : i32
    %add3A_120 = arith.addi %mul3A_2, %add3A_119 : i32
    %dma_start3A_121 = arith.constant 0 : i32
    %dma_start3A_122 = tpu.memref_slice %arg2[%add3A_120, %dma_start3A_121] : memref<147456x384xf32, #tpu.memory_space<hbm>> -> memref<64x384xf32, #tpu.memory_space<hbm>>
    %dma_start3A_123 = arith.constant 0 : i32
    %dma_start3A_124 = tpu.memref_slice %arg2[%add3A_120, %dma_start3A_123] : memref<147456x384xf32, #tpu.memory_space<hbm>> -> memref<64x384xf32, #tpu.memory_space<hbm>>
    tpu.enqueue_dma source(%dma_start3A_124 : memref<64x384xf32, #tpu.memory_space<hbm>>) target(%arg7 : memref<64x384xf32, #tpu.memory_space<vmem>>) target_semaphore(%arg13 : memref<!tpu.dma_semaphore, #tpu.memory_space<semaphore_mem>>)
    %dma_wait3A_125 = arith.constant 0 : i32
    %dma_wait3A_126 = arith.constant 0 : i32
    %dma_wait3A_127 = tpu.memref_slice %arg4[%arg1, %dma_wait3A_125, %dma_wait3A_126] : memref<16x64x384xf32, #tpu.memory_space<vmem_shared>> -> memref<1x64x384xf32, #tpu.memory_space<vmem_shared>>
    %dma_wait3A_128 = tpu.memref_squeeze %dma_wait3A_127 : memref<1x64x384xf32, #tpu.memory_space<vmem_shared>> -> memref<64x384xf32, #tpu.memory_space<vmem_shared>>
    %dma_wait3A_129 = arith.constant 0 : i32
    %dma_wait3A_130 = tpu.memref_slice %arg2[%add3A_60, %dma_wait3A_129] : memref<147456x384xf32, #tpu.memory_space<hbm>> -> memref<64x384xf32, #tpu.memory_space<hbm>>
    tpu.wait_dma2 semaphore(%arg8 : memref<!tpu.dma_semaphore, #tpu.memory_space<semaphore_mem>>) src(%dma_wait3A_130 : memref<64x384xf32, #tpu.memory_space<hbm>>) dst(%dma_wait3A_128 : memref<64x384xf32, #tpu.memory_space<vmem_shared>>)
    %add3A_131 = arith.constant 256 : i32
    %add3A_132 = arith.addi %mul3A_2, %add3A_131 : i32
    %dma_start3A_133 = arith.constant 0 : i32
    %dma_start3A_134 = tpu.memref_slice %arg3[%add3A_132, %dma_start3A_133] : memref<147456x384xf32, #tpu.memory_space<hbm>> -> memref<64x384xf32, #tpu.memory_space<hbm>>
    %dma_start3A_135 = arith.constant 0 : i32
    %dma_start3A_136 = arith.constant 0 : i32
    %dma_start3A_137 = tpu.memref_slice %arg4[%arg1, %dma_start3A_135, %dma_start3A_136] : memref<16x64x384xf32, #tpu.memory_space<vmem_shared>> -> memref<1x64x384xf32, #tpu.memory_space<vmem_shared>>
    %dma_start3A_138 = tpu.memref_squeeze %dma_start3A_137 : memref<1x64x384xf32, #tpu.memory_space<vmem_shared>> -> memref<64x384xf32, #tpu.memory_space<vmem_shared>>
    tpu.enqueue_dma source(%dma_start3A_138 : memref<64x384xf32, #tpu.memory_space<vmem_shared>>) target(%dma_start3A_134 : memref<64x384xf32, #tpu.memory_space<hbm>>) target_semaphore(%arg10 : memref<!tpu.dma_semaphore, #tpu.memory_space<semaphore_mem>>)
    %dma_wait3A_139 = arith.constant 0 : i32
    %dma_wait3A_140 = tpu.memref_slice %arg2[%add3A_72, %dma_wait3A_139] : memref<147456x384xf32, #tpu.memory_space<hbm>> -> memref<64x384xf32, #tpu.memory_space<hbm>>
    %dma_wait3A_141 = arith.constant 0 : i32
    %dma_wait3A_142 = tpu.memref_slice %arg2[%add3A_72, %dma_wait3A_141] : memref<147456x384xf32, #tpu.memory_space<hbm>> -> memref<64x384xf32, #tpu.memory_space<hbm>>
    tpu.wait_dma2 semaphore(%arg12 : memref<!tpu.dma_semaphore, #tpu.memory_space<semaphore_mem>>) src(%dma_wait3A_142 : memref<64x384xf32, #tpu.memory_space<hbm>>) dst(%arg6 : memref<64x384xf32, #tpu.memory_space<vmem>>)
    %add3A_143 = arith.constant 320 : i32
    %add3A_144 = arith.addi %mul3A_2, %add3A_143 : i32
    %dma_start3A_145 = arith.constant 0 : i32
    %dma_start3A_146 = tpu.memref_slice %arg3[%add3A_144, %dma_start3A_145] : memref<147456x384xf32, #tpu.memory_space<hbm>> -> memref<64x384xf32, #tpu.memory_space<hbm>>
    %dma_start3A_147 = arith.constant 0 : i32
    %dma_start3A_148 = tpu.memref_slice %arg3[%add3A_144, %dma_start3A_147] : memref<147456x384xf32, #tpu.memory_space<hbm>> -> memref<64x384xf32, #tpu.memory_space<hbm>>
    tpu.enqueue_dma source(%arg6 : memref<64x384xf32, #tpu.memory_space<vmem>>) target(%dma_start3A_148 : memref<64x384xf32, #tpu.memory_space<hbm>>) target_semaphore(%arg14 : memref<!tpu.dma_semaphore, #tpu.memory_space<semaphore_mem>>)
    %dma_wait3A_149 = arith.constant 0 : i32
    %dma_wait3A_150 = tpu.memref_slice %arg3[%add3A_132, %dma_wait3A_149] : memref<147456x384xf32, #tpu.memory_space<hbm>> -> memref<64x384xf32, #tpu.memory_space<hbm>>
    %dma_wait3A_151 = arith.constant 0 : i32
    %dma_wait3A_152 = arith.constant 0 : i32
    %dma_wait3A_153 = tpu.memref_slice %arg4[%arg1, %dma_wait3A_151, %dma_wait3A_152] : memref<16x64x384xf32, #tpu.memory_space<vmem_shared>> -> memref<1x64x384xf32, #tpu.memory_space<vmem_shared>>
    %dma_wait3A_154 = tpu.memref_squeeze %dma_wait3A_153 : memref<1x64x384xf32, #tpu.memory_space<vmem_shared>> -> memref<64x384xf32, #tpu.memory_space<vmem_shared>>
    tpu.wait_dma2 semaphore(%arg10 : memref<!tpu.dma_semaphore, #tpu.memory_space<semaphore_mem>>) src(%dma_wait3A_154 : memref<64x384xf32, #tpu.memory_space<vmem_shared>>) dst(%dma_wait3A_150 : memref<64x384xf32, #tpu.memory_space<hbm>>)
    %add3A_155 = arith.constant 512 : i32
    %add3A_156 = arith.addi %mul3A_2, %add3A_155 : i32
    %dma_start3A_157 = arith.constant 0 : i32
    %dma_start3A_158 = arith.constant 0 : i32
    %dma_start3A_159 = tpu.memref_slice %arg4[%arg1, %dma_start3A_157, %dma_start3A_158] : memref<16x64x384xf32, #tpu.memory_space<vmem_shared>> -> memref<1x64x384xf32, #tpu.memory_space<vmem_shared>>
    %dma_start3A_160 = tpu.memref_squeeze %dma_start3A_159 : memref<1x64x384xf32, #tpu.memory_space<vmem_shared>> -> memref<64x384xf32, #tpu.memory_space<vmem_shared>>
    %dma_start3A_161 = arith.constant 0 : i32
    %dma_start3A_162 = tpu.memref_slice %arg2[%add3A_156, %dma_start3A_161] : memref<147456x384xf32, #tpu.memory_space<hbm>> -> memref<64x384xf32, #tpu.memory_space<hbm>>
    tpu.enqueue_dma source(%dma_start3A_162 : memref<64x384xf32, #tpu.memory_space<hbm>>) target(%dma_start3A_160 : memref<64x384xf32, #tpu.memory_space<vmem_shared>>) target_semaphore(%arg8 : memref<!tpu.dma_semaphore, #tpu.memory_space<semaphore_mem>>)
    %dma_wait3A_163 = arith.constant 0 : i32
    %dma_wait3A_164 = tpu.memref_slice %arg3[%add3A_144, %dma_wait3A_163] : memref<147456x384xf32, #tpu.memory_space<hbm>> -> memref<64x384xf32, #tpu.memory_space<hbm>>
    %dma_wait3A_165 = arith.constant 0 : i32
    %dma_wait3A_166 = tpu.memref_slice %arg3[%add3A_144, %dma_wait3A_165] : memref<147456x384xf32, #tpu.memory_space<hbm>> -> memref<64x384xf32, #tpu.memory_space<hbm>>
    tpu.wait_dma2 semaphore(%arg14 : memref<!tpu.dma_semaphore, #tpu.memory_space<semaphore_mem>>) src(%arg6 : memref<64x384xf32, #tpu.memory_space<vmem>>) dst(%dma_wait3A_166 : memref<64x384xf32, #tpu.memory_space<hbm>>)
    %add3A_167 = arith.constant 576 : i32
    %add3A_168 = arith.addi %mul3A_2, %add3A_167 : i32
    %dma_start3A_169 = arith.constant 0 : i32
    %dma_start3A_170 = tpu.memref_slice %arg2[%add3A_168, %dma_start3A_169] : memref<147456x384xf32, #tpu.memory_space<hbm>> -> memref<64x384xf32, #tpu.memory_space<hbm>>
    %dma_start3A_171 = arith.constant 0 : i32
    %dma_start3A_172 = tpu.memref_slice %arg2[%add3A_168, %dma_start3A_171] : memref<147456x384xf32, #tpu.memory_space<hbm>> -> memref<64x384xf32, #tpu.memory_space<hbm>>
    tpu.enqueue_dma source(%dma_start3A_172 : memref<64x384xf32, #tpu.memory_space<hbm>>) target(%arg6 : memref<64x384xf32, #tpu.memory_space<vmem>>) target_semaphore(%arg12 : memref<!tpu.dma_semaphore, #tpu.memory_space<semaphore_mem>>)
    %dma_wait3A_173 = arith.constant 0 : i32
    %dma_wait3A_174 = arith.constant 0 : i32
    %dma_wait3A_175 = tpu.memref_slice %arg5[%arg1, %dma_wait3A_173, %dma_wait3A_174] : memref<16x64x384xf32, #tpu.memory_space<vmem_shared>> -> memref<1x64x384xf32, #tpu.memory_space<vmem_shared>>
    %dma_wait3A_176 = tpu.memref_squeeze %dma_wait3A_175 : memref<1x64x384xf32, #tpu.memory_space<vmem_shared>> -> memref<64x384xf32, #tpu.memory_space<vmem_shared>>
    %dma_wait3A_177 = arith.constant 0 : i32
    %dma_wait3A_178 = tpu.memref_slice %arg2[%add3A_108, %dma_wait3A_177] : memref<147456x384xf32, #tpu.memory_space<hbm>> -> memref<64x384xf32, #tpu.memory_space<hbm>>
    tpu.wait_dma2 semaphore(%arg9 : memref<!tpu.dma_semaphore, #tpu.memory_space<semaphore_mem>>) src(%dma_wait3A_178 : memref<64x384xf32, #tpu.memory_space<hbm>>) dst(%dma_wait3A_176 : memref<64x384xf32, #tpu.memory_space<vmem_shared>>)
    %add3A_179 = arith.constant 384 : i32
    %add3A_180 = arith.addi %mul3A_2, %add3A_179 : i32
    %dma_start3A_181 = arith.constant 0 : i32
    %dma_start3A_182 = tpu.memref_slice %arg3[%add3A_180, %dma_start3A_181] : memref<147456x384xf32, #tpu.memory_space<hbm>> -> memref<64x384xf32, #tpu.memory_space<hbm>>
    %dma_start3A_183 = arith.constant 0 : i32
    %dma_start3A_184 = arith.constant 0 : i32
    %dma_start3A_185 = tpu.memref_slice %arg5[%arg1, %dma_start3A_183, %dma_start3A_184] : memref<16x64x384xf32, #tpu.memory_space<vmem_shared>> -> memref<1x64x384xf32, #tpu.memory_space<vmem_shared>>
    %dma_start3A_186 = tpu.memref_squeeze %dma_start3A_185 : memref<1x64x384xf32, #tpu.memory_space<vmem_shared>> -> memref<64x384xf32, #tpu.memory_space<vmem_shared>>
    tpu.enqueue_dma source(%dma_start3A_186 : memref<64x384xf32, #tpu.memory_space<vmem_shared>>) target(%dma_start3A_182 : memref<64x384xf32, #tpu.memory_space<hbm>>) target_semaphore(%arg11 : memref<!tpu.dma_semaphore, #tpu.memory_space<semaphore_mem>>)
    %dma_wait3A_187 = arith.constant 0 : i32
    %dma_wait3A_188 = tpu.memref_slice %arg2[%add3A_120, %dma_wait3A_187] : memref<147456x384xf32, #tpu.memory_space<hbm>> -> memref<64x384xf32, #tpu.memory_space<hbm>>
    %dma_wait3A_189 = arith.constant 0 : i32
    %dma_wait3A_190 = tpu.memref_slice %arg2[%add3A_120, %dma_wait3A_189] : memref<147456x384xf32, #tpu.memory_space<hbm>> -> memref<64x384xf32, #tpu.memory_space<hbm>>
    tpu.wait_dma2 semaphore(%arg13 : memref<!tpu.dma_semaphore, #tpu.memory_space<semaphore_mem>>) src(%dma_wait3A_190 : memref<64x384xf32, #tpu.memory_space<hbm>>) dst(%arg7 : memref<64x384xf32, #tpu.memory_space<vmem>>)
    %add3A_191 = arith.constant 448 : i32
    %add3A_192 = arith.addi %mul3A_2, %add3A_191 : i32
    %dma_start3A_193 = arith.constant 0 : i32
    %dma_start3A_194 = tpu.memref_slice %arg3[%add3A_192, %dma_start3A_193] : memref<147456x384xf32, #tpu.memory_space<hbm>> -> memref<64x384xf32, #tpu.memory_space<hbm>>
    %dma_start3A_195 = arith.constant 0 : i32
    %dma_start3A_196 = tpu.memref_slice %arg3[%add3A_192, %dma_start3A_195] : memref<147456x384xf32, #tpu.memory_space<hbm>> -> memref<64x384xf32, #tpu.memory_space<hbm>>
    tpu.enqueue_dma source(%arg7 : memref<64x384xf32, #tpu.memory_space<vmem>>) target(%dma_start3A_196 : memref<64x384xf32, #tpu.memory_space<hbm>>) target_semaphore(%arg15 : memref<!tpu.dma_semaphore, #tpu.memory_space<semaphore_mem>>)
    %dma_wait3A_197 = arith.constant 0 : i32
    %dma_wait3A_198 = tpu.memref_slice %arg3[%add3A_180, %dma_wait3A_197] : memref<147456x384xf32, #tpu.memory_space<hbm>> -> memref<64x384xf32, #tpu.memory_space<hbm>>
    %dma_wait3A_199 = arith.constant 0 : i32
    %dma_wait3A_200 = arith.constant 0 : i32
    %dma_wait3A_201 = tpu.memref_slice %arg5[%arg1, %dma_wait3A_199, %dma_wait3A_200] : memref<16x64x384xf32, #tpu.memory_space<vmem_shared>> -> memref<1x64x384xf32, #tpu.memory_space<vmem_shared>>
    %dma_wait3A_202 = tpu.memref_squeeze %dma_wait3A_201 : memref<1x64x384xf32, #tpu.memory_space<vmem_shared>> -> memref<64x384xf32, #tpu.memory_space<vmem_shared>>
    tpu.wait_dma2 semaphore(%arg11 : memref<!tpu.dma_semaphore, #tpu.memory_space<semaphore_mem>>) src(%dma_wait3A_202 : memref<64x384xf32, #tpu.memory_space<vmem_shared>>) dst(%dma_wait3A_198 : memref<64x384xf32, #tpu.memory_space<hbm>>)
    %add3A_203 = arith.constant 640 : i32
    %add3A_204 = arith.addi %mul3A_2, %add3A_203 : i32
    %dma_start3A_205 = arith.constant 0 : i32
    %dma_start3A_206 = arith.constant 0 : i32
    %dma_start3A_207 = tpu.memref_slice %arg5[%arg1, %dma_start3A_205, %dma_start3A_206] : memref<16x64x384xf32, #tpu.memory_space<vmem_shared>> -> memref<1x64x384xf32, #tpu.memory_space<vmem_shared>>
    %dma_start3A_208 = tpu.memref_squeeze %dma_start3A_207 : memref<1x64x384xf32, #tpu.memory_space<vmem_shared>> -> memref<64x384xf32, #tpu.memory_space<vmem_shared>>
    %dma_start3A_209 = arith.constant 0 : i32
    %dma_start3A_210 = tpu.memref_slice %arg2[%add3A_204, %dma_start3A_209] : memref<147456x384xf32, #tpu.memory_space<hbm>> -> memref<64x384xf32, #tpu.memory_space<hbm>>
    tpu.enqueue_dma source(%dma_start3A_210 : memref<64x384xf32, #tpu.memory_space<hbm>>) target(%dma_start3A_208 : memref<64x384xf32, #tpu.memory_space<vmem_shared>>) target_semaphore(%arg9 : memref<!tpu.dma_semaphore, #tpu.memory_space<semaphore_mem>>)
    %dma_wait3A_211 = arith.constant 0 : i32
    %dma_wait3A_212 = tpu.memref_slice %arg3[%add3A_192, %dma_wait3A_211] : memref<147456x384xf32, #tpu.memory_space<hbm>> -> memref<64x384xf32, #tpu.memory_space<hbm>>
    %dma_wait3A_213 = arith.constant 0 : i32
    %dma_wait3A_214 = tpu.memref_slice %arg3[%add3A_192, %dma_wait3A_213] : memref<147456x384xf32, #tpu.memory_space<hbm>> -> memref<64x384xf32, #tpu.memory_space<hbm>>
    tpu.wait_dma2 semaphore(%arg15 : memref<!tpu.dma_semaphore, #tpu.memory_space<semaphore_mem>>) src(%arg7 : memref<64x384xf32, #tpu.memory_space<vmem>>) dst(%dma_wait3A_214 : memref<64x384xf32, #tpu.memory_space<hbm>>)
    %add3A_215 = arith.constant 704 : i32
    %add3A_216 = arith.addi %mul3A_2, %add3A_215 : i32
    %dma_start3A_217 = arith.constant 0 : i32
    %dma_start3A_218 = tpu.memref_slice %arg2[%add3A_216, %dma_start3A_217] : memref<147456x384xf32, #tpu.memory_space<hbm>> -> memref<64x384xf32, #tpu.memory_space<hbm>>
    %dma_start3A_219 = arith.constant 0 : i32
    %dma_start3A_220 = tpu.memref_slice %arg2[%add3A_216, %dma_start3A_219] : memref<147456x384xf32, #tpu.memory_space<hbm>> -> memref<64x384xf32, #tpu.memory_space<hbm>>
    tpu.enqueue_dma source(%dma_start3A_220 : memref<64x384xf32, #tpu.memory_space<hbm>>) target(%arg7 : memref<64x384xf32, #tpu.memory_space<vmem>>) target_semaphore(%arg13 : memref<!tpu.dma_semaphore, #tpu.memory_space<semaphore_mem>>)
    %dma_wait3A_221 = arith.constant 0 : i32
    %dma_wait3A_222 = arith.constant 0 : i32
    %dma_wait3A_223 = tpu.memref_slice %arg4[%arg1, %dma_wait3A_221, %dma_wait3A_222] : memref<16x64x384xf32, #tpu.memory_space<vmem_shared>> -> memref<1x64x384xf32, #tpu.memory_space<vmem_shared>>
    %dma_wait3A_224 = tpu.memref_squeeze %dma_wait3A_223 : memref<1x64x384xf32, #tpu.memory_space<vmem_shared>> -> memref<64x384xf32, #tpu.memory_space<vmem_shared>>
    %dma_wait3A_225 = arith.constant 0 : i32
    %dma_wait3A_226 = tpu.memref_slice %arg2[%add3A_156, %dma_wait3A_225] : memref<147456x384xf32, #tpu.memory_space<hbm>> -> memref<64x384xf32, #tpu.memory_space<hbm>>
    tpu.wait_dma2 semaphore(%arg8 : memref<!tpu.dma_semaphore, #tpu.memory_space<semaphore_mem>>) src(%dma_wait3A_226 : memref<64x384xf32, #tpu.memory_space<hbm>>) dst(%dma_wait3A_224 : memref<64x384xf32, #tpu.memory_space<vmem_shared>>)
    %add3A_227 = arith.constant 512 : i32
    %add3A_228 = arith.addi %mul3A_2, %add3A_227 : i32
    %dma_start3A_229 = arith.constant 0 : i32
    %dma_start3A_230 = tpu.memref_slice %arg3[%add3A_228, %dma_start3A_229] : memref<147456x384xf32, #tpu.memory_space<hbm>> -> memref<64x384xf32, #tpu.memory_space<hbm>>
    %dma_start3A_231 = arith.constant 0 : i32
    %dma_start3A_232 = arith.constant 0 : i32
    %dma_start3A_233 = tpu.memref_slice %arg4[%arg1, %dma_start3A_231, %dma_start3A_232] : memref<16x64x384xf32, #tpu.memory_space<vmem_shared>> -> memref<1x64x384xf32, #tpu.memory_space<vmem_shared>>
    %dma_start3A_234 = tpu.memref_squeeze %dma_start3A_233 : memref<1x64x384xf32, #tpu.memory_space<vmem_shared>> -> memref<64x384xf32, #tpu.memory_space<vmem_shared>>
    tpu.enqueue_dma source(%dma_start3A_234 : memref<64x384xf32, #tpu.memory_space<vmem_shared>>) target(%dma_start3A_230 : memref<64x384xf32, #tpu.memory_space<hbm>>) target_semaphore(%arg10 : memref<!tpu.dma_semaphore, #tpu.memory_space<semaphore_mem>>)
    %dma_wait3A_235 = arith.constant 0 : i32
    %dma_wait3A_236 = tpu.memref_slice %arg2[%add3A_168, %dma_wait3A_235] : memref<147456x384xf32, #tpu.memory_space<hbm>> -> memref<64x384xf32, #tpu.memory_space<hbm>>
    %dma_wait3A_237 = arith.constant 0 : i32
    %dma_wait3A_238 = tpu.memref_slice %arg2[%add3A_168, %dma_wait3A_237] : memref<147456x384xf32, #tpu.memory_space<hbm>> -> memref<64x384xf32, #tpu.memory_space<hbm>>
    tpu.wait_dma2 semaphore(%arg12 : memref<!tpu.dma_semaphore, #tpu.memory_space<semaphore_mem>>) src(%dma_wait3A_238 : memref<64x384xf32, #tpu.memory_space<hbm>>) dst(%arg6 : memref<64x384xf32, #tpu.memory_space<vmem>>)
    %add3A_239 = arith.constant 576 : i32
    %add3A_240 = arith.addi %mul3A_2, %add3A_239 : i32
    %dma_start3A_241 = arith.constant 0 : i32
    %dma_start3A_242 = tpu.memref_slice %arg3[%add3A_240, %dma_start3A_241] : memref<147456x384xf32, #tpu.memory_space<hbm>> -> memref<64x384xf32, #tpu.memory_space<hbm>>
    %dma_start3A_243 = arith.constant 0 : i32
    %dma_start3A_244 = tpu.memref_slice %arg3[%add3A_240, %dma_start3A_243] : memref<147456x384xf32, #tpu.memory_space<hbm>> -> memref<64x384xf32, #tpu.memory_space<hbm>>
    tpu.enqueue_dma source(%arg6 : memref<64x384xf32, #tpu.memory_space<vmem>>) target(%dma_start3A_244 : memref<64x384xf32, #tpu.memory_space<hbm>>) target_semaphore(%arg14 : memref<!tpu.dma_semaphore, #tpu.memory_space<semaphore_mem>>)
    %dma_wait3A_245 = arith.constant 0 : i32
    %dma_wait3A_246 = tpu.memref_slice %arg3[%add3A_228, %dma_wait3A_245] : memref<147456x384xf32, #tpu.memory_space<hbm>> -> memref<64x384xf32, #tpu.memory_space<hbm>>
    %dma_wait3A_247 = arith.constant 0 : i32
    %dma_wait3A_248 = arith.constant 0 : i32
    %dma_wait3A_249 = tpu.memref_slice %arg4[%arg1, %dma_wait3A_247, %dma_wait3A_248] : memref<16x64x384xf32, #tpu.memory_space<vmem_shared>> -> memref<1x64x384xf32, #tpu.memory_space<vmem_shared>>
    %dma_wait3A_250 = tpu.memref_squeeze %dma_wait3A_249 : memref<1x64x384xf32, #tpu.memory_space<vmem_shared>> -> memref<64x384xf32, #tpu.memory_space<vmem_shared>>
    tpu.wait_dma2 semaphore(%arg10 : memref<!tpu.dma_semaphore, #tpu.memory_space<semaphore_mem>>) src(%dma_wait3A_250 : memref<64x384xf32, #tpu.memory_space<vmem_shared>>) dst(%dma_wait3A_246 : memref<64x384xf32, #tpu.memory_space<hbm>>)
    %add3A_251 = arith.constant 768 : i32
    %add3A_252 = arith.addi %mul3A_2, %add3A_251 : i32
    %dma_start3A_253 = arith.constant 0 : i32
    %dma_start3A_254 = arith.constant 0 : i32
    %dma_start3A_255 = tpu.memref_slice %arg4[%arg1, %dma_start3A_253, %dma_start3A_254] : memref<16x64x384xf32, #tpu.memory_space<vmem_shared>> -> memref<1x64x384xf32, #tpu.memory_space<vmem_shared>>
    %dma_start3A_256 = tpu.memref_squeeze %dma_start3A_255 : memref<1x64x384xf32, #tpu.memory_space<vmem_shared>> -> memref<64x384xf32, #tpu.memory_space<vmem_shared>>
    %dma_start3A_257 = arith.constant 0 : i32
    %dma_start3A_258 = tpu.memref_slice %arg2[%add3A_252, %dma_start3A_257] : memref<147456x384xf32, #tpu.memory_space<hbm>> -> memref<64x384xf32, #tpu.memory_space<hbm>>
    tpu.enqueue_dma source(%dma_start3A_258 : memref<64x384xf32, #tpu.memory_space<hbm>>) target(%dma_start3A_256 : memref<64x384xf32, #tpu.memory_space<vmem_shared>>) target_semaphore(%arg8 : memref<!tpu.dma_semaphore, #tpu.memory_space<semaphore_mem>>)
    %dma_wait3A_259 = arith.constant 0 : i32
    %dma_wait3A_260 = tpu.memref_slice %arg3[%add3A_240, %dma_wait3A_259] : memref<147456x384xf32, #tpu.memory_space<hbm>> -> memref<64x384xf32, #tpu.memory_space<hbm>>
    %dma_wait3A_261 = arith.constant 0 : i32
    %dma_wait3A_262 = tpu.memref_slice %arg3[%add3A_240, %dma_wait3A_261] : memref<147456x384xf32, #tpu.memory_space<hbm>> -> memref<64x384xf32, #tpu.memory_space<hbm>>
    tpu.wait_dma2 semaphore(%arg14 : memref<!tpu.dma_semaphore, #tpu.memory_space<semaphore_mem>>) src(%arg6 : memref<64x384xf32, #tpu.memory_space<vmem>>) dst(%dma_wait3A_262 : memref<64x384xf32, #tpu.memory_space<hbm>>)
    %add3A_263 = arith.constant 832 : i32
    %add3A_264 = arith.addi %mul3A_2, %add3A_263 : i32
    %dma_start3A_265 = arith.constant 0 : i32
    %dma_start3A_266 = tpu.memref_slice %arg2[%add3A_264, %dma_start3A_265] : memref<147456x384xf32, #tpu.memory_space<hbm>> -> memref<64x384xf32, #tpu.memory_space<hbm>>
    %dma_start3A_267 = arith.constant 0 : i32
    %dma_start3A_268 = tpu.memref_slice %arg2[%add3A_264, %dma_start3A_267] : memref<147456x384xf32, #tpu.memory_space<hbm>> -> memref<64x384xf32, #tpu.memory_space<hbm>>
    tpu.enqueue_dma source(%dma_start3A_268 : memref<64x384xf32, #tpu.memory_space<hbm>>) target(%arg6 : memref<64x384xf32, #tpu.memory_space<vmem>>) target_semaphore(%arg12 : memref<!tpu.dma_semaphore, #tpu.memory_space<semaphore_mem>>)
    %dma_wait3A_269 = arith.constant 0 : i32
    %dma_wait3A_270 = arith.constant 0 : i32
    %dma_wait3A_271 = tpu.memref_slice %arg5[%arg1, %dma_wait3A_269, %dma_wait3A_270] : memref<16x64x384xf32, #tpu.memory_space<vmem_shared>> -> memref<1x64x384xf32, #tpu.memory_space<vmem_shared>>
    %dma_wait3A_272 = tpu.memref_squeeze %dma_wait3A_271 : memref<1x64x384xf32, #tpu.memory_space<vmem_shared>> -> memref<64x384xf32, #tpu.memory_space<vmem_shared>>
    %dma_wait3A_273 = arith.constant 0 : i32
    %dma_wait3A_274 = tpu.memref_slice %arg2[%add3A_204, %dma_wait3A_273] : memref<147456x384xf32, #tpu.memory_space<hbm>> -> memref<64x384xf32, #tpu.memory_space<hbm>>
    tpu.wait_dma2 semaphore(%arg9 : memref<!tpu.dma_semaphore, #tpu.memory_space<semaphore_mem>>) src(%dma_wait3A_274 : memref<64x384xf32, #tpu.memory_space<hbm>>) dst(%dma_wait3A_272 : memref<64x384xf32, #tpu.memory_space<vmem_shared>>)
    %add3A_275 = arith.constant 640 : i32
    %add3A_276 = arith.addi %mul3A_2, %add3A_275 : i32
    %dma_start3A_277 = arith.constant 0 : i32
    %dma_start3A_278 = tpu.memref_slice %arg3[%add3A_276, %dma_start3A_277] : memref<147456x384xf32, #tpu.memory_space<hbm>> -> memref<64x384xf32, #tpu.memory_space<hbm>>
    %dma_start3A_279 = arith.constant 0 : i32
    %dma_start3A_280 = arith.constant 0 : i32
    %dma_start3A_281 = tpu.memref_slice %arg5[%arg1, %dma_start3A_279, %dma_start3A_280] : memref<16x64x384xf32, #tpu.memory_space<vmem_shared>> -> memref<1x64x384xf32, #tpu.memory_space<vmem_shared>>
    %dma_start3A_282 = tpu.memref_squeeze %dma_start3A_281 : memref<1x64x384xf32, #tpu.memory_space<vmem_shared>> -> memref<64x384xf32, #tpu.memory_space<vmem_shared>>
    tpu.enqueue_dma source(%dma_start3A_282 : memref<64x384xf32, #tpu.memory_space<vmem_shared>>) target(%dma_start3A_278 : memref<64x384xf32, #tpu.memory_space<hbm>>) target_semaphore(%arg11 : memref<!tpu.dma_semaphore, #tpu.memory_space<semaphore_mem>>)
    %dma_wait3A_283 = arith.constant 0 : i32
    %dma_wait3A_284 = tpu.memref_slice %arg2[%add3A_216, %dma_wait3A_283] : memref<147456x384xf32, #tpu.memory_space<hbm>> -> memref<64x384xf32, #tpu.memory_space<hbm>>
    %dma_wait3A_285 = arith.constant 0 : i32
    %dma_wait3A_286 = tpu.memref_slice %arg2[%add3A_216, %dma_wait3A_285] : memref<147456x384xf32, #tpu.memory_space<hbm>> -> memref<64x384xf32, #tpu.memory_space<hbm>>
    tpu.wait_dma2 semaphore(%arg13 : memref<!tpu.dma_semaphore, #tpu.memory_space<semaphore_mem>>) src(%dma_wait3A_286 : memref<64x384xf32, #tpu.memory_space<hbm>>) dst(%arg7 : memref<64x384xf32, #tpu.memory_space<vmem>>)
    %add3A_287 = arith.constant 704 : i32
    %add3A_288 = arith.addi %mul3A_2, %add3A_287 : i32
    %dma_start3A_289 = arith.constant 0 : i32
    %dma_start3A_290 = tpu.memref_slice %arg3[%add3A_288, %dma_start3A_289] : memref<147456x384xf32, #tpu.memory_space<hbm>> -> memref<64x384xf32, #tpu.memory_space<hbm>>
    %dma_start3A_291 = arith.constant 0 : i32
    %dma_start3A_292 = tpu.memref_slice %arg3[%add3A_288, %dma_start3A_291] : memref<147456x384xf32, #tpu.memory_space<hbm>> -> memref<64x384xf32, #tpu.memory_space<hbm>>
    tpu.enqueue_dma source(%arg7 : memref<64x384xf32, #tpu.memory_space<vmem>>) target(%dma_start3A_292 : memref<64x384xf32, #tpu.memory_space<hbm>>) target_semaphore(%arg15 : memref<!tpu.dma_semaphore, #tpu.memory_space<semaphore_mem>>)
    %dma_wait3A_293 = arith.constant 0 : i32
    %dma_wait3A_294 = tpu.memref_slice %arg3[%add3A_276, %dma_wait3A_293] : memref<147456x384xf32, #tpu.memory_space<hbm>> -> memref<64x384xf32, #tpu.memory_space<hbm>>
    %dma_wait3A_295 = arith.constant 0 : i32
    %dma_wait3A_296 = arith.constant 0 : i32
    %dma_wait3A_297 = tpu.memref_slice %arg5[%arg1, %dma_wait3A_295, %dma_wait3A_296] : memref<16x64x384xf32, #tpu.memory_space<vmem_shared>> -> memref<1x64x384xf32, #tpu.memory_space<vmem_shared>>
    %dma_wait3A_298 = tpu.memref_squeeze %dma_wait3A_297 : memref<1x64x384xf32, #tpu.memory_space<vmem_shared>> -> memref<64x384xf32, #tpu.memory_space<vmem_shared>>
    tpu.wait_dma2 semaphore(%arg11 : memref<!tpu.dma_semaphore, #tpu.memory_space<semaphore_mem>>) src(%dma_wait3A_298 : memref<64x384xf32, #tpu.memory_space<vmem_shared>>) dst(%dma_wait3A_294 : memref<64x384xf32, #tpu.memory_space<hbm>>)
    %add3A_299 = arith.constant 896 : i32
    %add3A_300 = arith.addi %mul3A_2, %add3A_299 : i32
    %dma_start3A_301 = arith.constant 0 : i32
    %dma_start3A_302 = arith.constant 0 : i32
    %dma_start3A_303 = tpu.memref_slice %arg5[%arg1, %dma_start3A_301, %dma_start3A_302] : memref<16x64x384xf32, #tpu.memory_space<vmem_shared>> -> memref<1x64x384xf32, #tpu.memory_space<vmem_shared>>
    %dma_start3A_304 = tpu.memref_squeeze %dma_start3A_303 : memref<1x64x384xf32, #tpu.memory_space<vmem_shared>> -> memref<64x384xf32, #tpu.memory_space<vmem_shared>>
    %dma_start3A_305 = arith.constant 0 : i32
    %dma_start3A_306 = tpu.memref_slice %arg2[%add3A_300, %dma_start3A_305] : memref<147456x384xf32, #tpu.memory_space<hbm>> -> memref<64x384xf32, #tpu.memory_space<hbm>>
    tpu.enqueue_dma source(%dma_start3A_306 : memref<64x384xf32, #tpu.memory_space<hbm>>) target(%dma_start3A_304 : memref<64x384xf32, #tpu.memory_space<vmem_shared>>) target_semaphore(%arg9 : memref<!tpu.dma_semaphore, #tpu.memory_space<semaphore_mem>>)
    %dma_wait3A_307 = arith.constant 0 : i32
    %dma_wait3A_308 = tpu.memref_slice %arg3[%add3A_288, %dma_wait3A_307] : memref<147456x384xf32, #tpu.memory_space<hbm>> -> memref<64x384xf32, #tpu.memory_space<hbm>>
    %dma_wait3A_309 = arith.constant 0 : i32
    %dma_wait3A_310 = tpu.memref_slice %arg3[%add3A_288, %dma_wait3A_309] : memref<147456x384xf32, #tpu.memory_space<hbm>> -> memref<64x384xf32, #tpu.memory_space<hbm>>
    tpu.wait_dma2 semaphore(%arg15 : memref<!tpu.dma_semaphore, #tpu.memory_space<semaphore_mem>>) src(%arg7 : memref<64x384xf32, #tpu.memory_space<vmem>>) dst(%dma_wait3A_310 : memref<64x384xf32, #tpu.memory_space<hbm>>)
    %add3A_311 = arith.constant 960 : i32
    %add3A_312 = arith.addi %mul3A_2, %add3A_311 : i32
    %dma_start3A_313 = arith.constant 0 : i32
    %dma_start3A_314 = tpu.memref_slice %arg2[%add3A_312, %dma_start3A_313] : memref<147456x384xf32, #tpu.memory_space<hbm>> -> memref<64x384xf32, #tpu.memory_space<hbm>>
    %dma_start3A_315 = arith.constant 0 : i32
    %dma_start3A_316 = tpu.memref_slice %arg2[%add3A_312, %dma_start3A_315] : memref<147456x384xf32, #tpu.memory_space<hbm>> -> memref<64x384xf32, #tpu.memory_space<hbm>>
    tpu.enqueue_dma source(%dma_start3A_316 : memref<64x384xf32, #tpu.memory_space<hbm>>) target(%arg7 : memref<64x384xf32, #tpu.memory_space<vmem>>) target_semaphore(%arg13 : memref<!tpu.dma_semaphore, #tpu.memory_space<semaphore_mem>>)
    %dma_wait3A_317 = arith.constant 0 : i32
    %dma_wait3A_318 = arith.constant 0 : i32
    %dma_wait3A_319 = tpu.memref_slice %arg4[%arg1, %dma_wait3A_317, %dma_wait3A_318] : memref<16x64x384xf32, #tpu.memory_space<vmem_shared>> -> memref<1x64x384xf32, #tpu.memory_space<vmem_shared>>
    %dma_wait3A_320 = tpu.memref_squeeze %dma_wait3A_319 : memref<1x64x384xf32, #tpu.memory_space<vmem_shared>> -> memref<64x384xf32, #tpu.memory_space<vmem_shared>>
    %dma_wait3A_321 = arith.constant 0 : i32
    %dma_wait3A_322 = tpu.memref_slice %arg2[%add3A_252, %dma_wait3A_321] : memref<147456x384xf32, #tpu.memory_space<hbm>> -> memref<64x384xf32, #tpu.memory_space<hbm>>
    tpu.wait_dma2 semaphore(%arg8 : memref<!tpu.dma_semaphore, #tpu.memory_space<semaphore_mem>>) src(%dma_wait3A_322 : memref<64x384xf32, #tpu.memory_space<hbm>>) dst(%dma_wait3A_320 : memref<64x384xf32, #tpu.memory_space<vmem_shared>>)
    %add3A_323 = arith.constant 768 : i32
    %add3A_324 = arith.addi %mul3A_2, %add3A_323 : i32
    %dma_start3A_325 = arith.constant 0 : i32
    %dma_start3A_326 = tpu.memref_slice %arg3[%add3A_324, %dma_start3A_325] : memref<147456x384xf32, #tpu.memory_space<hbm>> -> memref<64x384xf32, #tpu.memory_space<hbm>>
    %dma_start3A_327 = arith.constant 0 : i32
    %dma_start3A_328 = arith.constant 0 : i32
    %dma_start3A_329 = tpu.memref_slice %arg4[%arg1, %dma_start3A_327, %dma_start3A_328] : memref<16x64x384xf32, #tpu.memory_space<vmem_shared>> -> memref<1x64x384xf32, #tpu.memory_space<vmem_shared>>
    %dma_start3A_330 = tpu.memref_squeeze %dma_start3A_329 : memref<1x64x384xf32, #tpu.memory_space<vmem_shared>> -> memref<64x384xf32, #tpu.memory_space<vmem_shared>>
    tpu.enqueue_dma source(%dma_start3A_330 : memref<64x384xf32, #tpu.memory_space<vmem_shared>>) target(%dma_start3A_326 : memref<64x384xf32, #tpu.memory_space<hbm>>) target_semaphore(%arg10 : memref<!tpu.dma_semaphore, #tpu.memory_space<semaphore_mem>>)
    %dma_wait3A_331 = arith.constant 0 : i32
    %dma_wait3A_332 = tpu.memref_slice %arg2[%add3A_264, %dma_wait3A_331] : memref<147456x384xf32, #tpu.memory_space<hbm>> -> memref<64x384xf32, #tpu.memory_space<hbm>>
    %dma_wait3A_333 = arith.constant 0 : i32
    %dma_wait3A_334 = tpu.memref_slice %arg2[%add3A_264, %dma_wait3A_333] : memref<147456x384xf32, #tpu.memory_space<hbm>> -> memref<64x384xf32, #tpu.memory_space<hbm>>
    tpu.wait_dma2 semaphore(%arg12 : memref<!tpu.dma_semaphore, #tpu.memory_space<semaphore_mem>>) src(%dma_wait3A_334 : memref<64x384xf32, #tpu.memory_space<hbm>>) dst(%arg6 : memref<64x384xf32, #tpu.memory_space<vmem>>)
    %add3A_335 = arith.constant 832 : i32
    %add3A_336 = arith.addi %mul3A_2, %add3A_335 : i32
    %dma_start3A_337 = arith.constant 0 : i32
    %dma_start3A_338 = tpu.memref_slice %arg3[%add3A_336, %dma_start3A_337] : memref<147456x384xf32, #tpu.memory_space<hbm>> -> memref<64x384xf32, #tpu.memory_space<hbm>>
    %dma_start3A_339 = arith.constant 0 : i32
    %dma_start3A_340 = tpu.memref_slice %arg3[%add3A_336, %dma_start3A_339] : memref<147456x384xf32, #tpu.memory_space<hbm>> -> memref<64x384xf32, #tpu.memory_space<hbm>>
    tpu.enqueue_dma source(%arg6 : memref<64x384xf32, #tpu.memory_space<vmem>>) target(%dma_start3A_340 : memref<64x384xf32, #tpu.memory_space<hbm>>) target_semaphore(%arg14 : memref<!tpu.dma_semaphore, #tpu.memory_space<semaphore_mem>>)
    %dma_wait3A_341 = arith.constant 0 : i32
    %dma_wait3A_342 = tpu.memref_slice %arg3[%add3A_324, %dma_wait3A_341] : memref<147456x384xf32, #tpu.memory_space<hbm>> -> memref<64x384xf32, #tpu.memory_space<hbm>>
    %dma_wait3A_343 = arith.constant 0 : i32
    %dma_wait3A_344 = arith.constant 0 : i32
    %dma_wait3A_345 = tpu.memref_slice %arg4[%arg1, %dma_wait3A_343, %dma_wait3A_344] : memref<16x64x384xf32, #tpu.memory_space<vmem_shared>> -> memref<1x64x384xf32, #tpu.memory_space<vmem_shared>>
    %dma_wait3A_346 = tpu.memref_squeeze %dma_wait3A_345 : memref<1x64x384xf32, #tpu.memory_space<vmem_shared>> -> memref<64x384xf32, #tpu.memory_space<vmem_shared>>
    tpu.wait_dma2 semaphore(%arg10 : memref<!tpu.dma_semaphore, #tpu.memory_space<semaphore_mem>>) src(%dma_wait3A_346 : memref<64x384xf32, #tpu.memory_space<vmem_shared>>) dst(%dma_wait3A_342 : memref<64x384xf32, #tpu.memory_space<hbm>>)
    %add3A_347 = arith.constant 1024 : i32
    %add3A_348 = arith.addi %mul3A_2, %add3A_347 : i32
    %dma_start3A_349 = arith.constant 0 : i32
    %dma_start3A_350 = arith.constant 0 : i32
    %dma_start3A_351 = tpu.memref_slice %arg4[%arg1, %dma_start3A_349, %dma_start3A_350] : memref<16x64x384xf32, #tpu.memory_space<vmem_shared>> -> memref<1x64x384xf32, #tpu.memory_space<vmem_shared>>
    %dma_start3A_352 = tpu.memref_squeeze %dma_start3A_351 : memref<1x64x384xf32, #tpu.memory_space<vmem_shared>> -> memref<64x384xf32, #tpu.memory_space<vmem_shared>>
    %dma_start3A_353 = arith.constant 0 : i32
    %dma_start3A_354 = tpu.memref_slice %arg2[%add3A_348, %dma_start3A_353] : memref<147456x384xf32, #tpu.memory_space<hbm>> -> memref<64x384xf32, #tpu.memory_space<hbm>>
    tpu.enqueue_dma source(%dma_start3A_354 : memref<64x384xf32, #tpu.memory_space<hbm>>) target(%dma_start3A_352 : memref<64x384xf32, #tpu.memory_space<vmem_shared>>) target_semaphore(%arg8 : memref<!tpu.dma_semaphore, #tpu.memory_space<semaphore_mem>>)
    %dma_wait3A_355 = arith.constant 0 : i32
    %dma_wait3A_356 = tpu.memref_slice %arg3[%add3A_336, %dma_wait3A_355] : memref<147456x384xf32, #tpu.memory_space<hbm>> -> memref<64x384xf32, #tpu.memory_space<hbm>>
    %dma_wait3A_357 = arith.constant 0 : i32
    %dma_wait3A_358 = tpu.memref_slice %arg3[%add3A_336, %dma_wait3A_357] : memref<147456x384xf32, #tpu.memory_space<hbm>> -> memref<64x384xf32, #tpu.memory_space<hbm>>
    tpu.wait_dma2 semaphore(%arg14 : memref<!tpu.dma_semaphore, #tpu.memory_space<semaphore_mem>>) src(%arg6 : memref<64x384xf32, #tpu.memory_space<vmem>>) dst(%dma_wait3A_358 : memref<64x384xf32, #tpu.memory_space<hbm>>)
    %add3A_359 = arith.constant 1088 : i32
    %add3A_360 = arith.addi %mul3A_2, %add3A_359 : i32
    %dma_start3A_361 = arith.constant 0 : i32
    %dma_start3A_362 = tpu.memref_slice %arg2[%add3A_360, %dma_start3A_361] : memref<147456x384xf32, #tpu.memory_space<hbm>> -> memref<64x384xf32, #tpu.memory_space<hbm>>
    %dma_start3A_363 = arith.constant 0 : i32
    %dma_start3A_364 = tpu.memref_slice %arg2[%add3A_360, %dma_start3A_363] : memref<147456x384xf32, #tpu.memory_space<hbm>> -> memref<64x384xf32, #tpu.memory_space<hbm>>
    tpu.enqueue_dma source(%dma_start3A_364 : memref<64x384xf32, #tpu.memory_space<hbm>>) target(%arg6 : memref<64x384xf32, #tpu.memory_space<vmem>>) target_semaphore(%arg12 : memref<!tpu.dma_semaphore, #tpu.memory_space<semaphore_mem>>)
    %dma_wait3A_365 = arith.constant 0 : i32
    %dma_wait3A_366 = arith.constant 0 : i32
    %dma_wait3A_367 = tpu.memref_slice %arg5[%arg1, %dma_wait3A_365, %dma_wait3A_366] : memref<16x64x384xf32, #tpu.memory_space<vmem_shared>> -> memref<1x64x384xf32, #tpu.memory_space<vmem_shared>>
    %dma_wait3A_368 = tpu.memref_squeeze %dma_wait3A_367 : memref<1x64x384xf32, #tpu.memory_space<vmem_shared>> -> memref<64x384xf32, #tpu.memory_space<vmem_shared>>
    %dma_wait3A_369 = arith.constant 0 : i32
    %dma_wait3A_370 = tpu.memref_slice %arg2[%add3A_300, %dma_wait3A_369] : memref<147456x384xf32, #tpu.memory_space<hbm>> -> memref<64x384xf32, #tpu.memory_space<hbm>>
    tpu.wait_dma2 semaphore(%arg9 : memref<!tpu.dma_semaphore, #tpu.memory_space<semaphore_mem>>) src(%dma_wait3A_370 : memref<64x384xf32, #tpu.memory_space<hbm>>) dst(%dma_wait3A_368 : memref<64x384xf32, #tpu.memory_space<vmem_shared>>)
    %add3A_371 = arith.constant 896 : i32
    %add3A_372 = arith.addi %mul3A_2, %add3A_371 : i32
    %dma_start3A_373 = arith.constant 0 : i32
    %dma_start3A_374 = tpu.memref_slice %arg3[%add3A_372, %dma_start3A_373] : memref<147456x384xf32, #tpu.memory_space<hbm>> -> memref<64x384xf32, #tpu.memory_space<hbm>>
    %dma_start3A_375 = arith.constant 0 : i32
    %dma_start3A_376 = arith.constant 0 : i32
    %dma_start3A_377 = tpu.memref_slice %arg5[%arg1, %dma_start3A_375, %dma_start3A_376] : memref<16x64x384xf32, #tpu.memory_space<vmem_shared>> -> memref<1x64x384xf32, #tpu.memory_space<vmem_shared>>
    %dma_start3A_378 = tpu.memref_squeeze %dma_start3A_377 : memref<1x64x384xf32, #tpu.memory_space<vmem_shared>> -> memref<64x384xf32, #tpu.memory_space<vmem_shared>>
    tpu.enqueue_dma source(%dma_start3A_378 : memref<64x384xf32, #tpu.memory_space<vmem_shared>>) target(%dma_start3A_374 : memref<64x384xf32, #tpu.memory_space<hbm>>) target_semaphore(%arg11 : memref<!tpu.dma_semaphore, #tpu.memory_space<semaphore_mem>>)
    %dma_wait3A_379 = arith.constant 0 : i32
    %dma_wait3A_380 = tpu.memref_slice %arg2[%add3A_312, %dma_wait3A_379] : memref<147456x384xf32, #tpu.memory_space<hbm>> -> memref<64x384xf32, #tpu.memory_space<hbm>>
    %dma_wait3A_381 = arith.constant 0 : i32
    %dma_wait3A_382 = tpu.memref_slice %arg2[%add3A_312, %dma_wait3A_381] : memref<147456x384xf32, #tpu.memory_space<hbm>> -> memref<64x384xf32, #tpu.memory_space<hbm>>
    tpu.wait_dma2 semaphore(%arg13 : memref<!tpu.dma_semaphore, #tpu.memory_space<semaphore_mem>>) src(%dma_wait3A_382 : memref<64x384xf32, #tpu.memory_space<hbm>>) dst(%arg7 : memref<64x384xf32, #tpu.memory_space<vmem>>)
    %add3A_383 = arith.constant 960 : i32
    %add3A_384 = arith.addi %mul3A_2, %add3A_383 : i32
    %dma_start3A_385 = arith.constant 0 : i32
    %dma_start3A_386 = tpu.memref_slice %arg3[%add3A_384, %dma_start3A_385] : memref<147456x384xf32, #tpu.memory_space<hbm>> -> memref<64x384xf32, #tpu.memory_space<hbm>>
    %dma_start3A_387 = arith.constant 0 : i32
    %dma_start3A_388 = tpu.memref_slice %arg3[%add3A_384, %dma_start3A_387] : memref<147456x384xf32, #tpu.memory_space<hbm>> -> memref<64x384xf32, #tpu.memory_space<hbm>>
    tpu.enqueue_dma source(%arg7 : memref<64x384xf32, #tpu.memory_space<vmem>>) target(%dma_start3A_388 : memref<64x384xf32, #tpu.memory_space<hbm>>) target_semaphore(%arg15 : memref<!tpu.dma_semaphore, #tpu.memory_space<semaphore_mem>>)
    %dma_wait3A_389 = arith.constant 0 : i32
    %dma_wait3A_390 = tpu.memref_slice %arg3[%add3A_372, %dma_wait3A_389] : memref<147456x384xf32, #tpu.memory_space<hbm>> -> memref<64x384xf32, #tpu.memory_space<hbm>>
    %dma_wait3A_391 = arith.constant 0 : i32
    %dma_wait3A_392 = arith.constant 0 : i32
    %dma_wait3A_393 = tpu.memref_slice %arg5[%arg1, %dma_wait3A_391, %dma_wait3A_392] : memref<16x64x384xf32, #tpu.memory_space<vmem_shared>> -> memref<1x64x384xf32, #tpu.memory_space<vmem_shared>>
    %dma_wait3A_394 = tpu.memref_squeeze %dma_wait3A_393 : memref<1x64x384xf32, #tpu.memory_space<vmem_shared>> -> memref<64x384xf32, #tpu.memory_space<vmem_shared>>
    tpu.wait_dma2 semaphore(%arg11 : memref<!tpu.dma_semaphore, #tpu.memory_space<semaphore_mem>>) src(%dma_wait3A_394 : memref<64x384xf32, #tpu.memory_space<vmem_shared>>) dst(%dma_wait3A_390 : memref<64x384xf32, #tpu.memory_space<hbm>>)
    %add3A_395 = arith.constant 1152 : i32
    %add3A_396 = arith.addi %mul3A_2, %add3A_395 : i32
    %dma_start3A_397 = arith.constant 0 : i32
    %dma_start3A_398 = arith.constant 0 : i32
    %dma_start3A_399 = tpu.memref_slice %arg5[%arg1, %dma_start3A_397, %dma_start3A_398] : memref<16x64x384xf32, #tpu.memory_space<vmem_shared>> -> memref<1x64x384xf32, #tpu.memory_space<vmem_shared>>
    %dma_start3A_400 = tpu.memref_squeeze %dma_start3A_399 : memref<1x64x384xf32, #tpu.memory_space<vmem_shared>> -> memref<64x384xf32, #tpu.memory_space<vmem_shared>>
    %dma_start3A_401 = arith.constant 0 : i32
    %dma_start3A_402 = tpu.memref_slice %arg2[%add3A_396, %dma_start3A_401] : memref<147456x384xf32, #tpu.memory_space<hbm>> -> memref<64x384xf32, #tpu.memory_space<hbm>>
    tpu.enqueue_dma source(%dma_start3A_402 : memref<64x384xf32, #tpu.memory_space<hbm>>) target(%dma_start3A_400 : memref<64x384xf32, #tpu.memory_space<vmem_shared>>) target_semaphore(%arg9 : memref<!tpu.dma_semaphore, #tpu.memory_space<semaphore_mem>>)
    %dma_wait3A_403 = arith.constant 0 : i32
    %dma_wait3A_404 = tpu.memref_slice %arg3[%add3A_384, %dma_wait3A_403] : memref<147456x384xf32, #tpu.memory_space<hbm>> -> memref<64x384xf32, #tpu.memory_space<hbm>>
    %dma_wait3A_405 = arith.constant 0 : i32
    %dma_wait3A_406 = tpu.memref_slice %arg3[%add3A_384, %dma_wait3A_405] : memref<147456x384xf32, #tpu.memory_space<hbm>> -> memref<64x384xf32, #tpu.memory_space<hbm>>
    tpu.wait_dma2 semaphore(%arg15 : memref<!tpu.dma_semaphore, #tpu.memory_space<semaphore_mem>>) src(%arg7 : memref<64x384xf32, #tpu.memory_space<vmem>>) dst(%dma_wait3A_406 : memref<64x384xf32, #tpu.memory_space<hbm>>)
    %add3A_407 = arith.constant 1216 : i32
    %add3A_408 = arith.addi %mul3A_2, %add3A_407 : i32
    %dma_start3A_409 = arith.constant 0 : i32
    %dma_start3A_410 = tpu.memref_slice %arg2[%add3A_408, %dma_start3A_409] : memref<147456x384xf32, #tpu.memory_space<hbm>> -> memref<64x384xf32, #tpu.memory_space<hbm>>
    %dma_start3A_411 = arith.constant 0 : i32
    %dma_start3A_412 = tpu.memref_slice %arg2[%add3A_408, %dma_start3A_411] : memref<147456x384xf32, #tpu.memory_space<hbm>> -> memref<64x384xf32, #tpu.memory_space<hbm>>
    tpu.enqueue_dma source(%dma_start3A_412 : memref<64x384xf32, #tpu.memory_space<hbm>>) target(%arg7 : memref<64x384xf32, #tpu.memory_space<vmem>>) target_semaphore(%arg13 : memref<!tpu.dma_semaphore, #tpu.memory_space<semaphore_mem>>)
    %dma_wait3A_413 = arith.constant 0 : i32
    %dma_wait3A_414 = arith.constant 0 : i32
    %dma_wait3A_415 = tpu.memref_slice %arg4[%arg1, %dma_wait3A_413, %dma_wait3A_414] : memref<16x64x384xf32, #tpu.memory_space<vmem_shared>> -> memref<1x64x384xf32, #tpu.memory_space<vmem_shared>>
    %dma_wait3A_416 = tpu.memref_squeeze %dma_wait3A_415 : memref<1x64x384xf32, #tpu.memory_space<vmem_shared>> -> memref<64x384xf32, #tpu.memory_space<vmem_shared>>
    %dma_wait3A_417 = arith.constant 0 : i32
    %dma_wait3A_418 = tpu.memref_slice %arg2[%add3A_348, %dma_wait3A_417] : memref<147456x384xf32, #tpu.memory_space<hbm>> -> memref<64x384xf32, #tpu.memory_space<hbm>>
    tpu.wait_dma2 semaphore(%arg8 : memref<!tpu.dma_semaphore, #tpu.memory_space<semaphore_mem>>) src(%dma_wait3A_418 : memref<64x384xf32, #tpu.memory_space<hbm>>) dst(%dma_wait3A_416 : memref<64x384xf32, #tpu.memory_space<vmem_shared>>)
    %add3A_419 = arith.constant 1024 : i32
    %add3A_420 = arith.addi %mul3A_2, %add3A_419 : i32
    %dma_start3A_421 = arith.constant 0 : i32
    %dma_start3A_422 = tpu.memref_slice %arg3[%add3A_420, %dma_start3A_421] : memref<147456x384xf32, #tpu.memory_space<hbm>> -> memref<64x384xf32, #tpu.memory_space<hbm>>
    %dma_start3A_423 = arith.constant 0 : i32
    %dma_start3A_424 = arith.constant 0 : i32
    %dma_start3A_425 = tpu.memref_slice %arg4[%arg1, %dma_start3A_423, %dma_start3A_424] : memref<16x64x384xf32, #tpu.memory_space<vmem_shared>> -> memref<1x64x384xf32, #tpu.memory_space<vmem_shared>>
    %dma_start3A_426 = tpu.memref_squeeze %dma_start3A_425 : memref<1x64x384xf32, #tpu.memory_space<vmem_shared>> -> memref<64x384xf32, #tpu.memory_space<vmem_shared>>
    tpu.enqueue_dma source(%dma_start3A_426 : memref<64x384xf32, #tpu.memory_space<vmem_shared>>) target(%dma_start3A_422 : memref<64x384xf32, #tpu.memory_space<hbm>>) target_semaphore(%arg10 : memref<!tpu.dma_semaphore, #tpu.memory_space<semaphore_mem>>)
    %dma_wait3A_427 = arith.constant 0 : i32
    %dma_wait3A_428 = tpu.memref_slice %arg2[%add3A_360, %dma_wait3A_427] : memref<147456x384xf32, #tpu.memory_space<hbm>> -> memref<64x384xf32, #tpu.memory_space<hbm>>
    %dma_wait3A_429 = arith.constant 0 : i32
    %dma_wait3A_430 = tpu.memref_slice %arg2[%add3A_360, %dma_wait3A_429] : memref<147456x384xf32, #tpu.memory_space<hbm>> -> memref<64x384xf32, #tpu.memory_space<hbm>>
    tpu.wait_dma2 semaphore(%arg12 : memref<!tpu.dma_semaphore, #tpu.memory_space<semaphore_mem>>) src(%dma_wait3A_430 : memref<64x384xf32, #tpu.memory_space<hbm>>) dst(%arg6 : memref<64x384xf32, #tpu.memory_space<vmem>>)
    %add3A_431 = arith.constant 1088 : i32
    %add3A_432 = arith.addi %mul3A_2, %add3A_431 : i32
    %dma_start3A_433 = arith.constant 0 : i32
    %dma_start3A_434 = tpu.memref_slice %arg3[%add3A_432, %dma_start3A_433] : memref<147456x384xf32, #tpu.memory_space<hbm>> -> memref<64x384xf32, #tpu.memory_space<hbm>>
    %dma_start3A_435 = arith.constant 0 : i32
    %dma_start3A_436 = tpu.memref_slice %arg3[%add3A_432, %dma_start3A_435] : memref<147456x384xf32, #tpu.memory_space<hbm>> -> memref<64x384xf32, #tpu.memory_space<hbm>>
    tpu.enqueue_dma source(%arg6 : memref<64x384xf32, #tpu.memory_space<vmem>>) target(%dma_start3A_436 : memref<64x384xf32, #tpu.memory_space<hbm>>) target_semaphore(%arg14 : memref<!tpu.dma_semaphore, #tpu.memory_space<semaphore_mem>>)
    %dma_wait3A_437 = arith.constant 0 : i32
    %dma_wait3A_438 = tpu.memref_slice %arg3[%add3A_420, %dma_wait3A_437] : memref<147456x384xf32, #tpu.memory_space<hbm>> -> memref<64x384xf32, #tpu.memory_space<hbm>>
    %dma_wait3A_439 = arith.constant 0 : i32
    %dma_wait3A_440 = arith.constant 0 : i32
    %dma_wait3A_441 = tpu.memref_slice %arg4[%arg1, %dma_wait3A_439, %dma_wait3A_440] : memref<16x64x384xf32, #tpu.memory_space<vmem_shared>> -> memref<1x64x384xf32, #tpu.memory_space<vmem_shared>>
    %dma_wait3A_442 = tpu.memref_squeeze %dma_wait3A_441 : memref<1x64x384xf32, #tpu.memory_space<vmem_shared>> -> memref<64x384xf32, #tpu.memory_space<vmem_shared>>
    tpu.wait_dma2 semaphore(%arg10 : memref<!tpu.dma_semaphore, #tpu.memory_space<semaphore_mem>>) src(%dma_wait3A_442 : memref<64x384xf32, #tpu.memory_space<vmem_shared>>) dst(%dma_wait3A_438 : memref<64x384xf32, #tpu.memory_space<hbm>>)
    %add3A_443 = arith.constant 1280 : i32
    %add3A_444 = arith.addi %mul3A_2, %add3A_443 : i32
    %dma_start3A_445 = arith.constant 0 : i32
    %dma_start3A_446 = arith.constant 0 : i32
    %dma_start3A_447 = tpu.memref_slice %arg4[%arg1, %dma_start3A_445, %dma_start3A_446] : memref<16x64x384xf32, #tpu.memory_space<vmem_shared>> -> memref<1x64x384xf32, #tpu.memory_space<vmem_shared>>
    %dma_start3A_448 = tpu.memref_squeeze %dma_start3A_447 : memref<1x64x384xf32, #tpu.memory_space<vmem_shared>> -> memref<64x384xf32, #tpu.memory_space<vmem_shared>>
    %dma_start3A_449 = arith.constant 0 : i32
    %dma_start3A_450 = tpu.memref_slice %arg2[%add3A_444, %dma_start3A_449] : memref<147456x384xf32, #tpu.memory_space<hbm>> -> memref<64x384xf32, #tpu.memory_space<hbm>>
    tpu.enqueue_dma source(%dma_start3A_450 : memref<64x384xf32, #tpu.memory_space<hbm>>) target(%dma_start3A_448 : memref<64x384xf32, #tpu.memory_space<vmem_shared>>) target_semaphore(%arg8 : memref<!tpu.dma_semaphore, #tpu.memory_space<semaphore_mem>>)
    %dma_wait3A_451 = arith.constant 0 : i32
    %dma_wait3A_452 = tpu.memref_slice %arg3[%add3A_432, %dma_wait3A_451] : memref<147456x384xf32, #tpu.memory_space<hbm>> -> memref<64x384xf32, #tpu.memory_space<hbm>>
    %dma_wait3A_453 = arith.constant 0 : i32
    %dma_wait3A_454 = tpu.memref_slice %arg3[%add3A_432, %dma_wait3A_453] : memref<147456x384xf32, #tpu.memory_space<hbm>> -> memref<64x384xf32, #tpu.memory_space<hbm>>
    tpu.wait_dma2 semaphore(%arg14 : memref<!tpu.dma_semaphore, #tpu.memory_space<semaphore_mem>>) src(%arg6 : memref<64x384xf32, #tpu.memory_space<vmem>>) dst(%dma_wait3A_454 : memref<64x384xf32, #tpu.memory_space<hbm>>)
    %add3A_455 = arith.constant 1344 : i32
    %add3A_456 = arith.addi %mul3A_2, %add3A_455 : i32
    %dma_start3A_457 = arith.constant 0 : i32
    %dma_start3A_458 = tpu.memref_slice %arg2[%add3A_456, %dma_start3A_457] : memref<147456x384xf32, #tpu.memory_space<hbm>> -> memref<64x384xf32, #tpu.memory_space<hbm>>
    %dma_start3A_459 = arith.constant 0 : i32
    %dma_start3A_460 = tpu.memref_slice %arg2[%add3A_456, %dma_start3A_459] : memref<147456x384xf32, #tpu.memory_space<hbm>> -> memref<64x384xf32, #tpu.memory_space<hbm>>
    tpu.enqueue_dma source(%dma_start3A_460 : memref<64x384xf32, #tpu.memory_space<hbm>>) target(%arg6 : memref<64x384xf32, #tpu.memory_space<vmem>>) target_semaphore(%arg12 : memref<!tpu.dma_semaphore, #tpu.memory_space<semaphore_mem>>)
    %dma_wait3A_461 = arith.constant 0 : i32
    %dma_wait3A_462 = arith.constant 0 : i32
    %dma_wait3A_463 = tpu.memref_slice %arg5[%arg1, %dma_wait3A_461, %dma_wait3A_462] : memref<16x64x384xf32, #tpu.memory_space<vmem_shared>> -> memref<1x64x384xf32, #tpu.memory_space<vmem_shared>>
    %dma_wait3A_464 = tpu.memref_squeeze %dma_wait3A_463 : memref<1x64x384xf32, #tpu.memory_space<vmem_shared>> -> memref<64x384xf32, #tpu.memory_space<vmem_shared>>
    %dma_wait3A_465 = arith.constant 0 : i32
    %dma_wait3A_466 = tpu.memref_slice %arg2[%add3A_396, %dma_wait3A_465] : memref<147456x384xf32, #tpu.memory_space<hbm>> -> memref<64x384xf32, #tpu.memory_space<hbm>>
    tpu.wait_dma2 semaphore(%arg9 : memref<!tpu.dma_semaphore, #tpu.memory_space<semaphore_mem>>) src(%dma_wait3A_466 : memref<64x384xf32, #tpu.memory_space<hbm>>) dst(%dma_wait3A_464 : memref<64x384xf32, #tpu.memory_space<vmem_shared>>)
    %add3A_467 = arith.constant 1152 : i32
    %add3A_468 = arith.addi %mul3A_2, %add3A_467 : i32
    %dma_start3A_469 = arith.constant 0 : i32
    %dma_start3A_470 = tpu.memref_slice %arg3[%add3A_468, %dma_start3A_469] : memref<147456x384xf32, #tpu.memory_space<hbm>> -> memref<64x384xf32, #tpu.memory_space<hbm>>
    %dma_start3A_471 = arith.constant 0 : i32
    %dma_start3A_472 = arith.constant 0 : i32
    %dma_start3A_473 = tpu.memref_slice %arg5[%arg1, %dma_start3A_471, %dma_start3A_472] : memref<16x64x384xf32, #tpu.memory_space<vmem_shared>> -> memref<1x64x384xf32, #tpu.memory_space<vmem_shared>>
    %dma_start3A_474 = tpu.memref_squeeze %dma_start3A_473 : memref<1x64x384xf32, #tpu.memory_space<vmem_shared>> -> memref<64x384xf32, #tpu.memory_space<vmem_shared>>
    tpu.enqueue_dma source(%dma_start3A_474 : memref<64x384xf32, #tpu.memory_space<vmem_shared>>) target(%dma_start3A_470 : memref<64x384xf32, #tpu.memory_space<hbm>>) target_semaphore(%arg11 : memref<!tpu.dma_semaphore, #tpu.memory_space<semaphore_mem>>)
    %dma_wait3A_475 = arith.constant 0 : i32
    %dma_wait3A_476 = tpu.memref_slice %arg2[%add3A_408, %dma_wait3A_475] : memref<147456x384xf32, #tpu.memory_space<hbm>> -> memref<64x384xf32, #tpu.memory_space<hbm>>
    %dma_wait3A_477 = arith.constant 0 : i32
    %dma_wait3A_478 = tpu.memref_slice %arg2[%add3A_408, %dma_wait3A_477] : memref<147456x384xf32, #tpu.memory_space<hbm>> -> memref<64x384xf32, #tpu.memory_space<hbm>>
    tpu.wait_dma2 semaphore(%arg13 : memref<!tpu.dma_semaphore, #tpu.memory_space<semaphore_mem>>) src(%dma_wait3A_478 : memref<64x384xf32, #tpu.memory_space<hbm>>) dst(%arg7 : memref<64x384xf32, #tpu.memory_space<vmem>>)
    %add3A_479 = arith.constant 1216 : i32
    %add3A_480 = arith.addi %mul3A_2, %add3A_479 : i32
    %dma_start3A_481 = arith.constant 0 : i32
    %dma_start3A_482 = tpu.memref_slice %arg3[%add3A_480, %dma_start3A_481] : memref<147456x384xf32, #tpu.memory_space<hbm>> -> memref<64x384xf32, #tpu.memory_space<hbm>>
    %dma_start3A_483 = arith.constant 0 : i32
    %dma_start3A_484 = tpu.memref_slice %arg3[%add3A_480, %dma_start3A_483] : memref<147456x384xf32, #tpu.memory_space<hbm>> -> memref<64x384xf32, #tpu.memory_space<hbm>>
    tpu.enqueue_dma source(%arg7 : memref<64x384xf32, #tpu.memory_space<vmem>>) target(%dma_start3A_484 : memref<64x384xf32, #tpu.memory_space<hbm>>) target_semaphore(%arg15 : memref<!tpu.dma_semaphore, #tpu.memory_space<semaphore_mem>>)
    %dma_wait3A_485 = arith.constant 0 : i32
    %dma_wait3A_486 = tpu.memref_slice %arg3[%add3A_468, %dma_wait3A_485] : memref<147456x384xf32, #tpu.memory_space<hbm>> -> memref<64x384xf32, #tpu.memory_space<hbm>>
    %dma_wait3A_487 = arith.constant 0 : i32
    %dma_wait3A_488 = arith.constant 0 : i32
    %dma_wait3A_489 = tpu.memref_slice %arg5[%arg1, %dma_wait3A_487, %dma_wait3A_488] : memref<16x64x384xf32, #tpu.memory_space<vmem_shared>> -> memref<1x64x384xf32, #tpu.memory_space<vmem_shared>>
    %dma_wait3A_490 = tpu.memref_squeeze %dma_wait3A_489 : memref<1x64x384xf32, #tpu.memory_space<vmem_shared>> -> memref<64x384xf32, #tpu.memory_space<vmem_shared>>
    tpu.wait_dma2 semaphore(%arg11 : memref<!tpu.dma_semaphore, #tpu.memory_space<semaphore_mem>>) src(%dma_wait3A_490 : memref<64x384xf32, #tpu.memory_space<vmem_shared>>) dst(%dma_wait3A_486 : memref<64x384xf32, #tpu.memory_space<hbm>>)
    %add3A_491 = arith.constant 1408 : i32
    %add3A_492 = arith.addi %mul3A_2, %add3A_491 : i32
    %dma_start3A_493 = arith.constant 0 : i32
    %dma_start3A_494 = arith.constant 0 : i32
    %dma_start3A_495 = tpu.memref_slice %arg5[%arg1, %dma_start3A_493, %dma_start3A_494] : memref<16x64x384xf32, #tpu.memory_space<vmem_shared>> -> memref<1x64x384xf32, #tpu.memory_space<vmem_shared>>
    %dma_start3A_496 = tpu.memref_squeeze %dma_start3A_495 : memref<1x64x384xf32, #tpu.memory_space<vmem_shared>> -> memref<64x384xf32, #tpu.memory_space<vmem_shared>>
    %dma_start3A_497 = arith.constant 0 : i32
    %dma_start3A_498 = tpu.memref_slice %arg2[%add3A_492, %dma_start3A_497] : memref<147456x384xf32, #tpu.memory_space<hbm>> -> memref<64x384xf32, #tpu.memory_space<hbm>>
    tpu.enqueue_dma source(%dma_start3A_498 : memref<64x384xf32, #tpu.memory_space<hbm>>) target(%dma_start3A_496 : memref<64x384xf32, #tpu.memory_space<vmem_shared>>) target_semaphore(%arg9 : memref<!tpu.dma_semaphore, #tpu.memory_space<semaphore_mem>>)
    %dma_wait3A_499 = arith.constant 0 : i32
    %dma_wait3A_500 = tpu.memref_slice %arg3[%add3A_480, %dma_wait3A_499] : memref<147456x384xf32, #tpu.memory_space<hbm>> -> memref<64x384xf32, #tpu.memory_space<hbm>>
    %dma_wait3A_501 = arith.constant 0 : i32
    %dma_wait3A_502 = tpu.memref_slice %arg3[%add3A_480, %dma_wait3A_501] : memref<147456x384xf32, #tpu.memory_space<hbm>> -> memref<64x384xf32, #tpu.memory_space<hbm>>
    tpu.wait_dma2 semaphore(%arg15 : memref<!tpu.dma_semaphore, #tpu.memory_space<semaphore_mem>>) src(%arg7 : memref<64x384xf32, #tpu.memory_space<vmem>>) dst(%dma_wait3A_502 : memref<64x384xf32, #tpu.memory_space<hbm>>)
    %add3A_503 = arith.constant 1472 : i32
    %add3A_504 = arith.addi %mul3A_2, %add3A_503 : i32
    %dma_start3A_505 = arith.constant 0 : i32
    %dma_start3A_506 = tpu.memref_slice %arg2[%add3A_504, %dma_start3A_505] : memref<147456x384xf32, #tpu.memory_space<hbm>> -> memref<64x384xf32, #tpu.memory_space<hbm>>
    %dma_start3A_507 = arith.constant 0 : i32
    %dma_start3A_508 = tpu.memref_slice %arg2[%add3A_504, %dma_start3A_507] : memref<147456x384xf32, #tpu.memory_space<hbm>> -> memref<64x384xf32, #tpu.memory_space<hbm>>
    tpu.enqueue_dma source(%dma_start3A_508 : memref<64x384xf32, #tpu.memory_space<hbm>>) target(%arg7 : memref<64x384xf32, #tpu.memory_space<vmem>>) target_semaphore(%arg13 : memref<!tpu.dma_semaphore, #tpu.memory_space<semaphore_mem>>)
    %dma_wait3A_509 = arith.constant 0 : i32
    %dma_wait3A_510 = arith.constant 0 : i32
    %dma_wait3A_511 = tpu.memref_slice %arg4[%arg1, %dma_wait3A_509, %dma_wait3A_510] : memref<16x64x384xf32, #tpu.memory_space<vmem_shared>> -> memref<1x64x384xf32, #tpu.memory_space<vmem_shared>>
    %dma_wait3A_512 = tpu.memref_squeeze %dma_wait3A_511 : memref<1x64x384xf32, #tpu.memory_space<vmem_shared>> -> memref<64x384xf32, #tpu.memory_space<vmem_shared>>
    %dma_wait3A_513 = arith.constant 0 : i32
    %dma_wait3A_514 = tpu.memref_slice %arg2[%add3A_444, %dma_wait3A_513] : memref<147456x384xf32, #tpu.memory_space<hbm>> -> memref<64x384xf32, #tpu.memory_space<hbm>>
    tpu.wait_dma2 semaphore(%arg8 : memref<!tpu.dma_semaphore, #tpu.memory_space<semaphore_mem>>) src(%dma_wait3A_514 : memref<64x384xf32, #tpu.memory_space<hbm>>) dst(%dma_wait3A_512 : memref<64x384xf32, #tpu.memory_space<vmem_shared>>)
    %add3A_515 = arith.constant 1280 : i32
    %add3A_516 = arith.addi %mul3A_2, %add3A_515 : i32
    %dma_start3A_517 = arith.constant 0 : i32
    %dma_start3A_518 = tpu.memref_slice %arg3[%add3A_516, %dma_start3A_517] : memref<147456x384xf32, #tpu.memory_space<hbm>> -> memref<64x384xf32, #tpu.memory_space<hbm>>
    %dma_start3A_519 = arith.constant 0 : i32
    %dma_start3A_520 = arith.constant 0 : i32
    %dma_start3A_521 = tpu.memref_slice %arg4[%arg1, %dma_start3A_519, %dma_start3A_520] : memref<16x64x384xf32, #tpu.memory_space<vmem_shared>> -> memref<1x64x384xf32, #tpu.memory_space<vmem_shared>>
    %dma_start3A_522 = tpu.memref_squeeze %dma_start3A_521 : memref<1x64x384xf32, #tpu.memory_space<vmem_shared>> -> memref<64x384xf32, #tpu.memory_space<vmem_shared>>
    tpu.enqueue_dma source(%dma_start3A_522 : memref<64x384xf32, #tpu.memory_space<vmem_shared>>) target(%dma_start3A_518 : memref<64x384xf32, #tpu.memory_space<hbm>>) target_semaphore(%arg10 : memref<!tpu.dma_semaphore, #tpu.memory_space<semaphore_mem>>)
    %dma_wait3A_523 = arith.constant 0 : i32
    %dma_wait3A_524 = tpu.memref_slice %arg2[%add3A_456, %dma_wait3A_523] : memref<147456x384xf32, #tpu.memory_space<hbm>> -> memref<64x384xf32, #tpu.memory_space<hbm>>
    %dma_wait3A_525 = arith.constant 0 : i32
    %dma_wait3A_526 = tpu.memref_slice %arg2[%add3A_456, %dma_wait3A_525] : memref<147456x384xf32, #tpu.memory_space<hbm>> -> memref<64x384xf32, #tpu.memory_space<hbm>>
    tpu.wait_dma2 semaphore(%arg12 : memref<!tpu.dma_semaphore, #tpu.memory_space<semaphore_mem>>) src(%dma_wait3A_526 : memref<64x384xf32, #tpu.memory_space<hbm>>) dst(%arg6 : memref<64x384xf32, #tpu.memory_space<vmem>>)
    %add3A_527 = arith.constant 1344 : i32
    %add3A_528 = arith.addi %mul3A_2, %add3A_527 : i32
    %dma_start3A_529 = arith.constant 0 : i32
    %dma_start3A_530 = tpu.memref_slice %arg3[%add3A_528, %dma_start3A_529] : memref<147456x384xf32, #tpu.memory_space<hbm>> -> memref<64x384xf32, #tpu.memory_space<hbm>>
    %dma_start3A_531 = arith.constant 0 : i32
    %dma_start3A_532 = tpu.memref_slice %arg3[%add3A_528, %dma_start3A_531] : memref<147456x384xf32, #tpu.memory_space<hbm>> -> memref<64x384xf32, #tpu.memory_space<hbm>>
    tpu.enqueue_dma source(%arg6 : memref<64x384xf32, #tpu.memory_space<vmem>>) target(%dma_start3A_532 : memref<64x384xf32, #tpu.memory_space<hbm>>) target_semaphore(%arg14 : memref<!tpu.dma_semaphore, #tpu.memory_space<semaphore_mem>>)
    %dma_wait3A_533 = arith.constant 0 : i32
    %dma_wait3A_534 = tpu.memref_slice %arg3[%add3A_516, %dma_wait3A_533] : memref<147456x384xf32, #tpu.memory_space<hbm>> -> memref<64x384xf32, #tpu.memory_space<hbm>>
    %dma_wait3A_535 = arith.constant 0 : i32
    %dma_wait3A_536 = arith.constant 0 : i32
    %dma_wait3A_537 = tpu.memref_slice %arg4[%arg1, %dma_wait3A_535, %dma_wait3A_536] : memref<16x64x384xf32, #tpu.memory_space<vmem_shared>> -> memref<1x64x384xf32, #tpu.memory_space<vmem_shared>>
    %dma_wait3A_538 = tpu.memref_squeeze %dma_wait3A_537 : memref<1x64x384xf32, #tpu.memory_space<vmem_shared>> -> memref<64x384xf32, #tpu.memory_space<vmem_shared>>
    tpu.wait_dma2 semaphore(%arg10 : memref<!tpu.dma_semaphore, #tpu.memory_space<semaphore_mem>>) src(%dma_wait3A_538 : memref<64x384xf32, #tpu.memory_space<vmem_shared>>) dst(%dma_wait3A_534 : memref<64x384xf32, #tpu.memory_space<hbm>>)
    %add3A_539 = arith.constant 1536 : i32
    %add3A_540 = arith.addi %mul3A_2, %add3A_539 : i32
    %dma_start3A_541 = arith.constant 0 : i32
    %dma_start3A_542 = arith.constant 0 : i32
    %dma_start3A_543 = tpu.memref_slice %arg4[%arg1, %dma_start3A_541, %dma_start3A_542] : memref<16x64x384xf32, #tpu.memory_space<vmem_shared>> -> memref<1x64x384xf32, #tpu.memory_space<vmem_shared>>
    %dma_start3A_544 = tpu.memref_squeeze %dma_start3A_543 : memref<1x64x384xf32, #tpu.memory_space<vmem_shared>> -> memref<64x384xf32, #tpu.memory_space<vmem_shared>>
    %dma_start3A_545 = arith.constant 0 : i32
    %dma_start3A_546 = tpu.memref_slice %arg2[%add3A_540, %dma_start3A_545] : memref<147456x384xf32, #tpu.memory_space<hbm>> -> memref<64x384xf32, #tpu.memory_space<hbm>>
    tpu.enqueue_dma source(%dma_start3A_546 : memref<64x384xf32, #tpu.memory_space<hbm>>) target(%dma_start3A_544 : memref<64x384xf32, #tpu.memory_space<vmem_shared>>) target_semaphore(%arg8 : memref<!tpu.dma_semaphore, #tpu.memory_space<semaphore_mem>>)
    %dma_wait3A_547 = arith.constant 0 : i32
    %dma_wait3A_548 = tpu.memref_slice %arg3[%add3A_528, %dma_wait3A_547] : memref<147456x384xf32, #tpu.memory_space<hbm>> -> memref<64x384xf32, #tpu.memory_space<hbm>>
    %dma_wait3A_549 = arith.constant 0 : i32
    %dma_wait3A_550 = tpu.memref_slice %arg3[%add3A_528, %dma_wait3A_549] : memref<147456x384xf32, #tpu.memory_space<hbm>> -> memref<64x384xf32, #tpu.memory_space<hbm>>
    tpu.wait_dma2 semaphore(%arg14 : memref<!tpu.dma_semaphore, #tpu.memory_space<semaphore_mem>>) src(%arg6 : memref<64x384xf32, #tpu.memory_space<vmem>>) dst(%dma_wait3A_550 : memref<64x384xf32, #tpu.memory_space<hbm>>)
    %add3A_551 = arith.constant 1600 : i32
    %add3A_552 = arith.addi %mul3A_2, %add3A_551 : i32
    %dma_start3A_553 = arith.constant 0 : i32
    %dma_start3A_554 = tpu.memref_slice %arg2[%add3A_552, %dma_start3A_553] : memref<147456x384xf32, #tpu.memory_space<hbm>> -> memref<64x384xf32, #tpu.memory_space<hbm>>
    %dma_start3A_555 = arith.constant 0 : i32
    %dma_start3A_556 = tpu.memref_slice %arg2[%add3A_552, %dma_start3A_555] : memref<147456x384xf32, #tpu.memory_space<hbm>> -> memref<64x384xf32, #tpu.memory_space<hbm>>
    tpu.enqueue_dma source(%dma_start3A_556 : memref<64x384xf32, #tpu.memory_space<hbm>>) target(%arg6 : memref<64x384xf32, #tpu.memory_space<vmem>>) target_semaphore(%arg12 : memref<!tpu.dma_semaphore, #tpu.memory_space<semaphore_mem>>)
    %dma_wait3A_557 = arith.constant 0 : i32
    %dma_wait3A_558 = arith.constant 0 : i32
    %dma_wait3A_559 = tpu.memref_slice %arg5[%arg1, %dma_wait3A_557, %dma_wait3A_558] : memref<16x64x384xf32, #tpu.memory_space<vmem_shared>> -> memref<1x64x384xf32, #tpu.memory_space<vmem_shared>>
    %dma_wait3A_560 = tpu.memref_squeeze %dma_wait3A_559 : memref<1x64x384xf32, #tpu.memory_space<vmem_shared>> -> memref<64x384xf32, #tpu.memory_space<vmem_shared>>
    %dma_wait3A_561 = arith.constant 0 : i32
    %dma_wait3A_562 = tpu.memref_slice %arg2[%add3A_492, %dma_wait3A_561] : memref<147456x384xf32, #tpu.memory_space<hbm>> -> memref<64x384xf32, #tpu.memory_space<hbm>>
    tpu.wait_dma2 semaphore(%arg9 : memref<!tpu.dma_semaphore, #tpu.memory_space<semaphore_mem>>) src(%dma_wait3A_562 : memref<64x384xf32, #tpu.memory_space<hbm>>) dst(%dma_wait3A_560 : memref<64x384xf32, #tpu.memory_space<vmem_shared>>)
    %add3A_563 = arith.constant 1408 : i32
    %add3A_564 = arith.addi %mul3A_2, %add3A_563 : i32
    %dma_start3A_565 = arith.constant 0 : i32
    %dma_start3A_566 = tpu.memref_slice %arg3[%add3A_564, %dma_start3A_565] : memref<147456x384xf32, #tpu.memory_space<hbm>> -> memref<64x384xf32, #tpu.memory_space<hbm>>
    %dma_start3A_567 = arith.constant 0 : i32
    %dma_start3A_568 = arith.constant 0 : i32
    %dma_start3A_569 = tpu.memref_slice %arg5[%arg1, %dma_start3A_567, %dma_start3A_568] : memref<16x64x384xf32, #tpu.memory_space<vmem_shared>> -> memref<1x64x384xf32, #tpu.memory_space<vmem_shared>>
    %dma_start3A_570 = tpu.memref_squeeze %dma_start3A_569 : memref<1x64x384xf32, #tpu.memory_space<vmem_shared>> -> memref<64x384xf32, #tpu.memory_space<vmem_shared>>
    tpu.enqueue_dma source(%dma_start3A_570 : memref<64x384xf32, #tpu.memory_space<vmem_shared>>) target(%dma_start3A_566 : memref<64x384xf32, #tpu.memory_space<hbm>>) target_semaphore(%arg11 : memref<!tpu.dma_semaphore, #tpu.memory_space<semaphore_mem>>)
    %dma_wait3A_571 = arith.constant 0 : i32
    %dma_wait3A_572 = tpu.memref_slice %arg2[%add3A_504, %dma_wait3A_571] : memref<147456x384xf32, #tpu.memory_space<hbm>> -> memref<64x384xf32, #tpu.memory_space<hbm>>
    %dma_wait3A_573 = arith.constant 0 : i32
    %dma_wait3A_574 = tpu.memref_slice %arg2[%add3A_504, %dma_wait3A_573] : memref<147456x384xf32, #tpu.memory_space<hbm>> -> memref<64x384xf32, #tpu.memory_space<hbm>>
    tpu.wait_dma2 semaphore(%arg13 : memref<!tpu.dma_semaphore, #tpu.memory_space<semaphore_mem>>) src(%dma_wait3A_574 : memref<64x384xf32, #tpu.memory_space<hbm>>) dst(%arg7 : memref<64x384xf32, #tpu.memory_space<vmem>>)
    %add3A_575 = arith.constant 1472 : i32
    %add3A_576 = arith.addi %mul3A_2, %add3A_575 : i32
    %dma_start3A_577 = arith.constant 0 : i32
    %dma_start3A_578 = tpu.memref_slice %arg3[%add3A_576, %dma_start3A_577] : memref<147456x384xf32, #tpu.memory_space<hbm>> -> memref<64x384xf32, #tpu.memory_space<hbm>>
    %dma_start3A_579 = arith.constant 0 : i32
    %dma_start3A_580 = tpu.memref_slice %arg3[%add3A_576, %dma_start3A_579] : memref<147456x384xf32, #tpu.memory_space<hbm>> -> memref<64x384xf32, #tpu.memory_space<hbm>>
    tpu.enqueue_dma source(%arg7 : memref<64x384xf32, #tpu.memory_space<vmem>>) target(%dma_start3A_580 : memref<64x384xf32, #tpu.memory_space<hbm>>) target_semaphore(%arg15 : memref<!tpu.dma_semaphore, #tpu.memory_space<semaphore_mem>>)
    %dma_wait3A_581 = arith.constant 0 : i32
    %dma_wait3A_582 = tpu.memref_slice %arg3[%add3A_564, %dma_wait3A_581] : memref<147456x384xf32, #tpu.memory_space<hbm>> -> memref<64x384xf32, #tpu.memory_space<hbm>>
    %dma_wait3A_583 = arith.constant 0 : i32
    %dma_wait3A_584 = arith.constant 0 : i32
    %dma_wait3A_585 = tpu.memref_slice %arg5[%arg1, %dma_wait3A_583, %dma_wait3A_584] : memref<16x64x384xf32, #tpu.memory_space<vmem_shared>> -> memref<1x64x384xf32, #tpu.memory_space<vmem_shared>>
    %dma_wait3A_586 = tpu.memref_squeeze %dma_wait3A_585 : memref<1x64x384xf32, #tpu.memory_space<vmem_shared>> -> memref<64x384xf32, #tpu.memory_space<vmem_shared>>
    tpu.wait_dma2 semaphore(%arg11 : memref<!tpu.dma_semaphore, #tpu.memory_space<semaphore_mem>>) src(%dma_wait3A_586 : memref<64x384xf32, #tpu.memory_space<vmem_shared>>) dst(%dma_wait3A_582 : memref<64x384xf32, #tpu.memory_space<hbm>>)
    %add3A_587 = arith.constant 1664 : i32
    %add3A_588 = arith.addi %mul3A_2, %add3A_587 : i32
    %dma_start3A_589 = arith.constant 0 : i32
    %dma_start3A_590 = arith.constant 0 : i32
    %dma_start3A_591 = tpu.memref_slice %arg5[%arg1, %dma_start3A_589, %dma_start3A_590] : memref<16x64x384xf32, #tpu.memory_space<vmem_shared>> -> memref<1x64x384xf32, #tpu.memory_space<vmem_shared>>
    %dma_start3A_592 = tpu.memref_squeeze %dma_start3A_591 : memref<1x64x384xf32, #tpu.memory_space<vmem_shared>> -> memref<64x384xf32, #tpu.memory_space<vmem_shared>>
    %dma_start3A_593 = arith.constant 0 : i32
    %dma_start3A_594 = tpu.memref_slice %arg2[%add3A_588, %dma_start3A_593] : memref<147456x384xf32, #tpu.memory_space<hbm>> -> memref<64x384xf32, #tpu.memory_space<hbm>>
    tpu.enqueue_dma source(%dma_start3A_594 : memref<64x384xf32, #tpu.memory_space<hbm>>) target(%dma_start3A_592 : memref<64x384xf32, #tpu.memory_space<vmem_shared>>) target_semaphore(%arg9 : memref<!tpu.dma_semaphore, #tpu.memory_space<semaphore_mem>>)
    %dma_wait3A_595 = arith.constant 0 : i32
    %dma_wait3A_596 = tpu.memref_slice %arg3[%add3A_576, %dma_wait3A_595] : memref<147456x384xf32, #tpu.memory_space<hbm>> -> memref<64x384xf32, #tpu.memory_space<hbm>>
    %dma_wait3A_597 = arith.constant 0 : i32
    %dma_wait3A_598 = tpu.memref_slice %arg3[%add3A_576, %dma_wait3A_597] : memref<147456x384xf32, #tpu.memory_space<hbm>> -> memref<64x384xf32, #tpu.memory_space<hbm>>
    tpu.wait_dma2 semaphore(%arg15 : memref<!tpu.dma_semaphore, #tpu.memory_space<semaphore_mem>>) src(%arg7 : memref<64x384xf32, #tpu.memory_space<vmem>>) dst(%dma_wait3A_598 : memref<64x384xf32, #tpu.memory_space<hbm>>)
    %add3A_599 = arith.constant 1728 : i32
    %add3A_600 = arith.addi %mul3A_2, %add3A_599 : i32
    %dma_start3A_601 = arith.constant 0 : i32
    %dma_start3A_602 = tpu.memref_slice %arg2[%add3A_600, %dma_start3A_601] : memref<147456x384xf32, #tpu.memory_space<hbm>> -> memref<64x384xf32, #tpu.memory_space<hbm>>
    %dma_start3A_603 = arith.constant 0 : i32
    %dma_start3A_604 = tpu.memref_slice %arg2[%add3A_600, %dma_start3A_603] : memref<147456x384xf32, #tpu.memory_space<hbm>> -> memref<64x384xf32, #tpu.memory_space<hbm>>
    tpu.enqueue_dma source(%dma_start3A_604 : memref<64x384xf32, #tpu.memory_space<hbm>>) target(%arg7 : memref<64x384xf32, #tpu.memory_space<vmem>>) target_semaphore(%arg13 : memref<!tpu.dma_semaphore, #tpu.memory_space<semaphore_mem>>)
    %dma_wait3A_605 = arith.constant 0 : i32
    %dma_wait3A_606 = arith.constant 0 : i32
    %dma_wait3A_607 = tpu.memref_slice %arg4[%arg1, %dma_wait3A_605, %dma_wait3A_606] : memref<16x64x384xf32, #tpu.memory_space<vmem_shared>> -> memref<1x64x384xf32, #tpu.memory_space<vmem_shared>>
    %dma_wait3A_608 = tpu.memref_squeeze %dma_wait3A_607 : memref<1x64x384xf32, #tpu.memory_space<vmem_shared>> -> memref<64x384xf32, #tpu.memory_space<vmem_shared>>
    %dma_wait3A_609 = arith.constant 0 : i32
    %dma_wait3A_610 = tpu.memref_slice %arg2[%add3A_540, %dma_wait3A_609] : memref<147456x384xf32, #tpu.memory_space<hbm>> -> memref<64x384xf32, #tpu.memory_space<hbm>>
    tpu.wait_dma2 semaphore(%arg8 : memref<!tpu.dma_semaphore, #tpu.memory_space<semaphore_mem>>) src(%dma_wait3A_610 : memref<64x384xf32, #tpu.memory_space<hbm>>) dst(%dma_wait3A_608 : memref<64x384xf32, #tpu.memory_space<vmem_shared>>)
    %add3A_611 = arith.constant 1536 : i32
    %add3A_612 = arith.addi %mul3A_2, %add3A_611 : i32
    %dma_start3A_613 = arith.constant 0 : i32
    %dma_start3A_614 = tpu.memref_slice %arg3[%add3A_612, %dma_start3A_613] : memref<147456x384xf32, #tpu.memory_space<hbm>> -> memref<64x384xf32, #tpu.memory_space<hbm>>
    %dma_start3A_615 = arith.constant 0 : i32
    %dma_start3A_616 = arith.constant 0 : i32
    %dma_start3A_617 = tpu.memref_slice %arg4[%arg1, %dma_start3A_615, %dma_start3A_616] : memref<16x64x384xf32, #tpu.memory_space<vmem_shared>> -> memref<1x64x384xf32, #tpu.memory_space<vmem_shared>>
    %dma_start3A_618 = tpu.memref_squeeze %dma_start3A_617 : memref<1x64x384xf32, #tpu.memory_space<vmem_shared>> -> memref<64x384xf32, #tpu.memory_space<vmem_shared>>
    tpu.enqueue_dma source(%dma_start3A_618 : memref<64x384xf32, #tpu.memory_space<vmem_shared>>) target(%dma_start3A_614 : memref<64x384xf32, #tpu.memory_space<hbm>>) target_semaphore(%arg10 : memref<!tpu.dma_semaphore, #tpu.memory_space<semaphore_mem>>)
    %dma_wait3A_619 = arith.constant 0 : i32
    %dma_wait3A_620 = tpu.memref_slice %arg2[%add3A_552, %dma_wait3A_619] : memref<147456x384xf32, #tpu.memory_space<hbm>> -> memref<64x384xf32, #tpu.memory_space<hbm>>
    %dma_wait3A_621 = arith.constant 0 : i32
    %dma_wait3A_622 = tpu.memref_slice %arg2[%add3A_552, %dma_wait3A_621] : memref<147456x384xf32, #tpu.memory_space<hbm>> -> memref<64x384xf32, #tpu.memory_space<hbm>>
    tpu.wait_dma2 semaphore(%arg12 : memref<!tpu.dma_semaphore, #tpu.memory_space<semaphore_mem>>) src(%dma_wait3A_622 : memref<64x384xf32, #tpu.memory_space<hbm>>) dst(%arg6 : memref<64x384xf32, #tpu.memory_space<vmem>>)
    %add3A_623 = arith.constant 1600 : i32
    %add3A_624 = arith.addi %mul3A_2, %add3A_623 : i32
    %dma_start3A_625 = arith.constant 0 : i32
    %dma_start3A_626 = tpu.memref_slice %arg3[%add3A_624, %dma_start3A_625] : memref<147456x384xf32, #tpu.memory_space<hbm>> -> memref<64x384xf32, #tpu.memory_space<hbm>>
    %dma_start3A_627 = arith.constant 0 : i32
    %dma_start3A_628 = tpu.memref_slice %arg3[%add3A_624, %dma_start3A_627] : memref<147456x384xf32, #tpu.memory_space<hbm>> -> memref<64x384xf32, #tpu.memory_space<hbm>>
    tpu.enqueue_dma source(%arg6 : memref<64x384xf32, #tpu.memory_space<vmem>>) target(%dma_start3A_628 : memref<64x384xf32, #tpu.memory_space<hbm>>) target_semaphore(%arg14 : memref<!tpu.dma_semaphore, #tpu.memory_space<semaphore_mem>>)
    %dma_wait3A_629 = arith.constant 0 : i32
    %dma_wait3A_630 = tpu.memref_slice %arg3[%add3A_612, %dma_wait3A_629] : memref<147456x384xf32, #tpu.memory_space<hbm>> -> memref<64x384xf32, #tpu.memory_space<hbm>>
    %dma_wait3A_631 = arith.constant 0 : i32
    %dma_wait3A_632 = arith.constant 0 : i32
    %dma_wait3A_633 = tpu.memref_slice %arg4[%arg1, %dma_wait3A_631, %dma_wait3A_632] : memref<16x64x384xf32, #tpu.memory_space<vmem_shared>> -> memref<1x64x384xf32, #tpu.memory_space<vmem_shared>>
    %dma_wait3A_634 = tpu.memref_squeeze %dma_wait3A_633 : memref<1x64x384xf32, #tpu.memory_space<vmem_shared>> -> memref<64x384xf32, #tpu.memory_space<vmem_shared>>
    tpu.wait_dma2 semaphore(%arg10 : memref<!tpu.dma_semaphore, #tpu.memory_space<semaphore_mem>>) src(%dma_wait3A_634 : memref<64x384xf32, #tpu.memory_space<vmem_shared>>) dst(%dma_wait3A_630 : memref<64x384xf32, #tpu.memory_space<hbm>>)
    %add3A_635 = arith.constant 1792 : i32
    %add3A_636 = arith.addi %mul3A_2, %add3A_635 : i32
    %dma_start3A_637 = arith.constant 0 : i32
    %dma_start3A_638 = arith.constant 0 : i32
    %dma_start3A_639 = tpu.memref_slice %arg4[%arg1, %dma_start3A_637, %dma_start3A_638] : memref<16x64x384xf32, #tpu.memory_space<vmem_shared>> -> memref<1x64x384xf32, #tpu.memory_space<vmem_shared>>
    %dma_start3A_640 = tpu.memref_squeeze %dma_start3A_639 : memref<1x64x384xf32, #tpu.memory_space<vmem_shared>> -> memref<64x384xf32, #tpu.memory_space<vmem_shared>>
    %dma_start3A_641 = arith.constant 0 : i32
    %dma_start3A_642 = tpu.memref_slice %arg2[%add3A_636, %dma_start3A_641] : memref<147456x384xf32, #tpu.memory_space<hbm>> -> memref<64x384xf32, #tpu.memory_space<hbm>>
    tpu.enqueue_dma source(%dma_start3A_642 : memref<64x384xf32, #tpu.memory_space<hbm>>) target(%dma_start3A_640 : memref<64x384xf32, #tpu.memory_space<vmem_shared>>) target_semaphore(%arg8 : memref<!tpu.dma_semaphore, #tpu.memory_space<semaphore_mem>>)
    %dma_wait3A_643 = arith.constant 0 : i32
    %dma_wait3A_644 = tpu.memref_slice %arg3[%add3A_624, %dma_wait3A_643] : memref<147456x384xf32, #tpu.memory_space<hbm>> -> memref<64x384xf32, #tpu.memory_space<hbm>>
    %dma_wait3A_645 = arith.constant 0 : i32
    %dma_wait3A_646 = tpu.memref_slice %arg3[%add3A_624, %dma_wait3A_645] : memref<147456x384xf32, #tpu.memory_space<hbm>> -> memref<64x384xf32, #tpu.memory_space<hbm>>
    tpu.wait_dma2 semaphore(%arg14 : memref<!tpu.dma_semaphore, #tpu.memory_space<semaphore_mem>>) src(%arg6 : memref<64x384xf32, #tpu.memory_space<vmem>>) dst(%dma_wait3A_646 : memref<64x384xf32, #tpu.memory_space<hbm>>)
    %add3A_647 = arith.constant 1856 : i32
    %add3A_648 = arith.addi %mul3A_2, %add3A_647 : i32
    %dma_start3A_649 = arith.constant 0 : i32
    %dma_start3A_650 = tpu.memref_slice %arg2[%add3A_648, %dma_start3A_649] : memref<147456x384xf32, #tpu.memory_space<hbm>> -> memref<64x384xf32, #tpu.memory_space<hbm>>
    %dma_start3A_651 = arith.constant 0 : i32
    %dma_start3A_652 = tpu.memref_slice %arg2[%add3A_648, %dma_start3A_651] : memref<147456x384xf32, #tpu.memory_space<hbm>> -> memref<64x384xf32, #tpu.memory_space<hbm>>
    tpu.enqueue_dma source(%dma_start3A_652 : memref<64x384xf32, #tpu.memory_space<hbm>>) target(%arg6 : memref<64x384xf32, #tpu.memory_space<vmem>>) target_semaphore(%arg12 : memref<!tpu.dma_semaphore, #tpu.memory_space<semaphore_mem>>)
    %dma_wait3A_653 = arith.constant 0 : i32
    %dma_wait3A_654 = arith.constant 0 : i32
    %dma_wait3A_655 = tpu.memref_slice %arg5[%arg1, %dma_wait3A_653, %dma_wait3A_654] : memref<16x64x384xf32, #tpu.memory_space<vmem_shared>> -> memref<1x64x384xf32, #tpu.memory_space<vmem_shared>>
    %dma_wait3A_656 = tpu.memref_squeeze %dma_wait3A_655 : memref<1x64x384xf32, #tpu.memory_space<vmem_shared>> -> memref<64x384xf32, #tpu.memory_space<vmem_shared>>
    %dma_wait3A_657 = arith.constant 0 : i32
    %dma_wait3A_658 = tpu.memref_slice %arg2[%add3A_588, %dma_wait3A_657] : memref<147456x384xf32, #tpu.memory_space<hbm>> -> memref<64x384xf32, #tpu.memory_space<hbm>>
    tpu.wait_dma2 semaphore(%arg9 : memref<!tpu.dma_semaphore, #tpu.memory_space<semaphore_mem>>) src(%dma_wait3A_658 : memref<64x384xf32, #tpu.memory_space<hbm>>) dst(%dma_wait3A_656 : memref<64x384xf32, #tpu.memory_space<vmem_shared>>)
    %add3A_659 = arith.constant 1664 : i32
    %add3A_660 = arith.addi %mul3A_2, %add3A_659 : i32
    %dma_start3A_661 = arith.constant 0 : i32
    %dma_start3A_662 = tpu.memref_slice %arg3[%add3A_660, %dma_start3A_661] : memref<147456x384xf32, #tpu.memory_space<hbm>> -> memref<64x384xf32, #tpu.memory_space<hbm>>
    %dma_start3A_663 = arith.constant 0 : i32
    %dma_start3A_664 = arith.constant 0 : i32
    %dma_start3A_665 = tpu.memref_slice %arg5[%arg1, %dma_start3A_663, %dma_start3A_664] : memref<16x64x384xf32, #tpu.memory_space<vmem_shared>> -> memref<1x64x384xf32, #tpu.memory_space<vmem_shared>>
    %dma_start3A_666 = tpu.memref_squeeze %dma_start3A_665 : memref<1x64x384xf32, #tpu.memory_space<vmem_shared>> -> memref<64x384xf32, #tpu.memory_space<vmem_shared>>
    tpu.enqueue_dma source(%dma_start3A_666 : memref<64x384xf32, #tpu.memory_space<vmem_shared>>) target(%dma_start3A_662 : memref<64x384xf32, #tpu.memory_space<hbm>>) target_semaphore(%arg11 : memref<!tpu.dma_semaphore, #tpu.memory_space<semaphore_mem>>)
    %dma_wait3A_667 = arith.constant 0 : i32
    %dma_wait3A_668 = tpu.memref_slice %arg2[%add3A_600, %dma_wait3A_667] : memref<147456x384xf32, #tpu.memory_space<hbm>> -> memref<64x384xf32, #tpu.memory_space<hbm>>
    %dma_wait3A_669 = arith.constant 0 : i32
    %dma_wait3A_670 = tpu.memref_slice %arg2[%add3A_600, %dma_wait3A_669] : memref<147456x384xf32, #tpu.memory_space<hbm>> -> memref<64x384xf32, #tpu.memory_space<hbm>>
    tpu.wait_dma2 semaphore(%arg13 : memref<!tpu.dma_semaphore, #tpu.memory_space<semaphore_mem>>) src(%dma_wait3A_670 : memref<64x384xf32, #tpu.memory_space<hbm>>) dst(%arg7 : memref<64x384xf32, #tpu.memory_space<vmem>>)
    %add3A_671 = arith.constant 1728 : i32
    %add3A_672 = arith.addi %mul3A_2, %add3A_671 : i32
    %dma_start3A_673 = arith.constant 0 : i32
    %dma_start3A_674 = tpu.memref_slice %arg3[%add3A_672, %dma_start3A_673] : memref<147456x384xf32, #tpu.memory_space<hbm>> -> memref<64x384xf32, #tpu.memory_space<hbm>>
    %dma_start3A_675 = arith.constant 0 : i32
    %dma_start3A_676 = tpu.memref_slice %arg3[%add3A_672, %dma_start3A_675] : memref<147456x384xf32, #tpu.memory_space<hbm>> -> memref<64x384xf32, #tpu.memory_space<hbm>>
    tpu.enqueue_dma source(%arg7 : memref<64x384xf32, #tpu.memory_space<vmem>>) target(%dma_start3A_676 : memref<64x384xf32, #tpu.memory_space<hbm>>) target_semaphore(%arg15 : memref<!tpu.dma_semaphore, #tpu.memory_space<semaphore_mem>>)
    %dma_wait3A_677 = arith.constant 0 : i32
    %dma_wait3A_678 = tpu.memref_slice %arg3[%add3A_660, %dma_wait3A_677] : memref<147456x384xf32, #tpu.memory_space<hbm>> -> memref<64x384xf32, #tpu.memory_space<hbm>>
    %dma_wait3A_679 = arith.constant 0 : i32
    %dma_wait3A_680 = arith.constant 0 : i32
    %dma_wait3A_681 = tpu.memref_slice %arg5[%arg1, %dma_wait3A_679, %dma_wait3A_680] : memref<16x64x384xf32, #tpu.memory_space<vmem_shared>> -> memref<1x64x384xf32, #tpu.memory_space<vmem_shared>>
    %dma_wait3A_682 = tpu.memref_squeeze %dma_wait3A_681 : memref<1x64x384xf32, #tpu.memory_space<vmem_shared>> -> memref<64x384xf32, #tpu.memory_space<vmem_shared>>
    tpu.wait_dma2 semaphore(%arg11 : memref<!tpu.dma_semaphore, #tpu.memory_space<semaphore_mem>>) src(%dma_wait3A_682 : memref<64x384xf32, #tpu.memory_space<vmem_shared>>) dst(%dma_wait3A_678 : memref<64x384xf32, #tpu.memory_space<hbm>>)
    %add3A_683 = arith.constant 1920 : i32
    %add3A_684 = arith.addi %mul3A_2, %add3A_683 : i32
    %dma_start3A_685 = arith.constant 0 : i32
    %dma_start3A_686 = arith.constant 0 : i32
    %dma_start3A_687 = tpu.memref_slice %arg5[%arg1, %dma_start3A_685, %dma_start3A_686] : memref<16x64x384xf32, #tpu.memory_space<vmem_shared>> -> memref<1x64x384xf32, #tpu.memory_space<vmem_shared>>
    %dma_start3A_688 = tpu.memref_squeeze %dma_start3A_687 : memref<1x64x384xf32, #tpu.memory_space<vmem_shared>> -> memref<64x384xf32, #tpu.memory_space<vmem_shared>>
    %dma_start3A_689 = arith.constant 0 : i32
    %dma_start3A_690 = tpu.memref_slice %arg2[%add3A_684, %dma_start3A_689] : memref<147456x384xf32, #tpu.memory_space<hbm>> -> memref<64x384xf32, #tpu.memory_space<hbm>>
    tpu.enqueue_dma source(%dma_start3A_690 : memref<64x384xf32, #tpu.memory_space<hbm>>) target(%dma_start3A_688 : memref<64x384xf32, #tpu.memory_space<vmem_shared>>) target_semaphore(%arg9 : memref<!tpu.dma_semaphore, #tpu.memory_space<semaphore_mem>>)
    %dma_wait3A_691 = arith.constant 0 : i32
    %dma_wait3A_692 = tpu.memref_slice %arg3[%add3A_672, %dma_wait3A_691] : memref<147456x384xf32, #tpu.memory_space<hbm>> -> memref<64x384xf32, #tpu.memory_space<hbm>>
    %dma_wait3A_693 = arith.constant 0 : i32
    %dma_wait3A_694 = tpu.memref_slice %arg3[%add3A_672, %dma_wait3A_693] : memref<147456x384xf32, #tpu.memory_space<hbm>> -> memref<64x384xf32, #tpu.memory_space<hbm>>
    tpu.wait_dma2 semaphore(%arg15 : memref<!tpu.dma_semaphore, #tpu.memory_space<semaphore_mem>>) src(%arg7 : memref<64x384xf32, #tpu.memory_space<vmem>>) dst(%dma_wait3A_694 : memref<64x384xf32, #tpu.memory_space<hbm>>)
    %add3A_695 = arith.constant 1984 : i32
    %add3A_696 = arith.addi %mul3A_2, %add3A_695 : i32
    %dma_start3A_697 = arith.constant 0 : i32
    %dma_start3A_698 = tpu.memref_slice %arg2[%add3A_696, %dma_start3A_697] : memref<147456x384xf32, #tpu.memory_space<hbm>> -> memref<64x384xf32, #tpu.memory_space<hbm>>
    %dma_start3A_699 = arith.constant 0 : i32
    %dma_start3A_700 = tpu.memref_slice %arg2[%add3A_696, %dma_start3A_699] : memref<147456x384xf32, #tpu.memory_space<hbm>> -> memref<64x384xf32, #tpu.memory_space<hbm>>
    tpu.enqueue_dma source(%dma_start3A_700 : memref<64x384xf32, #tpu.memory_space<hbm>>) target(%arg7 : memref<64x384xf32, #tpu.memory_space<vmem>>) target_semaphore(%arg13 : memref<!tpu.dma_semaphore, #tpu.memory_space<semaphore_mem>>)
    %dma_wait3A_701 = arith.constant 0 : i32
    %dma_wait3A_702 = arith.constant 0 : i32
    %dma_wait3A_703 = tpu.memref_slice %arg4[%arg1, %dma_wait3A_701, %dma_wait3A_702] : memref<16x64x384xf32, #tpu.memory_space<vmem_shared>> -> memref<1x64x384xf32, #tpu.memory_space<vmem_shared>>
    %dma_wait3A_704 = tpu.memref_squeeze %dma_wait3A_703 : memref<1x64x384xf32, #tpu.memory_space<vmem_shared>> -> memref<64x384xf32, #tpu.memory_space<vmem_shared>>
    %dma_wait3A_705 = arith.constant 0 : i32
    %dma_wait3A_706 = tpu.memref_slice %arg2[%add3A_636, %dma_wait3A_705] : memref<147456x384xf32, #tpu.memory_space<hbm>> -> memref<64x384xf32, #tpu.memory_space<hbm>>
    tpu.wait_dma2 semaphore(%arg8 : memref<!tpu.dma_semaphore, #tpu.memory_space<semaphore_mem>>) src(%dma_wait3A_706 : memref<64x384xf32, #tpu.memory_space<hbm>>) dst(%dma_wait3A_704 : memref<64x384xf32, #tpu.memory_space<vmem_shared>>)
    %add3A_707 = arith.constant 1792 : i32
    %add3A_708 = arith.addi %mul3A_2, %add3A_707 : i32
    %dma_start3A_709 = arith.constant 0 : i32
    %dma_start3A_710 = tpu.memref_slice %arg3[%add3A_708, %dma_start3A_709] : memref<147456x384xf32, #tpu.memory_space<hbm>> -> memref<64x384xf32, #tpu.memory_space<hbm>>
    %dma_start3A_711 = arith.constant 0 : i32
    %dma_start3A_712 = arith.constant 0 : i32
    %dma_start3A_713 = tpu.memref_slice %arg4[%arg1, %dma_start3A_711, %dma_start3A_712] : memref<16x64x384xf32, #tpu.memory_space<vmem_shared>> -> memref<1x64x384xf32, #tpu.memory_space<vmem_shared>>
    %dma_start3A_714 = tpu.memref_squeeze %dma_start3A_713 : memref<1x64x384xf32, #tpu.memory_space<vmem_shared>> -> memref<64x384xf32, #tpu.memory_space<vmem_shared>>
    tpu.enqueue_dma source(%dma_start3A_714 : memref<64x384xf32, #tpu.memory_space<vmem_shared>>) target(%dma_start3A_710 : memref<64x384xf32, #tpu.memory_space<hbm>>) target_semaphore(%arg10 : memref<!tpu.dma_semaphore, #tpu.memory_space<semaphore_mem>>)
    %dma_wait3A_715 = arith.constant 0 : i32
    %dma_wait3A_716 = tpu.memref_slice %arg2[%add3A_648, %dma_wait3A_715] : memref<147456x384xf32, #tpu.memory_space<hbm>> -> memref<64x384xf32, #tpu.memory_space<hbm>>
    %dma_wait3A_717 = arith.constant 0 : i32
    %dma_wait3A_718 = tpu.memref_slice %arg2[%add3A_648, %dma_wait3A_717] : memref<147456x384xf32, #tpu.memory_space<hbm>> -> memref<64x384xf32, #tpu.memory_space<hbm>>
    tpu.wait_dma2 semaphore(%arg12 : memref<!tpu.dma_semaphore, #tpu.memory_space<semaphore_mem>>) src(%dma_wait3A_718 : memref<64x384xf32, #tpu.memory_space<hbm>>) dst(%arg6 : memref<64x384xf32, #tpu.memory_space<vmem>>)
    %add3A_719 = arith.constant 1856 : i32
    %add3A_720 = arith.addi %mul3A_2, %add3A_719 : i32
    %dma_start3A_721 = arith.constant 0 : i32
    %dma_start3A_722 = tpu.memref_slice %arg3[%add3A_720, %dma_start3A_721] : memref<147456x384xf32, #tpu.memory_space<hbm>> -> memref<64x384xf32, #tpu.memory_space<hbm>>
    %dma_start3A_723 = arith.constant 0 : i32
    %dma_start3A_724 = tpu.memref_slice %arg3[%add3A_720, %dma_start3A_723] : memref<147456x384xf32, #tpu.memory_space<hbm>> -> memref<64x384xf32, #tpu.memory_space<hbm>>
    tpu.enqueue_dma source(%arg6 : memref<64x384xf32, #tpu.memory_space<vmem>>) target(%dma_start3A_724 : memref<64x384xf32, #tpu.memory_space<hbm>>) target_semaphore(%arg14 : memref<!tpu.dma_semaphore, #tpu.memory_space<semaphore_mem>>)
    %dma_wait3A_725 = arith.constant 0 : i32
    %dma_wait3A_726 = tpu.memref_slice %arg3[%add3A_708, %dma_wait3A_725] : memref<147456x384xf32, #tpu.memory_space<hbm>> -> memref<64x384xf32, #tpu.memory_space<hbm>>
    %dma_wait3A_727 = arith.constant 0 : i32
    %dma_wait3A_728 = arith.constant 0 : i32
    %dma_wait3A_729 = tpu.memref_slice %arg4[%arg1, %dma_wait3A_727, %dma_wait3A_728] : memref<16x64x384xf32, #tpu.memory_space<vmem_shared>> -> memref<1x64x384xf32, #tpu.memory_space<vmem_shared>>
    %dma_wait3A_730 = tpu.memref_squeeze %dma_wait3A_729 : memref<1x64x384xf32, #tpu.memory_space<vmem_shared>> -> memref<64x384xf32, #tpu.memory_space<vmem_shared>>
    tpu.wait_dma2 semaphore(%arg10 : memref<!tpu.dma_semaphore, #tpu.memory_space<semaphore_mem>>) src(%dma_wait3A_730 : memref<64x384xf32, #tpu.memory_space<vmem_shared>>) dst(%dma_wait3A_726 : memref<64x384xf32, #tpu.memory_space<hbm>>)
    %add3A_731 = arith.constant 2048 : i32
    %add3A_732 = arith.addi %mul3A_2, %add3A_731 : i32
    %dma_start3A_733 = arith.constant 0 : i32
    %dma_start3A_734 = arith.constant 0 : i32
    %dma_start3A_735 = tpu.memref_slice %arg4[%arg1, %dma_start3A_733, %dma_start3A_734] : memref<16x64x384xf32, #tpu.memory_space<vmem_shared>> -> memref<1x64x384xf32, #tpu.memory_space<vmem_shared>>
    %dma_start3A_736 = tpu.memref_squeeze %dma_start3A_735 : memref<1x64x384xf32, #tpu.memory_space<vmem_shared>> -> memref<64x384xf32, #tpu.memory_space<vmem_shared>>
    %dma_start3A_737 = arith.constant 0 : i32
    %dma_start3A_738 = tpu.memref_slice %arg2[%add3A_732, %dma_start3A_737] : memref<147456x384xf32, #tpu.memory_space<hbm>> -> memref<64x384xf32, #tpu.memory_space<hbm>>
    tpu.enqueue_dma source(%dma_start3A_738 : memref<64x384xf32, #tpu.memory_space<hbm>>) target(%dma_start3A_736 : memref<64x384xf32, #tpu.memory_space<vmem_shared>>) target_semaphore(%arg8 : memref<!tpu.dma_semaphore, #tpu.memory_space<semaphore_mem>>)
    %dma_wait3A_739 = arith.constant 0 : i32
    %dma_wait3A_740 = tpu.memref_slice %arg3[%add3A_720, %dma_wait3A_739] : memref<147456x384xf32, #tpu.memory_space<hbm>> -> memref<64x384xf32, #tpu.memory_space<hbm>>
    %dma_wait3A_741 = arith.constant 0 : i32
    %dma_wait3A_742 = tpu.memref_slice %arg3[%add3A_720, %dma_wait3A_741] : memref<147456x384xf32, #tpu.memory_space<hbm>> -> memref<64x384xf32, #tpu.memory_space<hbm>>
    tpu.wait_dma2 semaphore(%arg14 : memref<!tpu.dma_semaphore, #tpu.memory_space<semaphore_mem>>) src(%arg6 : memref<64x384xf32, #tpu.memory_space<vmem>>) dst(%dma_wait3A_742 : memref<64x384xf32, #tpu.memory_space<hbm>>)
    %add3A_743 = arith.constant 2112 : i32
    %add3A_744 = arith.addi %mul3A_2, %add3A_743 : i32
    %dma_start3A_745 = arith.constant 0 : i32
    %dma_start3A_746 = tpu.memref_slice %arg2[%add3A_744, %dma_start3A_745] : memref<147456x384xf32, #tpu.memory_space<hbm>> -> memref<64x384xf32, #tpu.memory_space<hbm>>
    %dma_start3A_747 = arith.constant 0 : i32
    %dma_start3A_748 = tpu.memref_slice %arg2[%add3A_744, %dma_start3A_747] : memref<147456x384xf32, #tpu.memory_space<hbm>> -> memref<64x384xf32, #tpu.memory_space<hbm>>
    tpu.enqueue_dma source(%dma_start3A_748 : memref<64x384xf32, #tpu.memory_space<hbm>>) target(%arg6 : memref<64x384xf32, #tpu.memory_space<vmem>>) target_semaphore(%arg12 : memref<!tpu.dma_semaphore, #tpu.memory_space<semaphore_mem>>)
    %dma_wait3A_749 = arith.constant 0 : i32
    %dma_wait3A_750 = arith.constant 0 : i32
    %dma_wait3A_751 = tpu.memref_slice %arg5[%arg1, %dma_wait3A_749, %dma_wait3A_750] : memref<16x64x384xf32, #tpu.memory_space<vmem_shared>> -> memref<1x64x384xf32, #tpu.memory_space<vmem_shared>>
    %dma_wait3A_752 = tpu.memref_squeeze %dma_wait3A_751 : memref<1x64x384xf32, #tpu.memory_space<vmem_shared>> -> memref<64x384xf32, #tpu.memory_space<vmem_shared>>
    %dma_wait3A_753 = arith.constant 0 : i32
    %dma_wait3A_754 = tpu.memref_slice %arg2[%add3A_684, %dma_wait3A_753] : memref<147456x384xf32, #tpu.memory_space<hbm>> -> memref<64x384xf32, #tpu.memory_space<hbm>>
    tpu.wait_dma2 semaphore(%arg9 : memref<!tpu.dma_semaphore, #tpu.memory_space<semaphore_mem>>) src(%dma_wait3A_754 : memref<64x384xf32, #tpu.memory_space<hbm>>) dst(%dma_wait3A_752 : memref<64x384xf32, #tpu.memory_space<vmem_shared>>)
    %add3A_755 = arith.constant 1920 : i32
    %add3A_756 = arith.addi %mul3A_2, %add3A_755 : i32
    %dma_start3A_757 = arith.constant 0 : i32
    %dma_start3A_758 = tpu.memref_slice %arg3[%add3A_756, %dma_start3A_757] : memref<147456x384xf32, #tpu.memory_space<hbm>> -> memref<64x384xf32, #tpu.memory_space<hbm>>
    %dma_start3A_759 = arith.constant 0 : i32
    %dma_start3A_760 = arith.constant 0 : i32
    %dma_start3A_761 = tpu.memref_slice %arg5[%arg1, %dma_start3A_759, %dma_start3A_760] : memref<16x64x384xf32, #tpu.memory_space<vmem_shared>> -> memref<1x64x384xf32, #tpu.memory_space<vmem_shared>>
    %dma_start3A_762 = tpu.memref_squeeze %dma_start3A_761 : memref<1x64x384xf32, #tpu.memory_space<vmem_shared>> -> memref<64x384xf32, #tpu.memory_space<vmem_shared>>
    tpu.enqueue_dma source(%dma_start3A_762 : memref<64x384xf32, #tpu.memory_space<vmem_shared>>) target(%dma_start3A_758 : memref<64x384xf32, #tpu.memory_space<hbm>>) target_semaphore(%arg11 : memref<!tpu.dma_semaphore, #tpu.memory_space<semaphore_mem>>)
    %dma_wait3A_763 = arith.constant 0 : i32
    %dma_wait3A_764 = tpu.memref_slice %arg2[%add3A_696, %dma_wait3A_763] : memref<147456x384xf32, #tpu.memory_space<hbm>> -> memref<64x384xf32, #tpu.memory_space<hbm>>
    %dma_wait3A_765 = arith.constant 0 : i32
    %dma_wait3A_766 = tpu.memref_slice %arg2[%add3A_696, %dma_wait3A_765] : memref<147456x384xf32, #tpu.memory_space<hbm>> -> memref<64x384xf32, #tpu.memory_space<hbm>>
    tpu.wait_dma2 semaphore(%arg13 : memref<!tpu.dma_semaphore, #tpu.memory_space<semaphore_mem>>) src(%dma_wait3A_766 : memref<64x384xf32, #tpu.memory_space<hbm>>) dst(%arg7 : memref<64x384xf32, #tpu.memory_space<vmem>>)
    %add3A_767 = arith.constant 1984 : i32
    %add3A_768 = arith.addi %mul3A_2, %add3A_767 : i32
    %dma_start3A_769 = arith.constant 0 : i32
    %dma_start3A_770 = tpu.memref_slice %arg3[%add3A_768, %dma_start3A_769] : memref<147456x384xf32, #tpu.memory_space<hbm>> -> memref<64x384xf32, #tpu.memory_space<hbm>>
    %dma_start3A_771 = arith.constant 0 : i32
    %dma_start3A_772 = tpu.memref_slice %arg3[%add3A_768, %dma_start3A_771] : memref<147456x384xf32, #tpu.memory_space<hbm>> -> memref<64x384xf32, #tpu.memory_space<hbm>>
    tpu.enqueue_dma source(%arg7 : memref<64x384xf32, #tpu.memory_space<vmem>>) target(%dma_start3A_772 : memref<64x384xf32, #tpu.memory_space<hbm>>) target_semaphore(%arg15 : memref<!tpu.dma_semaphore, #tpu.memory_space<semaphore_mem>>)
    %dma_wait3A_773 = arith.constant 0 : i32
    %dma_wait3A_774 = tpu.memref_slice %arg3[%add3A_756, %dma_wait3A_773] : memref<147456x384xf32, #tpu.memory_space<hbm>> -> memref<64x384xf32, #tpu.memory_space<hbm>>
    %dma_wait3A_775 = arith.constant 0 : i32
    %dma_wait3A_776 = arith.constant 0 : i32
    %dma_wait3A_777 = tpu.memref_slice %arg5[%arg1, %dma_wait3A_775, %dma_wait3A_776] : memref<16x64x384xf32, #tpu.memory_space<vmem_shared>> -> memref<1x64x384xf32, #tpu.memory_space<vmem_shared>>
    %dma_wait3A_778 = tpu.memref_squeeze %dma_wait3A_777 : memref<1x64x384xf32, #tpu.memory_space<vmem_shared>> -> memref<64x384xf32, #tpu.memory_space<vmem_shared>>
    tpu.wait_dma2 semaphore(%arg11 : memref<!tpu.dma_semaphore, #tpu.memory_space<semaphore_mem>>) src(%dma_wait3A_778 : memref<64x384xf32, #tpu.memory_space<vmem_shared>>) dst(%dma_wait3A_774 : memref<64x384xf32, #tpu.memory_space<hbm>>)
    %add3A_779 = arith.constant 2176 : i32
    %add3A_780 = arith.addi %mul3A_2, %add3A_779 : i32
    %dma_start3A_781 = arith.constant 0 : i32
    %dma_start3A_782 = arith.constant 0 : i32
    %dma_start3A_783 = tpu.memref_slice %arg5[%arg1, %dma_start3A_781, %dma_start3A_782] : memref<16x64x384xf32, #tpu.memory_space<vmem_shared>> -> memref<1x64x384xf32, #tpu.memory_space<vmem_shared>>
    %dma_start3A_784 = tpu.memref_squeeze %dma_start3A_783 : memref<1x64x384xf32, #tpu.memory_space<vmem_shared>> -> memref<64x384xf32, #tpu.memory_space<vmem_shared>>
    %dma_start3A_785 = arith.constant 0 : i32
    %dma_start3A_786 = tpu.memref_slice %arg2[%add3A_780, %dma_start3A_785] : memref<147456x384xf32, #tpu.memory_space<hbm>> -> memref<64x384xf32, #tpu.memory_space<hbm>>
    tpu.enqueue_dma source(%dma_start3A_786 : memref<64x384xf32, #tpu.memory_space<hbm>>) target(%dma_start3A_784 : memref<64x384xf32, #tpu.memory_space<vmem_shared>>) target_semaphore(%arg9 : memref<!tpu.dma_semaphore, #tpu.memory_space<semaphore_mem>>)
    %dma_wait3A_787 = arith.constant 0 : i32
    %dma_wait3A_788 = tpu.memref_slice %arg3[%add3A_768, %dma_wait3A_787] : memref<147456x384xf32, #tpu.memory_space<hbm>> -> memref<64x384xf32, #tpu.memory_space<hbm>>
    %dma_wait3A_789 = arith.constant 0 : i32
    %dma_wait3A_790 = tpu.memref_slice %arg3[%add3A_768, %dma_wait3A_789] : memref<147456x384xf32, #tpu.memory_space<hbm>> -> memref<64x384xf32, #tpu.memory_space<hbm>>
    tpu.wait_dma2 semaphore(%arg15 : memref<!tpu.dma_semaphore, #tpu.memory_space<semaphore_mem>>) src(%arg7 : memref<64x384xf32, #tpu.memory_space<vmem>>) dst(%dma_wait3A_790 : memref<64x384xf32, #tpu.memory_space<hbm>>)
    %add3A_791 = arith.constant 2240 : i32
    %add3A_792 = arith.addi %mul3A_2, %add3A_791 : i32
    %dma_start3A_793 = arith.constant 0 : i32
    %dma_start3A_794 = tpu.memref_slice %arg2[%add3A_792, %dma_start3A_793] : memref<147456x384xf32, #tpu.memory_space<hbm>> -> memref<64x384xf32, #tpu.memory_space<hbm>>
    %dma_start3A_795 = arith.constant 0 : i32
    %dma_start3A_796 = tpu.memref_slice %arg2[%add3A_792, %dma_start3A_795] : memref<147456x384xf32, #tpu.memory_space<hbm>> -> memref<64x384xf32, #tpu.memory_space<hbm>>
    tpu.enqueue_dma source(%dma_start3A_796 : memref<64x384xf32, #tpu.memory_space<hbm>>) target(%arg7 : memref<64x384xf32, #tpu.memory_space<vmem>>) target_semaphore(%arg13 : memref<!tpu.dma_semaphore, #tpu.memory_space<semaphore_mem>>)
    %dma_wait3A_797 = arith.constant 0 : i32
    %dma_wait3A_798 = arith.constant 0 : i32
    %dma_wait3A_799 = tpu.memref_slice %arg4[%arg1, %dma_wait3A_797, %dma_wait3A_798] : memref<16x64x384xf32, #tpu.memory_space<vmem_shared>> -> memref<1x64x384xf32, #tpu.memory_space<vmem_shared>>
    %dma_wait3A_800 = tpu.memref_squeeze %dma_wait3A_799 : memref<1x64x384xf32, #tpu.memory_space<vmem_shared>> -> memref<64x384xf32, #tpu.memory_space<vmem_shared>>
    %dma_wait3A_801 = arith.constant 0 : i32
    %dma_wait3A_802 = tpu.memref_slice %arg2[%add3A_732, %dma_wait3A_801] : memref<147456x384xf32, #tpu.memory_space<hbm>> -> memref<64x384xf32, #tpu.memory_space<hbm>>
    tpu.wait_dma2 semaphore(%arg8 : memref<!tpu.dma_semaphore, #tpu.memory_space<semaphore_mem>>) src(%dma_wait3A_802 : memref<64x384xf32, #tpu.memory_space<hbm>>) dst(%dma_wait3A_800 : memref<64x384xf32, #tpu.memory_space<vmem_shared>>)
    %add3A_803 = arith.constant 2048 : i32
    %add3A_804 = arith.addi %mul3A_2, %add3A_803 : i32
    %dma_start3A_805 = arith.constant 0 : i32
    %dma_start3A_806 = tpu.memref_slice %arg3[%add3A_804, %dma_start3A_805] : memref<147456x384xf32, #tpu.memory_space<hbm>> -> memref<64x384xf32, #tpu.memory_space<hbm>>
    %dma_start3A_807 = arith.constant 0 : i32
    %dma_start3A_808 = arith.constant 0 : i32
    %dma_start3A_809 = tpu.memref_slice %arg4[%arg1, %dma_start3A_807, %dma_start3A_808] : memref<16x64x384xf32, #tpu.memory_space<vmem_shared>> -> memref<1x64x384xf32, #tpu.memory_space<vmem_shared>>
    %dma_start3A_810 = tpu.memref_squeeze %dma_start3A_809 : memref<1x64x384xf32, #tpu.memory_space<vmem_shared>> -> memref<64x384xf32, #tpu.memory_space<vmem_shared>>
    tpu.enqueue_dma source(%dma_start3A_810 : memref<64x384xf32, #tpu.memory_space<vmem_shared>>) target(%dma_start3A_806 : memref<64x384xf32, #tpu.memory_space<hbm>>) target_semaphore(%arg10 : memref<!tpu.dma_semaphore, #tpu.memory_space<semaphore_mem>>)
    %dma_wait3A_811 = arith.constant 0 : i32
    %dma_wait3A_812 = tpu.memref_slice %arg2[%add3A_744, %dma_wait3A_811] : memref<147456x384xf32, #tpu.memory_space<hbm>> -> memref<64x384xf32, #tpu.memory_space<hbm>>
    %dma_wait3A_813 = arith.constant 0 : i32
    %dma_wait3A_814 = tpu.memref_slice %arg2[%add3A_744, %dma_wait3A_813] : memref<147456x384xf32, #tpu.memory_space<hbm>> -> memref<64x384xf32, #tpu.memory_space<hbm>>
    tpu.wait_dma2 semaphore(%arg12 : memref<!tpu.dma_semaphore, #tpu.memory_space<semaphore_mem>>) src(%dma_wait3A_814 : memref<64x384xf32, #tpu.memory_space<hbm>>) dst(%arg6 : memref<64x384xf32, #tpu.memory_space<vmem>>)
    %add3A_815 = arith.constant 2112 : i32
    %add3A_816 = arith.addi %mul3A_2, %add3A_815 : i32
    %dma_start3A_817 = arith.constant 0 : i32
    %dma_start3A_818 = tpu.memref_slice %arg3[%add3A_816, %dma_start3A_817] : memref<147456x384xf32, #tpu.memory_space<hbm>> -> memref<64x384xf32, #tpu.memory_space<hbm>>
    %dma_start3A_819 = arith.constant 0 : i32
    %dma_start3A_820 = tpu.memref_slice %arg3[%add3A_816, %dma_start3A_819] : memref<147456x384xf32, #tpu.memory_space<hbm>> -> memref<64x384xf32, #tpu.memory_space<hbm>>
    tpu.enqueue_dma source(%arg6 : memref<64x384xf32, #tpu.memory_space<vmem>>) target(%dma_start3A_820 : memref<64x384xf32, #tpu.memory_space<hbm>>) target_semaphore(%arg14 : memref<!tpu.dma_semaphore, #tpu.memory_space<semaphore_mem>>)
    %dma_wait3A_821 = arith.constant 0 : i32
    %dma_wait3A_822 = tpu.memref_slice %arg3[%add3A_804, %dma_wait3A_821] : memref<147456x384xf32, #tpu.memory_space<hbm>> -> memref<64x384xf32, #tpu.memory_space<hbm>>
    %dma_wait3A_823 = arith.constant 0 : i32
    %dma_wait3A_824 = arith.constant 0 : i32
    %dma_wait3A_825 = tpu.memref_slice %arg4[%arg1, %dma_wait3A_823, %dma_wait3A_824] : memref<16x64x384xf32, #tpu.memory_space<vmem_shared>> -> memref<1x64x384xf32, #tpu.memory_space<vmem_shared>>
    %dma_wait3A_826 = tpu.memref_squeeze %dma_wait3A_825 : memref<1x64x384xf32, #tpu.memory_space<vmem_shared>> -> memref<64x384xf32, #tpu.memory_space<vmem_shared>>
    tpu.wait_dma2 semaphore(%arg10 : memref<!tpu.dma_semaphore, #tpu.memory_space<semaphore_mem>>) src(%dma_wait3A_826 : memref<64x384xf32, #tpu.memory_space<vmem_shared>>) dst(%dma_wait3A_822 : memref<64x384xf32, #tpu.memory_space<hbm>>)
    %add3A_827 = arith.constant 2304 : i32
    %add3A_828 = arith.addi %mul3A_2, %add3A_827 : i32
    %dma_start3A_829 = arith.constant 0 : i32
    %dma_start3A_830 = arith.constant 0 : i32
    %dma_start3A_831 = tpu.memref_slice %arg4[%arg1, %dma_start3A_829, %dma_start3A_830] : memref<16x64x384xf32, #tpu.memory_space<vmem_shared>> -> memref<1x64x384xf32, #tpu.memory_space<vmem_shared>>
    %dma_start3A_832 = tpu.memref_squeeze %dma_start3A_831 : memref<1x64x384xf32, #tpu.memory_space<vmem_shared>> -> memref<64x384xf32, #tpu.memory_space<vmem_shared>>
    %dma_start3A_833 = arith.constant 0 : i32
    %dma_start3A_834 = tpu.memref_slice %arg2[%add3A_828, %dma_start3A_833] : memref<147456x384xf32, #tpu.memory_space<hbm>> -> memref<64x384xf32, #tpu.memory_space<hbm>>
    tpu.enqueue_dma source(%dma_start3A_834 : memref<64x384xf32, #tpu.memory_space<hbm>>) target(%dma_start3A_832 : memref<64x384xf32, #tpu.memory_space<vmem_shared>>) target_semaphore(%arg8 : memref<!tpu.dma_semaphore, #tpu.memory_space<semaphore_mem>>)
    %dma_wait3A_835 = arith.constant 0 : i32
    %dma_wait3A_836 = tpu.memref_slice %arg3[%add3A_816, %dma_wait3A_835] : memref<147456x384xf32, #tpu.memory_space<hbm>> -> memref<64x384xf32, #tpu.memory_space<hbm>>
    %dma_wait3A_837 = arith.constant 0 : i32
    %dma_wait3A_838 = tpu.memref_slice %arg3[%add3A_816, %dma_wait3A_837] : memref<147456x384xf32, #tpu.memory_space<hbm>> -> memref<64x384xf32, #tpu.memory_space<hbm>>
    tpu.wait_dma2 semaphore(%arg14 : memref<!tpu.dma_semaphore, #tpu.memory_space<semaphore_mem>>) src(%arg6 : memref<64x384xf32, #tpu.memory_space<vmem>>) dst(%dma_wait3A_838 : memref<64x384xf32, #tpu.memory_space<hbm>>)
    %add3A_839 = arith.constant 2368 : i32
    %add3A_840 = arith.addi %mul3A_2, %add3A_839 : i32
    %dma_start3A_841 = arith.constant 0 : i32
    %dma_start3A_842 = tpu.memref_slice %arg2[%add3A_840, %dma_start3A_841] : memref<147456x384xf32, #tpu.memory_space<hbm>> -> memref<64x384xf32, #tpu.memory_space<hbm>>
    %dma_start3A_843 = arith.constant 0 : i32
    %dma_start3A_844 = tpu.memref_slice %arg2[%add3A_840, %dma_start3A_843] : memref<147456x384xf32, #tpu.memory_space<hbm>> -> memref<64x384xf32, #tpu.memory_space<hbm>>
    tpu.enqueue_dma source(%dma_start3A_844 : memref<64x384xf32, #tpu.memory_space<hbm>>) target(%arg6 : memref<64x384xf32, #tpu.memory_space<vmem>>) target_semaphore(%arg12 : memref<!tpu.dma_semaphore, #tpu.memory_space<semaphore_mem>>)
    %dma_wait3A_845 = arith.constant 0 : i32
    %dma_wait3A_846 = arith.constant 0 : i32
    %dma_wait3A_847 = tpu.memref_slice %arg5[%arg1, %dma_wait3A_845, %dma_wait3A_846] : memref<16x64x384xf32, #tpu.memory_space<vmem_shared>> -> memref<1x64x384xf32, #tpu.memory_space<vmem_shared>>
    %dma_wait3A_848 = tpu.memref_squeeze %dma_wait3A_847 : memref<1x64x384xf32, #tpu.memory_space<vmem_shared>> -> memref<64x384xf32, #tpu.memory_space<vmem_shared>>
    %dma_wait3A_849 = arith.constant 0 : i32
    %dma_wait3A_850 = tpu.memref_slice %arg2[%add3A_780, %dma_wait3A_849] : memref<147456x384xf32, #tpu.memory_space<hbm>> -> memref<64x384xf32, #tpu.memory_space<hbm>>
    tpu.wait_dma2 semaphore(%arg9 : memref<!tpu.dma_semaphore, #tpu.memory_space<semaphore_mem>>) src(%dma_wait3A_850 : memref<64x384xf32, #tpu.memory_space<hbm>>) dst(%dma_wait3A_848 : memref<64x384xf32, #tpu.memory_space<vmem_shared>>)
    %add3A_851 = arith.constant 2176 : i32
    %add3A_852 = arith.addi %mul3A_2, %add3A_851 : i32
    %dma_start3A_853 = arith.constant 0 : i32
    %dma_start3A_854 = tpu.memref_slice %arg3[%add3A_852, %dma_start3A_853] : memref<147456x384xf32, #tpu.memory_space<hbm>> -> memref<64x384xf32, #tpu.memory_space<hbm>>
    %dma_start3A_855 = arith.constant 0 : i32
    %dma_start3A_856 = arith.constant 0 : i32
    %dma_start3A_857 = tpu.memref_slice %arg5[%arg1, %dma_start3A_855, %dma_start3A_856] : memref<16x64x384xf32, #tpu.memory_space<vmem_shared>> -> memref<1x64x384xf32, #tpu.memory_space<vmem_shared>>
    %dma_start3A_858 = tpu.memref_squeeze %dma_start3A_857 : memref<1x64x384xf32, #tpu.memory_space<vmem_shared>> -> memref<64x384xf32, #tpu.memory_space<vmem_shared>>
    tpu.enqueue_dma source(%dma_start3A_858 : memref<64x384xf32, #tpu.memory_space<vmem_shared>>) target(%dma_start3A_854 : memref<64x384xf32, #tpu.memory_space<hbm>>) target_semaphore(%arg11 : memref<!tpu.dma_semaphore, #tpu.memory_space<semaphore_mem>>)
    %dma_wait3A_859 = arith.constant 0 : i32
    %dma_wait3A_860 = tpu.memref_slice %arg2[%add3A_792, %dma_wait3A_859] : memref<147456x384xf32, #tpu.memory_space<hbm>> -> memref<64x384xf32, #tpu.memory_space<hbm>>
    %dma_wait3A_861 = arith.constant 0 : i32
    %dma_wait3A_862 = tpu.memref_slice %arg2[%add3A_792, %dma_wait3A_861] : memref<147456x384xf32, #tpu.memory_space<hbm>> -> memref<64x384xf32, #tpu.memory_space<hbm>>
    tpu.wait_dma2 semaphore(%arg13 : memref<!tpu.dma_semaphore, #tpu.memory_space<semaphore_mem>>) src(%dma_wait3A_862 : memref<64x384xf32, #tpu.memory_space<hbm>>) dst(%arg7 : memref<64x384xf32, #tpu.memory_space<vmem>>)
    %add3A_863 = arith.constant 2240 : i32
    %add3A_864 = arith.addi %mul3A_2, %add3A_863 : i32
    %dma_start3A_865 = arith.constant 0 : i32
    %dma_start3A_866 = tpu.memref_slice %arg3[%add3A_864, %dma_start3A_865] : memref<147456x384xf32, #tpu.memory_space<hbm>> -> memref<64x384xf32, #tpu.memory_space<hbm>>
    %dma_start3A_867 = arith.constant 0 : i32
    %dma_start3A_868 = tpu.memref_slice %arg3[%add3A_864, %dma_start3A_867] : memref<147456x384xf32, #tpu.memory_space<hbm>> -> memref<64x384xf32, #tpu.memory_space<hbm>>
    tpu.enqueue_dma source(%arg7 : memref<64x384xf32, #tpu.memory_space<vmem>>) target(%dma_start3A_868 : memref<64x384xf32, #tpu.memory_space<hbm>>) target_semaphore(%arg15 : memref<!tpu.dma_semaphore, #tpu.memory_space<semaphore_mem>>)
    %dma_wait3A_869 = arith.constant 0 : i32
    %dma_wait3A_870 = tpu.memref_slice %arg3[%add3A_852, %dma_wait3A_869] : memref<147456x384xf32, #tpu.memory_space<hbm>> -> memref<64x384xf32, #tpu.memory_space<hbm>>
    %dma_wait3A_871 = arith.constant 0 : i32
    %dma_wait3A_872 = arith.constant 0 : i32
    %dma_wait3A_873 = tpu.memref_slice %arg5[%arg1, %dma_wait3A_871, %dma_wait3A_872] : memref<16x64x384xf32, #tpu.memory_space<vmem_shared>> -> memref<1x64x384xf32, #tpu.memory_space<vmem_shared>>
    %dma_wait3A_874 = tpu.memref_squeeze %dma_wait3A_873 : memref<1x64x384xf32, #tpu.memory_space<vmem_shared>> -> memref<64x384xf32, #tpu.memory_space<vmem_shared>>
    tpu.wait_dma2 semaphore(%arg11 : memref<!tpu.dma_semaphore, #tpu.memory_space<semaphore_mem>>) src(%dma_wait3A_874 : memref<64x384xf32, #tpu.memory_space<vmem_shared>>) dst(%dma_wait3A_870 : memref<64x384xf32, #tpu.memory_space<hbm>>)
    %add3A_875 = arith.constant 2432 : i32
    %add3A_876 = arith.addi %mul3A_2, %add3A_875 : i32
    %dma_start3A_877 = arith.constant 0 : i32
    %dma_start3A_878 = arith.constant 0 : i32
    %dma_start3A_879 = tpu.memref_slice %arg5[%arg1, %dma_start3A_877, %dma_start3A_878] : memref<16x64x384xf32, #tpu.memory_space<vmem_shared>> -> memref<1x64x384xf32, #tpu.memory_space<vmem_shared>>
    %dma_start3A_880 = tpu.memref_squeeze %dma_start3A_879 : memref<1x64x384xf32, #tpu.memory_space<vmem_shared>> -> memref<64x384xf32, #tpu.memory_space<vmem_shared>>
    %dma_start3A_881 = arith.constant 0 : i32
    %dma_start3A_882 = tpu.memref_slice %arg2[%add3A_876, %dma_start3A_881] : memref<147456x384xf32, #tpu.memory_space<hbm>> -> memref<64x384xf32, #tpu.memory_space<hbm>>
    tpu.enqueue_dma source(%dma_start3A_882 : memref<64x384xf32, #tpu.memory_space<hbm>>) target(%dma_start3A_880 : memref<64x384xf32, #tpu.memory_space<vmem_shared>>) target_semaphore(%arg9 : memref<!tpu.dma_semaphore, #tpu.memory_space<semaphore_mem>>)
    %dma_wait3A_883 = arith.constant 0 : i32
    %dma_wait3A_884 = tpu.memref_slice %arg3[%add3A_864, %dma_wait3A_883] : memref<147456x384xf32, #tpu.memory_space<hbm>> -> memref<64x384xf32, #tpu.memory_space<hbm>>
    %dma_wait3A_885 = arith.constant 0 : i32
    %dma_wait3A_886 = tpu.memref_slice %arg3[%add3A_864, %dma_wait3A_885] : memref<147456x384xf32, #tpu.memory_space<hbm>> -> memref<64x384xf32, #tpu.memory_space<hbm>>
    tpu.wait_dma2 semaphore(%arg15 : memref<!tpu.dma_semaphore, #tpu.memory_space<semaphore_mem>>) src(%arg7 : memref<64x384xf32, #tpu.memory_space<vmem>>) dst(%dma_wait3A_886 : memref<64x384xf32, #tpu.memory_space<hbm>>)
    %add3A_887 = arith.constant 2496 : i32
    %add3A_888 = arith.addi %mul3A_2, %add3A_887 : i32
    %dma_start3A_889 = arith.constant 0 : i32
    %dma_start3A_890 = tpu.memref_slice %arg2[%add3A_888, %dma_start3A_889] : memref<147456x384xf32, #tpu.memory_space<hbm>> -> memref<64x384xf32, #tpu.memory_space<hbm>>
    %dma_start3A_891 = arith.constant 0 : i32
    %dma_start3A_892 = tpu.memref_slice %arg2[%add3A_888, %dma_start3A_891] : memref<147456x384xf32, #tpu.memory_space<hbm>> -> memref<64x384xf32, #tpu.memory_space<hbm>>
    tpu.enqueue_dma source(%dma_start3A_892 : memref<64x384xf32, #tpu.memory_space<hbm>>) target(%arg7 : memref<64x384xf32, #tpu.memory_space<vmem>>) target_semaphore(%arg13 : memref<!tpu.dma_semaphore, #tpu.memory_space<semaphore_mem>>)
    %dma_wait3A_893 = arith.constant 0 : i32
    %dma_wait3A_894 = arith.constant 0 : i32
    %dma_wait3A_895 = tpu.memref_slice %arg4[%arg1, %dma_wait3A_893, %dma_wait3A_894] : memref<16x64x384xf32, #tpu.memory_space<vmem_shared>> -> memref<1x64x384xf32, #tpu.memory_space<vmem_shared>>
    %dma_wait3A_896 = tpu.memref_squeeze %dma_wait3A_895 : memref<1x64x384xf32, #tpu.memory_space<vmem_shared>> -> memref<64x384xf32, #tpu.memory_space<vmem_shared>>
    %dma_wait3A_897 = arith.constant 0 : i32
    %dma_wait3A_898 = tpu.memref_slice %arg2[%add3A_828, %dma_wait3A_897] : memref<147456x384xf32, #tpu.memory_space<hbm>> -> memref<64x384xf32, #tpu.memory_space<hbm>>
    tpu.wait_dma2 semaphore(%arg8 : memref<!tpu.dma_semaphore, #tpu.memory_space<semaphore_mem>>) src(%dma_wait3A_898 : memref<64x384xf32, #tpu.memory_space<hbm>>) dst(%dma_wait3A_896 : memref<64x384xf32, #tpu.memory_space<vmem_shared>>)
    %add3A_899 = arith.constant 2304 : i32
    %add3A_900 = arith.addi %mul3A_2, %add3A_899 : i32
    %dma_start3A_901 = arith.constant 0 : i32
    %dma_start3A_902 = tpu.memref_slice %arg3[%add3A_900, %dma_start3A_901] : memref<147456x384xf32, #tpu.memory_space<hbm>> -> memref<64x384xf32, #tpu.memory_space<hbm>>
    %dma_start3A_903 = arith.constant 0 : i32
    %dma_start3A_904 = arith.constant 0 : i32
    %dma_start3A_905 = tpu.memref_slice %arg4[%arg1, %dma_start3A_903, %dma_start3A_904] : memref<16x64x384xf32, #tpu.memory_space<vmem_shared>> -> memref<1x64x384xf32, #tpu.memory_space<vmem_shared>>
    %dma_start3A_906 = tpu.memref_squeeze %dma_start3A_905 : memref<1x64x384xf32, #tpu.memory_space<vmem_shared>> -> memref<64x384xf32, #tpu.memory_space<vmem_shared>>
    tpu.enqueue_dma source(%dma_start3A_906 : memref<64x384xf32, #tpu.memory_space<vmem_shared>>) target(%dma_start3A_902 : memref<64x384xf32, #tpu.memory_space<hbm>>) target_semaphore(%arg10 : memref<!tpu.dma_semaphore, #tpu.memory_space<semaphore_mem>>)
    %dma_wait3A_907 = arith.constant 0 : i32
    %dma_wait3A_908 = tpu.memref_slice %arg2[%add3A_840, %dma_wait3A_907] : memref<147456x384xf32, #tpu.memory_space<hbm>> -> memref<64x384xf32, #tpu.memory_space<hbm>>
    %dma_wait3A_909 = arith.constant 0 : i32
    %dma_wait3A_910 = tpu.memref_slice %arg2[%add3A_840, %dma_wait3A_909] : memref<147456x384xf32, #tpu.memory_space<hbm>> -> memref<64x384xf32, #tpu.memory_space<hbm>>
    tpu.wait_dma2 semaphore(%arg12 : memref<!tpu.dma_semaphore, #tpu.memory_space<semaphore_mem>>) src(%dma_wait3A_910 : memref<64x384xf32, #tpu.memory_space<hbm>>) dst(%arg6 : memref<64x384xf32, #tpu.memory_space<vmem>>)
    %add3A_911 = arith.constant 2368 : i32
    %add3A_912 = arith.addi %mul3A_2, %add3A_911 : i32
    %dma_start3A_913 = arith.constant 0 : i32
    %dma_start3A_914 = tpu.memref_slice %arg3[%add3A_912, %dma_start3A_913] : memref<147456x384xf32, #tpu.memory_space<hbm>> -> memref<64x384xf32, #tpu.memory_space<hbm>>
    %dma_start3A_915 = arith.constant 0 : i32
    %dma_start3A_916 = tpu.memref_slice %arg3[%add3A_912, %dma_start3A_915] : memref<147456x384xf32, #tpu.memory_space<hbm>> -> memref<64x384xf32, #tpu.memory_space<hbm>>
    tpu.enqueue_dma source(%arg6 : memref<64x384xf32, #tpu.memory_space<vmem>>) target(%dma_start3A_916 : memref<64x384xf32, #tpu.memory_space<hbm>>) target_semaphore(%arg14 : memref<!tpu.dma_semaphore, #tpu.memory_space<semaphore_mem>>)
    %dma_wait3A_917 = arith.constant 0 : i32
    %dma_wait3A_918 = tpu.memref_slice %arg3[%add3A_900, %dma_wait3A_917] : memref<147456x384xf32, #tpu.memory_space<hbm>> -> memref<64x384xf32, #tpu.memory_space<hbm>>
    %dma_wait3A_919 = arith.constant 0 : i32
    %dma_wait3A_920 = arith.constant 0 : i32
    %dma_wait3A_921 = tpu.memref_slice %arg4[%arg1, %dma_wait3A_919, %dma_wait3A_920] : memref<16x64x384xf32, #tpu.memory_space<vmem_shared>> -> memref<1x64x384xf32, #tpu.memory_space<vmem_shared>>
    %dma_wait3A_922 = tpu.memref_squeeze %dma_wait3A_921 : memref<1x64x384xf32, #tpu.memory_space<vmem_shared>> -> memref<64x384xf32, #tpu.memory_space<vmem_shared>>
    tpu.wait_dma2 semaphore(%arg10 : memref<!tpu.dma_semaphore, #tpu.memory_space<semaphore_mem>>) src(%dma_wait3A_922 : memref<64x384xf32, #tpu.memory_space<vmem_shared>>) dst(%dma_wait3A_918 : memref<64x384xf32, #tpu.memory_space<hbm>>)
    %add3A_923 = arith.constant 2560 : i32
    %add3A_924 = arith.addi %mul3A_2, %add3A_923 : i32
    %dma_start3A_925 = arith.constant 0 : i32
    %dma_start3A_926 = arith.constant 0 : i32
    %dma_start3A_927 = tpu.memref_slice %arg4[%arg1, %dma_start3A_925, %dma_start3A_926] : memref<16x64x384xf32, #tpu.memory_space<vmem_shared>> -> memref<1x64x384xf32, #tpu.memory_space<vmem_shared>>
    %dma_start3A_928 = tpu.memref_squeeze %dma_start3A_927 : memref<1x64x384xf32, #tpu.memory_space<vmem_shared>> -> memref<64x384xf32, #tpu.memory_space<vmem_shared>>
    %dma_start3A_929 = arith.constant 0 : i32
    %dma_start3A_930 = tpu.memref_slice %arg2[%add3A_924, %dma_start3A_929] : memref<147456x384xf32, #tpu.memory_space<hbm>> -> memref<64x384xf32, #tpu.memory_space<hbm>>
    tpu.enqueue_dma source(%dma_start3A_930 : memref<64x384xf32, #tpu.memory_space<hbm>>) target(%dma_start3A_928 : memref<64x384xf32, #tpu.memory_space<vmem_shared>>) target_semaphore(%arg8 : memref<!tpu.dma_semaphore, #tpu.memory_space<semaphore_mem>>)
    %dma_wait3A_931 = arith.constant 0 : i32
    %dma_wait3A_932 = tpu.memref_slice %arg3[%add3A_912, %dma_wait3A_931] : memref<147456x384xf32, #tpu.memory_space<hbm>> -> memref<64x384xf32, #tpu.memory_space<hbm>>
    %dma_wait3A_933 = arith.constant 0 : i32
    %dma_wait3A_934 = tpu.memref_slice %arg3[%add3A_912, %dma_wait3A_933] : memref<147456x384xf32, #tpu.memory_space<hbm>> -> memref<64x384xf32, #tpu.memory_space<hbm>>
    tpu.wait_dma2 semaphore(%arg14 : memref<!tpu.dma_semaphore, #tpu.memory_space<semaphore_mem>>) src(%arg6 : memref<64x384xf32, #tpu.memory_space<vmem>>) dst(%dma_wait3A_934 : memref<64x384xf32, #tpu.memory_space<hbm>>)
    %add3A_935 = arith.constant 2624 : i32
    %add3A_936 = arith.addi %mul3A_2, %add3A_935 : i32
    %dma_start3A_937 = arith.constant 0 : i32
    %dma_start3A_938 = tpu.memref_slice %arg2[%add3A_936, %dma_start3A_937] : memref<147456x384xf32, #tpu.memory_space<hbm>> -> memref<64x384xf32, #tpu.memory_space<hbm>>
    %dma_start3A_939 = arith.constant 0 : i32
    %dma_start3A_940 = tpu.memref_slice %arg2[%add3A_936, %dma_start3A_939] : memref<147456x384xf32, #tpu.memory_space<hbm>> -> memref<64x384xf32, #tpu.memory_space<hbm>>
    tpu.enqueue_dma source(%dma_start3A_940 : memref<64x384xf32, #tpu.memory_space<hbm>>) target(%arg6 : memref<64x384xf32, #tpu.memory_space<vmem>>) target_semaphore(%arg12 : memref<!tpu.dma_semaphore, #tpu.memory_space<semaphore_mem>>)
    %dma_wait3A_941 = arith.constant 0 : i32
    %dma_wait3A_942 = arith.constant 0 : i32
    %dma_wait3A_943 = tpu.memref_slice %arg5[%arg1, %dma_wait3A_941, %dma_wait3A_942] : memref<16x64x384xf32, #tpu.memory_space<vmem_shared>> -> memref<1x64x384xf32, #tpu.memory_space<vmem_shared>>
    %dma_wait3A_944 = tpu.memref_squeeze %dma_wait3A_943 : memref<1x64x384xf32, #tpu.memory_space<vmem_shared>> -> memref<64x384xf32, #tpu.memory_space<vmem_shared>>
    %dma_wait3A_945 = arith.constant 0 : i32
    %dma_wait3A_946 = tpu.memref_slice %arg2[%add3A_876, %dma_wait3A_945] : memref<147456x384xf32, #tpu.memory_space<hbm>> -> memref<64x384xf32, #tpu.memory_space<hbm>>
    tpu.wait_dma2 semaphore(%arg9 : memref<!tpu.dma_semaphore, #tpu.memory_space<semaphore_mem>>) src(%dma_wait3A_946 : memref<64x384xf32, #tpu.memory_space<hbm>>) dst(%dma_wait3A_944 : memref<64x384xf32, #tpu.memory_space<vmem_shared>>)
    %add3A_947 = arith.constant 2432 : i32
    %add3A_948 = arith.addi %mul3A_2, %add3A_947 : i32
    %dma_start3A_949 = arith.constant 0 : i32
    %dma_start3A_950 = tpu.memref_slice %arg3[%add3A_948, %dma_start3A_949] : memref<147456x384xf32, #tpu.memory_space<hbm>> -> memref<64x384xf32, #tpu.memory_space<hbm>>
    %dma_start3A_951 = arith.constant 0 : i32
    %dma_start3A_952 = arith.constant 0 : i32
    %dma_start3A_953 = tpu.memref_slice %arg5[%arg1, %dma_start3A_951, %dma_start3A_952] : memref<16x64x384xf32, #tpu.memory_space<vmem_shared>> -> memref<1x64x384xf32, #tpu.memory_space<vmem_shared>>
    %dma_start3A_954 = tpu.memref_squeeze %dma_start3A_953 : memref<1x64x384xf32, #tpu.memory_space<vmem_shared>> -> memref<64x384xf32, #tpu.memory_space<vmem_shared>>
    tpu.enqueue_dma source(%dma_start3A_954 : memref<64x384xf32, #tpu.memory_space<vmem_shared>>) target(%dma_start3A_950 : memref<64x384xf32, #tpu.memory_space<hbm>>) target_semaphore(%arg11 : memref<!tpu.dma_semaphore, #tpu.memory_space<semaphore_mem>>)
    %dma_wait3A_955 = arith.constant 0 : i32
    %dma_wait3A_956 = tpu.memref_slice %arg2[%add3A_888, %dma_wait3A_955] : memref<147456x384xf32, #tpu.memory_space<hbm>> -> memref<64x384xf32, #tpu.memory_space<hbm>>
    %dma_wait3A_957 = arith.constant 0 : i32
    %dma_wait3A_958 = tpu.memref_slice %arg2[%add3A_888, %dma_wait3A_957] : memref<147456x384xf32, #tpu.memory_space<hbm>> -> memref<64x384xf32, #tpu.memory_space<hbm>>
    tpu.wait_dma2 semaphore(%arg13 : memref<!tpu.dma_semaphore, #tpu.memory_space<semaphore_mem>>) src(%dma_wait3A_958 : memref<64x384xf32, #tpu.memory_space<hbm>>) dst(%arg7 : memref<64x384xf32, #tpu.memory_space<vmem>>)
    %add3A_959 = arith.constant 2496 : i32
    %add3A_960 = arith.addi %mul3A_2, %add3A_959 : i32
    %dma_start3A_961 = arith.constant 0 : i32
    %dma_start3A_962 = tpu.memref_slice %arg3[%add3A_960, %dma_start3A_961] : memref<147456x384xf32, #tpu.memory_space<hbm>> -> memref<64x384xf32, #tpu.memory_space<hbm>>
    %dma_start3A_963 = arith.constant 0 : i32
    %dma_start3A_964 = tpu.memref_slice %arg3[%add3A_960, %dma_start3A_963] : memref<147456x384xf32, #tpu.memory_space<hbm>> -> memref<64x384xf32, #tpu.memory_space<hbm>>
    tpu.enqueue_dma source(%arg7 : memref<64x384xf32, #tpu.memory_space<vmem>>) target(%dma_start3A_964 : memref<64x384xf32, #tpu.memory_space<hbm>>) target_semaphore(%arg15 : memref<!tpu.dma_semaphore, #tpu.memory_space<semaphore_mem>>)
    %dma_wait3A_965 = arith.constant 0 : i32
    %dma_wait3A_966 = tpu.memref_slice %arg3[%add3A_948, %dma_wait3A_965] : memref<147456x384xf32, #tpu.memory_space<hbm>> -> memref<64x384xf32, #tpu.memory_space<hbm>>
    %dma_wait3A_967 = arith.constant 0 : i32
    %dma_wait3A_968 = arith.constant 0 : i32
    %dma_wait3A_969 = tpu.memref_slice %arg5[%arg1, %dma_wait3A_967, %dma_wait3A_968] : memref<16x64x384xf32, #tpu.memory_space<vmem_shared>> -> memref<1x64x384xf32, #tpu.memory_space<vmem_shared>>
    %dma_wait3A_970 = tpu.memref_squeeze %dma_wait3A_969 : memref<1x64x384xf32, #tpu.memory_space<vmem_shared>> -> memref<64x384xf32, #tpu.memory_space<vmem_shared>>
    tpu.wait_dma2 semaphore(%arg11 : memref<!tpu.dma_semaphore, #tpu.memory_space<semaphore_mem>>) src(%dma_wait3A_970 : memref<64x384xf32, #tpu.memory_space<vmem_shared>>) dst(%dma_wait3A_966 : memref<64x384xf32, #tpu.memory_space<hbm>>)
    %add3A_971 = arith.constant 2688 : i32
    %add3A_972 = arith.addi %mul3A_2, %add3A_971 : i32
    %dma_start3A_973 = arith.constant 0 : i32
    %dma_start3A_974 = arith.constant 0 : i32
    %dma_start3A_975 = tpu.memref_slice %arg5[%arg1, %dma_start3A_973, %dma_start3A_974] : memref<16x64x384xf32, #tpu.memory_space<vmem_shared>> -> memref<1x64x384xf32, #tpu.memory_space<vmem_shared>>
    %dma_start3A_976 = tpu.memref_squeeze %dma_start3A_975 : memref<1x64x384xf32, #tpu.memory_space<vmem_shared>> -> memref<64x384xf32, #tpu.memory_space<vmem_shared>>
    %dma_start3A_977 = arith.constant 0 : i32
    %dma_start3A_978 = tpu.memref_slice %arg2[%add3A_972, %dma_start3A_977] : memref<147456x384xf32, #tpu.memory_space<hbm>> -> memref<64x384xf32, #tpu.memory_space<hbm>>
    tpu.enqueue_dma source(%dma_start3A_978 : memref<64x384xf32, #tpu.memory_space<hbm>>) target(%dma_start3A_976 : memref<64x384xf32, #tpu.memory_space<vmem_shared>>) target_semaphore(%arg9 : memref<!tpu.dma_semaphore, #tpu.memory_space<semaphore_mem>>)
    %dma_wait3A_979 = arith.constant 0 : i32
    %dma_wait3A_980 = tpu.memref_slice %arg3[%add3A_960, %dma_wait3A_979] : memref<147456x384xf32, #tpu.memory_space<hbm>> -> memref<64x384xf32, #tpu.memory_space<hbm>>
    %dma_wait3A_981 = arith.constant 0 : i32
    %dma_wait3A_982 = tpu.memref_slice %arg3[%add3A_960, %dma_wait3A_981] : memref<147456x384xf32, #tpu.memory_space<hbm>> -> memref<64x384xf32, #tpu.memory_space<hbm>>
    tpu.wait_dma2 semaphore(%arg15 : memref<!tpu.dma_semaphore, #tpu.memory_space<semaphore_mem>>) src(%arg7 : memref<64x384xf32, #tpu.memory_space<vmem>>) dst(%dma_wait3A_982 : memref<64x384xf32, #tpu.memory_space<hbm>>)
    %add3A_983 = arith.constant 2752 : i32
    %add3A_984 = arith.addi %mul3A_2, %add3A_983 : i32
    %dma_start3A_985 = arith.constant 0 : i32
    %dma_start3A_986 = tpu.memref_slice %arg2[%add3A_984, %dma_start3A_985] : memref<147456x384xf32, #tpu.memory_space<hbm>> -> memref<64x384xf32, #tpu.memory_space<hbm>>
    %dma_start3A_987 = arith.constant 0 : i32
    %dma_start3A_988 = tpu.memref_slice %arg2[%add3A_984, %dma_start3A_987] : memref<147456x384xf32, #tpu.memory_space<hbm>> -> memref<64x384xf32, #tpu.memory_space<hbm>>
    tpu.enqueue_dma source(%dma_start3A_988 : memref<64x384xf32, #tpu.memory_space<hbm>>) target(%arg7 : memref<64x384xf32, #tpu.memory_space<vmem>>) target_semaphore(%arg13 : memref<!tpu.dma_semaphore, #tpu.memory_space<semaphore_mem>>)
    %dma_wait3A_989 = arith.constant 0 : i32
    %dma_wait3A_990 = arith.constant 0 : i32
    %dma_wait3A_991 = tpu.memref_slice %arg4[%arg1, %dma_wait3A_989, %dma_wait3A_990] : memref<16x64x384xf32, #tpu.memory_space<vmem_shared>> -> memref<1x64x384xf32, #tpu.memory_space<vmem_shared>>
    %dma_wait3A_992 = tpu.memref_squeeze %dma_wait3A_991 : memref<1x64x384xf32, #tpu.memory_space<vmem_shared>> -> memref<64x384xf32, #tpu.memory_space<vmem_shared>>
    %dma_wait3A_993 = arith.constant 0 : i32
    %dma_wait3A_994 = tpu.memref_slice %arg2[%add3A_924, %dma_wait3A_993] : memref<147456x384xf32, #tpu.memory_space<hbm>> -> memref<64x384xf32, #tpu.memory_space<hbm>>
    tpu.wait_dma2 semaphore(%arg8 : memref<!tpu.dma_semaphore, #tpu.memory_space<semaphore_mem>>) src(%dma_wait3A_994 : memref<64x384xf32, #tpu.memory_space<hbm>>) dst(%dma_wait3A_992 : memref<64x384xf32, #tpu.memory_space<vmem_shared>>)
    %add3A_995 = arith.constant 2560 : i32
    %add3A_996 = arith.addi %mul3A_2, %add3A_995 : i32
    %dma_start3A_997 = arith.constant 0 : i32
    %dma_start3A_998 = tpu.memref_slice %arg3[%add3A_996, %dma_start3A_997] : memref<147456x384xf32, #tpu.memory_space<hbm>> -> memref<64x384xf32, #tpu.memory_space<hbm>>
    %dma_start3A_999 = arith.constant 0 : i32
    %dma_start3A_1000 = arith.constant 0 : i32
    %dma_start3A_1001 = tpu.memref_slice %arg4[%arg1, %dma_start3A_999, %dma_start3A_1000] : memref<16x64x384xf32, #tpu.memory_space<vmem_shared>> -> memref<1x64x384xf32, #tpu.memory_space<vmem_shared>>
    %dma_start3A_1002 = tpu.memref_squeeze %dma_start3A_1001 : memref<1x64x384xf32, #tpu.memory_space<vmem_shared>> -> memref<64x384xf32, #tpu.memory_space<vmem_shared>>
    tpu.enqueue_dma source(%dma_start3A_1002 : memref<64x384xf32, #tpu.memory_space<vmem_shared>>) target(%dma_start3A_998 : memref<64x384xf32, #tpu.memory_space<hbm>>) target_semaphore(%arg10 : memref<!tpu.dma_semaphore, #tpu.memory_space<semaphore_mem>>)
    %dma_wait3A_1003 = arith.constant 0 : i32
    %dma_wait3A_1004 = tpu.memref_slice %arg2[%add3A_936, %dma_wait3A_1003] : memref<147456x384xf32, #tpu.memory_space<hbm>> -> memref<64x384xf32, #tpu.memory_space<hbm>>
    %dma_wait3A_1005 = arith.constant 0 : i32
    %dma_wait3A_1006 = tpu.memref_slice %arg2[%add3A_936, %dma_wait3A_1005] : memref<147456x384xf32, #tpu.memory_space<hbm>> -> memref<64x384xf32, #tpu.memory_space<hbm>>
    tpu.wait_dma2 semaphore(%arg12 : memref<!tpu.dma_semaphore, #tpu.memory_space<semaphore_mem>>) src(%dma_wait3A_1006 : memref<64x384xf32, #tpu.memory_space<hbm>>) dst(%arg6 : memref<64x384xf32, #tpu.memory_space<vmem>>)
    %add3A_1007 = arith.constant 2624 : i32
    %add3A_1008 = arith.addi %mul3A_2, %add3A_1007 : i32
    %dma_start3A_1009 = arith.constant 0 : i32
    %dma_start3A_1010 = tpu.memref_slice %arg3[%add3A_1008, %dma_start3A_1009] : memref<147456x384xf32, #tpu.memory_space<hbm>> -> memref<64x384xf32, #tpu.memory_space<hbm>>
    %dma_start3A_1011 = arith.constant 0 : i32
    %dma_start3A_1012 = tpu.memref_slice %arg3[%add3A_1008, %dma_start3A_1011] : memref<147456x384xf32, #tpu.memory_space<hbm>> -> memref<64x384xf32, #tpu.memory_space<hbm>>
    tpu.enqueue_dma source(%arg6 : memref<64x384xf32, #tpu.memory_space<vmem>>) target(%dma_start3A_1012 : memref<64x384xf32, #tpu.memory_space<hbm>>) target_semaphore(%arg14 : memref<!tpu.dma_semaphore, #tpu.memory_space<semaphore_mem>>)
    %dma_wait3A_1013 = arith.constant 0 : i32
    %dma_wait3A_1014 = tpu.memref_slice %arg3[%add3A_996, %dma_wait3A_1013] : memref<147456x384xf32, #tpu.memory_space<hbm>> -> memref<64x384xf32, #tpu.memory_space<hbm>>
    %dma_wait3A_1015 = arith.constant 0 : i32
    %dma_wait3A_1016 = arith.constant 0 : i32
    %dma_wait3A_1017 = tpu.memref_slice %arg4[%arg1, %dma_wait3A_1015, %dma_wait3A_1016] : memref<16x64x384xf32, #tpu.memory_space<vmem_shared>> -> memref<1x64x384xf32, #tpu.memory_space<vmem_shared>>
    %dma_wait3A_1018 = tpu.memref_squeeze %dma_wait3A_1017 : memref<1x64x384xf32, #tpu.memory_space<vmem_shared>> -> memref<64x384xf32, #tpu.memory_space<vmem_shared>>
    tpu.wait_dma2 semaphore(%arg10 : memref<!tpu.dma_semaphore, #tpu.memory_space<semaphore_mem>>) src(%dma_wait3A_1018 : memref<64x384xf32, #tpu.memory_space<vmem_shared>>) dst(%dma_wait3A_1014 : memref<64x384xf32, #tpu.memory_space<hbm>>)
    %add3A_1019 = arith.constant 2816 : i32
    %add3A_1020 = arith.addi %mul3A_2, %add3A_1019 : i32
    %dma_start3A_1021 = arith.constant 0 : i32
    %dma_start3A_1022 = arith.constant 0 : i32
    %dma_start3A_1023 = tpu.memref_slice %arg4[%arg1, %dma_start3A_1021, %dma_start3A_1022] : memref<16x64x384xf32, #tpu.memory_space<vmem_shared>> -> memref<1x64x384xf32, #tpu.memory_space<vmem_shared>>
    %dma_start3A_1024 = tpu.memref_squeeze %dma_start3A_1023 : memref<1x64x384xf32, #tpu.memory_space<vmem_shared>> -> memref<64x384xf32, #tpu.memory_space<vmem_shared>>
    %dma_start3A_1025 = arith.constant 0 : i32
    %dma_start3A_1026 = tpu.memref_slice %arg2[%add3A_1020, %dma_start3A_1025] : memref<147456x384xf32, #tpu.memory_space<hbm>> -> memref<64x384xf32, #tpu.memory_space<hbm>>
    tpu.enqueue_dma source(%dma_start3A_1026 : memref<64x384xf32, #tpu.memory_space<hbm>>) target(%dma_start3A_1024 : memref<64x384xf32, #tpu.memory_space<vmem_shared>>) target_semaphore(%arg8 : memref<!tpu.dma_semaphore, #tpu.memory_space<semaphore_mem>>)
    %dma_wait3A_1027 = arith.constant 0 : i32
    %dma_wait3A_1028 = tpu.memref_slice %arg3[%add3A_1008, %dma_wait3A_1027] : memref<147456x384xf32, #tpu.memory_space<hbm>> -> memref<64x384xf32, #tpu.memory_space<hbm>>
    %dma_wait3A_1029 = arith.constant 0 : i32
    %dma_wait3A_1030 = tpu.memref_slice %arg3[%add3A_1008, %dma_wait3A_1029] : memref<147456x384xf32, #tpu.memory_space<hbm>> -> memref<64x384xf32, #tpu.memory_space<hbm>>
    tpu.wait_dma2 semaphore(%arg14 : memref<!tpu.dma_semaphore, #tpu.memory_space<semaphore_mem>>) src(%arg6 : memref<64x384xf32, #tpu.memory_space<vmem>>) dst(%dma_wait3A_1030 : memref<64x384xf32, #tpu.memory_space<hbm>>)
    %add3A_1031 = arith.constant 2880 : i32
    %add3A_1032 = arith.addi %mul3A_2, %add3A_1031 : i32
    %dma_start3A_1033 = arith.constant 0 : i32
    %dma_start3A_1034 = tpu.memref_slice %arg2[%add3A_1032, %dma_start3A_1033] : memref<147456x384xf32, #tpu.memory_space<hbm>> -> memref<64x384xf32, #tpu.memory_space<hbm>>
    %dma_start3A_1035 = arith.constant 0 : i32
    %dma_start3A_1036 = tpu.memref_slice %arg2[%add3A_1032, %dma_start3A_1035] : memref<147456x384xf32, #tpu.memory_space<hbm>> -> memref<64x384xf32, #tpu.memory_space<hbm>>
    tpu.enqueue_dma source(%dma_start3A_1036 : memref<64x384xf32, #tpu.memory_space<hbm>>) target(%arg6 : memref<64x384xf32, #tpu.memory_space<vmem>>) target_semaphore(%arg12 : memref<!tpu.dma_semaphore, #tpu.memory_space<semaphore_mem>>)
    %dma_wait3A_1037 = arith.constant 0 : i32
    %dma_wait3A_1038 = arith.constant 0 : i32
    %dma_wait3A_1039 = tpu.memref_slice %arg5[%arg1, %dma_wait3A_1037, %dma_wait3A_1038] : memref<16x64x384xf32, #tpu.memory_space<vmem_shared>> -> memref<1x64x384xf32, #tpu.memory_space<vmem_shared>>
    %dma_wait3A_1040 = tpu.memref_squeeze %dma_wait3A_1039 : memref<1x64x384xf32, #tpu.memory_space<vmem_shared>> -> memref<64x384xf32, #tpu.memory_space<vmem_shared>>
    %dma_wait3A_1041 = arith.constant 0 : i32
    %dma_wait3A_1042 = tpu.memref_slice %arg2[%add3A_972, %dma_wait3A_1041] : memref<147456x384xf32, #tpu.memory_space<hbm>> -> memref<64x384xf32, #tpu.memory_space<hbm>>
    tpu.wait_dma2 semaphore(%arg9 : memref<!tpu.dma_semaphore, #tpu.memory_space<semaphore_mem>>) src(%dma_wait3A_1042 : memref<64x384xf32, #tpu.memory_space<hbm>>) dst(%dma_wait3A_1040 : memref<64x384xf32, #tpu.memory_space<vmem_shared>>)
    %add3A_1043 = arith.constant 2688 : i32
    %add3A_1044 = arith.addi %mul3A_2, %add3A_1043 : i32
    %dma_start3A_1045 = arith.constant 0 : i32
    %dma_start3A_1046 = tpu.memref_slice %arg3[%add3A_1044, %dma_start3A_1045] : memref<147456x384xf32, #tpu.memory_space<hbm>> -> memref<64x384xf32, #tpu.memory_space<hbm>>
    %dma_start3A_1047 = arith.constant 0 : i32
    %dma_start3A_1048 = arith.constant 0 : i32
    %dma_start3A_1049 = tpu.memref_slice %arg5[%arg1, %dma_start3A_1047, %dma_start3A_1048] : memref<16x64x384xf32, #tpu.memory_space<vmem_shared>> -> memref<1x64x384xf32, #tpu.memory_space<vmem_shared>>
    %dma_start3A_1050 = tpu.memref_squeeze %dma_start3A_1049 : memref<1x64x384xf32, #tpu.memory_space<vmem_shared>> -> memref<64x384xf32, #tpu.memory_space<vmem_shared>>
    tpu.enqueue_dma source(%dma_start3A_1050 : memref<64x384xf32, #tpu.memory_space<vmem_shared>>) target(%dma_start3A_1046 : memref<64x384xf32, #tpu.memory_space<hbm>>) target_semaphore(%arg11 : memref<!tpu.dma_semaphore, #tpu.memory_space<semaphore_mem>>)
    %dma_wait3A_1051 = arith.constant 0 : i32
    %dma_wait3A_1052 = tpu.memref_slice %arg2[%add3A_984, %dma_wait3A_1051] : memref<147456x384xf32, #tpu.memory_space<hbm>> -> memref<64x384xf32, #tpu.memory_space<hbm>>
    %dma_wait3A_1053 = arith.constant 0 : i32
    %dma_wait3A_1054 = tpu.memref_slice %arg2[%add3A_984, %dma_wait3A_1053] : memref<147456x384xf32, #tpu.memory_space<hbm>> -> memref<64x384xf32, #tpu.memory_space<hbm>>
    tpu.wait_dma2 semaphore(%arg13 : memref<!tpu.dma_semaphore, #tpu.memory_space<semaphore_mem>>) src(%dma_wait3A_1054 : memref<64x384xf32, #tpu.memory_space<hbm>>) dst(%arg7 : memref<64x384xf32, #tpu.memory_space<vmem>>)
    %add3A_1055 = arith.constant 2752 : i32
    %add3A_1056 = arith.addi %mul3A_2, %add3A_1055 : i32
    %dma_start3A_1057 = arith.constant 0 : i32
    %dma_start3A_1058 = tpu.memref_slice %arg3[%add3A_1056, %dma_start3A_1057] : memref<147456x384xf32, #tpu.memory_space<hbm>> -> memref<64x384xf32, #tpu.memory_space<hbm>>
    %dma_start3A_1059 = arith.constant 0 : i32
    %dma_start3A_1060 = tpu.memref_slice %arg3[%add3A_1056, %dma_start3A_1059] : memref<147456x384xf32, #tpu.memory_space<hbm>> -> memref<64x384xf32, #tpu.memory_space<hbm>>
    tpu.enqueue_dma source(%arg7 : memref<64x384xf32, #tpu.memory_space<vmem>>) target(%dma_start3A_1060 : memref<64x384xf32, #tpu.memory_space<hbm>>) target_semaphore(%arg15 : memref<!tpu.dma_semaphore, #tpu.memory_space<semaphore_mem>>)
    %dma_wait3A_1061 = arith.constant 0 : i32
    %dma_wait3A_1062 = tpu.memref_slice %arg3[%add3A_1044, %dma_wait3A_1061] : memref<147456x384xf32, #tpu.memory_space<hbm>> -> memref<64x384xf32, #tpu.memory_space<hbm>>
    %dma_wait3A_1063 = arith.constant 0 : i32
    %dma_wait3A_1064 = arith.constant 0 : i32
    %dma_wait3A_1065 = tpu.memref_slice %arg5[%arg1, %dma_wait3A_1063, %dma_wait3A_1064] : memref<16x64x384xf32, #tpu.memory_space<vmem_shared>> -> memref<1x64x384xf32, #tpu.memory_space<vmem_shared>>
    %dma_wait3A_1066 = tpu.memref_squeeze %dma_wait3A_1065 : memref<1x64x384xf32, #tpu.memory_space<vmem_shared>> -> memref<64x384xf32, #tpu.memory_space<vmem_shared>>
    tpu.wait_dma2 semaphore(%arg11 : memref<!tpu.dma_semaphore, #tpu.memory_space<semaphore_mem>>) src(%dma_wait3A_1066 : memref<64x384xf32, #tpu.memory_space<vmem_shared>>) dst(%dma_wait3A_1062 : memref<64x384xf32, #tpu.memory_space<hbm>>)
    %add3A_1067 = arith.constant 2944 : i32
    %add3A_1068 = arith.addi %mul3A_2, %add3A_1067 : i32
    %dma_start3A_1069 = arith.constant 0 : i32
    %dma_start3A_1070 = arith.constant 0 : i32
    %dma_start3A_1071 = tpu.memref_slice %arg5[%arg1, %dma_start3A_1069, %dma_start3A_1070] : memref<16x64x384xf32, #tpu.memory_space<vmem_shared>> -> memref<1x64x384xf32, #tpu.memory_space<vmem_shared>>
    %dma_start3A_1072 = tpu.memref_squeeze %dma_start3A_1071 : memref<1x64x384xf32, #tpu.memory_space<vmem_shared>> -> memref<64x384xf32, #tpu.memory_space<vmem_shared>>
    %dma_start3A_1073 = arith.constant 0 : i32
    %dma_start3A_1074 = tpu.memref_slice %arg2[%add3A_1068, %dma_start3A_1073] : memref<147456x384xf32, #tpu.memory_space<hbm>> -> memref<64x384xf32, #tpu.memory_space<hbm>>
    tpu.enqueue_dma source(%dma_start3A_1074 : memref<64x384xf32, #tpu.memory_space<hbm>>) target(%dma_start3A_1072 : memref<64x384xf32, #tpu.memory_space<vmem_shared>>) target_semaphore(%arg9 : memref<!tpu.dma_semaphore, #tpu.memory_space<semaphore_mem>>)
    %dma_wait3A_1075 = arith.constant 0 : i32
    %dma_wait3A_1076 = tpu.memref_slice %arg3[%add3A_1056, %dma_wait3A_1075] : memref<147456x384xf32, #tpu.memory_space<hbm>> -> memref<64x384xf32, #tpu.memory_space<hbm>>
    %dma_wait3A_1077 = arith.constant 0 : i32
    %dma_wait3A_1078 = tpu.memref_slice %arg3[%add3A_1056, %dma_wait3A_1077] : memref<147456x384xf32, #tpu.memory_space<hbm>> -> memref<64x384xf32, #tpu.memory_space<hbm>>
    tpu.wait_dma2 semaphore(%arg15 : memref<!tpu.dma_semaphore, #tpu.memory_space<semaphore_mem>>) src(%arg7 : memref<64x384xf32, #tpu.memory_space<vmem>>) dst(%dma_wait3A_1078 : memref<64x384xf32, #tpu.memory_space<hbm>>)
    %add3A_1079 = arith.constant 3008 : i32
    %add3A_1080 = arith.addi %mul3A_2, %add3A_1079 : i32
    %dma_start3A_1081 = arith.constant 0 : i32
    %dma_start3A_1082 = tpu.memref_slice %arg2[%add3A_1080, %dma_start3A_1081] : memref<147456x384xf32, #tpu.memory_space<hbm>> -> memref<64x384xf32, #tpu.memory_space<hbm>>
    %dma_start3A_1083 = arith.constant 0 : i32
    %dma_start3A_1084 = tpu.memref_slice %arg2[%add3A_1080, %dma_start3A_1083] : memref<147456x384xf32, #tpu.memory_space<hbm>> -> memref<64x384xf32, #tpu.memory_space<hbm>>
    tpu.enqueue_dma source(%dma_start3A_1084 : memref<64x384xf32, #tpu.memory_space<hbm>>) target(%arg7 : memref<64x384xf32, #tpu.memory_space<vmem>>) target_semaphore(%arg13 : memref<!tpu.dma_semaphore, #tpu.memory_space<semaphore_mem>>)
    %dma_wait3A_1085 = arith.constant 0 : i32
    %dma_wait3A_1086 = arith.constant 0 : i32
    %dma_wait3A_1087 = tpu.memref_slice %arg4[%arg1, %dma_wait3A_1085, %dma_wait3A_1086] : memref<16x64x384xf32, #tpu.memory_space<vmem_shared>> -> memref<1x64x384xf32, #tpu.memory_space<vmem_shared>>
    %dma_wait3A_1088 = tpu.memref_squeeze %dma_wait3A_1087 : memref<1x64x384xf32, #tpu.memory_space<vmem_shared>> -> memref<64x384xf32, #tpu.memory_space<vmem_shared>>
    %dma_wait3A_1089 = arith.constant 0 : i32
    %dma_wait3A_1090 = tpu.memref_slice %arg2[%add3A_1020, %dma_wait3A_1089] : memref<147456x384xf32, #tpu.memory_space<hbm>> -> memref<64x384xf32, #tpu.memory_space<hbm>>
    tpu.wait_dma2 semaphore(%arg8 : memref<!tpu.dma_semaphore, #tpu.memory_space<semaphore_mem>>) src(%dma_wait3A_1090 : memref<64x384xf32, #tpu.memory_space<hbm>>) dst(%dma_wait3A_1088 : memref<64x384xf32, #tpu.memory_space<vmem_shared>>)
    %add3A_1091 = arith.constant 2816 : i32
    %add3A_1092 = arith.addi %mul3A_2, %add3A_1091 : i32
    %dma_start3A_1093 = arith.constant 0 : i32
    %dma_start3A_1094 = tpu.memref_slice %arg3[%add3A_1092, %dma_start3A_1093] : memref<147456x384xf32, #tpu.memory_space<hbm>> -> memref<64x384xf32, #tpu.memory_space<hbm>>
    %dma_start3A_1095 = arith.constant 0 : i32
    %dma_start3A_1096 = arith.constant 0 : i32
    %dma_start3A_1097 = tpu.memref_slice %arg4[%arg1, %dma_start3A_1095, %dma_start3A_1096] : memref<16x64x384xf32, #tpu.memory_space<vmem_shared>> -> memref<1x64x384xf32, #tpu.memory_space<vmem_shared>>
    %dma_start3A_1098 = tpu.memref_squeeze %dma_start3A_1097 : memref<1x64x384xf32, #tpu.memory_space<vmem_shared>> -> memref<64x384xf32, #tpu.memory_space<vmem_shared>>
    tpu.enqueue_dma source(%dma_start3A_1098 : memref<64x384xf32, #tpu.memory_space<vmem_shared>>) target(%dma_start3A_1094 : memref<64x384xf32, #tpu.memory_space<hbm>>) target_semaphore(%arg10 : memref<!tpu.dma_semaphore, #tpu.memory_space<semaphore_mem>>)
    %dma_wait3A_1099 = arith.constant 0 : i32
    %dma_wait3A_1100 = tpu.memref_slice %arg2[%add3A_1032, %dma_wait3A_1099] : memref<147456x384xf32, #tpu.memory_space<hbm>> -> memref<64x384xf32, #tpu.memory_space<hbm>>
    %dma_wait3A_1101 = arith.constant 0 : i32
    %dma_wait3A_1102 = tpu.memref_slice %arg2[%add3A_1032, %dma_wait3A_1101] : memref<147456x384xf32, #tpu.memory_space<hbm>> -> memref<64x384xf32, #tpu.memory_space<hbm>>
    tpu.wait_dma2 semaphore(%arg12 : memref<!tpu.dma_semaphore, #tpu.memory_space<semaphore_mem>>) src(%dma_wait3A_1102 : memref<64x384xf32, #tpu.memory_space<hbm>>) dst(%arg6 : memref<64x384xf32, #tpu.memory_space<vmem>>)
    %add3A_1103 = arith.constant 2880 : i32
    %add3A_1104 = arith.addi %mul3A_2, %add3A_1103 : i32
    %dma_start3A_1105 = arith.constant 0 : i32
    %dma_start3A_1106 = tpu.memref_slice %arg3[%add3A_1104, %dma_start3A_1105] : memref<147456x384xf32, #tpu.memory_space<hbm>> -> memref<64x384xf32, #tpu.memory_space<hbm>>
    %dma_start3A_1107 = arith.constant 0 : i32
    %dma_start3A_1108 = tpu.memref_slice %arg3[%add3A_1104, %dma_start3A_1107] : memref<147456x384xf32, #tpu.memory_space<hbm>> -> memref<64x384xf32, #tpu.memory_space<hbm>>
    tpu.enqueue_dma source(%arg6 : memref<64x384xf32, #tpu.memory_space<vmem>>) target(%dma_start3A_1108 : memref<64x384xf32, #tpu.memory_space<hbm>>) target_semaphore(%arg14 : memref<!tpu.dma_semaphore, #tpu.memory_space<semaphore_mem>>)
    %dma_wait3A_1109 = arith.constant 0 : i32
    %dma_wait3A_1110 = tpu.memref_slice %arg3[%add3A_1092, %dma_wait3A_1109] : memref<147456x384xf32, #tpu.memory_space<hbm>> -> memref<64x384xf32, #tpu.memory_space<hbm>>
    %dma_wait3A_1111 = arith.constant 0 : i32
    %dma_wait3A_1112 = arith.constant 0 : i32
    %dma_wait3A_1113 = tpu.memref_slice %arg4[%arg1, %dma_wait3A_1111, %dma_wait3A_1112] : memref<16x64x384xf32, #tpu.memory_space<vmem_shared>> -> memref<1x64x384xf32, #tpu.memory_space<vmem_shared>>
    %dma_wait3A_1114 = tpu.memref_squeeze %dma_wait3A_1113 : memref<1x64x384xf32, #tpu.memory_space<vmem_shared>> -> memref<64x384xf32, #tpu.memory_space<vmem_shared>>
    tpu.wait_dma2 semaphore(%arg10 : memref<!tpu.dma_semaphore, #tpu.memory_space<semaphore_mem>>) src(%dma_wait3A_1114 : memref<64x384xf32, #tpu.memory_space<vmem_shared>>) dst(%dma_wait3A_1110 : memref<64x384xf32, #tpu.memory_space<hbm>>)
    %add3A_1115 = arith.constant 3072 : i32
    %add3A_1116 = arith.addi %mul3A_2, %add3A_1115 : i32
    %dma_start3A_1117 = arith.constant 0 : i32
    %dma_start3A_1118 = arith.constant 0 : i32
    %dma_start3A_1119 = tpu.memref_slice %arg4[%arg1, %dma_start3A_1117, %dma_start3A_1118] : memref<16x64x384xf32, #tpu.memory_space<vmem_shared>> -> memref<1x64x384xf32, #tpu.memory_space<vmem_shared>>
    %dma_start3A_1120 = tpu.memref_squeeze %dma_start3A_1119 : memref<1x64x384xf32, #tpu.memory_space<vmem_shared>> -> memref<64x384xf32, #tpu.memory_space<vmem_shared>>
    %dma_start3A_1121 = arith.constant 0 : i32
    %dma_start3A_1122 = tpu.memref_slice %arg2[%add3A_1116, %dma_start3A_1121] : memref<147456x384xf32, #tpu.memory_space<hbm>> -> memref<64x384xf32, #tpu.memory_space<hbm>>
    tpu.enqueue_dma source(%dma_start3A_1122 : memref<64x384xf32, #tpu.memory_space<hbm>>) target(%dma_start3A_1120 : memref<64x384xf32, #tpu.memory_space<vmem_shared>>) target_semaphore(%arg8 : memref<!tpu.dma_semaphore, #tpu.memory_space<semaphore_mem>>)
    %dma_wait3A_1123 = arith.constant 0 : i32
    %dma_wait3A_1124 = tpu.memref_slice %arg3[%add3A_1104, %dma_wait3A_1123] : memref<147456x384xf32, #tpu.memory_space<hbm>> -> memref<64x384xf32, #tpu.memory_space<hbm>>
    %dma_wait3A_1125 = arith.constant 0 : i32
    %dma_wait3A_1126 = tpu.memref_slice %arg3[%add3A_1104, %dma_wait3A_1125] : memref<147456x384xf32, #tpu.memory_space<hbm>> -> memref<64x384xf32, #tpu.memory_space<hbm>>
    tpu.wait_dma2 semaphore(%arg14 : memref<!tpu.dma_semaphore, #tpu.memory_space<semaphore_mem>>) src(%arg6 : memref<64x384xf32, #tpu.memory_space<vmem>>) dst(%dma_wait3A_1126 : memref<64x384xf32, #tpu.memory_space<hbm>>)
    %add3A_1127 = arith.constant 3136 : i32
    %add3A_1128 = arith.addi %mul3A_2, %add3A_1127 : i32
    %dma_start3A_1129 = arith.constant 0 : i32
    %dma_start3A_1130 = tpu.memref_slice %arg2[%add3A_1128, %dma_start3A_1129] : memref<147456x384xf32, #tpu.memory_space<hbm>> -> memref<64x384xf32, #tpu.memory_space<hbm>>
    %dma_start3A_1131 = arith.constant 0 : i32
    %dma_start3A_1132 = tpu.memref_slice %arg2[%add3A_1128, %dma_start3A_1131] : memref<147456x384xf32, #tpu.memory_space<hbm>> -> memref<64x384xf32, #tpu.memory_space<hbm>>
    tpu.enqueue_dma source(%dma_start3A_1132 : memref<64x384xf32, #tpu.memory_space<hbm>>) target(%arg6 : memref<64x384xf32, #tpu.memory_space<vmem>>) target_semaphore(%arg12 : memref<!tpu.dma_semaphore, #tpu.memory_space<semaphore_mem>>)
    %dma_wait3A_1133 = arith.constant 0 : i32
    %dma_wait3A_1134 = arith.constant 0 : i32
    %dma_wait3A_1135 = tpu.memref_slice %arg5[%arg1, %dma_wait3A_1133, %dma_wait3A_1134] : memref<16x64x384xf32, #tpu.memory_space<vmem_shared>> -> memref<1x64x384xf32, #tpu.memory_space<vmem_shared>>
    %dma_wait3A_1136 = tpu.memref_squeeze %dma_wait3A_1135 : memref<1x64x384xf32, #tpu.memory_space<vmem_shared>> -> memref<64x384xf32, #tpu.memory_space<vmem_shared>>
    %dma_wait3A_1137 = arith.constant 0 : i32
    %dma_wait3A_1138 = tpu.memref_slice %arg2[%add3A_1068, %dma_wait3A_1137] : memref<147456x384xf32, #tpu.memory_space<hbm>> -> memref<64x384xf32, #tpu.memory_space<hbm>>
    tpu.wait_dma2 semaphore(%arg9 : memref<!tpu.dma_semaphore, #tpu.memory_space<semaphore_mem>>) src(%dma_wait3A_1138 : memref<64x384xf32, #tpu.memory_space<hbm>>) dst(%dma_wait3A_1136 : memref<64x384xf32, #tpu.memory_space<vmem_shared>>)
    %add3A_1139 = arith.constant 2944 : i32
    %add3A_1140 = arith.addi %mul3A_2, %add3A_1139 : i32
    %dma_start3A_1141 = arith.constant 0 : i32
    %dma_start3A_1142 = tpu.memref_slice %arg3[%add3A_1140, %dma_start3A_1141] : memref<147456x384xf32, #tpu.memory_space<hbm>> -> memref<64x384xf32, #tpu.memory_space<hbm>>
    %dma_start3A_1143 = arith.constant 0 : i32
    %dma_start3A_1144 = arith.constant 0 : i32
    %dma_start3A_1145 = tpu.memref_slice %arg5[%arg1, %dma_start3A_1143, %dma_start3A_1144] : memref<16x64x384xf32, #tpu.memory_space<vmem_shared>> -> memref<1x64x384xf32, #tpu.memory_space<vmem_shared>>
    %dma_start3A_1146 = tpu.memref_squeeze %dma_start3A_1145 : memref<1x64x384xf32, #tpu.memory_space<vmem_shared>> -> memref<64x384xf32, #tpu.memory_space<vmem_shared>>
    tpu.enqueue_dma source(%dma_start3A_1146 : memref<64x384xf32, #tpu.memory_space<vmem_shared>>) target(%dma_start3A_1142 : memref<64x384xf32, #tpu.memory_space<hbm>>) target_semaphore(%arg11 : memref<!tpu.dma_semaphore, #tpu.memory_space<semaphore_mem>>)
    %dma_wait3A_1147 = arith.constant 0 : i32
    %dma_wait3A_1148 = tpu.memref_slice %arg2[%add3A_1080, %dma_wait3A_1147] : memref<147456x384xf32, #tpu.memory_space<hbm>> -> memref<64x384xf32, #tpu.memory_space<hbm>>
    %dma_wait3A_1149 = arith.constant 0 : i32
    %dma_wait3A_1150 = tpu.memref_slice %arg2[%add3A_1080, %dma_wait3A_1149] : memref<147456x384xf32, #tpu.memory_space<hbm>> -> memref<64x384xf32, #tpu.memory_space<hbm>>
    tpu.wait_dma2 semaphore(%arg13 : memref<!tpu.dma_semaphore, #tpu.memory_space<semaphore_mem>>) src(%dma_wait3A_1150 : memref<64x384xf32, #tpu.memory_space<hbm>>) dst(%arg7 : memref<64x384xf32, #tpu.memory_space<vmem>>)
    %add3A_1151 = arith.constant 3008 : i32
    %add3A_1152 = arith.addi %mul3A_2, %add3A_1151 : i32
    %dma_start3A_1153 = arith.constant 0 : i32
    %dma_start3A_1154 = tpu.memref_slice %arg3[%add3A_1152, %dma_start3A_1153] : memref<147456x384xf32, #tpu.memory_space<hbm>> -> memref<64x384xf32, #tpu.memory_space<hbm>>
    %dma_start3A_1155 = arith.constant 0 : i32
    %dma_start3A_1156 = tpu.memref_slice %arg3[%add3A_1152, %dma_start3A_1155] : memref<147456x384xf32, #tpu.memory_space<hbm>> -> memref<64x384xf32, #tpu.memory_space<hbm>>
    tpu.enqueue_dma source(%arg7 : memref<64x384xf32, #tpu.memory_space<vmem>>) target(%dma_start3A_1156 : memref<64x384xf32, #tpu.memory_space<hbm>>) target_semaphore(%arg15 : memref<!tpu.dma_semaphore, #tpu.memory_space<semaphore_mem>>)
    %dma_wait3A_1157 = arith.constant 0 : i32
    %dma_wait3A_1158 = tpu.memref_slice %arg3[%add3A_1140, %dma_wait3A_1157] : memref<147456x384xf32, #tpu.memory_space<hbm>> -> memref<64x384xf32, #tpu.memory_space<hbm>>
    %dma_wait3A_1159 = arith.constant 0 : i32
    %dma_wait3A_1160 = arith.constant 0 : i32
    %dma_wait3A_1161 = tpu.memref_slice %arg5[%arg1, %dma_wait3A_1159, %dma_wait3A_1160] : memref<16x64x384xf32, #tpu.memory_space<vmem_shared>> -> memref<1x64x384xf32, #tpu.memory_space<vmem_shared>>
    %dma_wait3A_1162 = tpu.memref_squeeze %dma_wait3A_1161 : memref<1x64x384xf32, #tpu.memory_space<vmem_shared>> -> memref<64x384xf32, #tpu.memory_space<vmem_shared>>
    tpu.wait_dma2 semaphore(%arg11 : memref<!tpu.dma_semaphore, #tpu.memory_space<semaphore_mem>>) src(%dma_wait3A_1162 : memref<64x384xf32, #tpu.memory_space<vmem_shared>>) dst(%dma_wait3A_1158 : memref<64x384xf32, #tpu.memory_space<hbm>>)
    %add3A_1163 = arith.constant 3200 : i32
    %add3A_1164 = arith.addi %mul3A_2, %add3A_1163 : i32
    %dma_start3A_1165 = arith.constant 0 : i32
    %dma_start3A_1166 = arith.constant 0 : i32
    %dma_start3A_1167 = tpu.memref_slice %arg5[%arg1, %dma_start3A_1165, %dma_start3A_1166] : memref<16x64x384xf32, #tpu.memory_space<vmem_shared>> -> memref<1x64x384xf32, #tpu.memory_space<vmem_shared>>
    %dma_start3A_1168 = tpu.memref_squeeze %dma_start3A_1167 : memref<1x64x384xf32, #tpu.memory_space<vmem_shared>> -> memref<64x384xf32, #tpu.memory_space<vmem_shared>>
    %dma_start3A_1169 = arith.constant 0 : i32
    %dma_start3A_1170 = tpu.memref_slice %arg2[%add3A_1164, %dma_start3A_1169] : memref<147456x384xf32, #tpu.memory_space<hbm>> -> memref<64x384xf32, #tpu.memory_space<hbm>>
    tpu.enqueue_dma source(%dma_start3A_1170 : memref<64x384xf32, #tpu.memory_space<hbm>>) target(%dma_start3A_1168 : memref<64x384xf32, #tpu.memory_space<vmem_shared>>) target_semaphore(%arg9 : memref<!tpu.dma_semaphore, #tpu.memory_space<semaphore_mem>>)
    %dma_wait3A_1171 = arith.constant 0 : i32
    %dma_wait3A_1172 = tpu.memref_slice %arg3[%add3A_1152, %dma_wait3A_1171] : memref<147456x384xf32, #tpu.memory_space<hbm>> -> memref<64x384xf32, #tpu.memory_space<hbm>>
    %dma_wait3A_1173 = arith.constant 0 : i32
    %dma_wait3A_1174 = tpu.memref_slice %arg3[%add3A_1152, %dma_wait3A_1173] : memref<147456x384xf32, #tpu.memory_space<hbm>> -> memref<64x384xf32, #tpu.memory_space<hbm>>
    tpu.wait_dma2 semaphore(%arg15 : memref<!tpu.dma_semaphore, #tpu.memory_space<semaphore_mem>>) src(%arg7 : memref<64x384xf32, #tpu.memory_space<vmem>>) dst(%dma_wait3A_1174 : memref<64x384xf32, #tpu.memory_space<hbm>>)
    %add3A_1175 = arith.constant 3264 : i32
    %add3A_1176 = arith.addi %mul3A_2, %add3A_1175 : i32
    %dma_start3A_1177 = arith.constant 0 : i32
    %dma_start3A_1178 = tpu.memref_slice %arg2[%add3A_1176, %dma_start3A_1177] : memref<147456x384xf32, #tpu.memory_space<hbm>> -> memref<64x384xf32, #tpu.memory_space<hbm>>
    %dma_start3A_1179 = arith.constant 0 : i32
    %dma_start3A_1180 = tpu.memref_slice %arg2[%add3A_1176, %dma_start3A_1179] : memref<147456x384xf32, #tpu.memory_space<hbm>> -> memref<64x384xf32, #tpu.memory_space<hbm>>
    tpu.enqueue_dma source(%dma_start3A_1180 : memref<64x384xf32, #tpu.memory_space<hbm>>) target(%arg7 : memref<64x384xf32, #tpu.memory_space<vmem>>) target_semaphore(%arg13 : memref<!tpu.dma_semaphore, #tpu.memory_space<semaphore_mem>>)
    %dma_wait3A_1181 = arith.constant 0 : i32
    %dma_wait3A_1182 = arith.constant 0 : i32
    %dma_wait3A_1183 = tpu.memref_slice %arg4[%arg1, %dma_wait3A_1181, %dma_wait3A_1182] : memref<16x64x384xf32, #tpu.memory_space<vmem_shared>> -> memref<1x64x384xf32, #tpu.memory_space<vmem_shared>>
    %dma_wait3A_1184 = tpu.memref_squeeze %dma_wait3A_1183 : memref<1x64x384xf32, #tpu.memory_space<vmem_shared>> -> memref<64x384xf32, #tpu.memory_space<vmem_shared>>
    %dma_wait3A_1185 = arith.constant 0 : i32
    %dma_wait3A_1186 = tpu.memref_slice %arg2[%add3A_1116, %dma_wait3A_1185] : memref<147456x384xf32, #tpu.memory_space<hbm>> -> memref<64x384xf32, #tpu.memory_space<hbm>>
    tpu.wait_dma2 semaphore(%arg8 : memref<!tpu.dma_semaphore, #tpu.memory_space<semaphore_mem>>) src(%dma_wait3A_1186 : memref<64x384xf32, #tpu.memory_space<hbm>>) dst(%dma_wait3A_1184 : memref<64x384xf32, #tpu.memory_space<vmem_shared>>)
    %add3A_1187 = arith.constant 3072 : i32
    %add3A_1188 = arith.addi %mul3A_2, %add3A_1187 : i32
    %dma_start3A_1189 = arith.constant 0 : i32
    %dma_start3A_1190 = tpu.memref_slice %arg3[%add3A_1188, %dma_start3A_1189] : memref<147456x384xf32, #tpu.memory_space<hbm>> -> memref<64x384xf32, #tpu.memory_space<hbm>>
    %dma_start3A_1191 = arith.constant 0 : i32
    %dma_start3A_1192 = arith.constant 0 : i32
    %dma_start3A_1193 = tpu.memref_slice %arg4[%arg1, %dma_start3A_1191, %dma_start3A_1192] : memref<16x64x384xf32, #tpu.memory_space<vmem_shared>> -> memref<1x64x384xf32, #tpu.memory_space<vmem_shared>>
    %dma_start3A_1194 = tpu.memref_squeeze %dma_start3A_1193 : memref<1x64x384xf32, #tpu.memory_space<vmem_shared>> -> memref<64x384xf32, #tpu.memory_space<vmem_shared>>
    tpu.enqueue_dma source(%dma_start3A_1194 : memref<64x384xf32, #tpu.memory_space<vmem_shared>>) target(%dma_start3A_1190 : memref<64x384xf32, #tpu.memory_space<hbm>>) target_semaphore(%arg10 : memref<!tpu.dma_semaphore, #tpu.memory_space<semaphore_mem>>)
    %dma_wait3A_1195 = arith.constant 0 : i32
    %dma_wait3A_1196 = tpu.memref_slice %arg2[%add3A_1128, %dma_wait3A_1195] : memref<147456x384xf32, #tpu.memory_space<hbm>> -> memref<64x384xf32, #tpu.memory_space<hbm>>
    %dma_wait3A_1197 = arith.constant 0 : i32
    %dma_wait3A_1198 = tpu.memref_slice %arg2[%add3A_1128, %dma_wait3A_1197] : memref<147456x384xf32, #tpu.memory_space<hbm>> -> memref<64x384xf32, #tpu.memory_space<hbm>>
    tpu.wait_dma2 semaphore(%arg12 : memref<!tpu.dma_semaphore, #tpu.memory_space<semaphore_mem>>) src(%dma_wait3A_1198 : memref<64x384xf32, #tpu.memory_space<hbm>>) dst(%arg6 : memref<64x384xf32, #tpu.memory_space<vmem>>)
    %add3A_1199 = arith.constant 3136 : i32
    %add3A_1200 = arith.addi %mul3A_2, %add3A_1199 : i32
    %dma_start3A_1201 = arith.constant 0 : i32
    %dma_start3A_1202 = tpu.memref_slice %arg3[%add3A_1200, %dma_start3A_1201] : memref<147456x384xf32, #tpu.memory_space<hbm>> -> memref<64x384xf32, #tpu.memory_space<hbm>>
    %dma_start3A_1203 = arith.constant 0 : i32
    %dma_start3A_1204 = tpu.memref_slice %arg3[%add3A_1200, %dma_start3A_1203] : memref<147456x384xf32, #tpu.memory_space<hbm>> -> memref<64x384xf32, #tpu.memory_space<hbm>>
    tpu.enqueue_dma source(%arg6 : memref<64x384xf32, #tpu.memory_space<vmem>>) target(%dma_start3A_1204 : memref<64x384xf32, #tpu.memory_space<hbm>>) target_semaphore(%arg14 : memref<!tpu.dma_semaphore, #tpu.memory_space<semaphore_mem>>)
    %dma_wait3A_1205 = arith.constant 0 : i32
    %dma_wait3A_1206 = tpu.memref_slice %arg3[%add3A_1188, %dma_wait3A_1205] : memref<147456x384xf32, #tpu.memory_space<hbm>> -> memref<64x384xf32, #tpu.memory_space<hbm>>
    %dma_wait3A_1207 = arith.constant 0 : i32
    %dma_wait3A_1208 = arith.constant 0 : i32
    %dma_wait3A_1209 = tpu.memref_slice %arg4[%arg1, %dma_wait3A_1207, %dma_wait3A_1208] : memref<16x64x384xf32, #tpu.memory_space<vmem_shared>> -> memref<1x64x384xf32, #tpu.memory_space<vmem_shared>>
    %dma_wait3A_1210 = tpu.memref_squeeze %dma_wait3A_1209 : memref<1x64x384xf32, #tpu.memory_space<vmem_shared>> -> memref<64x384xf32, #tpu.memory_space<vmem_shared>>
    tpu.wait_dma2 semaphore(%arg10 : memref<!tpu.dma_semaphore, #tpu.memory_space<semaphore_mem>>) src(%dma_wait3A_1210 : memref<64x384xf32, #tpu.memory_space<vmem_shared>>) dst(%dma_wait3A_1206 : memref<64x384xf32, #tpu.memory_space<hbm>>)
    %add3A_1211 = arith.constant 3328 : i32
    %add3A_1212 = arith.addi %mul3A_2, %add3A_1211 : i32
    %dma_start3A_1213 = arith.constant 0 : i32
    %dma_start3A_1214 = arith.constant 0 : i32
    %dma_start3A_1215 = tpu.memref_slice %arg4[%arg1, %dma_start3A_1213, %dma_start3A_1214] : memref<16x64x384xf32, #tpu.memory_space<vmem_shared>> -> memref<1x64x384xf32, #tpu.memory_space<vmem_shared>>
    %dma_start3A_1216 = tpu.memref_squeeze %dma_start3A_1215 : memref<1x64x384xf32, #tpu.memory_space<vmem_shared>> -> memref<64x384xf32, #tpu.memory_space<vmem_shared>>
    %dma_start3A_1217 = arith.constant 0 : i32
    %dma_start3A_1218 = tpu.memref_slice %arg2[%add3A_1212, %dma_start3A_1217] : memref<147456x384xf32, #tpu.memory_space<hbm>> -> memref<64x384xf32, #tpu.memory_space<hbm>>
    tpu.enqueue_dma source(%dma_start3A_1218 : memref<64x384xf32, #tpu.memory_space<hbm>>) target(%dma_start3A_1216 : memref<64x384xf32, #tpu.memory_space<vmem_shared>>) target_semaphore(%arg8 : memref<!tpu.dma_semaphore, #tpu.memory_space<semaphore_mem>>)
    %dma_wait3A_1219 = arith.constant 0 : i32
    %dma_wait3A_1220 = tpu.memref_slice %arg3[%add3A_1200, %dma_wait3A_1219] : memref<147456x384xf32, #tpu.memory_space<hbm>> -> memref<64x384xf32, #tpu.memory_space<hbm>>
    %dma_wait3A_1221 = arith.constant 0 : i32
    %dma_wait3A_1222 = tpu.memref_slice %arg3[%add3A_1200, %dma_wait3A_1221] : memref<147456x384xf32, #tpu.memory_space<hbm>> -> memref<64x384xf32, #tpu.memory_space<hbm>>
    tpu.wait_dma2 semaphore(%arg14 : memref<!tpu.dma_semaphore, #tpu.memory_space<semaphore_mem>>) src(%arg6 : memref<64x384xf32, #tpu.memory_space<vmem>>) dst(%dma_wait3A_1222 : memref<64x384xf32, #tpu.memory_space<hbm>>)
    %add3A_1223 = arith.constant 3392 : i32
    %add3A_1224 = arith.addi %mul3A_2, %add3A_1223 : i32
    %dma_start3A_1225 = arith.constant 0 : i32
    %dma_start3A_1226 = tpu.memref_slice %arg2[%add3A_1224, %dma_start3A_1225] : memref<147456x384xf32, #tpu.memory_space<hbm>> -> memref<64x384xf32, #tpu.memory_space<hbm>>
    %dma_start3A_1227 = arith.constant 0 : i32
    %dma_start3A_1228 = tpu.memref_slice %arg2[%add3A_1224, %dma_start3A_1227] : memref<147456x384xf32, #tpu.memory_space<hbm>> -> memref<64x384xf32, #tpu.memory_space<hbm>>
    tpu.enqueue_dma source(%dma_start3A_1228 : memref<64x384xf32, #tpu.memory_space<hbm>>) target(%arg6 : memref<64x384xf32, #tpu.memory_space<vmem>>) target_semaphore(%arg12 : memref<!tpu.dma_semaphore, #tpu.memory_space<semaphore_mem>>)
    %dma_wait3A_1229 = arith.constant 0 : i32
    %dma_wait3A_1230 = arith.constant 0 : i32
    %dma_wait3A_1231 = tpu.memref_slice %arg5[%arg1, %dma_wait3A_1229, %dma_wait3A_1230] : memref<16x64x384xf32, #tpu.memory_space<vmem_shared>> -> memref<1x64x384xf32, #tpu.memory_space<vmem_shared>>
    %dma_wait3A_1232 = tpu.memref_squeeze %dma_wait3A_1231 : memref<1x64x384xf32, #tpu.memory_space<vmem_shared>> -> memref<64x384xf32, #tpu.memory_space<vmem_shared>>
    %dma_wait3A_1233 = arith.constant 0 : i32
    %dma_wait3A_1234 = tpu.memref_slice %arg2[%add3A_1164, %dma_wait3A_1233] : memref<147456x384xf32, #tpu.memory_space<hbm>> -> memref<64x384xf32, #tpu.memory_space<hbm>>
    tpu.wait_dma2 semaphore(%arg9 : memref<!tpu.dma_semaphore, #tpu.memory_space<semaphore_mem>>) src(%dma_wait3A_1234 : memref<64x384xf32, #tpu.memory_space<hbm>>) dst(%dma_wait3A_1232 : memref<64x384xf32, #tpu.memory_space<vmem_shared>>)
    %add3A_1235 = arith.constant 3200 : i32
    %add3A_1236 = arith.addi %mul3A_2, %add3A_1235 : i32
    %dma_start3A_1237 = arith.constant 0 : i32
    %dma_start3A_1238 = tpu.memref_slice %arg3[%add3A_1236, %dma_start3A_1237] : memref<147456x384xf32, #tpu.memory_space<hbm>> -> memref<64x384xf32, #tpu.memory_space<hbm>>
    %dma_start3A_1239 = arith.constant 0 : i32
    %dma_start3A_1240 = arith.constant 0 : i32
    %dma_start3A_1241 = tpu.memref_slice %arg5[%arg1, %dma_start3A_1239, %dma_start3A_1240] : memref<16x64x384xf32, #tpu.memory_space<vmem_shared>> -> memref<1x64x384xf32, #tpu.memory_space<vmem_shared>>
    %dma_start3A_1242 = tpu.memref_squeeze %dma_start3A_1241 : memref<1x64x384xf32, #tpu.memory_space<vmem_shared>> -> memref<64x384xf32, #tpu.memory_space<vmem_shared>>
    tpu.enqueue_dma source(%dma_start3A_1242 : memref<64x384xf32, #tpu.memory_space<vmem_shared>>) target(%dma_start3A_1238 : memref<64x384xf32, #tpu.memory_space<hbm>>) target_semaphore(%arg11 : memref<!tpu.dma_semaphore, #tpu.memory_space<semaphore_mem>>)
    %dma_wait3A_1243 = arith.constant 0 : i32
    %dma_wait3A_1244 = tpu.memref_slice %arg2[%add3A_1176, %dma_wait3A_1243] : memref<147456x384xf32, #tpu.memory_space<hbm>> -> memref<64x384xf32, #tpu.memory_space<hbm>>
    %dma_wait3A_1245 = arith.constant 0 : i32
    %dma_wait3A_1246 = tpu.memref_slice %arg2[%add3A_1176, %dma_wait3A_1245] : memref<147456x384xf32, #tpu.memory_space<hbm>> -> memref<64x384xf32, #tpu.memory_space<hbm>>
    tpu.wait_dma2 semaphore(%arg13 : memref<!tpu.dma_semaphore, #tpu.memory_space<semaphore_mem>>) src(%dma_wait3A_1246 : memref<64x384xf32, #tpu.memory_space<hbm>>) dst(%arg7 : memref<64x384xf32, #tpu.memory_space<vmem>>)
    %add3A_1247 = arith.constant 3264 : i32
    %add3A_1248 = arith.addi %mul3A_2, %add3A_1247 : i32
    %dma_start3A_1249 = arith.constant 0 : i32
    %dma_start3A_1250 = tpu.memref_slice %arg3[%add3A_1248, %dma_start3A_1249] : memref<147456x384xf32, #tpu.memory_space<hbm>> -> memref<64x384xf32, #tpu.memory_space<hbm>>
    %dma_start3A_1251 = arith.constant 0 : i32
    %dma_start3A_1252 = tpu.memref_slice %arg3[%add3A_1248, %dma_start3A_1251] : memref<147456x384xf32, #tpu.memory_space<hbm>> -> memref<64x384xf32, #tpu.memory_space<hbm>>
    tpu.enqueue_dma source(%arg7 : memref<64x384xf32, #tpu.memory_space<vmem>>) target(%dma_start3A_1252 : memref<64x384xf32, #tpu.memory_space<hbm>>) target_semaphore(%arg15 : memref<!tpu.dma_semaphore, #tpu.memory_space<semaphore_mem>>)
    %dma_wait3A_1253 = arith.constant 0 : i32
    %dma_wait3A_1254 = tpu.memref_slice %arg3[%add3A_1236, %dma_wait3A_1253] : memref<147456x384xf32, #tpu.memory_space<hbm>> -> memref<64x384xf32, #tpu.memory_space<hbm>>
    %dma_wait3A_1255 = arith.constant 0 : i32
    %dma_wait3A_1256 = arith.constant 0 : i32
    %dma_wait3A_1257 = tpu.memref_slice %arg5[%arg1, %dma_wait3A_1255, %dma_wait3A_1256] : memref<16x64x384xf32, #tpu.memory_space<vmem_shared>> -> memref<1x64x384xf32, #tpu.memory_space<vmem_shared>>
    %dma_wait3A_1258 = tpu.memref_squeeze %dma_wait3A_1257 : memref<1x64x384xf32, #tpu.memory_space<vmem_shared>> -> memref<64x384xf32, #tpu.memory_space<vmem_shared>>
    tpu.wait_dma2 semaphore(%arg11 : memref<!tpu.dma_semaphore, #tpu.memory_space<semaphore_mem>>) src(%dma_wait3A_1258 : memref<64x384xf32, #tpu.memory_space<vmem_shared>>) dst(%dma_wait3A_1254 : memref<64x384xf32, #tpu.memory_space<hbm>>)
    %add3A_1259 = arith.constant 3456 : i32
    %add3A_1260 = arith.addi %mul3A_2, %add3A_1259 : i32
    %dma_start3A_1261 = arith.constant 0 : i32
    %dma_start3A_1262 = arith.constant 0 : i32
    %dma_start3A_1263 = tpu.memref_slice %arg5[%arg1, %dma_start3A_1261, %dma_start3A_1262] : memref<16x64x384xf32, #tpu.memory_space<vmem_shared>> -> memref<1x64x384xf32, #tpu.memory_space<vmem_shared>>
    %dma_start3A_1264 = tpu.memref_squeeze %dma_start3A_1263 : memref<1x64x384xf32, #tpu.memory_space<vmem_shared>> -> memref<64x384xf32, #tpu.memory_space<vmem_shared>>
    %dma_start3A_1265 = arith.constant 0 : i32
    %dma_start3A_1266 = tpu.memref_slice %arg2[%add3A_1260, %dma_start3A_1265] : memref<147456x384xf32, #tpu.memory_space<hbm>> -> memref<64x384xf32, #tpu.memory_space<hbm>>
    tpu.enqueue_dma source(%dma_start3A_1266 : memref<64x384xf32, #tpu.memory_space<hbm>>) target(%dma_start3A_1264 : memref<64x384xf32, #tpu.memory_space<vmem_shared>>) target_semaphore(%arg9 : memref<!tpu.dma_semaphore, #tpu.memory_space<semaphore_mem>>)
    %dma_wait3A_1267 = arith.constant 0 : i32
    %dma_wait3A_1268 = tpu.memref_slice %arg3[%add3A_1248, %dma_wait3A_1267] : memref<147456x384xf32, #tpu.memory_space<hbm>> -> memref<64x384xf32, #tpu.memory_space<hbm>>
    %dma_wait3A_1269 = arith.constant 0 : i32
    %dma_wait3A_1270 = tpu.memref_slice %arg3[%add3A_1248, %dma_wait3A_1269] : memref<147456x384xf32, #tpu.memory_space<hbm>> -> memref<64x384xf32, #tpu.memory_space<hbm>>
    tpu.wait_dma2 semaphore(%arg15 : memref<!tpu.dma_semaphore, #tpu.memory_space<semaphore_mem>>) src(%arg7 : memref<64x384xf32, #tpu.memory_space<vmem>>) dst(%dma_wait3A_1270 : memref<64x384xf32, #tpu.memory_space<hbm>>)
    %add3A_1271 = arith.constant 3520 : i32
    %add3A_1272 = arith.addi %mul3A_2, %add3A_1271 : i32
    %dma_start3A_1273 = arith.constant 0 : i32
    %dma_start3A_1274 = tpu.memref_slice %arg2[%add3A_1272, %dma_start3A_1273] : memref<147456x384xf32, #tpu.memory_space<hbm>> -> memref<64x384xf32, #tpu.memory_space<hbm>>
    %dma_start3A_1275 = arith.constant 0 : i32
    %dma_start3A_1276 = tpu.memref_slice %arg2[%add3A_1272, %dma_start3A_1275] : memref<147456x384xf32, #tpu.memory_space<hbm>> -> memref<64x384xf32, #tpu.memory_space<hbm>>
    tpu.enqueue_dma source(%dma_start3A_1276 : memref<64x384xf32, #tpu.memory_space<hbm>>) target(%arg7 : memref<64x384xf32, #tpu.memory_space<vmem>>) target_semaphore(%arg13 : memref<!tpu.dma_semaphore, #tpu.memory_space<semaphore_mem>>)
    %dma_wait3A_1277 = arith.constant 0 : i32
    %dma_wait3A_1278 = arith.constant 0 : i32
    %dma_wait3A_1279 = tpu.memref_slice %arg4[%arg1, %dma_wait3A_1277, %dma_wait3A_1278] : memref<16x64x384xf32, #tpu.memory_space<vmem_shared>> -> memref<1x64x384xf32, #tpu.memory_space<vmem_shared>>
    %dma_wait3A_1280 = tpu.memref_squeeze %dma_wait3A_1279 : memref<1x64x384xf32, #tpu.memory_space<vmem_shared>> -> memref<64x384xf32, #tpu.memory_space<vmem_shared>>
    %dma_wait3A_1281 = arith.constant 0 : i32
    %dma_wait3A_1282 = tpu.memref_slice %arg2[%add3A_1212, %dma_wait3A_1281] : memref<147456x384xf32, #tpu.memory_space<hbm>> -> memref<64x384xf32, #tpu.memory_space<hbm>>
    tpu.wait_dma2 semaphore(%arg8 : memref<!tpu.dma_semaphore, #tpu.memory_space<semaphore_mem>>) src(%dma_wait3A_1282 : memref<64x384xf32, #tpu.memory_space<hbm>>) dst(%dma_wait3A_1280 : memref<64x384xf32, #tpu.memory_space<vmem_shared>>)
    %add3A_1283 = arith.constant 3328 : i32
    %add3A_1284 = arith.addi %mul3A_2, %add3A_1283 : i32
    %dma_start3A_1285 = arith.constant 0 : i32
    %dma_start3A_1286 = tpu.memref_slice %arg3[%add3A_1284, %dma_start3A_1285] : memref<147456x384xf32, #tpu.memory_space<hbm>> -> memref<64x384xf32, #tpu.memory_space<hbm>>
    %dma_start3A_1287 = arith.constant 0 : i32
    %dma_start3A_1288 = arith.constant 0 : i32
    %dma_start3A_1289 = tpu.memref_slice %arg4[%arg1, %dma_start3A_1287, %dma_start3A_1288] : memref<16x64x384xf32, #tpu.memory_space<vmem_shared>> -> memref<1x64x384xf32, #tpu.memory_space<vmem_shared>>
    %dma_start3A_1290 = tpu.memref_squeeze %dma_start3A_1289 : memref<1x64x384xf32, #tpu.memory_space<vmem_shared>> -> memref<64x384xf32, #tpu.memory_space<vmem_shared>>
    tpu.enqueue_dma source(%dma_start3A_1290 : memref<64x384xf32, #tpu.memory_space<vmem_shared>>) target(%dma_start3A_1286 : memref<64x384xf32, #tpu.memory_space<hbm>>) target_semaphore(%arg10 : memref<!tpu.dma_semaphore, #tpu.memory_space<semaphore_mem>>)
    %dma_wait3A_1291 = arith.constant 0 : i32
    %dma_wait3A_1292 = tpu.memref_slice %arg2[%add3A_1224, %dma_wait3A_1291] : memref<147456x384xf32, #tpu.memory_space<hbm>> -> memref<64x384xf32, #tpu.memory_space<hbm>>
    %dma_wait3A_1293 = arith.constant 0 : i32
    %dma_wait3A_1294 = tpu.memref_slice %arg2[%add3A_1224, %dma_wait3A_1293] : memref<147456x384xf32, #tpu.memory_space<hbm>> -> memref<64x384xf32, #tpu.memory_space<hbm>>
    tpu.wait_dma2 semaphore(%arg12 : memref<!tpu.dma_semaphore, #tpu.memory_space<semaphore_mem>>) src(%dma_wait3A_1294 : memref<64x384xf32, #tpu.memory_space<hbm>>) dst(%arg6 : memref<64x384xf32, #tpu.memory_space<vmem>>)
    %add3A_1295 = arith.constant 3392 : i32
    %add3A_1296 = arith.addi %mul3A_2, %add3A_1295 : i32
    %dma_start3A_1297 = arith.constant 0 : i32
    %dma_start3A_1298 = tpu.memref_slice %arg3[%add3A_1296, %dma_start3A_1297] : memref<147456x384xf32, #tpu.memory_space<hbm>> -> memref<64x384xf32, #tpu.memory_space<hbm>>
    %dma_start3A_1299 = arith.constant 0 : i32
    %dma_start3A_1300 = tpu.memref_slice %arg3[%add3A_1296, %dma_start3A_1299] : memref<147456x384xf32, #tpu.memory_space<hbm>> -> memref<64x384xf32, #tpu.memory_space<hbm>>
    tpu.enqueue_dma source(%arg6 : memref<64x384xf32, #tpu.memory_space<vmem>>) target(%dma_start3A_1300 : memref<64x384xf32, #tpu.memory_space<hbm>>) target_semaphore(%arg14 : memref<!tpu.dma_semaphore, #tpu.memory_space<semaphore_mem>>)
    %dma_wait3A_1301 = arith.constant 0 : i32
    %dma_wait3A_1302 = tpu.memref_slice %arg3[%add3A_1284, %dma_wait3A_1301] : memref<147456x384xf32, #tpu.memory_space<hbm>> -> memref<64x384xf32, #tpu.memory_space<hbm>>
    %dma_wait3A_1303 = arith.constant 0 : i32
    %dma_wait3A_1304 = arith.constant 0 : i32
    %dma_wait3A_1305 = tpu.memref_slice %arg4[%arg1, %dma_wait3A_1303, %dma_wait3A_1304] : memref<16x64x384xf32, #tpu.memory_space<vmem_shared>> -> memref<1x64x384xf32, #tpu.memory_space<vmem_shared>>
    %dma_wait3A_1306 = tpu.memref_squeeze %dma_wait3A_1305 : memref<1x64x384xf32, #tpu.memory_space<vmem_shared>> -> memref<64x384xf32, #tpu.memory_space<vmem_shared>>
    tpu.wait_dma2 semaphore(%arg10 : memref<!tpu.dma_semaphore, #tpu.memory_space<semaphore_mem>>) src(%dma_wait3A_1306 : memref<64x384xf32, #tpu.memory_space<vmem_shared>>) dst(%dma_wait3A_1302 : memref<64x384xf32, #tpu.memory_space<hbm>>)
    %add3A_1307 = arith.constant 3584 : i32
    %add3A_1308 = arith.addi %mul3A_2, %add3A_1307 : i32
    %dma_start3A_1309 = arith.constant 0 : i32
    %dma_start3A_1310 = arith.constant 0 : i32
    %dma_start3A_1311 = tpu.memref_slice %arg4[%arg1, %dma_start3A_1309, %dma_start3A_1310] : memref<16x64x384xf32, #tpu.memory_space<vmem_shared>> -> memref<1x64x384xf32, #tpu.memory_space<vmem_shared>>
    %dma_start3A_1312 = tpu.memref_squeeze %dma_start3A_1311 : memref<1x64x384xf32, #tpu.memory_space<vmem_shared>> -> memref<64x384xf32, #tpu.memory_space<vmem_shared>>
    %dma_start3A_1313 = arith.constant 0 : i32
    %dma_start3A_1314 = tpu.memref_slice %arg2[%add3A_1308, %dma_start3A_1313] : memref<147456x384xf32, #tpu.memory_space<hbm>> -> memref<64x384xf32, #tpu.memory_space<hbm>>
    tpu.enqueue_dma source(%dma_start3A_1314 : memref<64x384xf32, #tpu.memory_space<hbm>>) target(%dma_start3A_1312 : memref<64x384xf32, #tpu.memory_space<vmem_shared>>) target_semaphore(%arg8 : memref<!tpu.dma_semaphore, #tpu.memory_space<semaphore_mem>>)
    %dma_wait3A_1315 = arith.constant 0 : i32
    %dma_wait3A_1316 = tpu.memref_slice %arg3[%add3A_1296, %dma_wait3A_1315] : memref<147456x384xf32, #tpu.memory_space<hbm>> -> memref<64x384xf32, #tpu.memory_space<hbm>>
    %dma_wait3A_1317 = arith.constant 0 : i32
    %dma_wait3A_1318 = tpu.memref_slice %arg3[%add3A_1296, %dma_wait3A_1317] : memref<147456x384xf32, #tpu.memory_space<hbm>> -> memref<64x384xf32, #tpu.memory_space<hbm>>
    tpu.wait_dma2 semaphore(%arg14 : memref<!tpu.dma_semaphore, #tpu.memory_space<semaphore_mem>>) src(%arg6 : memref<64x384xf32, #tpu.memory_space<vmem>>) dst(%dma_wait3A_1318 : memref<64x384xf32, #tpu.memory_space<hbm>>)
    %add3A_1319 = arith.constant 3648 : i32
    %add3A_1320 = arith.addi %mul3A_2, %add3A_1319 : i32
    %dma_start3A_1321 = arith.constant 0 : i32
    %dma_start3A_1322 = tpu.memref_slice %arg2[%add3A_1320, %dma_start3A_1321] : memref<147456x384xf32, #tpu.memory_space<hbm>> -> memref<64x384xf32, #tpu.memory_space<hbm>>
    %dma_start3A_1323 = arith.constant 0 : i32
    %dma_start3A_1324 = tpu.memref_slice %arg2[%add3A_1320, %dma_start3A_1323] : memref<147456x384xf32, #tpu.memory_space<hbm>> -> memref<64x384xf32, #tpu.memory_space<hbm>>
    tpu.enqueue_dma source(%dma_start3A_1324 : memref<64x384xf32, #tpu.memory_space<hbm>>) target(%arg6 : memref<64x384xf32, #tpu.memory_space<vmem>>) target_semaphore(%arg12 : memref<!tpu.dma_semaphore, #tpu.memory_space<semaphore_mem>>)
    %dma_wait3A_1325 = arith.constant 0 : i32
    %dma_wait3A_1326 = arith.constant 0 : i32
    %dma_wait3A_1327 = tpu.memref_slice %arg5[%arg1, %dma_wait3A_1325, %dma_wait3A_1326] : memref<16x64x384xf32, #tpu.memory_space<vmem_shared>> -> memref<1x64x384xf32, #tpu.memory_space<vmem_shared>>
    %dma_wait3A_1328 = tpu.memref_squeeze %dma_wait3A_1327 : memref<1x64x384xf32, #tpu.memory_space<vmem_shared>> -> memref<64x384xf32, #tpu.memory_space<vmem_shared>>
    %dma_wait3A_1329 = arith.constant 0 : i32
    %dma_wait3A_1330 = tpu.memref_slice %arg2[%add3A_1260, %dma_wait3A_1329] : memref<147456x384xf32, #tpu.memory_space<hbm>> -> memref<64x384xf32, #tpu.memory_space<hbm>>
    tpu.wait_dma2 semaphore(%arg9 : memref<!tpu.dma_semaphore, #tpu.memory_space<semaphore_mem>>) src(%dma_wait3A_1330 : memref<64x384xf32, #tpu.memory_space<hbm>>) dst(%dma_wait3A_1328 : memref<64x384xf32, #tpu.memory_space<vmem_shared>>)
    %add3A_1331 = arith.constant 3456 : i32
    %add3A_1332 = arith.addi %mul3A_2, %add3A_1331 : i32
    %dma_start3A_1333 = arith.constant 0 : i32
    %dma_start3A_1334 = tpu.memref_slice %arg3[%add3A_1332, %dma_start3A_1333] : memref<147456x384xf32, #tpu.memory_space<hbm>> -> memref<64x384xf32, #tpu.memory_space<hbm>>
    %dma_start3A_1335 = arith.constant 0 : i32
    %dma_start3A_1336 = arith.constant 0 : i32
    %dma_start3A_1337 = tpu.memref_slice %arg5[%arg1, %dma_start3A_1335, %dma_start3A_1336] : memref<16x64x384xf32, #tpu.memory_space<vmem_shared>> -> memref<1x64x384xf32, #tpu.memory_space<vmem_shared>>
    %dma_start3A_1338 = tpu.memref_squeeze %dma_start3A_1337 : memref<1x64x384xf32, #tpu.memory_space<vmem_shared>> -> memref<64x384xf32, #tpu.memory_space<vmem_shared>>
    tpu.enqueue_dma source(%dma_start3A_1338 : memref<64x384xf32, #tpu.memory_space<vmem_shared>>) target(%dma_start3A_1334 : memref<64x384xf32, #tpu.memory_space<hbm>>) target_semaphore(%arg11 : memref<!tpu.dma_semaphore, #tpu.memory_space<semaphore_mem>>)
    %dma_wait3A_1339 = arith.constant 0 : i32
    %dma_wait3A_1340 = tpu.memref_slice %arg2[%add3A_1272, %dma_wait3A_1339] : memref<147456x384xf32, #tpu.memory_space<hbm>> -> memref<64x384xf32, #tpu.memory_space<hbm>>
    %dma_wait3A_1341 = arith.constant 0 : i32
    %dma_wait3A_1342 = tpu.memref_slice %arg2[%add3A_1272, %dma_wait3A_1341] : memref<147456x384xf32, #tpu.memory_space<hbm>> -> memref<64x384xf32, #tpu.memory_space<hbm>>
    tpu.wait_dma2 semaphore(%arg13 : memref<!tpu.dma_semaphore, #tpu.memory_space<semaphore_mem>>) src(%dma_wait3A_1342 : memref<64x384xf32, #tpu.memory_space<hbm>>) dst(%arg7 : memref<64x384xf32, #tpu.memory_space<vmem>>)
    %add3A_1343 = arith.constant 3520 : i32
    %add3A_1344 = arith.addi %mul3A_2, %add3A_1343 : i32
    %dma_start3A_1345 = arith.constant 0 : i32
    %dma_start3A_1346 = tpu.memref_slice %arg3[%add3A_1344, %dma_start3A_1345] : memref<147456x384xf32, #tpu.memory_space<hbm>> -> memref<64x384xf32, #tpu.memory_space<hbm>>
    %dma_start3A_1347 = arith.constant 0 : i32
    %dma_start3A_1348 = tpu.memref_slice %arg3[%add3A_1344, %dma_start3A_1347] : memref<147456x384xf32, #tpu.memory_space<hbm>> -> memref<64x384xf32, #tpu.memory_space<hbm>>
    tpu.enqueue_dma source(%arg7 : memref<64x384xf32, #tpu.memory_space<vmem>>) target(%dma_start3A_1348 : memref<64x384xf32, #tpu.memory_space<hbm>>) target_semaphore(%arg15 : memref<!tpu.dma_semaphore, #tpu.memory_space<semaphore_mem>>)
    %dma_wait3A_1349 = arith.constant 0 : i32
    %dma_wait3A_1350 = tpu.memref_slice %arg3[%add3A_1332, %dma_wait3A_1349] : memref<147456x384xf32, #tpu.memory_space<hbm>> -> memref<64x384xf32, #tpu.memory_space<hbm>>
    %dma_wait3A_1351 = arith.constant 0 : i32
    %dma_wait3A_1352 = arith.constant 0 : i32
    %dma_wait3A_1353 = tpu.memref_slice %arg5[%arg1, %dma_wait3A_1351, %dma_wait3A_1352] : memref<16x64x384xf32, #tpu.memory_space<vmem_shared>> -> memref<1x64x384xf32, #tpu.memory_space<vmem_shared>>
    %dma_wait3A_1354 = tpu.memref_squeeze %dma_wait3A_1353 : memref<1x64x384xf32, #tpu.memory_space<vmem_shared>> -> memref<64x384xf32, #tpu.memory_space<vmem_shared>>
    tpu.wait_dma2 semaphore(%arg11 : memref<!tpu.dma_semaphore, #tpu.memory_space<semaphore_mem>>) src(%dma_wait3A_1354 : memref<64x384xf32, #tpu.memory_space<vmem_shared>>) dst(%dma_wait3A_1350 : memref<64x384xf32, #tpu.memory_space<hbm>>)
    %add3A_1355 = arith.constant 3712 : i32
    %add3A_1356 = arith.addi %mul3A_2, %add3A_1355 : i32
    %dma_start3A_1357 = arith.constant 0 : i32
    %dma_start3A_1358 = arith.constant 0 : i32
    %dma_start3A_1359 = tpu.memref_slice %arg5[%arg1, %dma_start3A_1357, %dma_start3A_1358] : memref<16x64x384xf32, #tpu.memory_space<vmem_shared>> -> memref<1x64x384xf32, #tpu.memory_space<vmem_shared>>
    %dma_start3A_1360 = tpu.memref_squeeze %dma_start3A_1359 : memref<1x64x384xf32, #tpu.memory_space<vmem_shared>> -> memref<64x384xf32, #tpu.memory_space<vmem_shared>>
    %dma_start3A_1361 = arith.constant 0 : i32
    %dma_start3A_1362 = tpu.memref_slice %arg2[%add3A_1356, %dma_start3A_1361] : memref<147456x384xf32, #tpu.memory_space<hbm>> -> memref<64x384xf32, #tpu.memory_space<hbm>>
    tpu.enqueue_dma source(%dma_start3A_1362 : memref<64x384xf32, #tpu.memory_space<hbm>>) target(%dma_start3A_1360 : memref<64x384xf32, #tpu.memory_space<vmem_shared>>) target_semaphore(%arg9 : memref<!tpu.dma_semaphore, #tpu.memory_space<semaphore_mem>>)
    %dma_wait3A_1363 = arith.constant 0 : i32
    %dma_wait3A_1364 = tpu.memref_slice %arg3[%add3A_1344, %dma_wait3A_1363] : memref<147456x384xf32, #tpu.memory_space<hbm>> -> memref<64x384xf32, #tpu.memory_space<hbm>>
    %dma_wait3A_1365 = arith.constant 0 : i32
    %dma_wait3A_1366 = tpu.memref_slice %arg3[%add3A_1344, %dma_wait3A_1365] : memref<147456x384xf32, #tpu.memory_space<hbm>> -> memref<64x384xf32, #tpu.memory_space<hbm>>
    tpu.wait_dma2 semaphore(%arg15 : memref<!tpu.dma_semaphore, #tpu.memory_space<semaphore_mem>>) src(%arg7 : memref<64x384xf32, #tpu.memory_space<vmem>>) dst(%dma_wait3A_1366 : memref<64x384xf32, #tpu.memory_space<hbm>>)
    %add3A_1367 = arith.constant 3776 : i32
    %add3A_1368 = arith.addi %mul3A_2, %add3A_1367 : i32
    %dma_start3A_1369 = arith.constant 0 : i32
    %dma_start3A_1370 = tpu.memref_slice %arg2[%add3A_1368, %dma_start3A_1369] : memref<147456x384xf32, #tpu.memory_space<hbm>> -> memref<64x384xf32, #tpu.memory_space<hbm>>
    %dma_start3A_1371 = arith.constant 0 : i32
    %dma_start3A_1372 = tpu.memref_slice %arg2[%add3A_1368, %dma_start3A_1371] : memref<147456x384xf32, #tpu.memory_space<hbm>> -> memref<64x384xf32, #tpu.memory_space<hbm>>
    tpu.enqueue_dma source(%dma_start3A_1372 : memref<64x384xf32, #tpu.memory_space<hbm>>) target(%arg7 : memref<64x384xf32, #tpu.memory_space<vmem>>) target_semaphore(%arg13 : memref<!tpu.dma_semaphore, #tpu.memory_space<semaphore_mem>>)
    %dma_wait3A_1373 = arith.constant 0 : i32
    %dma_wait3A_1374 = arith.constant 0 : i32
    %dma_wait3A_1375 = tpu.memref_slice %arg4[%arg1, %dma_wait3A_1373, %dma_wait3A_1374] : memref<16x64x384xf32, #tpu.memory_space<vmem_shared>> -> memref<1x64x384xf32, #tpu.memory_space<vmem_shared>>
    %dma_wait3A_1376 = tpu.memref_squeeze %dma_wait3A_1375 : memref<1x64x384xf32, #tpu.memory_space<vmem_shared>> -> memref<64x384xf32, #tpu.memory_space<vmem_shared>>
    %dma_wait3A_1377 = arith.constant 0 : i32
    %dma_wait3A_1378 = tpu.memref_slice %arg2[%add3A_1308, %dma_wait3A_1377] : memref<147456x384xf32, #tpu.memory_space<hbm>> -> memref<64x384xf32, #tpu.memory_space<hbm>>
    tpu.wait_dma2 semaphore(%arg8 : memref<!tpu.dma_semaphore, #tpu.memory_space<semaphore_mem>>) src(%dma_wait3A_1378 : memref<64x384xf32, #tpu.memory_space<hbm>>) dst(%dma_wait3A_1376 : memref<64x384xf32, #tpu.memory_space<vmem_shared>>)
    %add3A_1379 = arith.constant 3584 : i32
    %add3A_1380 = arith.addi %mul3A_2, %add3A_1379 : i32
    %dma_start3A_1381 = arith.constant 0 : i32
    %dma_start3A_1382 = tpu.memref_slice %arg3[%add3A_1380, %dma_start3A_1381] : memref<147456x384xf32, #tpu.memory_space<hbm>> -> memref<64x384xf32, #tpu.memory_space<hbm>>
    %dma_start3A_1383 = arith.constant 0 : i32
    %dma_start3A_1384 = arith.constant 0 : i32
    %dma_start3A_1385 = tpu.memref_slice %arg4[%arg1, %dma_start3A_1383, %dma_start3A_1384] : memref<16x64x384xf32, #tpu.memory_space<vmem_shared>> -> memref<1x64x384xf32, #tpu.memory_space<vmem_shared>>
    %dma_start3A_1386 = tpu.memref_squeeze %dma_start3A_1385 : memref<1x64x384xf32, #tpu.memory_space<vmem_shared>> -> memref<64x384xf32, #tpu.memory_space<vmem_shared>>
    tpu.enqueue_dma source(%dma_start3A_1386 : memref<64x384xf32, #tpu.memory_space<vmem_shared>>) target(%dma_start3A_1382 : memref<64x384xf32, #tpu.memory_space<hbm>>) target_semaphore(%arg10 : memref<!tpu.dma_semaphore, #tpu.memory_space<semaphore_mem>>)
    %dma_wait3A_1387 = arith.constant 0 : i32
    %dma_wait3A_1388 = tpu.memref_slice %arg2[%add3A_1320, %dma_wait3A_1387] : memref<147456x384xf32, #tpu.memory_space<hbm>> -> memref<64x384xf32, #tpu.memory_space<hbm>>
    %dma_wait3A_1389 = arith.constant 0 : i32
    %dma_wait3A_1390 = tpu.memref_slice %arg2[%add3A_1320, %dma_wait3A_1389] : memref<147456x384xf32, #tpu.memory_space<hbm>> -> memref<64x384xf32, #tpu.memory_space<hbm>>
    tpu.wait_dma2 semaphore(%arg12 : memref<!tpu.dma_semaphore, #tpu.memory_space<semaphore_mem>>) src(%dma_wait3A_1390 : memref<64x384xf32, #tpu.memory_space<hbm>>) dst(%arg6 : memref<64x384xf32, #tpu.memory_space<vmem>>)
    %add3A_1391 = arith.constant 3648 : i32
    %add3A_1392 = arith.addi %mul3A_2, %add3A_1391 : i32
    %dma_start3A_1393 = arith.constant 0 : i32
    %dma_start3A_1394 = tpu.memref_slice %arg3[%add3A_1392, %dma_start3A_1393] : memref<147456x384xf32, #tpu.memory_space<hbm>> -> memref<64x384xf32, #tpu.memory_space<hbm>>
    %dma_start3A_1395 = arith.constant 0 : i32
    %dma_start3A_1396 = tpu.memref_slice %arg3[%add3A_1392, %dma_start3A_1395] : memref<147456x384xf32, #tpu.memory_space<hbm>> -> memref<64x384xf32, #tpu.memory_space<hbm>>
    tpu.enqueue_dma source(%arg6 : memref<64x384xf32, #tpu.memory_space<vmem>>) target(%dma_start3A_1396 : memref<64x384xf32, #tpu.memory_space<hbm>>) target_semaphore(%arg14 : memref<!tpu.dma_semaphore, #tpu.memory_space<semaphore_mem>>)
    %dma_wait3A_1397 = arith.constant 0 : i32
    %dma_wait3A_1398 = tpu.memref_slice %arg3[%add3A_1380, %dma_wait3A_1397] : memref<147456x384xf32, #tpu.memory_space<hbm>> -> memref<64x384xf32, #tpu.memory_space<hbm>>
    %dma_wait3A_1399 = arith.constant 0 : i32
    %dma_wait3A_1400 = arith.constant 0 : i32
    %dma_wait3A_1401 = tpu.memref_slice %arg4[%arg1, %dma_wait3A_1399, %dma_wait3A_1400] : memref<16x64x384xf32, #tpu.memory_space<vmem_shared>> -> memref<1x64x384xf32, #tpu.memory_space<vmem_shared>>
    %dma_wait3A_1402 = tpu.memref_squeeze %dma_wait3A_1401 : memref<1x64x384xf32, #tpu.memory_space<vmem_shared>> -> memref<64x384xf32, #tpu.memory_space<vmem_shared>>
    tpu.wait_dma2 semaphore(%arg10 : memref<!tpu.dma_semaphore, #tpu.memory_space<semaphore_mem>>) src(%dma_wait3A_1402 : memref<64x384xf32, #tpu.memory_space<vmem_shared>>) dst(%dma_wait3A_1398 : memref<64x384xf32, #tpu.memory_space<hbm>>)
    %add3A_1403 = arith.constant 3840 : i32
    %add3A_1404 = arith.addi %mul3A_2, %add3A_1403 : i32
    %dma_start3A_1405 = arith.constant 0 : i32
    %dma_start3A_1406 = arith.constant 0 : i32
    %dma_start3A_1407 = tpu.memref_slice %arg4[%arg1, %dma_start3A_1405, %dma_start3A_1406] : memref<16x64x384xf32, #tpu.memory_space<vmem_shared>> -> memref<1x64x384xf32, #tpu.memory_space<vmem_shared>>
    %dma_start3A_1408 = tpu.memref_squeeze %dma_start3A_1407 : memref<1x64x384xf32, #tpu.memory_space<vmem_shared>> -> memref<64x384xf32, #tpu.memory_space<vmem_shared>>
    %dma_start3A_1409 = arith.constant 0 : i32
    %dma_start3A_1410 = tpu.memref_slice %arg2[%add3A_1404, %dma_start3A_1409] : memref<147456x384xf32, #tpu.memory_space<hbm>> -> memref<64x384xf32, #tpu.memory_space<hbm>>
    tpu.enqueue_dma source(%dma_start3A_1410 : memref<64x384xf32, #tpu.memory_space<hbm>>) target(%dma_start3A_1408 : memref<64x384xf32, #tpu.memory_space<vmem_shared>>) target_semaphore(%arg8 : memref<!tpu.dma_semaphore, #tpu.memory_space<semaphore_mem>>)
    %dma_wait3A_1411 = arith.constant 0 : i32
    %dma_wait3A_1412 = tpu.memref_slice %arg3[%add3A_1392, %dma_wait3A_1411] : memref<147456x384xf32, #tpu.memory_space<hbm>> -> memref<64x384xf32, #tpu.memory_space<hbm>>
    %dma_wait3A_1413 = arith.constant 0 : i32
    %dma_wait3A_1414 = tpu.memref_slice %arg3[%add3A_1392, %dma_wait3A_1413] : memref<147456x384xf32, #tpu.memory_space<hbm>> -> memref<64x384xf32, #tpu.memory_space<hbm>>
    tpu.wait_dma2 semaphore(%arg14 : memref<!tpu.dma_semaphore, #tpu.memory_space<semaphore_mem>>) src(%arg6 : memref<64x384xf32, #tpu.memory_space<vmem>>) dst(%dma_wait3A_1414 : memref<64x384xf32, #tpu.memory_space<hbm>>)
    %add3A_1415 = arith.constant 3904 : i32
    %add3A_1416 = arith.addi %mul3A_2, %add3A_1415 : i32
    %dma_start3A_1417 = arith.constant 0 : i32
    %dma_start3A_1418 = tpu.memref_slice %arg2[%add3A_1416, %dma_start3A_1417] : memref<147456x384xf32, #tpu.memory_space<hbm>> -> memref<64x384xf32, #tpu.memory_space<hbm>>
    %dma_start3A_1419 = arith.constant 0 : i32
    %dma_start3A_1420 = tpu.memref_slice %arg2[%add3A_1416, %dma_start3A_1419] : memref<147456x384xf32, #tpu.memory_space<hbm>> -> memref<64x384xf32, #tpu.memory_space<hbm>>
    tpu.enqueue_dma source(%dma_start3A_1420 : memref<64x384xf32, #tpu.memory_space<hbm>>) target(%arg6 : memref<64x384xf32, #tpu.memory_space<vmem>>) target_semaphore(%arg12 : memref<!tpu.dma_semaphore, #tpu.memory_space<semaphore_mem>>)
    %dma_wait3A_1421 = arith.constant 0 : i32
    %dma_wait3A_1422 = arith.constant 0 : i32
    %dma_wait3A_1423 = tpu.memref_slice %arg5[%arg1, %dma_wait3A_1421, %dma_wait3A_1422] : memref<16x64x384xf32, #tpu.memory_space<vmem_shared>> -> memref<1x64x384xf32, #tpu.memory_space<vmem_shared>>
    %dma_wait3A_1424 = tpu.memref_squeeze %dma_wait3A_1423 : memref<1x64x384xf32, #tpu.memory_space<vmem_shared>> -> memref<64x384xf32, #tpu.memory_space<vmem_shared>>
    %dma_wait3A_1425 = arith.constant 0 : i32
    %dma_wait3A_1426 = tpu.memref_slice %arg2[%add3A_1356, %dma_wait3A_1425] : memref<147456x384xf32, #tpu.memory_space<hbm>> -> memref<64x384xf32, #tpu.memory_space<hbm>>
    tpu.wait_dma2 semaphore(%arg9 : memref<!tpu.dma_semaphore, #tpu.memory_space<semaphore_mem>>) src(%dma_wait3A_1426 : memref<64x384xf32, #tpu.memory_space<hbm>>) dst(%dma_wait3A_1424 : memref<64x384xf32, #tpu.memory_space<vmem_shared>>)
    %add3A_1427 = arith.constant 3712 : i32
    %add3A_1428 = arith.addi %mul3A_2, %add3A_1427 : i32
    %dma_start3A_1429 = arith.constant 0 : i32
    %dma_start3A_1430 = tpu.memref_slice %arg3[%add3A_1428, %dma_start3A_1429] : memref<147456x384xf32, #tpu.memory_space<hbm>> -> memref<64x384xf32, #tpu.memory_space<hbm>>
    %dma_start3A_1431 = arith.constant 0 : i32
    %dma_start3A_1432 = arith.constant 0 : i32
    %dma_start3A_1433 = tpu.memref_slice %arg5[%arg1, %dma_start3A_1431, %dma_start3A_1432] : memref<16x64x384xf32, #tpu.memory_space<vmem_shared>> -> memref<1x64x384xf32, #tpu.memory_space<vmem_shared>>
    %dma_start3A_1434 = tpu.memref_squeeze %dma_start3A_1433 : memref<1x64x384xf32, #tpu.memory_space<vmem_shared>> -> memref<64x384xf32, #tpu.memory_space<vmem_shared>>
    tpu.enqueue_dma source(%dma_start3A_1434 : memref<64x384xf32, #tpu.memory_space<vmem_shared>>) target(%dma_start3A_1430 : memref<64x384xf32, #tpu.memory_space<hbm>>) target_semaphore(%arg11 : memref<!tpu.dma_semaphore, #tpu.memory_space<semaphore_mem>>)
    %dma_wait3A_1435 = arith.constant 0 : i32
    %dma_wait3A_1436 = tpu.memref_slice %arg2[%add3A_1368, %dma_wait3A_1435] : memref<147456x384xf32, #tpu.memory_space<hbm>> -> memref<64x384xf32, #tpu.memory_space<hbm>>
    %dma_wait3A_1437 = arith.constant 0 : i32
    %dma_wait3A_1438 = tpu.memref_slice %arg2[%add3A_1368, %dma_wait3A_1437] : memref<147456x384xf32, #tpu.memory_space<hbm>> -> memref<64x384xf32, #tpu.memory_space<hbm>>
    tpu.wait_dma2 semaphore(%arg13 : memref<!tpu.dma_semaphore, #tpu.memory_space<semaphore_mem>>) src(%dma_wait3A_1438 : memref<64x384xf32, #tpu.memory_space<hbm>>) dst(%arg7 : memref<64x384xf32, #tpu.memory_space<vmem>>)
    %add3A_1439 = arith.constant 3776 : i32
    %add3A_1440 = arith.addi %mul3A_2, %add3A_1439 : i32
    %dma_start3A_1441 = arith.constant 0 : i32
    %dma_start3A_1442 = tpu.memref_slice %arg3[%add3A_1440, %dma_start3A_1441] : memref<147456x384xf32, #tpu.memory_space<hbm>> -> memref<64x384xf32, #tpu.memory_space<hbm>>
    %dma_start3A_1443 = arith.constant 0 : i32
    %dma_start3A_1444 = tpu.memref_slice %arg3[%add3A_1440, %dma_start3A_1443] : memref<147456x384xf32, #tpu.memory_space<hbm>> -> memref<64x384xf32, #tpu.memory_space<hbm>>
    tpu.enqueue_dma source(%arg7 : memref<64x384xf32, #tpu.memory_space<vmem>>) target(%dma_start3A_1444 : memref<64x384xf32, #tpu.memory_space<hbm>>) target_semaphore(%arg15 : memref<!tpu.dma_semaphore, #tpu.memory_space<semaphore_mem>>)
    %dma_wait3A_1445 = arith.constant 0 : i32
    %dma_wait3A_1446 = tpu.memref_slice %arg3[%add3A_1428, %dma_wait3A_1445] : memref<147456x384xf32, #tpu.memory_space<hbm>> -> memref<64x384xf32, #tpu.memory_space<hbm>>
    %dma_wait3A_1447 = arith.constant 0 : i32
    %dma_wait3A_1448 = arith.constant 0 : i32
    %dma_wait3A_1449 = tpu.memref_slice %arg5[%arg1, %dma_wait3A_1447, %dma_wait3A_1448] : memref<16x64x384xf32, #tpu.memory_space<vmem_shared>> -> memref<1x64x384xf32, #tpu.memory_space<vmem_shared>>
    %dma_wait3A_1450 = tpu.memref_squeeze %dma_wait3A_1449 : memref<1x64x384xf32, #tpu.memory_space<vmem_shared>> -> memref<64x384xf32, #tpu.memory_space<vmem_shared>>
    tpu.wait_dma2 semaphore(%arg11 : memref<!tpu.dma_semaphore, #tpu.memory_space<semaphore_mem>>) src(%dma_wait3A_1450 : memref<64x384xf32, #tpu.memory_space<vmem_shared>>) dst(%dma_wait3A_1446 : memref<64x384xf32, #tpu.memory_space<hbm>>)
    %add3A_1451 = arith.constant 3968 : i32
    %add3A_1452 = arith.addi %mul3A_2, %add3A_1451 : i32
    %dma_start3A_1453 = arith.constant 0 : i32
    %dma_start3A_1454 = arith.constant 0 : i32
    %dma_start3A_1455 = tpu.memref_slice %arg5[%arg1, %dma_start3A_1453, %dma_start3A_1454] : memref<16x64x384xf32, #tpu.memory_space<vmem_shared>> -> memref<1x64x384xf32, #tpu.memory_space<vmem_shared>>
    %dma_start3A_1456 = tpu.memref_squeeze %dma_start3A_1455 : memref<1x64x384xf32, #tpu.memory_space<vmem_shared>> -> memref<64x384xf32, #tpu.memory_space<vmem_shared>>
    %dma_start3A_1457 = arith.constant 0 : i32
    %dma_start3A_1458 = tpu.memref_slice %arg2[%add3A_1452, %dma_start3A_1457] : memref<147456x384xf32, #tpu.memory_space<hbm>> -> memref<64x384xf32, #tpu.memory_space<hbm>>
    tpu.enqueue_dma source(%dma_start3A_1458 : memref<64x384xf32, #tpu.memory_space<hbm>>) target(%dma_start3A_1456 : memref<64x384xf32, #tpu.memory_space<vmem_shared>>) target_semaphore(%arg9 : memref<!tpu.dma_semaphore, #tpu.memory_space<semaphore_mem>>)
    %dma_wait3A_1459 = arith.constant 0 : i32
    %dma_wait3A_1460 = tpu.memref_slice %arg3[%add3A_1440, %dma_wait3A_1459] : memref<147456x384xf32, #tpu.memory_space<hbm>> -> memref<64x384xf32, #tpu.memory_space<hbm>>
    %dma_wait3A_1461 = arith.constant 0 : i32
    %dma_wait3A_1462 = tpu.memref_slice %arg3[%add3A_1440, %dma_wait3A_1461] : memref<147456x384xf32, #tpu.memory_space<hbm>> -> memref<64x384xf32, #tpu.memory_space<hbm>>
    tpu.wait_dma2 semaphore(%arg15 : memref<!tpu.dma_semaphore, #tpu.memory_space<semaphore_mem>>) src(%arg7 : memref<64x384xf32, #tpu.memory_space<vmem>>) dst(%dma_wait3A_1462 : memref<64x384xf32, #tpu.memory_space<hbm>>)
    %add3A_1463 = arith.constant 4032 : i32
    %add3A_1464 = arith.addi %mul3A_2, %add3A_1463 : i32
    %dma_start3A_1465 = arith.constant 0 : i32
    %dma_start3A_1466 = tpu.memref_slice %arg2[%add3A_1464, %dma_start3A_1465] : memref<147456x384xf32, #tpu.memory_space<hbm>> -> memref<64x384xf32, #tpu.memory_space<hbm>>
    %dma_start3A_1467 = arith.constant 0 : i32
    %dma_start3A_1468 = tpu.memref_slice %arg2[%add3A_1464, %dma_start3A_1467] : memref<147456x384xf32, #tpu.memory_space<hbm>> -> memref<64x384xf32, #tpu.memory_space<hbm>>
    tpu.enqueue_dma source(%dma_start3A_1468 : memref<64x384xf32, #tpu.memory_space<hbm>>) target(%arg7 : memref<64x384xf32, #tpu.memory_space<vmem>>) target_semaphore(%arg13 : memref<!tpu.dma_semaphore, #tpu.memory_space<semaphore_mem>>)
    %dma_wait3A_1469 = arith.constant 0 : i32
    %dma_wait3A_1470 = arith.constant 0 : i32
    %dma_wait3A_1471 = tpu.memref_slice %arg4[%arg1, %dma_wait3A_1469, %dma_wait3A_1470] : memref<16x64x384xf32, #tpu.memory_space<vmem_shared>> -> memref<1x64x384xf32, #tpu.memory_space<vmem_shared>>
    %dma_wait3A_1472 = tpu.memref_squeeze %dma_wait3A_1471 : memref<1x64x384xf32, #tpu.memory_space<vmem_shared>> -> memref<64x384xf32, #tpu.memory_space<vmem_shared>>
    %dma_wait3A_1473 = arith.constant 0 : i32
    %dma_wait3A_1474 = tpu.memref_slice %arg2[%add3A_1404, %dma_wait3A_1473] : memref<147456x384xf32, #tpu.memory_space<hbm>> -> memref<64x384xf32, #tpu.memory_space<hbm>>
    tpu.wait_dma2 semaphore(%arg8 : memref<!tpu.dma_semaphore, #tpu.memory_space<semaphore_mem>>) src(%dma_wait3A_1474 : memref<64x384xf32, #tpu.memory_space<hbm>>) dst(%dma_wait3A_1472 : memref<64x384xf32, #tpu.memory_space<vmem_shared>>)
    %add3A_1475 = arith.constant 3840 : i32
    %add3A_1476 = arith.addi %mul3A_2, %add3A_1475 : i32
    %dma_start3A_1477 = arith.constant 0 : i32
    %dma_start3A_1478 = tpu.memref_slice %arg3[%add3A_1476, %dma_start3A_1477] : memref<147456x384xf32, #tpu.memory_space<hbm>> -> memref<64x384xf32, #tpu.memory_space<hbm>>
    %dma_start3A_1479 = arith.constant 0 : i32
    %dma_start3A_1480 = arith.constant 0 : i32
    %dma_start3A_1481 = tpu.memref_slice %arg4[%arg1, %dma_start3A_1479, %dma_start3A_1480] : memref<16x64x384xf32, #tpu.memory_space<vmem_shared>> -> memref<1x64x384xf32, #tpu.memory_space<vmem_shared>>
    %dma_start3A_1482 = tpu.memref_squeeze %dma_start3A_1481 : memref<1x64x384xf32, #tpu.memory_space<vmem_shared>> -> memref<64x384xf32, #tpu.memory_space<vmem_shared>>
    tpu.enqueue_dma source(%dma_start3A_1482 : memref<64x384xf32, #tpu.memory_space<vmem_shared>>) target(%dma_start3A_1478 : memref<64x384xf32, #tpu.memory_space<hbm>>) target_semaphore(%arg10 : memref<!tpu.dma_semaphore, #tpu.memory_space<semaphore_mem>>)
    %dma_wait3A_1483 = arith.constant 0 : i32
    %dma_wait3A_1484 = tpu.memref_slice %arg2[%add3A_1416, %dma_wait3A_1483] : memref<147456x384xf32, #tpu.memory_space<hbm>> -> memref<64x384xf32, #tpu.memory_space<hbm>>
    %dma_wait3A_1485 = arith.constant 0 : i32
    %dma_wait3A_1486 = tpu.memref_slice %arg2[%add3A_1416, %dma_wait3A_1485] : memref<147456x384xf32, #tpu.memory_space<hbm>> -> memref<64x384xf32, #tpu.memory_space<hbm>>
    tpu.wait_dma2 semaphore(%arg12 : memref<!tpu.dma_semaphore, #tpu.memory_space<semaphore_mem>>) src(%dma_wait3A_1486 : memref<64x384xf32, #tpu.memory_space<hbm>>) dst(%arg6 : memref<64x384xf32, #tpu.memory_space<vmem>>)
    %add3A_1487 = arith.constant 3904 : i32
    %add3A_1488 = arith.addi %mul3A_2, %add3A_1487 : i32
    %dma_start3A_1489 = arith.constant 0 : i32
    %dma_start3A_1490 = tpu.memref_slice %arg3[%add3A_1488, %dma_start3A_1489] : memref<147456x384xf32, #tpu.memory_space<hbm>> -> memref<64x384xf32, #tpu.memory_space<hbm>>
    %dma_start3A_1491 = arith.constant 0 : i32
    %dma_start3A_1492 = tpu.memref_slice %arg3[%add3A_1488, %dma_start3A_1491] : memref<147456x384xf32, #tpu.memory_space<hbm>> -> memref<64x384xf32, #tpu.memory_space<hbm>>
    tpu.enqueue_dma source(%arg6 : memref<64x384xf32, #tpu.memory_space<vmem>>) target(%dma_start3A_1492 : memref<64x384xf32, #tpu.memory_space<hbm>>) target_semaphore(%arg14 : memref<!tpu.dma_semaphore, #tpu.memory_space<semaphore_mem>>)
    %dma_wait3A_1493 = arith.constant 0 : i32
    %dma_wait3A_1494 = tpu.memref_slice %arg3[%add3A_1476, %dma_wait3A_1493] : memref<147456x384xf32, #tpu.memory_space<hbm>> -> memref<64x384xf32, #tpu.memory_space<hbm>>
    %dma_wait3A_1495 = arith.constant 0 : i32
    %dma_wait3A_1496 = arith.constant 0 : i32
    %dma_wait3A_1497 = tpu.memref_slice %arg4[%arg1, %dma_wait3A_1495, %dma_wait3A_1496] : memref<16x64x384xf32, #tpu.memory_space<vmem_shared>> -> memref<1x64x384xf32, #tpu.memory_space<vmem_shared>>
    %dma_wait3A_1498 = tpu.memref_squeeze %dma_wait3A_1497 : memref<1x64x384xf32, #tpu.memory_space<vmem_shared>> -> memref<64x384xf32, #tpu.memory_space<vmem_shared>>
    tpu.wait_dma2 semaphore(%arg10 : memref<!tpu.dma_semaphore, #tpu.memory_space<semaphore_mem>>) src(%dma_wait3A_1498 : memref<64x384xf32, #tpu.memory_space<vmem_shared>>) dst(%dma_wait3A_1494 : memref<64x384xf32, #tpu.memory_space<hbm>>)
    %add3A_1499 = arith.constant 4096 : i32
    %add3A_1500 = arith.addi %mul3A_2, %add3A_1499 : i32
    %dma_start3A_1501 = arith.constant 0 : i32
    %dma_start3A_1502 = arith.constant 0 : i32
    %dma_start3A_1503 = tpu.memref_slice %arg4[%arg1, %dma_start3A_1501, %dma_start3A_1502] : memref<16x64x384xf32, #tpu.memory_space<vmem_shared>> -> memref<1x64x384xf32, #tpu.memory_space<vmem_shared>>
    %dma_start3A_1504 = tpu.memref_squeeze %dma_start3A_1503 : memref<1x64x384xf32, #tpu.memory_space<vmem_shared>> -> memref<64x384xf32, #tpu.memory_space<vmem_shared>>
    %dma_start3A_1505 = arith.constant 0 : i32
    %dma_start3A_1506 = tpu.memref_slice %arg2[%add3A_1500, %dma_start3A_1505] : memref<147456x384xf32, #tpu.memory_space<hbm>> -> memref<64x384xf32, #tpu.memory_space<hbm>>
    tpu.enqueue_dma source(%dma_start3A_1506 : memref<64x384xf32, #tpu.memory_space<hbm>>) target(%dma_start3A_1504 : memref<64x384xf32, #tpu.memory_space<vmem_shared>>) target_semaphore(%arg8 : memref<!tpu.dma_semaphore, #tpu.memory_space<semaphore_mem>>)
    %dma_wait3A_1507 = arith.constant 0 : i32
    %dma_wait3A_1508 = tpu.memref_slice %arg3[%add3A_1488, %dma_wait3A_1507] : memref<147456x384xf32, #tpu.memory_space<hbm>> -> memref<64x384xf32, #tpu.memory_space<hbm>>
    %dma_wait3A_1509 = arith.constant 0 : i32
    %dma_wait3A_1510 = tpu.memref_slice %arg3[%add3A_1488, %dma_wait3A_1509] : memref<147456x384xf32, #tpu.memory_space<hbm>> -> memref<64x384xf32, #tpu.memory_space<hbm>>
    tpu.wait_dma2 semaphore(%arg14 : memref<!tpu.dma_semaphore, #tpu.memory_space<semaphore_mem>>) src(%arg6 : memref<64x384xf32, #tpu.memory_space<vmem>>) dst(%dma_wait3A_1510 : memref<64x384xf32, #tpu.memory_space<hbm>>)
    %add3A_1511 = arith.constant 4160 : i32
    %add3A_1512 = arith.addi %mul3A_2, %add3A_1511 : i32
    %dma_start3A_1513 = arith.constant 0 : i32
    %dma_start3A_1514 = tpu.memref_slice %arg2[%add3A_1512, %dma_start3A_1513] : memref<147456x384xf32, #tpu.memory_space<hbm>> -> memref<64x384xf32, #tpu.memory_space<hbm>>
    %dma_start3A_1515 = arith.constant 0 : i32
    %dma_start3A_1516 = tpu.memref_slice %arg2[%add3A_1512, %dma_start3A_1515] : memref<147456x384xf32, #tpu.memory_space<hbm>> -> memref<64x384xf32, #tpu.memory_space<hbm>>
    tpu.enqueue_dma source(%dma_start3A_1516 : memref<64x384xf32, #tpu.memory_space<hbm>>) target(%arg6 : memref<64x384xf32, #tpu.memory_space<vmem>>) target_semaphore(%arg12 : memref<!tpu.dma_semaphore, #tpu.memory_space<semaphore_mem>>)
    %dma_wait3A_1517 = arith.constant 0 : i32
    %dma_wait3A_1518 = arith.constant 0 : i32
    %dma_wait3A_1519 = tpu.memref_slice %arg5[%arg1, %dma_wait3A_1517, %dma_wait3A_1518] : memref<16x64x384xf32, #tpu.memory_space<vmem_shared>> -> memref<1x64x384xf32, #tpu.memory_space<vmem_shared>>
    %dma_wait3A_1520 = tpu.memref_squeeze %dma_wait3A_1519 : memref<1x64x384xf32, #tpu.memory_space<vmem_shared>> -> memref<64x384xf32, #tpu.memory_space<vmem_shared>>
    %dma_wait3A_1521 = arith.constant 0 : i32
    %dma_wait3A_1522 = tpu.memref_slice %arg2[%add3A_1452, %dma_wait3A_1521] : memref<147456x384xf32, #tpu.memory_space<hbm>> -> memref<64x384xf32, #tpu.memory_space<hbm>>
    tpu.wait_dma2 semaphore(%arg9 : memref<!tpu.dma_semaphore, #tpu.memory_space<semaphore_mem>>) src(%dma_wait3A_1522 : memref<64x384xf32, #tpu.memory_space<hbm>>) dst(%dma_wait3A_1520 : memref<64x384xf32, #tpu.memory_space<vmem_shared>>)
    %add3A_1523 = arith.constant 3968 : i32
    %add3A_1524 = arith.addi %mul3A_2, %add3A_1523 : i32
    %dma_start3A_1525 = arith.constant 0 : i32
    %dma_start3A_1526 = tpu.memref_slice %arg3[%add3A_1524, %dma_start3A_1525] : memref<147456x384xf32, #tpu.memory_space<hbm>> -> memref<64x384xf32, #tpu.memory_space<hbm>>
    %dma_start3A_1527 = arith.constant 0 : i32
    %dma_start3A_1528 = arith.constant 0 : i32
    %dma_start3A_1529 = tpu.memref_slice %arg5[%arg1, %dma_start3A_1527, %dma_start3A_1528] : memref<16x64x384xf32, #tpu.memory_space<vmem_shared>> -> memref<1x64x384xf32, #tpu.memory_space<vmem_shared>>
    %dma_start3A_1530 = tpu.memref_squeeze %dma_start3A_1529 : memref<1x64x384xf32, #tpu.memory_space<vmem_shared>> -> memref<64x384xf32, #tpu.memory_space<vmem_shared>>
    tpu.enqueue_dma source(%dma_start3A_1530 : memref<64x384xf32, #tpu.memory_space<vmem_shared>>) target(%dma_start3A_1526 : memref<64x384xf32, #tpu.memory_space<hbm>>) target_semaphore(%arg11 : memref<!tpu.dma_semaphore, #tpu.memory_space<semaphore_mem>>)
    %dma_wait3A_1531 = arith.constant 0 : i32
    %dma_wait3A_1532 = tpu.memref_slice %arg2[%add3A_1464, %dma_wait3A_1531] : memref<147456x384xf32, #tpu.memory_space<hbm>> -> memref<64x384xf32, #tpu.memory_space<hbm>>
    %dma_wait3A_1533 = arith.constant 0 : i32
    %dma_wait3A_1534 = tpu.memref_slice %arg2[%add3A_1464, %dma_wait3A_1533] : memref<147456x384xf32, #tpu.memory_space<hbm>> -> memref<64x384xf32, #tpu.memory_space<hbm>>
    tpu.wait_dma2 semaphore(%arg13 : memref<!tpu.dma_semaphore, #tpu.memory_space<semaphore_mem>>) src(%dma_wait3A_1534 : memref<64x384xf32, #tpu.memory_space<hbm>>) dst(%arg7 : memref<64x384xf32, #tpu.memory_space<vmem>>)
    %add3A_1535 = arith.constant 4032 : i32
    %add3A_1536 = arith.addi %mul3A_2, %add3A_1535 : i32
    %dma_start3A_1537 = arith.constant 0 : i32
    %dma_start3A_1538 = tpu.memref_slice %arg3[%add3A_1536, %dma_start3A_1537] : memref<147456x384xf32, #tpu.memory_space<hbm>> -> memref<64x384xf32, #tpu.memory_space<hbm>>
    %dma_start3A_1539 = arith.constant 0 : i32
    %dma_start3A_1540 = tpu.memref_slice %arg3[%add3A_1536, %dma_start3A_1539] : memref<147456x384xf32, #tpu.memory_space<hbm>> -> memref<64x384xf32, #tpu.memory_space<hbm>>
    tpu.enqueue_dma source(%arg7 : memref<64x384xf32, #tpu.memory_space<vmem>>) target(%dma_start3A_1540 : memref<64x384xf32, #tpu.memory_space<hbm>>) target_semaphore(%arg15 : memref<!tpu.dma_semaphore, #tpu.memory_space<semaphore_mem>>)
    %dma_wait3A_1541 = arith.constant 0 : i32
    %dma_wait3A_1542 = tpu.memref_slice %arg3[%add3A_1524, %dma_wait3A_1541] : memref<147456x384xf32, #tpu.memory_space<hbm>> -> memref<64x384xf32, #tpu.memory_space<hbm>>
    %dma_wait3A_1543 = arith.constant 0 : i32
    %dma_wait3A_1544 = arith.constant 0 : i32
    %dma_wait3A_1545 = tpu.memref_slice %arg5[%arg1, %dma_wait3A_1543, %dma_wait3A_1544] : memref<16x64x384xf32, #tpu.memory_space<vmem_shared>> -> memref<1x64x384xf32, #tpu.memory_space<vmem_shared>>
    %dma_wait3A_1546 = tpu.memref_squeeze %dma_wait3A_1545 : memref<1x64x384xf32, #tpu.memory_space<vmem_shared>> -> memref<64x384xf32, #tpu.memory_space<vmem_shared>>
    tpu.wait_dma2 semaphore(%arg11 : memref<!tpu.dma_semaphore, #tpu.memory_space<semaphore_mem>>) src(%dma_wait3A_1546 : memref<64x384xf32, #tpu.memory_space<vmem_shared>>) dst(%dma_wait3A_1542 : memref<64x384xf32, #tpu.memory_space<hbm>>)
    %add3A_1547 = arith.constant 4224 : i32
    %add3A_1548 = arith.addi %mul3A_2, %add3A_1547 : i32
    %dma_start3A_1549 = arith.constant 0 : i32
    %dma_start3A_1550 = arith.constant 0 : i32
    %dma_start3A_1551 = tpu.memref_slice %arg5[%arg1, %dma_start3A_1549, %dma_start3A_1550] : memref<16x64x384xf32, #tpu.memory_space<vmem_shared>> -> memref<1x64x384xf32, #tpu.memory_space<vmem_shared>>
    %dma_start3A_1552 = tpu.memref_squeeze %dma_start3A_1551 : memref<1x64x384xf32, #tpu.memory_space<vmem_shared>> -> memref<64x384xf32, #tpu.memory_space<vmem_shared>>
    %dma_start3A_1553 = arith.constant 0 : i32
    %dma_start3A_1554 = tpu.memref_slice %arg2[%add3A_1548, %dma_start3A_1553] : memref<147456x384xf32, #tpu.memory_space<hbm>> -> memref<64x384xf32, #tpu.memory_space<hbm>>
    tpu.enqueue_dma source(%dma_start3A_1554 : memref<64x384xf32, #tpu.memory_space<hbm>>) target(%dma_start3A_1552 : memref<64x384xf32, #tpu.memory_space<vmem_shared>>) target_semaphore(%arg9 : memref<!tpu.dma_semaphore, #tpu.memory_space<semaphore_mem>>)
    %dma_wait3A_1555 = arith.constant 0 : i32
    %dma_wait3A_1556 = tpu.memref_slice %arg3[%add3A_1536, %dma_wait3A_1555] : memref<147456x384xf32, #tpu.memory_space<hbm>> -> memref<64x384xf32, #tpu.memory_space<hbm>>
    %dma_wait3A_1557 = arith.constant 0 : i32
    %dma_wait3A_1558 = tpu.memref_slice %arg3[%add3A_1536, %dma_wait3A_1557] : memref<147456x384xf32, #tpu.memory_space<hbm>> -> memref<64x384xf32, #tpu.memory_space<hbm>>
    tpu.wait_dma2 semaphore(%arg15 : memref<!tpu.dma_semaphore, #tpu.memory_space<semaphore_mem>>) src(%arg7 : memref<64x384xf32, #tpu.memory_space<vmem>>) dst(%dma_wait3A_1558 : memref<64x384xf32, #tpu.memory_space<hbm>>)
    %add3A_1559 = arith.constant 4288 : i32
    %add3A_1560 = arith.addi %mul3A_2, %add3A_1559 : i32
    %dma_start3A_1561 = arith.constant 0 : i32
    %dma_start3A_1562 = tpu.memref_slice %arg2[%add3A_1560, %dma_start3A_1561] : memref<147456x384xf32, #tpu.memory_space<hbm>> -> memref<64x384xf32, #tpu.memory_space<hbm>>
    %dma_start3A_1563 = arith.constant 0 : i32
    %dma_start3A_1564 = tpu.memref_slice %arg2[%add3A_1560, %dma_start3A_1563] : memref<147456x384xf32, #tpu.memory_space<hbm>> -> memref<64x384xf32, #tpu.memory_space<hbm>>
    tpu.enqueue_dma source(%dma_start3A_1564 : memref<64x384xf32, #tpu.memory_space<hbm>>) target(%arg7 : memref<64x384xf32, #tpu.memory_space<vmem>>) target_semaphore(%arg13 : memref<!tpu.dma_semaphore, #tpu.memory_space<semaphore_mem>>)
    %dma_wait3A_1565 = arith.constant 0 : i32
    %dma_wait3A_1566 = arith.constant 0 : i32
    %dma_wait3A_1567 = tpu.memref_slice %arg4[%arg1, %dma_wait3A_1565, %dma_wait3A_1566] : memref<16x64x384xf32, #tpu.memory_space<vmem_shared>> -> memref<1x64x384xf32, #tpu.memory_space<vmem_shared>>
    %dma_wait3A_1568 = tpu.memref_squeeze %dma_wait3A_1567 : memref<1x64x384xf32, #tpu.memory_space<vmem_shared>> -> memref<64x384xf32, #tpu.memory_space<vmem_shared>>
    %dma_wait3A_1569 = arith.constant 0 : i32
    %dma_wait3A_1570 = tpu.memref_slice %arg2[%add3A_1500, %dma_wait3A_1569] : memref<147456x384xf32, #tpu.memory_space<hbm>> -> memref<64x384xf32, #tpu.memory_space<hbm>>
    tpu.wait_dma2 semaphore(%arg8 : memref<!tpu.dma_semaphore, #tpu.memory_space<semaphore_mem>>) src(%dma_wait3A_1570 : memref<64x384xf32, #tpu.memory_space<hbm>>) dst(%dma_wait3A_1568 : memref<64x384xf32, #tpu.memory_space<vmem_shared>>)
    %add3A_1571 = arith.constant 4096 : i32
    %add3A_1572 = arith.addi %mul3A_2, %add3A_1571 : i32
    %dma_start3A_1573 = arith.constant 0 : i32
    %dma_start3A_1574 = tpu.memref_slice %arg3[%add3A_1572, %dma_start3A_1573] : memref<147456x384xf32, #tpu.memory_space<hbm>> -> memref<64x384xf32, #tpu.memory_space<hbm>>
    %dma_start3A_1575 = arith.constant 0 : i32
    %dma_start3A_1576 = arith.constant 0 : i32
    %dma_start3A_1577 = tpu.memref_slice %arg4[%arg1, %dma_start3A_1575, %dma_start3A_1576] : memref<16x64x384xf32, #tpu.memory_space<vmem_shared>> -> memref<1x64x384xf32, #tpu.memory_space<vmem_shared>>
    %dma_start3A_1578 = tpu.memref_squeeze %dma_start3A_1577 : memref<1x64x384xf32, #tpu.memory_space<vmem_shared>> -> memref<64x384xf32, #tpu.memory_space<vmem_shared>>
    tpu.enqueue_dma source(%dma_start3A_1578 : memref<64x384xf32, #tpu.memory_space<vmem_shared>>) target(%dma_start3A_1574 : memref<64x384xf32, #tpu.memory_space<hbm>>) target_semaphore(%arg10 : memref<!tpu.dma_semaphore, #tpu.memory_space<semaphore_mem>>)
    %dma_wait3A_1579 = arith.constant 0 : i32
    %dma_wait3A_1580 = tpu.memref_slice %arg2[%add3A_1512, %dma_wait3A_1579] : memref<147456x384xf32, #tpu.memory_space<hbm>> -> memref<64x384xf32, #tpu.memory_space<hbm>>
    %dma_wait3A_1581 = arith.constant 0 : i32
    %dma_wait3A_1582 = tpu.memref_slice %arg2[%add3A_1512, %dma_wait3A_1581] : memref<147456x384xf32, #tpu.memory_space<hbm>> -> memref<64x384xf32, #tpu.memory_space<hbm>>
    tpu.wait_dma2 semaphore(%arg12 : memref<!tpu.dma_semaphore, #tpu.memory_space<semaphore_mem>>) src(%dma_wait3A_1582 : memref<64x384xf32, #tpu.memory_space<hbm>>) dst(%arg6 : memref<64x384xf32, #tpu.memory_space<vmem>>)
    %add3A_1583 = arith.constant 4160 : i32
    %add3A_1584 = arith.addi %mul3A_2, %add3A_1583 : i32
    %dma_start3A_1585 = arith.constant 0 : i32
    %dma_start3A_1586 = tpu.memref_slice %arg3[%add3A_1584, %dma_start3A_1585] : memref<147456x384xf32, #tpu.memory_space<hbm>> -> memref<64x384xf32, #tpu.memory_space<hbm>>
    %dma_start3A_1587 = arith.constant 0 : i32
    %dma_start3A_1588 = tpu.memref_slice %arg3[%add3A_1584, %dma_start3A_1587] : memref<147456x384xf32, #tpu.memory_space<hbm>> -> memref<64x384xf32, #tpu.memory_space<hbm>>
    tpu.enqueue_dma source(%arg6 : memref<64x384xf32, #tpu.memory_space<vmem>>) target(%dma_start3A_1588 : memref<64x384xf32, #tpu.memory_space<hbm>>) target_semaphore(%arg14 : memref<!tpu.dma_semaphore, #tpu.memory_space<semaphore_mem>>)
    %dma_wait3A_1589 = arith.constant 0 : i32
    %dma_wait3A_1590 = tpu.memref_slice %arg3[%add3A_1572, %dma_wait3A_1589] : memref<147456x384xf32, #tpu.memory_space<hbm>> -> memref<64x384xf32, #tpu.memory_space<hbm>>
    %dma_wait3A_1591 = arith.constant 0 : i32
    %dma_wait3A_1592 = arith.constant 0 : i32
    %dma_wait3A_1593 = tpu.memref_slice %arg4[%arg1, %dma_wait3A_1591, %dma_wait3A_1592] : memref<16x64x384xf32, #tpu.memory_space<vmem_shared>> -> memref<1x64x384xf32, #tpu.memory_space<vmem_shared>>
    %dma_wait3A_1594 = tpu.memref_squeeze %dma_wait3A_1593 : memref<1x64x384xf32, #tpu.memory_space<vmem_shared>> -> memref<64x384xf32, #tpu.memory_space<vmem_shared>>
    tpu.wait_dma2 semaphore(%arg10 : memref<!tpu.dma_semaphore, #tpu.memory_space<semaphore_mem>>) src(%dma_wait3A_1594 : memref<64x384xf32, #tpu.memory_space<vmem_shared>>) dst(%dma_wait3A_1590 : memref<64x384xf32, #tpu.memory_space<hbm>>)
    %add3A_1595 = arith.constant 4352 : i32
    %add3A_1596 = arith.addi %mul3A_2, %add3A_1595 : i32
    %dma_start3A_1597 = arith.constant 0 : i32
    %dma_start3A_1598 = arith.constant 0 : i32
    %dma_start3A_1599 = tpu.memref_slice %arg4[%arg1, %dma_start3A_1597, %dma_start3A_1598] : memref<16x64x384xf32, #tpu.memory_space<vmem_shared>> -> memref<1x64x384xf32, #tpu.memory_space<vmem_shared>>
    %dma_start3A_1600 = tpu.memref_squeeze %dma_start3A_1599 : memref<1x64x384xf32, #tpu.memory_space<vmem_shared>> -> memref<64x384xf32, #tpu.memory_space<vmem_shared>>
    %dma_start3A_1601 = arith.constant 0 : i32
    %dma_start3A_1602 = tpu.memref_slice %arg2[%add3A_1596, %dma_start3A_1601] : memref<147456x384xf32, #tpu.memory_space<hbm>> -> memref<64x384xf32, #tpu.memory_space<hbm>>
    tpu.enqueue_dma source(%dma_start3A_1602 : memref<64x384xf32, #tpu.memory_space<hbm>>) target(%dma_start3A_1600 : memref<64x384xf32, #tpu.memory_space<vmem_shared>>) target_semaphore(%arg8 : memref<!tpu.dma_semaphore, #tpu.memory_space<semaphore_mem>>)
    %dma_wait3A_1603 = arith.constant 0 : i32
    %dma_wait3A_1604 = tpu.memref_slice %arg3[%add3A_1584, %dma_wait3A_1603] : memref<147456x384xf32, #tpu.memory_space<hbm>> -> memref<64x384xf32, #tpu.memory_space<hbm>>
    %dma_wait3A_1605 = arith.constant 0 : i32
    %dma_wait3A_1606 = tpu.memref_slice %arg3[%add3A_1584, %dma_wait3A_1605] : memref<147456x384xf32, #tpu.memory_space<hbm>> -> memref<64x384xf32, #tpu.memory_space<hbm>>
    tpu.wait_dma2 semaphore(%arg14 : memref<!tpu.dma_semaphore, #tpu.memory_space<semaphore_mem>>) src(%arg6 : memref<64x384xf32, #tpu.memory_space<vmem>>) dst(%dma_wait3A_1606 : memref<64x384xf32, #tpu.memory_space<hbm>>)
    %add3A_1607 = arith.constant 4416 : i32
    %add3A_1608 = arith.addi %mul3A_2, %add3A_1607 : i32
    %dma_start3A_1609 = arith.constant 0 : i32
    %dma_start3A_1610 = tpu.memref_slice %arg2[%add3A_1608, %dma_start3A_1609] : memref<147456x384xf32, #tpu.memory_space<hbm>> -> memref<64x384xf32, #tpu.memory_space<hbm>>
    %dma_start3A_1611 = arith.constant 0 : i32
    %dma_start3A_1612 = tpu.memref_slice %arg2[%add3A_1608, %dma_start3A_1611] : memref<147456x384xf32, #tpu.memory_space<hbm>> -> memref<64x384xf32, #tpu.memory_space<hbm>>
    tpu.enqueue_dma source(%dma_start3A_1612 : memref<64x384xf32, #tpu.memory_space<hbm>>) target(%arg6 : memref<64x384xf32, #tpu.memory_space<vmem>>) target_semaphore(%arg12 : memref<!tpu.dma_semaphore, #tpu.memory_space<semaphore_mem>>)
    %dma_wait3A_1613 = arith.constant 0 : i32
    %dma_wait3A_1614 = arith.constant 0 : i32
    %dma_wait3A_1615 = tpu.memref_slice %arg5[%arg1, %dma_wait3A_1613, %dma_wait3A_1614] : memref<16x64x384xf32, #tpu.memory_space<vmem_shared>> -> memref<1x64x384xf32, #tpu.memory_space<vmem_shared>>
    %dma_wait3A_1616 = tpu.memref_squeeze %dma_wait3A_1615 : memref<1x64x384xf32, #tpu.memory_space<vmem_shared>> -> memref<64x384xf32, #tpu.memory_space<vmem_shared>>
    %dma_wait3A_1617 = arith.constant 0 : i32
    %dma_wait3A_1618 = tpu.memref_slice %arg2[%add3A_1548, %dma_wait3A_1617] : memref<147456x384xf32, #tpu.memory_space<hbm>> -> memref<64x384xf32, #tpu.memory_space<hbm>>
    tpu.wait_dma2 semaphore(%arg9 : memref<!tpu.dma_semaphore, #tpu.memory_space<semaphore_mem>>) src(%dma_wait3A_1618 : memref<64x384xf32, #tpu.memory_space<hbm>>) dst(%dma_wait3A_1616 : memref<64x384xf32, #tpu.memory_space<vmem_shared>>)
    %add3A_1619 = arith.constant 4224 : i32
    %add3A_1620 = arith.addi %mul3A_2, %add3A_1619 : i32
    %dma_start3A_1621 = arith.constant 0 : i32
    %dma_start3A_1622 = tpu.memref_slice %arg3[%add3A_1620, %dma_start3A_1621] : memref<147456x384xf32, #tpu.memory_space<hbm>> -> memref<64x384xf32, #tpu.memory_space<hbm>>
    %dma_start3A_1623 = arith.constant 0 : i32
    %dma_start3A_1624 = arith.constant 0 : i32
    %dma_start3A_1625 = tpu.memref_slice %arg5[%arg1, %dma_start3A_1623, %dma_start3A_1624] : memref<16x64x384xf32, #tpu.memory_space<vmem_shared>> -> memref<1x64x384xf32, #tpu.memory_space<vmem_shared>>
    %dma_start3A_1626 = tpu.memref_squeeze %dma_start3A_1625 : memref<1x64x384xf32, #tpu.memory_space<vmem_shared>> -> memref<64x384xf32, #tpu.memory_space<vmem_shared>>
    tpu.enqueue_dma source(%dma_start3A_1626 : memref<64x384xf32, #tpu.memory_space<vmem_shared>>) target(%dma_start3A_1622 : memref<64x384xf32, #tpu.memory_space<hbm>>) target_semaphore(%arg11 : memref<!tpu.dma_semaphore, #tpu.memory_space<semaphore_mem>>)
    %dma_wait3A_1627 = arith.constant 0 : i32
    %dma_wait3A_1628 = tpu.memref_slice %arg2[%add3A_1560, %dma_wait3A_1627] : memref<147456x384xf32, #tpu.memory_space<hbm>> -> memref<64x384xf32, #tpu.memory_space<hbm>>
    %dma_wait3A_1629 = arith.constant 0 : i32
    %dma_wait3A_1630 = tpu.memref_slice %arg2[%add3A_1560, %dma_wait3A_1629] : memref<147456x384xf32, #tpu.memory_space<hbm>> -> memref<64x384xf32, #tpu.memory_space<hbm>>
    tpu.wait_dma2 semaphore(%arg13 : memref<!tpu.dma_semaphore, #tpu.memory_space<semaphore_mem>>) src(%dma_wait3A_1630 : memref<64x384xf32, #tpu.memory_space<hbm>>) dst(%arg7 : memref<64x384xf32, #tpu.memory_space<vmem>>)
    %add3A_1631 = arith.constant 4288 : i32
    %add3A_1632 = arith.addi %mul3A_2, %add3A_1631 : i32
    %dma_start3A_1633 = arith.constant 0 : i32
    %dma_start3A_1634 = tpu.memref_slice %arg3[%add3A_1632, %dma_start3A_1633] : memref<147456x384xf32, #tpu.memory_space<hbm>> -> memref<64x384xf32, #tpu.memory_space<hbm>>
    %dma_start3A_1635 = arith.constant 0 : i32
    %dma_start3A_1636 = tpu.memref_slice %arg3[%add3A_1632, %dma_start3A_1635] : memref<147456x384xf32, #tpu.memory_space<hbm>> -> memref<64x384xf32, #tpu.memory_space<hbm>>
    tpu.enqueue_dma source(%arg7 : memref<64x384xf32, #tpu.memory_space<vmem>>) target(%dma_start3A_1636 : memref<64x384xf32, #tpu.memory_space<hbm>>) target_semaphore(%arg15 : memref<!tpu.dma_semaphore, #tpu.memory_space<semaphore_mem>>)
    %dma_wait3A_1637 = arith.constant 0 : i32
    %dma_wait3A_1638 = tpu.memref_slice %arg3[%add3A_1620, %dma_wait3A_1637] : memref<147456x384xf32, #tpu.memory_space<hbm>> -> memref<64x384xf32, #tpu.memory_space<hbm>>
    %dma_wait3A_1639 = arith.constant 0 : i32
    %dma_wait3A_1640 = arith.constant 0 : i32
    %dma_wait3A_1641 = tpu.memref_slice %arg5[%arg1, %dma_wait3A_1639, %dma_wait3A_1640] : memref<16x64x384xf32, #tpu.memory_space<vmem_shared>> -> memref<1x64x384xf32, #tpu.memory_space<vmem_shared>>
    %dma_wait3A_1642 = tpu.memref_squeeze %dma_wait3A_1641 : memref<1x64x384xf32, #tpu.memory_space<vmem_shared>> -> memref<64x384xf32, #tpu.memory_space<vmem_shared>>
    tpu.wait_dma2 semaphore(%arg11 : memref<!tpu.dma_semaphore, #tpu.memory_space<semaphore_mem>>) src(%dma_wait3A_1642 : memref<64x384xf32, #tpu.memory_space<vmem_shared>>) dst(%dma_wait3A_1638 : memref<64x384xf32, #tpu.memory_space<hbm>>)
    %add3A_1643 = arith.constant 4480 : i32
    %add3A_1644 = arith.addi %mul3A_2, %add3A_1643 : i32
    %dma_start3A_1645 = arith.constant 0 : i32
    %dma_start3A_1646 = arith.constant 0 : i32
    %dma_start3A_1647 = tpu.memref_slice %arg5[%arg1, %dma_start3A_1645, %dma_start3A_1646] : memref<16x64x384xf32, #tpu.memory_space<vmem_shared>> -> memref<1x64x384xf32, #tpu.memory_space<vmem_shared>>
    %dma_start3A_1648 = tpu.memref_squeeze %dma_start3A_1647 : memref<1x64x384xf32, #tpu.memory_space<vmem_shared>> -> memref<64x384xf32, #tpu.memory_space<vmem_shared>>
    %dma_start3A_1649 = arith.constant 0 : i32
    %dma_start3A_1650 = tpu.memref_slice %arg2[%add3A_1644, %dma_start3A_1649] : memref<147456x384xf32, #tpu.memory_space<hbm>> -> memref<64x384xf32, #tpu.memory_space<hbm>>
    tpu.enqueue_dma source(%dma_start3A_1650 : memref<64x384xf32, #tpu.memory_space<hbm>>) target(%dma_start3A_1648 : memref<64x384xf32, #tpu.memory_space<vmem_shared>>) target_semaphore(%arg9 : memref<!tpu.dma_semaphore, #tpu.memory_space<semaphore_mem>>)
    %dma_wait3A_1651 = arith.constant 0 : i32
    %dma_wait3A_1652 = tpu.memref_slice %arg3[%add3A_1632, %dma_wait3A_1651] : memref<147456x384xf32, #tpu.memory_space<hbm>> -> memref<64x384xf32, #tpu.memory_space<hbm>>
    %dma_wait3A_1653 = arith.constant 0 : i32
    %dma_wait3A_1654 = tpu.memref_slice %arg3[%add3A_1632, %dma_wait3A_1653] : memref<147456x384xf32, #tpu.memory_space<hbm>> -> memref<64x384xf32, #tpu.memory_space<hbm>>
    tpu.wait_dma2 semaphore(%arg15 : memref<!tpu.dma_semaphore, #tpu.memory_space<semaphore_mem>>) src(%arg7 : memref<64x384xf32, #tpu.memory_space<vmem>>) dst(%dma_wait3A_1654 : memref<64x384xf32, #tpu.memory_space<hbm>>)
    %add3A_1655 = arith.constant 4544 : i32
    %add3A_1656 = arith.addi %mul3A_2, %add3A_1655 : i32
    %dma_start3A_1657 = arith.constant 0 : i32
    %dma_start3A_1658 = tpu.memref_slice %arg2[%add3A_1656, %dma_start3A_1657] : memref<147456x384xf32, #tpu.memory_space<hbm>> -> memref<64x384xf32, #tpu.memory_space<hbm>>
    %dma_start3A_1659 = arith.constant 0 : i32
    %dma_start3A_1660 = tpu.memref_slice %arg2[%add3A_1656, %dma_start3A_1659] : memref<147456x384xf32, #tpu.memory_space<hbm>> -> memref<64x384xf32, #tpu.memory_space<hbm>>
    tpu.enqueue_dma source(%dma_start3A_1660 : memref<64x384xf32, #tpu.memory_space<hbm>>) target(%arg7 : memref<64x384xf32, #tpu.memory_space<vmem>>) target_semaphore(%arg13 : memref<!tpu.dma_semaphore, #tpu.memory_space<semaphore_mem>>)
    %dma_wait3A_1661 = arith.constant 0 : i32
    %dma_wait3A_1662 = arith.constant 0 : i32
    %dma_wait3A_1663 = tpu.memref_slice %arg4[%arg1, %dma_wait3A_1661, %dma_wait3A_1662] : memref<16x64x384xf32, #tpu.memory_space<vmem_shared>> -> memref<1x64x384xf32, #tpu.memory_space<vmem_shared>>
    %dma_wait3A_1664 = tpu.memref_squeeze %dma_wait3A_1663 : memref<1x64x384xf32, #tpu.memory_space<vmem_shared>> -> memref<64x384xf32, #tpu.memory_space<vmem_shared>>
    %dma_wait3A_1665 = arith.constant 0 : i32
    %dma_wait3A_1666 = tpu.memref_slice %arg2[%add3A_1596, %dma_wait3A_1665] : memref<147456x384xf32, #tpu.memory_space<hbm>> -> memref<64x384xf32, #tpu.memory_space<hbm>>
    tpu.wait_dma2 semaphore(%arg8 : memref<!tpu.dma_semaphore, #tpu.memory_space<semaphore_mem>>) src(%dma_wait3A_1666 : memref<64x384xf32, #tpu.memory_space<hbm>>) dst(%dma_wait3A_1664 : memref<64x384xf32, #tpu.memory_space<vmem_shared>>)
    %add3A_1667 = arith.constant 4352 : i32
    %add3A_1668 = arith.addi %mul3A_2, %add3A_1667 : i32
    %dma_start3A_1669 = arith.constant 0 : i32
    %dma_start3A_1670 = tpu.memref_slice %arg3[%add3A_1668, %dma_start3A_1669] : memref<147456x384xf32, #tpu.memory_space<hbm>> -> memref<64x384xf32, #tpu.memory_space<hbm>>
    %dma_start3A_1671 = arith.constant 0 : i32
    %dma_start3A_1672 = arith.constant 0 : i32
    %dma_start3A_1673 = tpu.memref_slice %arg4[%arg1, %dma_start3A_1671, %dma_start3A_1672] : memref<16x64x384xf32, #tpu.memory_space<vmem_shared>> -> memref<1x64x384xf32, #tpu.memory_space<vmem_shared>>
    %dma_start3A_1674 = tpu.memref_squeeze %dma_start3A_1673 : memref<1x64x384xf32, #tpu.memory_space<vmem_shared>> -> memref<64x384xf32, #tpu.memory_space<vmem_shared>>
    tpu.enqueue_dma source(%dma_start3A_1674 : memref<64x384xf32, #tpu.memory_space<vmem_shared>>) target(%dma_start3A_1670 : memref<64x384xf32, #tpu.memory_space<hbm>>) target_semaphore(%arg10 : memref<!tpu.dma_semaphore, #tpu.memory_space<semaphore_mem>>)
    %dma_wait3A_1675 = arith.constant 0 : i32
    %dma_wait3A_1676 = tpu.memref_slice %arg2[%add3A_1608, %dma_wait3A_1675] : memref<147456x384xf32, #tpu.memory_space<hbm>> -> memref<64x384xf32, #tpu.memory_space<hbm>>
    %dma_wait3A_1677 = arith.constant 0 : i32
    %dma_wait3A_1678 = tpu.memref_slice %arg2[%add3A_1608, %dma_wait3A_1677] : memref<147456x384xf32, #tpu.memory_space<hbm>> -> memref<64x384xf32, #tpu.memory_space<hbm>>
    tpu.wait_dma2 semaphore(%arg12 : memref<!tpu.dma_semaphore, #tpu.memory_space<semaphore_mem>>) src(%dma_wait3A_1678 : memref<64x384xf32, #tpu.memory_space<hbm>>) dst(%arg6 : memref<64x384xf32, #tpu.memory_space<vmem>>)
    %add3A_1679 = arith.constant 4416 : i32
    %add3A_1680 = arith.addi %mul3A_2, %add3A_1679 : i32
    %dma_start3A_1681 = arith.constant 0 : i32
    %dma_start3A_1682 = tpu.memref_slice %arg3[%add3A_1680, %dma_start3A_1681] : memref<147456x384xf32, #tpu.memory_space<hbm>> -> memref<64x384xf32, #tpu.memory_space<hbm>>
    %dma_start3A_1683 = arith.constant 0 : i32
    %dma_start3A_1684 = tpu.memref_slice %arg3[%add3A_1680, %dma_start3A_1683] : memref<147456x384xf32, #tpu.memory_space<hbm>> -> memref<64x384xf32, #tpu.memory_space<hbm>>
    tpu.enqueue_dma source(%arg6 : memref<64x384xf32, #tpu.memory_space<vmem>>) target(%dma_start3A_1684 : memref<64x384xf32, #tpu.memory_space<hbm>>) target_semaphore(%arg14 : memref<!tpu.dma_semaphore, #tpu.memory_space<semaphore_mem>>)
    %dma_wait3A_1685 = arith.constant 0 : i32
    %dma_wait3A_1686 = arith.constant 0 : i32
    %dma_wait3A_1687 = tpu.memref_slice %arg5[%arg1, %dma_wait3A_1685, %dma_wait3A_1686] : memref<16x64x384xf32, #tpu.memory_space<vmem_shared>> -> memref<1x64x384xf32, #tpu.memory_space<vmem_shared>>
    %dma_wait3A_1688 = tpu.memref_squeeze %dma_wait3A_1687 : memref<1x64x384xf32, #tpu.memory_space<vmem_shared>> -> memref<64x384xf32, #tpu.memory_space<vmem_shared>>
    %dma_wait3A_1689 = arith.constant 0 : i32
    %dma_wait3A_1690 = tpu.memref_slice %arg2[%add3A_1644, %dma_wait3A_1689] : memref<147456x384xf32, #tpu.memory_space<hbm>> -> memref<64x384xf32, #tpu.memory_space<hbm>>
    tpu.wait_dma2 semaphore(%arg9 : memref<!tpu.dma_semaphore, #tpu.memory_space<semaphore_mem>>) src(%dma_wait3A_1690 : memref<64x384xf32, #tpu.memory_space<hbm>>) dst(%dma_wait3A_1688 : memref<64x384xf32, #tpu.memory_space<vmem_shared>>)
    %add3A_1691 = arith.constant 4480 : i32
    %add3A_1692 = arith.addi %mul3A_2, %add3A_1691 : i32
    %dma_start3A_1693 = arith.constant 0 : i32
    %dma_start3A_1694 = tpu.memref_slice %arg3[%add3A_1692, %dma_start3A_1693] : memref<147456x384xf32, #tpu.memory_space<hbm>> -> memref<64x384xf32, #tpu.memory_space<hbm>>
    %dma_start3A_1695 = arith.constant 0 : i32
    %dma_start3A_1696 = arith.constant 0 : i32
    %dma_start3A_1697 = tpu.memref_slice %arg5[%arg1, %dma_start3A_1695, %dma_start3A_1696] : memref<16x64x384xf32, #tpu.memory_space<vmem_shared>> -> memref<1x64x384xf32, #tpu.memory_space<vmem_shared>>
    %dma_start3A_1698 = tpu.memref_squeeze %dma_start3A_1697 : memref<1x64x384xf32, #tpu.memory_space<vmem_shared>> -> memref<64x384xf32, #tpu.memory_space<vmem_shared>>
    tpu.enqueue_dma source(%dma_start3A_1698 : memref<64x384xf32, #tpu.memory_space<vmem_shared>>) target(%dma_start3A_1694 : memref<64x384xf32, #tpu.memory_space<hbm>>) target_semaphore(%arg11 : memref<!tpu.dma_semaphore, #tpu.memory_space<semaphore_mem>>)
    %dma_wait3A_1699 = arith.constant 0 : i32
    %dma_wait3A_1700 = tpu.memref_slice %arg2[%add3A_1656, %dma_wait3A_1699] : memref<147456x384xf32, #tpu.memory_space<hbm>> -> memref<64x384xf32, #tpu.memory_space<hbm>>
    %dma_wait3A_1701 = arith.constant 0 : i32
    %dma_wait3A_1702 = tpu.memref_slice %arg2[%add3A_1656, %dma_wait3A_1701] : memref<147456x384xf32, #tpu.memory_space<hbm>> -> memref<64x384xf32, #tpu.memory_space<hbm>>
    tpu.wait_dma2 semaphore(%arg13 : memref<!tpu.dma_semaphore, #tpu.memory_space<semaphore_mem>>) src(%dma_wait3A_1702 : memref<64x384xf32, #tpu.memory_space<hbm>>) dst(%arg7 : memref<64x384xf32, #tpu.memory_space<vmem>>)
    %add3A_1703 = arith.constant 4544 : i32
    %add3A_1704 = arith.addi %mul3A_2, %add3A_1703 : i32
    %dma_start3A_1705 = arith.constant 0 : i32
    %dma_start3A_1706 = tpu.memref_slice %arg3[%add3A_1704, %dma_start3A_1705] : memref<147456x384xf32, #tpu.memory_space<hbm>> -> memref<64x384xf32, #tpu.memory_space<hbm>>
    %dma_start3A_1707 = arith.constant 0 : i32
    %dma_start3A_1708 = tpu.memref_slice %arg3[%add3A_1704, %dma_start3A_1707] : memref<147456x384xf32, #tpu.memory_space<hbm>> -> memref<64x384xf32, #tpu.memory_space<hbm>>
    tpu.enqueue_dma source(%arg7 : memref<64x384xf32, #tpu.memory_space<vmem>>) target(%dma_start3A_1708 : memref<64x384xf32, #tpu.memory_space<hbm>>) target_semaphore(%arg15 : memref<!tpu.dma_semaphore, #tpu.memory_space<semaphore_mem>>)
    %dma_wait3A_1709 = arith.constant 0 : i32
    %dma_wait3A_1710 = tpu.memref_slice %arg3[%add3A_1668, %dma_wait3A_1709] : memref<147456x384xf32, #tpu.memory_space<hbm>> -> memref<64x384xf32, #tpu.memory_space<hbm>>
    %dma_wait3A_1711 = arith.constant 0 : i32
    %dma_wait3A_1712 = arith.constant 0 : i32
    %dma_wait3A_1713 = tpu.memref_slice %arg4[%arg1, %dma_wait3A_1711, %dma_wait3A_1712] : memref<16x64x384xf32, #tpu.memory_space<vmem_shared>> -> memref<1x64x384xf32, #tpu.memory_space<vmem_shared>>
    %dma_wait3A_1714 = tpu.memref_squeeze %dma_wait3A_1713 : memref<1x64x384xf32, #tpu.memory_space<vmem_shared>> -> memref<64x384xf32, #tpu.memory_space<vmem_shared>>
    tpu.wait_dma2 semaphore(%arg10 : memref<!tpu.dma_semaphore, #tpu.memory_space<semaphore_mem>>) src(%dma_wait3A_1714 : memref<64x384xf32, #tpu.memory_space<vmem_shared>>) dst(%dma_wait3A_1710 : memref<64x384xf32, #tpu.memory_space<hbm>>)
    %dma_wait3A_1715 = arith.constant 0 : i32
    %dma_wait3A_1716 = tpu.memref_slice %arg3[%add3A_1692, %dma_wait3A_1715] : memref<147456x384xf32, #tpu.memory_space<hbm>> -> memref<64x384xf32, #tpu.memory_space<hbm>>
    %dma_wait3A_1717 = arith.constant 0 : i32
    %dma_wait3A_1718 = arith.constant 0 : i32
    %dma_wait3A_1719 = tpu.memref_slice %arg5[%arg1, %dma_wait3A_1717, %dma_wait3A_1718] : memref<16x64x384xf32, #tpu.memory_space<vmem_shared>> -> memref<1x64x384xf32, #tpu.memory_space<vmem_shared>>
    %dma_wait3A_1720 = tpu.memref_squeeze %dma_wait3A_1719 : memref<1x64x384xf32, #tpu.memory_space<vmem_shared>> -> memref<64x384xf32, #tpu.memory_space<vmem_shared>>
    tpu.wait_dma2 semaphore(%arg11 : memref<!tpu.dma_semaphore, #tpu.memory_space<semaphore_mem>>) src(%dma_wait3A_1720 : memref<64x384xf32, #tpu.memory_space<vmem_shared>>) dst(%dma_wait3A_1716 : memref<64x384xf32, #tpu.memory_space<hbm>>)
    %dma_wait3A_1721 = arith.constant 0 : i32
    %dma_wait3A_1722 = tpu.memref_slice %arg3[%add3A_1680, %dma_wait3A_1721] : memref<147456x384xf32, #tpu.memory_space<hbm>> -> memref<64x384xf32, #tpu.memory_space<hbm>>
    %dma_wait3A_1723 = arith.constant 0 : i32
    %dma_wait3A_1724 = tpu.memref_slice %arg3[%add3A_1680, %dma_wait3A_1723] : memref<147456x384xf32, #tpu.memory_space<hbm>> -> memref<64x384xf32, #tpu.memory_space<hbm>>
    tpu.wait_dma2 semaphore(%arg14 : memref<!tpu.dma_semaphore, #tpu.memory_space<semaphore_mem>>) src(%arg6 : memref<64x384xf32, #tpu.memory_space<vmem>>) dst(%dma_wait3A_1724 : memref<64x384xf32, #tpu.memory_space<hbm>>)
    %dma_wait3A_1725 = arith.constant 0 : i32
    %dma_wait3A_1726 = tpu.memref_slice %arg3[%add3A_1704, %dma_wait3A_1725] : memref<147456x384xf32, #tpu.memory_space<hbm>> -> memref<64x384xf32, #tpu.memory_space<hbm>>
    %dma_wait3A_1727 = arith.constant 0 : i32
    %dma_wait3A_1728 = tpu.memref_slice %arg3[%add3A_1704, %dma_wait3A_1727] : memref<147456x384xf32, #tpu.memory_space<hbm>> -> memref<64x384xf32, #tpu.memory_space<hbm>>
    tpu.wait_dma2 semaphore(%arg15 : memref<!tpu.dma_semaphore, #tpu.memory_space<semaphore_mem>>) src(%arg7 : memref<64x384xf32, #tpu.memory_space<vmem>>) dst(%dma_wait3A_1728 : memref<64x384xf32, #tpu.memory_space<hbm>>)
    return
  }
}

</mosaic_0001>

<sc_bundles>
// kernel: kernel.3.cloned.1.call-start
scs
__scs_entry_jumppad:
0x0: {  	(pc) =	sbr.rel $0x88, $3  }
0x1: {  	(tag) =	ssettag $0x0;
	lr =	simm.s32 $0x1  }
0x2: {  	[smem:$0x3FA0] =	sst lr;
	_ =	strace $0xD0000000  }
0x3: {  	_ = 	snop  }
0x4: {  	_ = 	snop  }
0x5: {  	_ = 	snop  }
0x6: {  	_ = 	snop  }
0x7: {  	_ = 	snop  }
__scs_overlays_trampoline_lowered:
0x8: {  	[smem:$0x3FAF] =	sst s0  }
0x9: {  	[smem:$0x3FB0] =	sst s1  }
0xa: {  	[smem:$0x3FB1] =	sst s2  }
0xb: {  	[smem:$0x3FB2] =	sst s3  }
0xc: {  	[smem:$0x3FB3] =	sst s4  }
0xd: {  	[smem:$0x3FB4] =	sst s5  }
0xe: {  	[smem:$0x3FB5] =	sst s6  }
0xf: {  	[smem:$0x3FB6] =	sst s7  }
0x10: {  	[smem:$0x3FB7] =	sst s8  }
0x11: {  	[smem:$0x3FB8] =	sst s9;
	s0 =	simm.s32 @!p0 $0x0  }
0x12: {  	s1 =	sld [smem:$0x3F9E];
	s0 =	simm.s32 @p0 $0x1  }
0x13: {  	[smem:$0x3FB9] =	sst s0;
	s0 =	simm.s32 @!p1 $0x0  }
0x14: {  	s2 =	sld [smem:$0x3F9D];
	s0 =	simm.s32 @p1 $0x1  }
0x15: {  	[smem:$0x3FBA] =	sst s0;
	s0 =	simm.s32 @!p2 $0x0  }
0x16: {  	s3 =	sld [smem:$0x3FDB];
	s0 =	simm.s32 @p2 $0x1  }
0x17: {  	s4 =	simm.s32 $0x1BF5;
	[smem:$0x3FBC] =	sst s0  }
0x18: {  	s0 =	sld [smem:$0x3F9F];
	_ =	swait.ge [sflag:s4], $0x0  }
0x19: {  	s7 =	sld [smem:$0x3FA0]  }
0x1a: {  	s8 =	sadd.s32 $0xFFFFE003, lr  }
0x1b: {  	s9 =	sadd.s32 $0xFFFFFEF7, lr;
	s5 =	simm.s32 $0xFFFFFFFF;
	p2 =	slt.u32 s8, $0xFFFFF086  }
0x1c: {  	p1 =	slt.u32 s9, $0xF7A;
	s5 =	simm.s32 @!p2 $0x0  }
0x1d: {  	s5 =	simm.s32 @p1 $0x1;
	p0 =	seq.s32 s7, s2  }
0x1e: {  	s7 =	smul.u32 @!p0 $0xF7A, s2;
	p2 =	seq.s32 @!p0 s5, $0x0  }
0x1f: {  	s9 =	smul.u32 $0xF7A, s1;
	s8 =	simm.s32 @!p0 $0x1BF5;
	p2 =	por !p2, p0  }
0x20: {  	[sflag:s8] =	ssyncset.s32 @!p0 $0xFFFFF086;
	s6 =	sadd.s32 @!p0 s3, s7;
	s7 =	simm.s32 @!p0 $0x108  }
0x21: {  	s3 =	sadd.s32 s3, s9;
	s6 =	sadd.s32 @!p0 $0x88, s6;
	s7 =	simm.s32 @p2 $0x1082  }
0x22: {  	[simem:s7], [sflag:s8] =	dma.local @!p0 [hbm:s6], $0xF7A  }
0x23: {  	s9 =	sor.u32 $0xD0000000, s2;
	s6 =	simm.s32 $0x108;
	_ =	swait.ge @!p0 [sflag:s8], $0x0  }
0x24: {  	s3 =	sadd.s32 $0x88, s3;
	s6 =	simm.s32 @!p1 $0x1082;
	[sflag:s4] =	ssyncset.s32 $0xFFFFF086  }
0x25: {  	[simem:s6], [sflag:s4] =	dma.local [hbm:s3], $0xF7A  }
0x26: {  	[smem:$0x3FA0] =	sst s1;
	(tag) =	ssettag s2;
	_ =	strace s9  }
0x27: {  	s1 =	sld [smem:$0x3FB0]  }
0x28: {  	s2 =	sld [smem:$0x3FB1]  }
0x29: {  	s4 =	sld [smem:$0x3FB3]  }
0x2a: {  	p0 =	seq.s32 s5, $0x0;
	s5 =	sld [smem:$0x3FB4]  }
0x2b: {  	s6 =	sld [smem:$0x3FB5]  }
0x2c: {  	s7 =	sld [smem:$0x3FB6]  }
0x2d: {  	s3 =	simm.s32 $0x108;
	s8 =	sld [smem:$0x3FB7]  }
0x2e: {  	s3 =	simm.s32 @!p0 $0x1082;
	s9 =	sld [smem:$0x3FB8]  }
0x2f: {  	lr =	sadd.s32 s0, s3;
	s0 =	sld [smem:$0x3FAF]  }
0x30: {  	s3 =	sld [smem:$0x3FB2]  }
0x31: {  	[smem:$0x3FBB] =	sst s10  }
0x32: {  	s10 =	sld [smem:$0x3FB9];
	_ =	sdelay $0x3  }
0x33: {  	p0 =	seq.s32 s10, $0x1;
	s10 =	sld [smem:$0x3FBB];
	_ =	sdelay $0x3  }
0x34: {  	[smem:$0x3FBB] =	sst s10  }
0x35: {  	s10 =	sld [smem:$0x3FBA];
	_ =	sdelay $0x3  }
0x36: {  	p1 =	seq.s32 s10, $0x1;
	s10 =	sld [smem:$0x3FBB];
	_ =	sdelay $0x3  }
0x37: {  	[smem:$0x3FBB] =	sst s10  }
0x38: {  	s10 =	sld [smem:$0x3FBC]  }
0x39: {  	_ = 	snop;
	(pc) =	sbr.ind lr, $3  }
0x3a: {  	_ = 	snop  }
0x3b: {  	_ = 	snop  }
0x3c: {  	p2 =	seq.s32 s10, $0x1;
	s10 =	sld [smem:$0x3FBB]  }
0x3d: {  	_ =	shalt  }
0x3e: {  	_ =	shalt  }
0x3f: {  	_ =	shalt  }
0x40: {  	_ =	shalt  }
0x41: {  	_ =	shalt  }
0x42: {  	_ =	shalt  }
0x43: {  	_ =	shalt  }
0x44: {  	_ =	shalt  }
0x45: {  	_ =	shalt  }
0x46: {  	_ =	shalt  }
0x47: {  	_ =	shalt  }
0x48: {  	_ =	shalt  }
0x49: {  	_ =	shalt  }
0x4a: {  	_ =	shalt  }
0x4b: {  	_ =	shalt  }
0x4c: {  	_ =	shalt  }
0x4d: {  	_ =	shalt  }
0x4e: {  	_ =	shalt  }
0x4f: {  	_ =	shalt  }
0x50: {  	_ =	shalt  }
0x51: {  	_ =	shalt  }
0x52: {  	_ =	shalt  }
0x53: {  	_ =	shalt  }
0x54: {  	_ =	shalt  }
0x55: {  	_ =	shalt  }
0x56: {  	_ =	shalt  }
0x57: {  	_ =	shalt  }
0x58: {  	_ =	shalt  }
0x59: {  	_ =	shalt  }
0x5a: {  	_ =	shalt  }
0x5b: {  	_ =	shalt  }
0x5c: {  	_ =	shalt  }
0x5d: {  	_ =	shalt  }
0x5e: {  	_ =	shalt  }
0x5f: {  	_ =	shalt  }
0x60: {  	_ =	shalt  }
0x61: {  	_ =	shalt  }
0x62: {  	_ =	shalt  }
0x63: {  	_ =	shalt  }
0x64: {  	_ =	shalt  }
0x65: {  	_ =	shalt  }
0x66: {  	_ =	shalt  }
0x67: {  	_ =	shalt  }
0x68: {  	_ =	shalt  }
0x69: {  	_ =	shalt  }
0x6a: {  	_ =	shalt  }
0x6b: {  	_ =	shalt  }
0x6c: {  	_ =	shalt  }
0x6d: {  	_ =	shalt  }
0x6e: {  	_ =	shalt  }
0x6f: {  	_ =	shalt  }
0x70: {  	_ =	shalt  }
0x71: {  	_ =	shalt  }
0x72: {  	_ =	shalt  }
0x73: {  	_ =	shalt  }
0x74: {  	_ =	shalt  }
0x75: {  	_ =	shalt  }
0x76: {  	_ =	shalt  }
0x77: {  	_ =	shalt  }
0x78: {  	_ =	shalt  }
0x79: {  	_ =	shalt  }
0x7a: {  	_ =	shalt  }
0x7b: {  	_ =	shalt  }
0x7c: {  	_ =	shalt  }
0x7d: {  	_ =	shalt  }
0x7e: {  	_ =	shalt  }
0x7f: {  	_ =	shalt  }
0x80: {  	_ =	shalt  }
0x81: {  	_ =	shalt  }
0x82: {  	_ =	shalt  }
0x83: {  	_ =	shalt  }
0x84: {  	_ =	shalt  }
0x85: {  	_ =	shalt  }
0x86: {  	_ =	shalt  }
0x87: {  	_ =	shalt  }
.Lfunc_end0:
.L_simem_size_0:
called_computation_lowered:
.L_overlay_start_0:
0x88: {  	s2 =	sld [smem:$0x3FD9]  }
0x89: {  	s3 =	sld [smem:$0x3FFE];
	_ =	sdelay $0x1  }
0x8a: {  	s1 =	srdreg.scid  }
0x8b: {  	s0 =	sand.u32 $0x1, s1  }
0x8c: {  	s15 =	sshll.u32 s0, $0xA;
	s2 =	sadd.s32 s3, s2  }
0x8d: {  	s2 =	sadd.s32 s2, s15  }
0x8e: {  	[smem:$0x3FC7] =	sst s2  }
0x8f: {  	_ = 	snop  }
0x90: {  	s2 =	sld [smem:$0x3FD0];
	_ =	sdelay $0x2  }
0x91: {  	s4 =	simm.s32 $0xA;
	s5 =	simm.s32 $0x10;
	s16 =	sld [smem:$0x3FC9]  }
0x92: {  	[smem:s5], [sflag:s4] =	dma.local [hbm:s2], $0x1  }
0x93: {  	_ =	swait.eq [sflag:s4], $0x1  }
0x94: {  	[sflag:s4] =	ssyncset.done $0x0  }
0x95: {  	[sflag:s4] =	ssyncadd.s32 $0xFFFFFFFF  }
0x96: {  	s17 =	sld [smem:$0x10];
	(tm) =	ssettm $0x1  }
0x97: {  	s18 =	sld [smem:$0x3FFB];
	_ =	sdelay $0x3  }
0x98: {  	_ =	strace s18  }
0x99: {  	s4 =	sld [smem:$0x3FFC];
	_ =	sdelay $0x3  }
0x9a: {  	_ =	strace s4  }
0x9b: {  	s4 =	sld [smem:$0x3FFD];
	_ =	sdelay $0x3  }
0x9c: {  	_ =	strace s4  }
0x9d: {  	_ =	strace $0x8FFFFFFF  }
0x9e: {  	s19 =	sld [smem:$0x3FDB];
	_ =	sdelay $0x1  }
0x9f: {  	s20 =	simm.s32 $_scs_section_size  }
0xa0: {  	s6 =	simm.s32 $_size__tile_overlayer_lowered;
	s7 =	simm.s32 $_tile_overlayer_lowered  }
0xa1: {  	s23 =	simm.s32 $0x1BFF;
	s22 =	sshll.u32 s7, $0x1;
	s4 =	sadd.s32 s20, s19  }
0xa2: {  	s8 =	simm.s32 $0x0;
	s21 =	sshll.u32 s6, $0x1;
	s6 =	sadd.s32 s22, s4  }
0xa3: {  	[timem:s8], [sflag:s23] =	dma.local [hbm:s6], s21  }
0xa4: {  	_ =	swait.ge [sflag:s23], s21  }
0xa5: {  	s5 =	ssub.s32 $0x0, s21;
	[sflag:s23] =	ssyncset.done $0x0  }
0xa6: {  	[sflag:s23] =	ssyncadd.s32 s5;
	_ =	sdelay $0x1  }
0xa7: {  	s24 =	simm.s32 $0x1B8B  }
0xa8: {  	_ =	swait.ge [sflag:s24], $0x1  }
0xa9: {  	[sflag:s24] =	ssyncset.done $0x0  }
0xaa: {  	s25 =	simm.s32 $0x1B8E;
	[sflag:s24] =	ssyncadd.s32 $0xFFFFFFFF  }
0xab: {  	s26 =	simm.s32 $execute0_lowered;
	[smem:$0x3FD2] =	sst s25  }
0xac: {  	s5 =	sshll.u32 s26, $0x1;
	_ =	strace $0x80000046;
	[dreg:$0x1] =	wrdreg $0xFFFFFFFF  }
0xad: {  	s28 =	simm.s32 $_size_execute0_lowered;
	s4 =	sadd.s32 s4, s5;
	[dreg:$0x0] =	wrdreg $0x0  }
0xae: {  	s5 =	sshll.u32 s28, $0x1;
	[dreg:$0x2] =	wrdreg s4  }
0xaf: {  	[dreg:$0x3] =	wrdreg s5  }
0xb0: {  	[dreg:$0x4] =	wrdreg $0xC0  }
0xb1: {  	_ =	task [dreg:s8], $0x5FFFF  }
0xb2: {  	[dreg:$0x1] =	wrdreg $0xFFFFFFFF  }
0xb3: {  	[dreg:$0x0] =	wrdreg $0x60  }
0xb4: {  	[dreg:$0x2] =	wrdreg s16  }
0xb5: {  	[dreg:$0x3] =	wrdreg s17  }
0xb6: {  	[dreg:$0x4] =	wrdreg $0x0  }
0xb7: {  	[dreg:$0x5] =	wrdreg $0x60000  }
0xb8: {  	[dreg:$0x6] =	wrdreg $0x9  }
0xb9: {  	_ =	task.clear_ibuf [dreg:s8], $0x7FFFF;
	_ =	strace $0x90000046  }
0xba: {  	s29 =	simm.s32 $0x9;
	_ =	strace $0x80000048  }
0xbb: {  	_ =	swait.ge [sflag:s29], $0x1  }
0xbc: {  	[sflag:s29] =	ssyncadd.s32 $0xFFFFFFFF  }
0xbd: {  	_ =	strace $0x90000048  }
0xbe: {  	_ =	sfence  }
0xbf: {  	s30 =	sld [smem:$0x0];
	_ =	sdelay $0x2  }
0xc0: {  	s31 =	sshll.u32 s1, $0xD;
	s1 =	sshrl.u32 s1, $0x2  }
0xc1: {  	s3 =	sand.u32 $0x4000, s31;
	s1 =	sadd.s32 s1, s30  }
0xc2: {  	s0 =	sor.u32 s3, s0;
	s1 =	sshll.u32 s1, $0x11  }
0xc3: {  	s0 =	sor.u32 s1, s0  }
0xc4: {  	s0 =	sadd.s32 $0x8F2B, s0  }
0xc5: {  	[sflag:s0] =	ssyncadd.remote.s32 $0x1  }
0xc6: {  	_ =	sfence.sel $0xFFFF  }
0xc7: {  	[dreg:$0x0] =	wrdreg $0xFFFFFFFF;
	(pc) =	sbr.abs _section_cstart, $3  }
0xc8: {  	[dreg:$0x1] =	wrdreg $0xFFFFFFFF  }
0xc9: {  	_ =	task.clear_ibuf [dreg:s8], $0x2FFFF;
	_ =	strace $0x9FFFFFFF  }
0xca: {  	(tm) =	ssettm $0x7FFFFFFF  }
0xcb: {  	_ =	shalt  }
tec
execute0_lowered:
.L_overlay_start_1:
0x0: {  	(tag) =	ssettag $0x1  }
0x1: {  	s0 =	srdreg.scid;
	s30 =	stileid.u32  }
0x2: {  	s7 =	sand.u32 $0x1, s0;
	s21 =	sshll.u32 s30, $0x1  }
0x3: {  	s0 =	sor.u32 s7, s21  }
0x4: {  	s3 =	rddreg [dreg:$0x0];
	s0 =	smul.u32 $0x1200, s0  }
0x5: {  	s1 =	rddreg [dreg:$0x1]  }
0x6: {  	s6 =	rddreg [dreg:$0x2];
	s2 =	simm.s32 $0x0;
	s0 =	sshrl.u32 s0, $0x3  }
0x7: {  	[smem:$0x7FF] =	sst s2;
	s4 =	smul.u32 $0x180, s0  }
0x8: {  	s5 =	rddreg [dreg:$0x3];
	s28 =	sshll.u32 s30, $0x6;
	_ =	strace $0x80000047  }
0x9: {  	[smem:$0x7FD] =	sst s28;
	s0 =	smul.u32 $0xC00, s0;
	s8 =	sadd.s32 s3, s4  }
0xa: {  	s22 =	sor.u32 $0xC00, s4;
	s25 =	sadd.s32 s1, s4;
	[dreg:$0x5] =	wrdreg s8  }
0xb: {  	s10 =	sor.u32 $0x1800, s4;
	s9 =	sadd.s32 s3, s22;
	[dreg:$0x9] =	wrdreg s25  }
0xc: {  	s23 =	sadd.s32 s3, s10;
	[dreg:$0x6] =	wrdreg s9  }
0xd: {  	s0 =	sshrl.u32 s0, $0x3;
	s8 =	sadd.s32 s1, s22;
	[dreg:$0x7] =	wrdreg s23  }
0xe: {  	s20 =	sadd.s32 $0x6000, s4;
	s13 =	sadd.s32 s1, s10;
	[dreg:$0xa] =	wrdreg s8  }
0xf: {  	s11 =	sadd.s32 $0x2400, s0;
	s21 =	sadd.s32 s3, s20;
	[dreg:$0xd] =	wrdreg s13  }
0x10: {  	s26 =	sadd.s32 $0x3000, s0;
	s24 =	sadd.s32 s3, s11;
	[dreg:$0x13] =	wrdreg s21  }
0x11: {  	s12 =	sadd.s32 $0x3C00, s0;
	s29 =	sadd.s32 s3, s26;
	[dreg:$0x8] =	wrdreg s24  }
0x12: {  	s31 =	sadd.s32 s3, s12;
	[dreg:$0xb] =	wrdreg s29  }
0x13: {  	s15 =	sadd.s32 $0x4800, s0;
	s14 =	sadd.s32 s1, s11;
	[dreg:$0xc] =	wrdreg s31  }
0x14: {  	s0 =	sadd.s32 $0x5400, s0;
	s16 =	sadd.s32 s3, s15;
	[dreg:$0xe] =	wrdreg s14  }
0x15: {  	s17 =	sadd.s32 s3, s0;
	[dreg:$0xf] =	wrdreg s16  }
0x16: {  	s18 =	sadd.s32 s1, s26;
	[dreg:$0x10] =	wrdreg s17  }
0x17: {  	s22 =	sadd.s32 $0x6C00, s4;
	s19 =	sadd.s32 s1, s12;
	[dreg:$0x11] =	wrdreg s18  }
0x18: {  	s23 =	sadd.s32 s3, s22;
	[dreg:$0x12] =	wrdreg s19  }
0x19: {  	s25 =	sadd.s32 $0x7800, s4;
	s0 =	sadd.s32 s1, s0;
	[dreg:$0x14] =	wrdreg s23  }
0x1a: {  	s26 =	sadd.s32 s3, s25;
	[dreg:$0x16] =	wrdreg s0  }
0x1b: {  	s9 =	sadd.s32 s1, s20;
	[dreg:$0x17] =	wrdreg s26  }
0x1c: {  	s12 =	sadd.s32 s1, s22;
	[dreg:$0x19] =	wrdreg s9  }
0x1d: {  	[dreg:$0x1a] =	wrdreg s12  }
0x1e: {  	s13 =	sadd.s32 $0x9000, s4;
	s24 =	sadd.s32 s1, s15;
	s0 =	rddreg [dreg:$0x5]  }
0x1f: {  	s14 =	sadd.s32 s3, s13;
	[dreg:$0x15] =	wrdreg s24  }
0x20: {  	s21 =	sadd.s32 $0xB400, s4;
	s17 =	sadd.s32 s1, s25;
	[dreg:$0x1b] =	wrdreg s14  }
0x21: {  	s22 =	sadd.s32 s3, s21;
	[dreg:$0x1d] =	wrdreg s17  }
0x22: {  	s23 =	sadd.s32 s1, s13;
	[smem:$0x793] =	sst s22  }
0x23: {  	s29 =	sadd.s32 $0x8400, s4;
	s12 =	sadd.s32 s1, s21;
	[smem:$0x794] =	sst s23  }
0x24: {  	s15 =	sadd.s32 $0x9C00, s4;
	s31 =	sadd.s32 s3, s29;
	[smem:$0x799] =	sst s12  }
0x25: {  	s16 =	sadd.s32 s3, s15;
	[dreg:$0x18] =	wrdreg s31  }
0x26: {  	s19 =	sadd.s32 $0xA800, s4;
	s18 =	sadd.s32 s1, s29;
	[dreg:$0x1c] =	wrdreg s16  }
0x27: {  	s20 =	sadd.s32 s3, s19;
	[dreg:$0x1e] =	wrdreg s18  }
0x28: {  	s25 =	sadd.s32 $0xC000, s4;
	s24 =	sadd.s32 s1, s15;
	[dreg:$0x1f] =	wrdreg s20  }
0x29: {  	s26 =	sadd.s32 s3, s25;
	[smem:$0x795] =	sst s24  }
0x2a: {  	s13 =	sadd.s32 $0xD800, s4;
	s8 =	sadd.s32 s1, s19;
	[smem:$0x796] =	sst s26  }
0x2b: {  	s14 =	sadd.s32 s3, s13;
	[smem:$0x798] =	sst s8  }
0x2c: {  	s21 =	sadd.s32 $0xFC00, s4;
	s17 =	sadd.s32 s1, s25;
	[smem:$0x79A] =	sst s14  }
0x2d: {  	s22 =	sadd.s32 s3, s21;
	[smem:$0x79C] =	sst s17  }
0x2e: {  	s23 =	sadd.s32 s1, s13;
	[smem:$0x79F] =	sst s22  }
0x2f: {  	s29 =	sadd.s32 $0xCC00, s4;
	s12 =	sadd.s32 s1, s21;
	[smem:$0x7A0] =	sst s23  }
0x30: {  	s15 =	sadd.s32 $0xE400, s4;
	s31 =	sadd.s32 s3, s29;
	[smem:$0x7A5] =	sst s12  }
0x31: {  	s16 =	sadd.s32 s3, s15;
	[smem:$0x797] =	sst s31  }
0x32: {  	s19 =	sadd.s32 $0xF000, s4;
	s18 =	sadd.s32 s1, s29;
	[smem:$0x79B] =	sst s16  }
0x33: {  	s20 =	sadd.s32 s3, s19;
	[smem:$0x79D] =	sst s18  }
0x34: {  	s25 =	sadd.s32 $0x10800, s4;
	s24 =	sadd.s32 s1, s15;
	[smem:$0x79E] =	sst s20  }
0x35: {  	s26 =	sadd.s32 s3, s25;
	[smem:$0x7A1] =	sst s24  }
0x36: {  	s13 =	sadd.s32 $0x12000, s4;
	s9 =	sadd.s32 s1, s19;
	[smem:$0x7A2] =	sst s26  }
0x37: {  	s14 =	sadd.s32 s3, s13;
	[smem:$0x7A4] =	sst s9  }
0x38: {  	s21 =	sadd.s32 $0x14400, s4;
	s17 =	sadd.s32 s1, s25;
	[smem:$0x7A6] =	sst s14  }
0x39: {  	s22 =	sadd.s32 s3, s21;
	[smem:$0x7A8] =	sst s17  }
0x3a: {  	s23 =	sadd.s32 s1, s13;
	[smem:$0x7AB] =	sst s22  }
0x3b: {  	s29 =	sadd.s32 $0x11400, s4;
	s12 =	sadd.s32 s1, s21;
	[smem:$0x7AC] =	sst s23  }
0x3c: {  	s15 =	sadd.s32 $0x12C00, s4;
	s31 =	sadd.s32 s3, s29;
	[smem:$0x7B1] =	sst s12  }
0x3d: {  	s16 =	sadd.s32 s3, s15;
	[smem:$0x7A3] =	sst s31  }
0x3e: {  	s19 =	sadd.s32 $0x13800, s4;
	s18 =	sadd.s32 s1, s29;
	[smem:$0x7A7] =	sst s16  }
0x3f: {  	s20 =	sadd.s32 s3, s19;
	[smem:$0x7A9] =	sst s18  }
0x40: {  	s25 =	sadd.s32 $0x15000, s4;
	s24 =	sadd.s32 s1, s15;
	[smem:$0x7AA] =	sst s20  }
0x41: {  	s26 =	sadd.s32 s3, s25;
	[smem:$0x7AD] =	sst s24  }
0x42: {  	s13 =	sadd.s32 $0x16800, s4;
	s8 =	sadd.s32 s1, s19;
	[smem:$0x7AE] =	sst s26  }
0x43: {  	s14 =	sadd.s32 s3, s13;
	[smem:$0x7B0] =	sst s8  }
0x44: {  	s21 =	sadd.s32 $0x18C00, s4;
	s17 =	sadd.s32 s1, s25;
	[smem:$0x7B2] =	sst s14  }
0x45: {  	s22 =	sadd.s32 s3, s21;
	[smem:$0x7B4] =	sst s17  }
0x46: {  	s23 =	sadd.s32 s1, s13;
	[smem:$0x7B7] =	sst s22  }
0x47: {  	s29 =	sadd.s32 $0x15C00, s4;
	s12 =	sadd.s32 s1, s21;
	[smem:$0x7B8] =	sst s23  }
0x48: {  	s15 =	sadd.s32 $0x17400, s4;
	s31 =	sadd.s32 s3, s29;
	[smem:$0x7BD] =	sst s12  }
0x49: {  	s16 =	sadd.s32 s3, s15;
	[smem:$0x7AF] =	sst s31  }
0x4a: {  	s19 =	sadd.s32 $0x18000, s4;
	s18 =	sadd.s32 s1, s29;
	[smem:$0x7B3] =	sst s16  }
0x4b: {  	s20 =	sadd.s32 s3, s19;
	[smem:$0x7B5] =	sst s18  }
0x4c: {  	s25 =	sadd.s32 $0x19800, s4;
	s24 =	sadd.s32 s1, s15;
	[smem:$0x7B6] =	sst s20  }
0x4d: {  	s26 =	sadd.s32 s3, s25;
	[smem:$0x7B9] =	sst s24  }
0x4e: {  	s13 =	sadd.s32 $0x1B000, s4;
	s9 =	sadd.s32 s1, s19;
	[smem:$0x7BA] =	sst s26  }
0x4f: {  	s14 =	sadd.s32 s3, s13;
	[smem:$0x7BC] =	sst s9  }
0x50: {  	s21 =	sadd.s32 $0x1D400, s4;
	s17 =	sadd.s32 s1, s25;
	[smem:$0x7BE] =	sst s14  }
0x51: {  	s22 =	sadd.s32 s3, s21;
	[smem:$0x7C0] =	sst s17  }
0x52: {  	s23 =	sadd.s32 s1, s13;
	[smem:$0x7C3] =	sst s22  }
0x53: {  	s29 =	sadd.s32 $0x1A400, s4;
	s12 =	sadd.s32 s1, s21;
	[smem:$0x7C4] =	sst s23  }
0x54: {  	s15 =	sadd.s32 $0x1BC00, s4;
	s31 =	sadd.s32 s3, s29;
	[smem:$0x7C9] =	sst s12  }
0x55: {  	s16 =	sadd.s32 s3, s15;
	[smem:$0x7BB] =	sst s31  }
0x56: {  	s19 =	sadd.s32 $0x1C800, s4;
	s18 =	sadd.s32 s1, s29;
	[smem:$0x7BF] =	sst s16  }
0x57: {  	s20 =	sadd.s32 s3, s19;
	[smem:$0x7C1] =	sst s18  }
0x58: {  	s25 =	sadd.s32 $0x1E000, s4;
	s24 =	sadd.s32 s1, s15;
	[smem:$0x7C2] =	sst s20  }
0x59: {  	s26 =	sadd.s32 s3, s25;
	[smem:$0x7C5] =	sst s24  }
0x5a: {  	s13 =	sadd.s32 $0x1F800, s4;
	s8 =	sadd.s32 s1, s19;
	[smem:$0x7C6] =	sst s26  }
0x5b: {  	s14 =	sadd.s32 s3, s13;
	[smem:$0x7C8] =	sst s8  }
0x5c: {  	s21 =	sadd.s32 $0x21C00, s4;
	s17 =	sadd.s32 s1, s25;
	[smem:$0x7CA] =	sst s14  }
0x5d: {  	s22 =	sadd.s32 s3, s21;
	[smem:$0x7CC] =	sst s17  }
0x5e: {  	s23 =	sadd.s32 s1, s13;
	[smem:$0x7CF] =	sst s22  }
0x5f: {  	s29 =	sadd.s32 $0x1EC00, s4;
	s12 =	sadd.s32 s1, s21;
	[smem:$0x7D0] =	sst s23  }
0x60: {  	s15 =	sadd.s32 $0x20400, s4;
	s31 =	sadd.s32 s3, s29;
	[smem:$0x7D5] =	sst s12  }
0x61: {  	s16 =	sadd.s32 s3, s15;
	[smem:$0x7C7] =	sst s31  }
0x62: {  	s19 =	sadd.s32 $0x21000, s4;
	s18 =	sadd.s32 s1, s29;
	[smem:$0x7CB] =	sst s16  }
0x63: {  	s20 =	sadd.s32 s3, s19;
	[smem:$0x7CD] =	sst s18  }
0x64: {  	s25 =	sadd.s32 $0x22800, s4;
	s24 =	sadd.s32 s1, s15;
	[smem:$0x7CE] =	sst s20  }
0x65: {  	s26 =	sadd.s32 s3, s25;
	[smem:$0x7D1] =	sst s24  }
0x66: {  	s13 =	sadd.s32 $0x24000, s4;
	s9 =	sadd.s32 s1, s19;
	[smem:$0x7D2] =	sst s26  }
0x67: {  	s14 =	sadd.s32 s3, s13;
	[smem:$0x7D4] =	sst s9  }
0x68: {  	s21 =	sadd.s32 $0x26400, s4;
	s17 =	sadd.s32 s1, s25;
	[smem:$0x7D6] =	sst s14  }
0x69: {  	s22 =	sadd.s32 s3, s21;
	[smem:$0x7D8] =	sst s17  }
0x6a: {  	s23 =	sadd.s32 s1, s13;
	[smem:$0x7DB] =	sst s22  }
0x6b: {  	s29 =	sadd.s32 $0x23400, s4;
	s10 =	sadd.s32 s1, s21;
	[smem:$0x7DC] =	sst s23  }
0x6c: {  	s15 =	sadd.s32 $0x24C00, s4;
	s31 =	sadd.s32 s3, s29;
	[smem:$0x7E1] =	sst s10  }
0x6d: {  	s16 =	sadd.s32 s3, s15;
	[smem:$0x7D3] =	sst s31  }
0x6e: {  	s19 =	sadd.s32 $0x25800, s4;
	s18 =	sadd.s32 s1, s29;
	[smem:$0x7D7] =	sst s16  }
0x6f: {  	s20 =	sadd.s32 s3, s19;
	[smem:$0x7D9] =	sst s18  }
0x70: {  	s25 =	sadd.s32 $0x27000, s4;
	s24 =	sadd.s32 s1, s15;
	[smem:$0x7DA] =	sst s20  }
0x71: {  	s26 =	sadd.s32 s3, s25;
	[smem:$0x7DD] =	sst s24  }
0x72: {  	s12 =	sadd.s32 $0x28800, s4;
	s8 =	sadd.s32 s1, s19;
	[smem:$0x7DE] =	sst s26  }
0x73: {  	s13 =	sadd.s32 s3, s12;
	[smem:$0x7E0] =	sst s8  }
0x74: {  	s11 =	sadd.s32 $0x2D000, s4;
	s22 =	sadd.s32 s1, s12;
	[smem:$0x7E2] =	sst s13  }
0x75: {  	s29 =	sadd.s32 $0x27C00, s4;
	s12 =	sadd.s32 s3, s11;
	[smem:$0x7E8] =	sst s22  }
0x76: {  	s14 =	sadd.s32 $0x29400, s4;
	s31 =	sadd.s32 s3, s29;
	[smem:$0x7EE] =	sst s12  }
0x77: {  	p0 =	por $0x0, $0x0;
	s15 =	sadd.s32 s3, s14;
	[smem:$0x7DF] =	sst s31  }
0x78: {  	s7 =	ssub.s32 $0x2, s7;
	s16 =	sadd.s32 s1, s25;
	[smem:$0x7E3] =	sst s15  }
0x79: {  	s17 =	sadd.s32 s1, s29;
	s18 =	sadd.s32 $0x2A000, s4;
	[smem:$0x7E4] =	sst s16  }
0x7a: {  	s20 =	sadd.s32 $0x2AC00, s4;
	s23 =	sadd.s32 s1, s14;
	[smem:$0x7E5] =	sst s17  }
0x7b: {  	s24 =	sadd.s32 $0x2B800, s4;
	s19 =	sadd.s32 s3, s18;
	[smem:$0x7E9] =	sst s23  }
0x7c: {  	s26 =	sadd.s32 $0x2C400, s4;
	s21 =	sadd.s32 s3, s20;
	[smem:$0x7E6] =	sst s19  }
0x7d: {  	s13 =	sadd.s32 $0x2DC00, s4;
	s25 =	sadd.s32 s3, s24;
	[smem:$0x7E7] =	sst s21  }
0x7e: {  	s22 =	smul.u32 $0x6000, s30;
	s29 =	sadd.s32 s3, s26;
	[smem:$0x7EA] =	sst s25  }
0x7f: {  	s31 =	sadd.s32 s1, s18;
	s9 =	sadd.s32 s1, s20;
	[smem:$0x7EB] =	sst s29  }
0x80: {  	s14 =	sadd.s32 s3, s13;
	s15 =	sshrl.u32 s7, $0x1;
	[smem:$0x7EC] =	sst s31  }
0x81: {  	s16 =	sadd.s32 s1, s24;
	s17 =	sadd.s32 s1, s26;
	[smem:$0x7ED] =	sst s9  }
0x82: {  	s18 =	sadd.s32 $0x2E800, s4;
	s20 =	sadd.s32 $0x2F400, s4;
	[smem:$0x7EF] =	sst s14  }
0x83: {  	s23 =	sadd.s32 s1, s11;
	s24 =	sadd.s32 s1, s13;
	[smem:$0x7F0] =	sst s16  }
0x84: {  	[smem:$0x7F1] =	sst s17;
	s19 =	sadd.s32 s3, s18;
	s7 =	ssub.s32 s7, s15  }
0x85: {  	s21 =	sadd.s32 s3, s20;
	[smem:$0x7F4] =	sst s23;
	s25 =	sadd.s32 $0x30000, s4  }
0x86: {  	[smem:$0x7F5] =	sst s24;
	s29 =	sadd.s32 $0x30C00, s4;
	s6 =	sadd.s32 s22, s6  }
0x87: {  	s8 =	sadd.s32 s1, s18;
	s13 =	sadd.s32 s1, s20;
	s14 =	sadd.s32 $0x31800, s4  }
0x88: {  	s17 =	sadd.s32 $0x32400, s4;
	s16 =	sor.u32 $0x1C01, s28;
	[smem:$0x7F2] =	sst s19  }
0x89: {  	s12 =	sadd.s32 s22, s5;
	s20 =	sadd.s32 $0x33000, s4;
	[smem:$0x7F3] =	sst s21  }
0x8a: {  	s23 =	sadd.s32 $0x33C00, s4;
	s26 =	sadd.s32 s3, s25;
	[smem:$0x7F8] =	sst s8  }
0x8b: {  	s31 =	sadd.s32 s3, s29;
	[smem:$0x7F9] =	sst s13;
	s15 =	sadd.s32 s3, s14  }
0x8c: {  	s18 =	sadd.s32 s3, s17;
	s19 =	sadd.s32 s1, s25;
	s25 =	sadd.s32 s3, s20  }
0x8d: {  	s24 =	sadd.s32 s3, s23;
	s22 =	sadd.s32 s1, s14;
	s21 =	sadd.s32 s1, s17  }
0x8e: {  	s11 =	sadd.s32 s1, s20;
	s9 =	sadd.s32 s1, s23;
	[smem:$0x7F6] =	sst s26  }
0x8f: {  	s13 =	simm.s32 $0xC000;
	s10 =	sshrl.u32 s12, $0x3;
	[smem:$0x7F7] =	sst s31  }
0x90: {  	s23 =	simm.s32 $0x1;
	s20 =	simm.s32 $0x5;
	[smem:$0x7FA] =	sst s15  }
0x91: {  	s8 =	simm.s32 $0x3;
	[smem:$0x7FB] =	sst s18;
	s31 =	smax.u32 s7, $0x1  }
0x92: {  	s12 =	simm.s32 $0x4;
	[smem:$0x7FC] =	sst s19;
	p1 =	sne.s32 s31, $0x1  }
.Ltmp0:
0x93: {  	s26 =	sadd.s32 s1, s29;
	s29 =	sadd.s32 $0x34800, s4;
	(pc) =	sbr.rel @!p1 .LBB2_5-.Ltmp0, $4  }
0x94: {  	s4 =	sadd.s32 $0x35400, s4;
	s15 =	sshrl.u32 s6, $0x3;
	s7 =	simm.s32 $0x12000  }
0x95: {  	s18 =	simm.s32 $0x2;
	s19 =	simm.s32 $0x6;
	s6 =	simm.s32 $0x8  }
0x96: {  	s17 =	sadd.s32 s3, s29;
	s14 =	sadd.s32 s3, s4;
	s5 =	sadd.s32 s1, s29  }
0x97: {  	s3 =	sadd.s32 s1, s4;
	s4 =	simm.s32 $0x7;
	s1 =	sadd.s32 $0xFFFFFFFF, s31  }
0x98: {  	[spmem:s15], [sflag:s16] =	dma.local [hbm:s0], $0xC00  }
0x99: {  	s0 =	rddreg [dreg:$0x6]  }
0x9a: {  	s29 =	sor.u32 $0x1C02, s28;
	s30 =	rddreg [dreg:$0x7]  }
0x9b: {  	[tilespmem:s13], [sflag:$0x5] =	stream.linear.gather [hbm4b:s0+s2], $0x6000, $0x38;
	[tilespmem:$0x18000] =	vst v63  }
0x9c: {  	[spmem:s10], [sflag:s29] =	dma.local [hbm:s30], $0xC00  }
0x9d: {  	s0 =	rddreg [dreg:$0x8]  }
0x9e: {  	[tilespmem:s7], [sflag:$0x6] =	stream.linear.gather [hbm4b:s0+s2], $0x6000, $0x38;
	[tilespmem:$0x18000] =	vst v63  }
0x9f: {  	_ =	swait.ge [sflag:s23], $0xC00  }
0xa0: {  	[sflag:s23] =	ssyncset.done $0x0  }
0xa1: {  	s30 =	sor.u32 $0x1C03, s28;
	s0 =	rddreg [dreg:$0x9];
	[sflag:s23] =	ssyncadd.s32 $0xFFFFF400  }
0xa2: {  	[hbm:s0], [sflag:s30] =	dma.local [spmem:s15], $0xC00  }
0xa3: {  	_ =	swait.ge [sflag:s20], $0x6000  }
0xa4: {  	[sflag:s20] =	ssyncset.done $0x0  }
0xa5: {  	s0 =	rddreg [dreg:$0xa];
	[sflag:s20] =	ssyncadd.s32 $0xFFFFA000  }
0xa6: {  	[hbm4b:s0+s2] =	stream.linear.scatter [tilespmem:s13], [sflag:$0x7], $0x6000, $0x38;
	[tilespmem:$0x18000] =	vst v63  }
0xa7: {  	_ =	swait.ge [sflag:s8], $0xC00  }
0xa8: {  	[sflag:s8] =	ssyncset.done $0x0  }
0xa9: {  	s0 =	rddreg [dreg:$0xb];
	[sflag:s8] =	ssyncadd.s32 $0xFFFFF400  }
0xaa: {  	[spmem:s15], [sflag:s16] =	dma.local [hbm:s0], $0xC00  }
0xab: {  	_ =	swait.ge [sflag:s4], $0x6000  }
0xac: {  	[sflag:s4] =	ssyncset.done $0x0  }
0xad: {  	s0 =	rddreg [dreg:$0xc];
	[sflag:s4] =	ssyncadd.s32 $0xFFFFA000  }
0xae: {  	[tilespmem:s13], [sflag:$0x5] =	stream.linear.gather [hbm4b:s0+s2], $0x6000, $0x38;
	[tilespmem:$0x18000] =	vst v63  }
0xaf: {  	_ =	swait.ge [sflag:s18], $0xC00  }
0xb0: {  	[sflag:s18] =	ssyncset.done $0x0  }
0xb1: {  	s31 =	sor.u32 $0x1C04, s28;
	s0 =	rddreg [dreg:$0xd];
	[sflag:s18] =	ssyncadd.s32 $0xFFFFF400  }
0xb2: {  	[hbm:s0], [sflag:s31] =	dma.local [spmem:s10], $0xC00  }
0xb3: {  	_ =	swait.ge [sflag:s19], $0x6000  }
0xb4: {  	[sflag:s19] =	ssyncset.done $0x0  }
0xb5: {  	s28 =	rddreg [dreg:$0xe];
	[sflag:s19] =	ssyncadd.s32 $0xFFFFA000  }
0xb6: {  	[hbm4b:s28+s2] =	stream.linear.scatter [tilespmem:s7], [sflag:$0x8], $0x6000, $0x38;
	[tilespmem:$0x18000] =	vst v63  }
0xb7: {  	_ =	swait.ge [sflag:s12], $0xC00  }
0xb8: {  	[sflag:s12] =	ssyncset.done $0x0  }
0xb9: {  	s28 =	rddreg [dreg:$0xf];
	[sflag:s12] =	ssyncadd.s32 $0xFFFFF400  }
0xba: {  	[spmem:s10], [sflag:s29] =	dma.local [hbm:s28], $0xC00  }
0xbb: {  	_ =	swait.ge [sflag:s6], $0x6000  }
0xbc: {  	[sflag:s6] =	ssyncset.done $0x0  }
0xbd: {  	s28 =	rddreg [dreg:$0x10];
	[sflag:s6] =	ssyncadd.s32 $0xFFFFA000  }
0xbe: {  	[tilespmem:s7], [sflag:$0x6] =	stream.linear.gather [hbm4b:s28+s2], $0x6000, $0x38;
	[tilespmem:$0x18000] =	vst v63  }
0xbf: {  	_ =	swait.ge [sflag:s23], $0xC00  }
0xc0: {  	[sflag:s23] =	ssyncset.done $0x0  }
0xc1: {  	s28 =	rddreg [dreg:$0x11];
	[sflag:s23] =	ssyncadd.s32 $0xFFFFF400  }
0xc2: {  	[hbm:s28], [sflag:s30] =	dma.local [spmem:s15], $0xC00  }
0xc3: {  	_ =	swait.ge [sflag:s20], $0x6000  }
0xc4: {  	[sflag:s20] =	ssyncset.done $0x0  }
0xc5: {  	s28 =	rddreg [dreg:$0x12];
	[sflag:s20] =	ssyncadd.s32 $0xFFFFA000  }
0xc6: {  	[hbm4b:s28+s2] =	stream.linear.scatter [tilespmem:s13], [sflag:$0x7], $0x6000, $0x38;
	[tilespmem:$0x18000] =	vst v63  }
0xc7: {  	_ =	swait.ge [sflag:s8], $0xC00  }
0xc8: {  	[sflag:s8] =	ssyncset.done $0x0  }
0xc9: {  	s28 =	rddreg [dreg:$0x13];
	[sflag:s8] =	ssyncadd.s32 $0xFFFFF400  }
0xca: {  	[spmem:s15], [sflag:s16] =	dma.local [hbm:s28], $0xC00  }
0xcb: {  	_ =	swait.ge [sflag:s4], $0x6000  }
0xcc: {  	[sflag:s4] =	ssyncset.done $0x0  }
0xcd: {  	s28 =	rddreg [dreg:$0x14];
	[sflag:s4] =	ssyncadd.s32 $0xFFFFA000  }
0xce: {  	[tilespmem:s13], [sflag:$0x5] =	stream.linear.gather [hbm4b:s28+s2], $0x6000, $0x38;
	[tilespmem:$0x18000] =	vst v63  }
0xcf: {  	_ =	swait.ge [sflag:s18], $0xC00  }
0xd0: {  	[sflag:s18] =	ssyncset.done $0x0  }
0xd1: {  	s28 =	rddreg [dreg:$0x15];
	[sflag:s18] =	ssyncadd.s32 $0xFFFFF400  }
0xd2: {  	[hbm:s28], [sflag:s31] =	dma.local [spmem:s10], $0xC00  }
0xd3: {  	_ =	swait.ge [sflag:s19], $0x6000  }
0xd4: {  	[sflag:s19] =	ssyncset.done $0x0  }
0xd5: {  	s28 =	rddreg [dreg:$0x16];
	[sflag:s19] =	ssyncadd.s32 $0xFFFFA000  }
0xd6: {  	[hbm4b:s28+s2] =	stream.linear.scatter [tilespmem:s7], [sflag:$0x8], $0x6000, $0x38;
	[tilespmem:$0x18000] =	vst v63  }
0xd7: {  	_ =	swait.ge [sflag:s12], $0xC00  }
0xd8: {  	[sflag:s12] =	ssyncset.done $0x0  }
0xd9: {  	s28 =	rddreg [dreg:$0x17];
	[sflag:s12] =	ssyncadd.s32 $0xFFFFF400  }
0xda: {  	[spmem:s10], [sflag:s29] =	dma.local [hbm:s28], $0xC00  }
0xdb: {  	_ =	swait.ge [sflag:s6], $0x6000  }
0xdc: {  	[sflag:s6] =	ssyncset.done $0x0  }
0xdd: {  	s28 =	rddreg [dreg:$0x18];
	[sflag:s6] =	ssyncadd.s32 $0xFFFFA000  }
0xde: {  	[tilespmem:s7], [sflag:$0x6] =	stream.linear.gather [hbm4b:s28+s2], $0x6000, $0x38;
	[tilespmem:$0x18000] =	vst v63  }
0xdf: {  	_ =	swait.ge [sflag:s23], $0xC00  }
0xe0: {  	[sflag:s23] =	ssyncset.done $0x0  }
0xe1: {  	s28 =	rddreg [dreg:$0x19];
	[sflag:s23] =	ssyncadd.s32 $0xFFFFF400  }
0xe2: {  	[hbm:s28], [sflag:s30] =	dma.local [spmem:s15], $0xC00  }
0xe3: {  	_ =	swait.ge [sflag:s20], $0x6000  }
0xe4: {  	[sflag:s20] =	ssyncset.done $0x0  }
0xe5: {  	s28 =	rddreg [dreg:$0x1a];
	[sflag:s20] =	ssyncadd.s32 $0xFFFFA000  }
0xe6: {  	[hbm4b:s28+s2] =	stream.linear.scatter [tilespmem:s13], [sflag:$0x7], $0x6000, $0x38;
	[tilespmem:$0x18000] =	vst v63  }
0xe7: {  	_ =	swait.ge [sflag:s8], $0xC00  }
0xe8: {  	[sflag:s8] =	ssyncset.done $0x0  }
0xe9: {  	s28 =	rddreg [dreg:$0x1b];
	[sflag:s8] =	ssyncadd.s32 $0xFFFFF400  }
0xea: {  	[spmem:s15], [sflag:s16] =	dma.local [hbm:s28], $0xC00  }
0xeb: {  	_ =	swait.ge [sflag:s4], $0x6000  }
0xec: {  	[sflag:s4] =	ssyncset.done $0x0  }
0xed: {  	s28 =	rddreg [dreg:$0x1c];
	[sflag:s4] =	ssyncadd.s32 $0xFFFFA000  }
0xee: {  	[tilespmem:s13], [sflag:$0x5] =	stream.linear.gather [hbm4b:s28+s2], $0x6000, $0x38;
	[tilespmem:$0x18000] =	vst v63  }
0xef: {  	_ =	swait.ge [sflag:s18], $0xC00  }
0xf0: {  	[sflag:s18] =	ssyncset.done $0x0  }
0xf1: {  	s28 =	rddreg [dreg:$0x1d];
	[sflag:s18] =	ssyncadd.s32 $0xFFFFF400  }
0xf2: {  	[hbm:s28], [sflag:s31] =	dma.local [spmem:s10], $0xC00  }
0xf3: {  	_ =	swait.ge [sflag:s19], $0x6000  }
0xf4: {  	[sflag:s19] =	ssyncset.done $0x0  }
0xf5: {  	s28 =	rddreg [dreg:$0x1e];
	[sflag:s19] =	ssyncadd.s32 $0xFFFFA000  }
0xf6: {  	[hbm4b:s28+s2] =	stream.linear.scatter [tilespmem:s7], [sflag:$0x8], $0x6000, $0x38;
	[tilespmem:$0x18000] =	vst v63  }
0xf7: {  	_ =	swait.ge [sflag:s12], $0xC00  }
0xf8: {  	[sflag:s12] =	ssyncset.done $0x0  }
0xf9: {  	s28 =	rddreg [dreg:$0x1f];
	[sflag:s12] =	ssyncadd.s32 $0xFFFFF400  }
0xfa: {  	[spmem:s10], [sflag:s29] =	dma.local [hbm:s28], $0xC00  }
0xfb: {  	_ =	swait.ge [sflag:s6], $0x6000  }
0xfc: {  	s28 =	sld [smem:$0x793]  }
0xfd: {  	[sflag:s6] =	ssyncset.done $0x0  }
0xfe: {  	[sflag:s6] =	ssyncadd.s32 $0xFFFFA000  }
0xff: {  	[tilespmem:s7], [sflag:$0x6] =	stream.linear.gather [hbm4b:s28+s2], $0x6000, $0x38;
	[tilespmem:$0x18000] =	vst v63  }
0x100: {  	_ =	swait.ge [sflag:s23], $0xC00  }
0x101: {  	s28 =	sld [smem:$0x794]  }
0x102: {  	[sflag:s23] =	ssyncset.done $0x0  }
0x103: {  	[sflag:s23] =	ssyncadd.s32 $0xFFFFF400  }
0x104: {  	[hbm:s28], [sflag:s30] =	dma.local [spmem:s15], $0xC00  }
0x105: {  	_ =	swait.ge [sflag:s20], $0x6000  }
0x106: {  	s28 =	sld [smem:$0x795]  }
0x107: {  	[sflag:s20] =	ssyncset.done $0x0  }
0x108: {  	[sflag:s20] =	ssyncadd.s32 $0xFFFFA000  }
0x109: {  	[hbm4b:s28+s2] =	stream.linear.scatter [tilespmem:s13], [sflag:$0x7], $0x6000, $0x38;
	[tilespmem:$0x18000] =	vst v63  }
0x10a: {  	_ =	swait.ge [sflag:s8], $0xC00  }
0x10b: {  	s28 =	sld [smem:$0x796]  }
0x10c: {  	[sflag:s8] =	ssyncset.done $0x0  }
0x10d: {  	[sflag:s8] =	ssyncadd.s32 $0xFFFFF400  }
0x10e: {  	[spmem:s15], [sflag:s16] =	dma.local [hbm:s28], $0xC00  }
0x10f: {  	_ =	swait.ge [sflag:s4], $0x6000  }
0x110: {  	s28 =	sld [smem:$0x797]  }
0x111: {  	[sflag:s4] =	ssyncset.done $0x0  }
0x112: {  	[sflag:s4] =	ssyncadd.s32 $0xFFFFA000  }
0x113: {  	[tilespmem:s13], [sflag:$0x5] =	stream.linear.gather [hbm4b:s28+s2], $0x6000, $0x38;
	[tilespmem:$0x18000] =	vst v63  }
0x114: {  	_ =	swait.ge [sflag:s18], $0xC00  }
0x115: {  	s28 =	sld [smem:$0x798]  }
0x116: {  	[sflag:s18] =	ssyncset.done $0x0  }
0x117: {  	[sflag:s18] =	ssyncadd.s32 $0xFFFFF400  }
0x118: {  	[hbm:s28], [sflag:s31] =	dma.local [spmem:s10], $0xC00  }
0x119: {  	_ =	swait.ge [sflag:s19], $0x6000  }
0x11a: {  	s28 =	sld [smem:$0x799]  }
0x11b: {  	[sflag:s19] =	ssyncset.done $0x0  }
0x11c: {  	[sflag:s19] =	ssyncadd.s32 $0xFFFFA000  }
0x11d: {  	[hbm4b:s28+s2] =	stream.linear.scatter [tilespmem:s7], [sflag:$0x8], $0x6000, $0x38;
	[tilespmem:$0x18000] =	vst v63  }
0x11e: {  	_ =	swait.ge [sflag:s12], $0xC00  }
0x11f: {  	s28 =	sld [smem:$0x79A]  }
0x120: {  	[sflag:s12] =	ssyncset.done $0x0  }
0x121: {  	[sflag:s12] =	ssyncadd.s32 $0xFFFFF400  }
0x122: {  	[spmem:s10], [sflag:s29] =	dma.local [hbm:s28], $0xC00  }
0x123: {  	_ =	swait.ge [sflag:s6], $0x6000  }
0x124: {  	s28 =	sld [smem:$0x79B]  }
0x125: {  	[sflag:s6] =	ssyncset.done $0x0  }
0x126: {  	[sflag:s6] =	ssyncadd.s32 $0xFFFFA000  }
0x127: {  	[tilespmem:s7], [sflag:$0x6] =	stream.linear.gather [hbm4b:s28+s2], $0x6000, $0x38;
	[tilespmem:$0x18000] =	vst v63  }
0x128: {  	_ =	swait.ge [sflag:s23], $0xC00  }
0x129: {  	s28 =	sld [smem:$0x79C]  }
0x12a: {  	[sflag:s23] =	ssyncset.done $0x0  }
0x12b: {  	[sflag:s23] =	ssyncadd.s32 $0xFFFFF400  }
0x12c: {  	[hbm:s28], [sflag:s30] =	dma.local [spmem:s15], $0xC00  }
0x12d: {  	_ =	swait.ge [sflag:s20], $0x6000  }
0x12e: {  	s28 =	sld [smem:$0x79D]  }
0x12f: {  	[sflag:s20] =	ssyncset.done $0x0  }
0x130: {  	[sflag:s20] =	ssyncadd.s32 $0xFFFFA000  }
0x131: {  	[hbm4b:s28+s2] =	stream.linear.scatter [tilespmem:s13], [sflag:$0x7], $0x6000, $0x38;
	[tilespmem:$0x18000] =	vst v63  }
0x132: {  	_ =	swait.ge [sflag:s8], $0xC00  }
0x133: {  	s28 =	sld [smem:$0x79E]  }
0x134: {  	[sflag:s8] =	ssyncset.done $0x0  }
0x135: {  	[sflag:s8] =	ssyncadd.s32 $0xFFFFF400  }
0x136: {  	[spmem:s15], [sflag:s16] =	dma.local [hbm:s28], $0xC00  }
0x137: {  	_ =	swait.ge [sflag:s4], $0x6000  }
0x138: {  	s28 =	sld [smem:$0x79F]  }
0x139: {  	[sflag:s4] =	ssyncset.done $0x0  }
0x13a: {  	[sflag:s4] =	ssyncadd.s32 $0xFFFFA000  }
0x13b: {  	[tilespmem:s13], [sflag:$0x5] =	stream.linear.gather [hbm4b:s28+s2], $0x6000, $0x38;
	[tilespmem:$0x18000] =	vst v63  }
0x13c: {  	_ =	swait.ge [sflag:s18], $0xC00  }
0x13d: {  	s28 =	sld [smem:$0x7A0]  }
0x13e: {  	[sflag:s18] =	ssyncset.done $0x0  }
0x13f: {  	[sflag:s18] =	ssyncadd.s32 $0xFFFFF400  }
0x140: {  	[hbm:s28], [sflag:s31] =	dma.local [spmem:s10], $0xC00  }
0x141: {  	_ =	swait.ge [sflag:s19], $0x6000  }
0x142: {  	s28 =	sld [smem:$0x7A1]  }
0x143: {  	[sflag:s19] =	ssyncset.done $0x0  }
0x144: {  	[sflag:s19] =	ssyncadd.s32 $0xFFFFA000  }
0x145: {  	[hbm4b:s28+s2] =	stream.linear.scatter [tilespmem:s7], [sflag:$0x8], $0x6000, $0x38;
	[tilespmem:$0x18000] =	vst v63  }
0x146: {  	_ =	swait.ge [sflag:s12], $0xC00  }
0x147: {  	s28 =	sld [smem:$0x7A2]  }
0x148: {  	[sflag:s12] =	ssyncset.done $0x0  }
0x149: {  	[sflag:s12] =	ssyncadd.s32 $0xFFFFF400  }
0x14a: {  	[spmem:s10], [sflag:s29] =	dma.local [hbm:s28], $0xC00  }
0x14b: {  	_ =	swait.ge [sflag:s6], $0x6000  }
0x14c: {  	s28 =	sld [smem:$0x7A3]  }
0x14d: {  	[sflag:s6] =	ssyncset.done $0x0  }
0x14e: {  	[sflag:s6] =	ssyncadd.s32 $0xFFFFA000  }
0x14f: {  	[tilespmem:s7], [sflag:$0x6] =	stream.linear.gather [hbm4b:s28+s2], $0x6000, $0x38;
	[tilespmem:$0x18000] =	vst v63  }
0x150: {  	_ =	swait.ge [sflag:s23], $0xC00  }
0x151: {  	s28 =	sld [smem:$0x7A4]  }
0x152: {  	[sflag:s23] =	ssyncset.done $0x0  }
0x153: {  	[sflag:s23] =	ssyncadd.s32 $0xFFFFF400  }
0x154: {  	[hbm:s28], [sflag:s30] =	dma.local [spmem:s15], $0xC00  }
0x155: {  	_ =	swait.ge [sflag:s20], $0x6000  }
0x156: {  	s28 =	sld [smem:$0x7A5]  }
0x157: {  	[sflag:s20] =	ssyncset.done $0x0  }
0x158: {  	[sflag:s20] =	ssyncadd.s32 $0xFFFFA000  }
0x159: {  	[hbm4b:s28+s2] =	stream.linear.scatter [tilespmem:s13], [sflag:$0x7], $0x6000, $0x38;
	[tilespmem:$0x18000] =	vst v63  }
0x15a: {  	_ =	swait.ge [sflag:s8], $0xC00  }
0x15b: {  	s28 =	sld [smem:$0x7A6]  }
0x15c: {  	[sflag:s8] =	ssyncset.done $0x0  }
0x15d: {  	[sflag:s8] =	ssyncadd.s32 $0xFFFFF400  }
0x15e: {  	[spmem:s15], [sflag:s16] =	dma.local [hbm:s28], $0xC00  }
0x15f: {  	_ =	swait.ge [sflag:s4], $0x6000  }
0x160: {  	s28 =	sld [smem:$0x7A7]  }
0x161: {  	[sflag:s4] =	ssyncset.done $0x0  }
0x162: {  	[sflag:s4] =	ssyncadd.s32 $0xFFFFA000  }
0x163: {  	[tilespmem:s13], [sflag:$0x5] =	stream.linear.gather [hbm4b:s28+s2], $0x6000, $0x38;
	[tilespmem:$0x18000] =	vst v63  }
0x164: {  	_ =	swait.ge [sflag:s18], $0xC00  }
0x165: {  	s28 =	sld [smem:$0x7A8]  }
0x166: {  	[sflag:s18] =	ssyncset.done $0x0  }
0x167: {  	[sflag:s18] =	ssyncadd.s32 $0xFFFFF400  }
0x168: {  	[hbm:s28], [sflag:s31] =	dma.local [spmem:s10], $0xC00  }
0x169: {  	_ =	swait.ge [sflag:s19], $0x6000  }
0x16a: {  	s28 =	sld [smem:$0x7A9]  }
0x16b: {  	[sflag:s19] =	ssyncset.done $0x0  }
0x16c: {  	[sflag:s19] =	ssyncadd.s32 $0xFFFFA000  }
0x16d: {  	[hbm4b:s28+s2] =	stream.linear.scatter [tilespmem:s7], [sflag:$0x8], $0x6000, $0x38;
	[tilespmem:$0x18000] =	vst v63  }
0x16e: {  	_ =	swait.ge [sflag:s12], $0xC00  }
0x16f: {  	s28 =	sld [smem:$0x7AA]  }
0x170: {  	[sflag:s12] =	ssyncset.done $0x0  }
0x171: {  	[sflag:s12] =	ssyncadd.s32 $0xFFFFF400  }
0x172: {  	[spmem:s10], [sflag:s29] =	dma.local [hbm:s28], $0xC00  }
0x173: {  	_ =	swait.ge [sflag:s6], $0x6000  }
0x174: {  	s28 =	sld [smem:$0x7AB]  }
0x175: {  	[sflag:s6] =	ssyncset.done $0x0  }
0x176: {  	[sflag:s6] =	ssyncadd.s32 $0xFFFFA000  }
0x177: {  	[tilespmem:s7], [sflag:$0x6] =	stream.linear.gather [hbm4b:s28+s2], $0x6000, $0x38;
	[tilespmem:$0x18000] =	vst v63  }
0x178: {  	_ =	swait.ge [sflag:s23], $0xC00  }
0x179: {  	s28 =	sld [smem:$0x7AC]  }
0x17a: {  	[sflag:s23] =	ssyncset.done $0x0  }
0x17b: {  	[sflag:s23] =	ssyncadd.s32 $0xFFFFF400  }
0x17c: {  	[hbm:s28], [sflag:s30] =	dma.local [spmem:s15], $0xC00  }
0x17d: {  	_ =	swait.ge [sflag:s20], $0x6000  }
0x17e: {  	s28 =	sld [smem:$0x7AD]  }
0x17f: {  	[sflag:s20] =	ssyncset.done $0x0  }
0x180: {  	[sflag:s20] =	ssyncadd.s32 $0xFFFFA000  }
0x181: {  	[hbm4b:s28+s2] =	stream.linear.scatter [tilespmem:s13], [sflag:$0x7], $0x6000, $0x38;
	[tilespmem:$0x18000] =	vst v63  }
0x182: {  	_ =	swait.ge [sflag:s8], $0xC00  }
0x183: {  	s28 =	sld [smem:$0x7AE]  }
0x184: {  	[sflag:s8] =	ssyncset.done $0x0  }
0x185: {  	[sflag:s8] =	ssyncadd.s32 $0xFFFFF400  }
0x186: {  	[spmem:s15], [sflag:s16] =	dma.local [hbm:s28], $0xC00  }
0x187: {  	_ =	swait.ge [sflag:s4], $0x6000  }
0x188: {  	s28 =	sld [smem:$0x7AF]  }
0x189: {  	[sflag:s4] =	ssyncset.done $0x0  }
0x18a: {  	[sflag:s4] =	ssyncadd.s32 $0xFFFFA000  }
0x18b: {  	[tilespmem:s13], [sflag:$0x5] =	stream.linear.gather [hbm4b:s28+s2], $0x6000, $0x38;
	[tilespmem:$0x18000] =	vst v63  }
0x18c: {  	_ =	swait.ge [sflag:s18], $0xC00  }
0x18d: {  	s28 =	sld [smem:$0x7B0]  }
0x18e: {  	[sflag:s18] =	ssyncset.done $0x0  }
0x18f: {  	[sflag:s18] =	ssyncadd.s32 $0xFFFFF400  }
0x190: {  	[hbm:s28], [sflag:s31] =	dma.local [spmem:s10], $0xC00  }
0x191: {  	_ =	swait.ge [sflag:s19], $0x6000  }
0x192: {  	s28 =	sld [smem:$0x7B1]  }
0x193: {  	[sflag:s19] =	ssyncset.done $0x0  }
0x194: {  	[sflag:s19] =	ssyncadd.s32 $0xFFFFA000  }
0x195: {  	[hbm4b:s28+s2] =	stream.linear.scatter [tilespmem:s7], [sflag:$0x8], $0x6000, $0x38;
	[tilespmem:$0x18000] =	vst v63  }
0x196: {  	_ =	swait.ge [sflag:s12], $0xC00  }
0x197: {  	s28 =	sld [smem:$0x7B2]  }
0x198: {  	[sflag:s12] =	ssyncset.done $0x0  }
0x199: {  	[sflag:s12] =	ssyncadd.s32 $0xFFFFF400  }
0x19a: {  	[spmem:s10], [sflag:s29] =	dma.local [hbm:s28], $0xC00  }
0x19b: {  	_ =	swait.ge [sflag:s6], $0x6000  }
0x19c: {  	s28 =	sld [smem:$0x7B3]  }
0x19d: {  	[sflag:s6] =	ssyncset.done $0x0  }
0x19e: {  	[sflag:s6] =	ssyncadd.s32 $0xFFFFA000  }
0x19f: {  	[tilespmem:s7], [sflag:$0x6] =	stream.linear.gather [hbm4b:s28+s2], $0x6000, $0x38;
	[tilespmem:$0x18000] =	vst v63  }
0x1a0: {  	_ =	swait.ge [sflag:s23], $0xC00  }
0x1a1: {  	s28 =	sld [smem:$0x7B4]  }
0x1a2: {  	[sflag:s23] =	ssyncset.done $0x0  }
0x1a3: {  	[sflag:s23] =	ssyncadd.s32 $0xFFFFF400  }
0x1a4: {  	[hbm:s28], [sflag:s30] =	dma.local [spmem:s15], $0xC00  }
0x1a5: {  	_ =	swait.ge [sflag:s20], $0x6000  }
0x1a6: {  	s28 =	sld [smem:$0x7B5]  }
0x1a7: {  	[sflag:s20] =	ssyncset.done $0x0  }
0x1a8: {  	[sflag:s20] =	ssyncadd.s32 $0xFFFFA000  }
0x1a9: {  	[hbm4b:s28+s2] =	stream.linear.scatter [tilespmem:s13], [sflag:$0x7], $0x6000, $0x38;
	[tilespmem:$0x18000] =	vst v63  }
0x1aa: {  	_ =	swait.ge [sflag:s8], $0xC00  }
0x1ab: {  	s28 =	sld [smem:$0x7B6]  }
0x1ac: {  	[sflag:s8] =	ssyncset.done $0x0  }
0x1ad: {  	[sflag:s8] =	ssyncadd.s32 $0xFFFFF400  }
0x1ae: {  	[spmem:s15], [sflag:s16] =	dma.local [hbm:s28], $0xC00  }
0x1af: {  	_ =	swait.ge [sflag:s4], $0x6000  }
0x1b0: {  	s28 =	sld [smem:$0x7B7]  }
0x1b1: {  	[sflag:s4] =	ssyncset.done $0x0  }
0x1b2: {  	[sflag:s4] =	ssyncadd.s32 $0xFFFFA000  }
0x1b3: {  	[tilespmem:s13], [sflag:$0x5] =	stream.linear.gather [hbm4b:s28+s2], $0x6000, $0x38;
	[tilespmem:$0x18000] =	vst v63  }
0x1b4: {  	_ =	swait.ge [sflag:s18], $0xC00  }
0x1b5: {  	s28 =	sld [smem:$0x7B8]  }
0x1b6: {  	[sflag:s18] =	ssyncset.done $0x0  }
0x1b7: {  	[sflag:s18] =	ssyncadd.s32 $0xFFFFF400  }
0x1b8: {  	[hbm:s28], [sflag:s31] =	dma.local [spmem:s10], $0xC00  }
0x1b9: {  	_ =	swait.ge [sflag:s19], $0x6000  }
0x1ba: {  	s28 =	sld [smem:$0x7B9]  }
0x1bb: {  	[sflag:s19] =	ssyncset.done $0x0  }
0x1bc: {  	[sflag:s19] =	ssyncadd.s32 $0xFFFFA000  }
0x1bd: {  	[hbm4b:s28+s2] =	stream.linear.scatter [tilespmem:s7], [sflag:$0x8], $0x6000, $0x38;
	[tilespmem:$0x18000] =	vst v63  }
0x1be: {  	_ =	swait.ge [sflag:s12], $0xC00  }
0x1bf: {  	s28 =	sld [smem:$0x7BA]  }
0x1c0: {  	[sflag:s12] =	ssyncset.done $0x0  }
0x1c1: {  	[sflag:s12] =	ssyncadd.s32 $0xFFFFF400  }
0x1c2: {  	[spmem:s10], [sflag:s29] =	dma.local [hbm:s28], $0xC00  }
0x1c3: {  	_ =	swait.ge [sflag:s6], $0x6000  }
0x1c4: {  	s28 =	sld [smem:$0x7BB]  }
0x1c5: {  	[sflag:s6] =	ssyncset.done $0x0  }
0x1c6: {  	[sflag:s6] =	ssyncadd.s32 $0xFFFFA000  }
0x1c7: {  	[tilespmem:s7], [sflag:$0x6] =	stream.linear.gather [hbm4b:s28+s2], $0x6000, $0x38;
	[tilespmem:$0x18000] =	vst v63  }
0x1c8: {  	_ =	swait.ge [sflag:s23], $0xC00  }
0x1c9: {  	s28 =	sld [smem:$0x7BC]  }
0x1ca: {  	[sflag:s23] =	ssyncset.done $0x0  }
0x1cb: {  	[sflag:s23] =	ssyncadd.s32 $0xFFFFF400  }
0x1cc: {  	[hbm:s28], [sflag:s30] =	dma.local [spmem:s15], $0xC00  }
0x1cd: {  	_ =	swait.ge [sflag:s20], $0x6000  }
0x1ce: {  	s28 =	sld [smem:$0x7BD]  }
0x1cf: {  	[sflag:s20] =	ssyncset.done $0x0  }
0x1d0: {  	[sflag:s20] =	ssyncadd.s32 $0xFFFFA000  }
0x1d1: {  	[hbm4b:s28+s2] =	stream.linear.scatter [tilespmem:s13], [sflag:$0x7], $0x6000, $0x38;
	[tilespmem:$0x18000] =	vst v63  }
0x1d2: {  	_ =	swait.ge [sflag:s8], $0xC00  }
0x1d3: {  	s28 =	sld [smem:$0x7BE]  }
0x1d4: {  	[sflag:s8] =	ssyncset.done $0x0  }
0x1d5: {  	[sflag:s8] =	ssyncadd.s32 $0xFFFFF400  }
0x1d6: {  	[spmem:s15], [sflag:s16] =	dma.local [hbm:s28], $0xC00  }
0x1d7: {  	_ =	swait.ge [sflag:s4], $0x6000  }
0x1d8: {  	s28 =	sld [smem:$0x7BF]  }
0x1d9: {  	[sflag:s4] =	ssyncset.done $0x0  }
0x1da: {  	[sflag:s4] =	ssyncadd.s32 $0xFFFFA000  }
0x1db: {  	[tilespmem:s13], [sflag:$0x5] =	stream.linear.gather [hbm4b:s28+s2], $0x6000, $0x38;
	[tilespmem:$0x18000] =	vst v63  }
0x1dc: {  	_ =	swait.ge [sflag:s18], $0xC00  }
0x1dd: {  	s28 =	sld [smem:$0x7C0]  }
0x1de: {  	[sflag:s18] =	ssyncset.done $0x0  }
0x1df: {  	[sflag:s18] =	ssyncadd.s32 $0xFFFFF400  }
0x1e0: {  	[hbm:s28], [sflag:s31] =	dma.local [spmem:s10], $0xC00  }
0x1e1: {  	_ =	swait.ge [sflag:s19], $0x6000  }
0x1e2: {  	s28 =	sld [smem:$0x7C1]  }
0x1e3: {  	[sflag:s19] =	ssyncset.done $0x0  }
0x1e4: {  	[sflag:s19] =	ssyncadd.s32 $0xFFFFA000  }
0x1e5: {  	[hbm4b:s28+s2] =	stream.linear.scatter [tilespmem:s7], [sflag:$0x8], $0x6000, $0x38;
	[tilespmem:$0x18000] =	vst v63  }
0x1e6: {  	_ =	swait.ge [sflag:s12], $0xC00  }
0x1e7: {  	s28 =	sld [smem:$0x7C2]  }
0x1e8: {  	[sflag:s12] =	ssyncset.done $0x0  }
0x1e9: {  	[sflag:s12] =	ssyncadd.s32 $0xFFFFF400  }
0x1ea: {  	[spmem:s10], [sflag:s29] =	dma.local [hbm:s28], $0xC00  }
0x1eb: {  	_ =	swait.ge [sflag:s6], $0x6000  }
0x1ec: {  	s28 =	sld [smem:$0x7C3]  }
0x1ed: {  	[sflag:s6] =	ssyncset.done $0x0  }
0x1ee: {  	[sflag:s6] =	ssyncadd.s32 $0xFFFFA000  }
0x1ef: {  	[tilespmem:s7], [sflag:$0x6] =	stream.linear.gather [hbm4b:s28+s2], $0x6000, $0x38;
	[tilespmem:$0x18000] =	vst v63  }
0x1f0: {  	_ =	swait.ge [sflag:s23], $0xC00  }
0x1f1: {  	s28 =	sld [smem:$0x7C4]  }
0x1f2: {  	[sflag:s23] =	ssyncset.done $0x0  }
0x1f3: {  	[sflag:s23] =	ssyncadd.s32 $0xFFFFF400  }
0x1f4: {  	[hbm:s28], [sflag:s30] =	dma.local [spmem:s15], $0xC00  }
0x1f5: {  	_ =	swait.ge [sflag:s20], $0x6000  }
0x1f6: {  	s28 =	sld [smem:$0x7C5]  }
0x1f7: {  	[sflag:s20] =	ssyncset.done $0x0  }
0x1f8: {  	[sflag:s20] =	ssyncadd.s32 $0xFFFFA000  }
0x1f9: {  	[hbm4b:s28+s2] =	stream.linear.scatter [tilespmem:s13], [sflag:$0x7], $0x6000, $0x38;
	[tilespmem:$0x18000] =	vst v63  }
0x1fa: {  	_ =	swait.ge [sflag:s8], $0xC00  }
0x1fb: {  	s28 =	sld [smem:$0x7C6]  }
0x1fc: {  	[sflag:s8] =	ssyncset.done $0x0  }
0x1fd: {  	[sflag:s8] =	ssyncadd.s32 $0xFFFFF400  }
0x1fe: {  	[spmem:s15], [sflag:s16] =	dma.local [hbm:s28], $0xC00  }
0x1ff: {  	_ =	swait.ge [sflag:s4], $0x6000  }
0x200: {  	s28 =	sld [smem:$0x7C7]  }
0x201: {  	[sflag:s4] =	ssyncset.done $0x0  }
0x202: {  	[sflag:s4] =	ssyncadd.s32 $0xFFFFA000  }
0x203: {  	[tilespmem:s13], [sflag:$0x5] =	stream.linear.gather [hbm4b:s28+s2], $0x6000, $0x38;
	[tilespmem:$0x18000] =	vst v63  }
0x204: {  	_ =	swait.ge [sflag:s18], $0xC00  }
0x205: {  	s28 =	sld [smem:$0x7C8]  }
0x206: {  	[sflag:s18] =	ssyncset.done $0x0  }
0x207: {  	[sflag:s18] =	ssyncadd.s32 $0xFFFFF400  }
0x208: {  	[hbm:s28], [sflag:s31] =	dma.local [spmem:s10], $0xC00  }
0x209: {  	_ =	swait.ge [sflag:s19], $0x6000  }
0x20a: {  	s28 =	sld [smem:$0x7C9]  }
0x20b: {  	[sflag:s19] =	ssyncset.done $0x0  }
0x20c: {  	[sflag:s19] =	ssyncadd.s32 $0xFFFFA000  }
0x20d: {  	[hbm4b:s28+s2] =	stream.linear.scatter [tilespmem:s7], [sflag:$0x8], $0x6000, $0x38;
	[tilespmem:$0x18000] =	vst v63  }
0x20e: {  	_ =	swait.ge [sflag:s12], $0xC00  }
0x20f: {  	s28 =	sld [smem:$0x7CA]  }
0x210: {  	[sflag:s12] =	ssyncset.done $0x0  }
0x211: {  	[sflag:s12] =	ssyncadd.s32 $0xFFFFF400  }
0x212: {  	[spmem:s10], [sflag:s29] =	dma.local [hbm:s28], $0xC00  }
0x213: {  	_ =	swait.ge [sflag:s6], $0x6000  }
0x214: {  	s28 =	sld [smem:$0x7CB]  }
0x215: {  	[sflag:s6] =	ssyncset.done $0x0  }
0x216: {  	[sflag:s6] =	ssyncadd.s32 $0xFFFFA000  }
0x217: {  	[tilespmem:s7], [sflag:$0x6] =	stream.linear.gather [hbm4b:s28+s2], $0x6000, $0x38;
	[tilespmem:$0x18000] =	vst v63  }
0x218: {  	_ =	swait.ge [sflag:s23], $0xC00  }
0x219: {  	s28 =	sld [smem:$0x7CC]  }
0x21a: {  	[sflag:s23] =	ssyncset.done $0x0  }
0x21b: {  	[sflag:s23] =	ssyncadd.s32 $0xFFFFF400  }
0x21c: {  	[hbm:s28], [sflag:s30] =	dma.local [spmem:s15], $0xC00  }
0x21d: {  	_ =	swait.ge [sflag:s20], $0x6000  }
0x21e: {  	s28 =	sld [smem:$0x7CD]  }
0x21f: {  	[sflag:s20] =	ssyncset.done $0x0  }
0x220: {  	[sflag:s20] =	ssyncadd.s32 $0xFFFFA000  }
0x221: {  	[hbm4b:s28+s2] =	stream.linear.scatter [tilespmem:s13], [sflag:$0x7], $0x6000, $0x38;
	[tilespmem:$0x18000] =	vst v63  }
0x222: {  	_ =	swait.ge [sflag:s8], $0xC00  }
0x223: {  	s28 =	sld [smem:$0x7CE]  }
0x224: {  	[sflag:s8] =	ssyncset.done $0x0  }
0x225: {  	[sflag:s8] =	ssyncadd.s32 $0xFFFFF400  }
0x226: {  	[spmem:s15], [sflag:s16] =	dma.local [hbm:s28], $0xC00  }
0x227: {  	_ =	swait.ge [sflag:s4], $0x6000  }
0x228: {  	s28 =	sld [smem:$0x7CF]  }
0x229: {  	[sflag:s4] =	ssyncset.done $0x0  }
0x22a: {  	[sflag:s4] =	ssyncadd.s32 $0xFFFFA000  }
0x22b: {  	[tilespmem:s13], [sflag:$0x5] =	stream.linear.gather [hbm4b:s28+s2], $0x6000, $0x38;
	[tilespmem:$0x18000] =	vst v63  }
0x22c: {  	_ =	swait.ge [sflag:s18], $0xC00  }
0x22d: {  	s28 =	sld [smem:$0x7D0]  }
0x22e: {  	[sflag:s18] =	ssyncset.done $0x0  }
0x22f: {  	[sflag:s18] =	ssyncadd.s32 $0xFFFFF400  }
0x230: {  	[hbm:s28], [sflag:s31] =	dma.local [spmem:s10], $0xC00  }
0x231: {  	_ =	swait.ge [sflag:s19], $0x6000  }
0x232: {  	s28 =	sld [smem:$0x7D1]  }
0x233: {  	[sflag:s19] =	ssyncset.done $0x0  }
0x234: {  	[sflag:s19] =	ssyncadd.s32 $0xFFFFA000  }
0x235: {  	[hbm4b:s28+s2] =	stream.linear.scatter [tilespmem:s7], [sflag:$0x8], $0x6000, $0x38;
	[tilespmem:$0x18000] =	vst v63  }
0x236: {  	_ =	swait.ge [sflag:s12], $0xC00  }
0x237: {  	s28 =	sld [smem:$0x7D2]  }
0x238: {  	[sflag:s12] =	ssyncset.done $0x0  }
0x239: {  	[sflag:s12] =	ssyncadd.s32 $0xFFFFF400  }
0x23a: {  	[spmem:s10], [sflag:s29] =	dma.local [hbm:s28], $0xC00  }
0x23b: {  	_ =	swait.ge [sflag:s6], $0x6000  }
0x23c: {  	s28 =	sld [smem:$0x7D3]  }
0x23d: {  	[sflag:s6] =	ssyncset.done $0x0  }
0x23e: {  	[sflag:s6] =	ssyncadd.s32 $0xFFFFA000  }
0x23f: {  	[tilespmem:s7], [sflag:$0x6] =	stream.linear.gather [hbm4b:s28+s2], $0x6000, $0x38;
	[tilespmem:$0x18000] =	vst v63  }
0x240: {  	_ =	swait.ge [sflag:s23], $0xC00  }
0x241: {  	s28 =	sld [smem:$0x7D4]  }
0x242: {  	[sflag:s23] =	ssyncset.done $0x0  }
0x243: {  	[sflag:s23] =	ssyncadd.s32 $0xFFFFF400  }
0x244: {  	[hbm:s28], [sflag:s30] =	dma.local [spmem:s15], $0xC00  }
0x245: {  	_ =	swait.ge [sflag:s20], $0x6000  }
0x246: {  	s28 =	sld [smem:$0x7D5]  }
0x247: {  	[sflag:s20] =	ssyncset.done $0x0  }
0x248: {  	[sflag:s20] =	ssyncadd.s32 $0xFFFFA000  }
0x249: {  	[hbm4b:s28+s2] =	stream.linear.scatter [tilespmem:s13], [sflag:$0x7], $0x6000, $0x38;
	[tilespmem:$0x18000] =	vst v63  }
0x24a: {  	_ =	swait.ge [sflag:s8], $0xC00  }
0x24b: {  	s28 =	sld [smem:$0x7D6]  }
0x24c: {  	[sflag:s8] =	ssyncset.done $0x0  }
0x24d: {  	[sflag:s8] =	ssyncadd.s32 $0xFFFFF400  }
0x24e: {  	[spmem:s15], [sflag:s16] =	dma.local [hbm:s28], $0xC00  }
0x24f: {  	_ =	swait.ge [sflag:s4], $0x6000  }
0x250: {  	s28 =	sld [smem:$0x7D7]  }
0x251: {  	[sflag:s4] =	ssyncset.done $0x0  }
0x252: {  	[sflag:s4] =	ssyncadd.s32 $0xFFFFA000  }
0x253: {  	[tilespmem:s13], [sflag:$0x5] =	stream.linear.gather [hbm4b:s28+s2], $0x6000, $0x38;
	[tilespmem:$0x18000] =	vst v63  }
0x254: {  	_ =	swait.ge [sflag:s18], $0xC00  }
0x255: {  	s28 =	sld [smem:$0x7D8]  }
0x256: {  	[sflag:s18] =	ssyncset.done $0x0  }
0x257: {  	[sflag:s18] =	ssyncadd.s32 $0xFFFFF400  }
0x258: {  	[hbm:s28], [sflag:s31] =	dma.local [spmem:s10], $0xC00  }
0x259: {  	_ =	swait.ge [sflag:s19], $0x6000  }
0x25a: {  	s28 =	sld [smem:$0x7D9]  }
0x25b: {  	[sflag:s19] =	ssyncset.done $0x0  }
0x25c: {  	[sflag:s19] =	ssyncadd.s32 $0xFFFFA000  }
0x25d: {  	[hbm4b:s28+s2] =	stream.linear.scatter [tilespmem:s7], [sflag:$0x8], $0x6000, $0x38;
	[tilespmem:$0x18000] =	vst v63  }
0x25e: {  	_ =	swait.ge [sflag:s12], $0xC00  }
0x25f: {  	s28 =	sld [smem:$0x7DA]  }
0x260: {  	[sflag:s12] =	ssyncset.done $0x0  }
0x261: {  	[sflag:s12] =	ssyncadd.s32 $0xFFFFF400  }
0x262: {  	[spmem:s10], [sflag:s29] =	dma.local [hbm:s28], $0xC00  }
0x263: {  	_ =	swait.ge [sflag:s6], $0x6000  }
0x264: {  	s28 =	sld [smem:$0x7DB]  }
0x265: {  	[sflag:s6] =	ssyncset.done $0x0  }
0x266: {  	[sflag:s6] =	ssyncadd.s32 $0xFFFFA000  }
0x267: {  	[tilespmem:s7], [sflag:$0x6] =	stream.linear.gather [hbm4b:s28+s2], $0x6000, $0x38;
	[tilespmem:$0x18000] =	vst v63  }
0x268: {  	_ =	swait.ge [sflag:s23], $0xC00  }
0x269: {  	s28 =	sld [smem:$0x7DC]  }
0x26a: {  	[sflag:s23] =	ssyncset.done $0x0  }
0x26b: {  	[sflag:s23] =	ssyncadd.s32 $0xFFFFF400  }
0x26c: {  	[hbm:s28], [sflag:s30] =	dma.local [spmem:s15], $0xC00  }
0x26d: {  	_ =	swait.ge [sflag:s20], $0x6000  }
0x26e: {  	s28 =	sld [smem:$0x7DD]  }
0x26f: {  	[sflag:s20] =	ssyncset.done $0x0  }
0x270: {  	[sflag:s20] =	ssyncadd.s32 $0xFFFFA000  }
0x271: {  	[hbm4b:s28+s2] =	stream.linear.scatter [tilespmem:s13], [sflag:$0x7], $0x6000, $0x38;
	[tilespmem:$0x18000] =	vst v63  }
0x272: {  	_ =	swait.ge [sflag:s8], $0xC00  }
0x273: {  	s28 =	sld [smem:$0x7DE]  }
0x274: {  	[sflag:s8] =	ssyncset.done $0x0  }
0x275: {  	[sflag:s8] =	ssyncadd.s32 $0xFFFFF400  }
0x276: {  	[spmem:s15], [sflag:s16] =	dma.local [hbm:s28], $0xC00  }
0x277: {  	_ =	swait.ge [sflag:s4], $0x6000  }
0x278: {  	s28 =	sld [smem:$0x7DF]  }
0x279: {  	[sflag:s4] =	ssyncset.done $0x0  }
0x27a: {  	[sflag:s4] =	ssyncadd.s32 $0xFFFFA000  }
0x27b: {  	[tilespmem:s13], [sflag:$0x5] =	stream.linear.gather [hbm4b:s28+s2], $0x6000, $0x38;
	[tilespmem:$0x18000] =	vst v63  }
0x27c: {  	_ =	swait.ge [sflag:s18], $0xC00  }
0x27d: {  	s28 =	sld [smem:$0x7E0]  }
0x27e: {  	[sflag:s18] =	ssyncset.done $0x0  }
0x27f: {  	[sflag:s18] =	ssyncadd.s32 $0xFFFFF400  }
0x280: {  	[hbm:s28], [sflag:s31] =	dma.local [spmem:s10], $0xC00  }
0x281: {  	_ =	swait.ge [sflag:s19], $0x6000  }
0x282: {  	s28 =	sld [smem:$0x7E1]  }
0x283: {  	[sflag:s19] =	ssyncset.done $0x0  }
0x284: {  	[sflag:s19] =	ssyncadd.s32 $0xFFFFA000  }
0x285: {  	[hbm4b:s28+s2] =	stream.linear.scatter [tilespmem:s7], [sflag:$0x8], $0x6000, $0x38;
	[tilespmem:$0x18000] =	vst v63  }
0x286: {  	_ =	swait.ge [sflag:s12], $0xC00  }
0x287: {  	s28 =	sld [smem:$0x7E2]  }
0x288: {  	[sflag:s12] =	ssyncset.done $0x0  }
0x289: {  	[sflag:s12] =	ssyncadd.s32 $0xFFFFF400  }
0x28a: {  	[spmem:s10], [sflag:s29] =	dma.local [hbm:s28], $0xC00  }
0x28b: {  	_ =	swait.ge [sflag:s6], $0x6000  }
0x28c: {  	s28 =	sld [smem:$0x7E3]  }
0x28d: {  	[sflag:s6] =	ssyncset.done $0x0  }
0x28e: {  	[sflag:s6] =	ssyncadd.s32 $0xFFFFA000  }
0x28f: {  	[tilespmem:s7], [sflag:$0x6] =	stream.linear.gather [hbm4b:s28+s2], $0x6000, $0x38;
	[tilespmem:$0x18000] =	vst v63  }
0x290: {  	_ =	swait.ge [sflag:s23], $0xC00  }
0x291: {  	s28 =	sld [smem:$0x7E4]  }
0x292: {  	[sflag:s23] =	ssyncset.done $0x0  }
0x293: {  	[sflag:s23] =	ssyncadd.s32 $0xFFFFF400  }
0x294: {  	[hbm:s28], [sflag:s30] =	dma.local [spmem:s15], $0xC00  }
0x295: {  	_ =	swait.ge [sflag:s20], $0x6000  }
0x296: {  	s28 =	sld [smem:$0x7E5]  }
0x297: {  	[sflag:s20] =	ssyncset.done $0x0  }
0x298: {  	[sflag:s20] =	ssyncadd.s32 $0xFFFFA000  }
0x299: {  	[hbm4b:s28+s2] =	stream.linear.scatter [tilespmem:s13], [sflag:$0x7], $0x6000, $0x38;
	[tilespmem:$0x18000] =	vst v63  }
0x29a: {  	_ =	swait.ge [sflag:s8], $0xC00  }
0x29b: {  	s28 =	sld [smem:$0x7E6]  }
0x29c: {  	[sflag:s8] =	ssyncset.done $0x0  }
0x29d: {  	[sflag:s8] =	ssyncadd.s32 $0xFFFFF400  }
0x29e: {  	[spmem:s15], [sflag:s16] =	dma.local [hbm:s28], $0xC00  }
0x29f: {  	_ =	swait.ge [sflag:s4], $0x6000  }
0x2a0: {  	s28 =	sld [smem:$0x7E7]  }
0x2a1: {  	[sflag:s4] =	ssyncset.done $0x0  }
0x2a2: {  	[sflag:s4] =	ssyncadd.s32 $0xFFFFA000  }
0x2a3: {  	[tilespmem:s13], [sflag:$0x5] =	stream.linear.gather [hbm4b:s28+s2], $0x6000, $0x38;
	[tilespmem:$0x18000] =	vst v63  }
0x2a4: {  	_ =	swait.ge [sflag:s18], $0xC00  }
0x2a5: {  	s28 =	sld [smem:$0x7E8]  }
0x2a6: {  	[sflag:s18] =	ssyncset.done $0x0  }
0x2a7: {  	[sflag:s18] =	ssyncadd.s32 $0xFFFFF400  }
0x2a8: {  	[hbm:s28], [sflag:s31] =	dma.local [spmem:s10], $0xC00  }
0x2a9: {  	_ =	swait.ge [sflag:s19], $0x6000  }
0x2aa: {  	s28 =	sld [smem:$0x7E9]  }
0x2ab: {  	[sflag:s19] =	ssyncset.done $0x0  }
0x2ac: {  	[sflag:s19] =	ssyncadd.s32 $0xFFFFA000  }
0x2ad: {  	[hbm4b:s28+s2] =	stream.linear.scatter [tilespmem:s7], [sflag:$0x8], $0x6000, $0x38;
	[tilespmem:$0x18000] =	vst v63  }
0x2ae: {  	_ =	swait.ge [sflag:s12], $0xC00  }
0x2af: {  	s28 =	sld [smem:$0x7EA]  }
0x2b0: {  	[sflag:s12] =	ssyncset.done $0x0  }
0x2b1: {  	[sflag:s12] =	ssyncadd.s32 $0xFFFFF400  }
0x2b2: {  	[spmem:s10], [sflag:s29] =	dma.local [hbm:s28], $0xC00  }
0x2b3: {  	_ =	swait.ge [sflag:s6], $0x6000  }
0x2b4: {  	s28 =	sld [smem:$0x7EB]  }
0x2b5: {  	[sflag:s6] =	ssyncset.done $0x0  }
0x2b6: {  	[sflag:s6] =	ssyncadd.s32 $0xFFFFA000  }
0x2b7: {  	[tilespmem:s7], [sflag:$0x6] =	stream.linear.gather [hbm4b:s28+s2], $0x6000, $0x38;
	[tilespmem:$0x18000] =	vst v63  }
0x2b8: {  	_ =	swait.ge [sflag:s23], $0xC00  }
0x2b9: {  	s28 =	sld [smem:$0x7EC]  }
0x2ba: {  	[sflag:s23] =	ssyncset.done $0x0  }
0x2bb: {  	[sflag:s23] =	ssyncadd.s32 $0xFFFFF400  }
0x2bc: {  	[hbm:s28], [sflag:s30] =	dma.local [spmem:s15], $0xC00  }
0x2bd: {  	_ =	swait.ge [sflag:s20], $0x6000  }
0x2be: {  	s28 =	sld [smem:$0x7ED]  }
0x2bf: {  	[sflag:s20] =	ssyncset.done $0x0  }
0x2c0: {  	[sflag:s20] =	ssyncadd.s32 $0xFFFFA000  }
0x2c1: {  	[hbm4b:s28+s2] =	stream.linear.scatter [tilespmem:s13], [sflag:$0x7], $0x6000, $0x38;
	[tilespmem:$0x18000] =	vst v63  }
0x2c2: {  	_ =	swait.ge [sflag:s8], $0xC00  }
0x2c3: {  	s28 =	sld [smem:$0x7EE]  }
0x2c4: {  	[sflag:s8] =	ssyncset.done $0x0  }
0x2c5: {  	[sflag:s8] =	ssyncadd.s32 $0xFFFFF400  }
0x2c6: {  	[spmem:s15], [sflag:s16] =	dma.local [hbm:s28], $0xC00  }
0x2c7: {  	_ =	swait.ge [sflag:s4], $0x6000  }
0x2c8: {  	s28 =	sld [smem:$0x7EF]  }
0x2c9: {  	[sflag:s4] =	ssyncset.done $0x0  }
0x2ca: {  	[sflag:s4] =	ssyncadd.s32 $0xFFFFA000  }
0x2cb: {  	[tilespmem:s13], [sflag:$0x5] =	stream.linear.gather [hbm4b:s28+s2], $0x6000, $0x38;
	[tilespmem:$0x18000] =	vst v63  }
0x2cc: {  	_ =	swait.ge [sflag:s18], $0xC00  }
0x2cd: {  	s28 =	sld [smem:$0x7F0]  }
0x2ce: {  	[sflag:s18] =	ssyncset.done $0x0  }
0x2cf: {  	[sflag:s18] =	ssyncadd.s32 $0xFFFFF400  }
0x2d0: {  	[hbm:s28], [sflag:s31] =	dma.local [spmem:s10], $0xC00  }
0x2d1: {  	_ =	swait.ge [sflag:s19], $0x6000  }
0x2d2: {  	s28 =	sld [smem:$0x7F1]  }
0x2d3: {  	[sflag:s19] =	ssyncset.done $0x0  }
0x2d4: {  	[sflag:s19] =	ssyncadd.s32 $0xFFFFA000  }
0x2d5: {  	[hbm4b:s28+s2] =	stream.linear.scatter [tilespmem:s7], [sflag:$0x8], $0x6000, $0x38;
	[tilespmem:$0x18000] =	vst v63  }
0x2d6: {  	_ =	swait.ge [sflag:s12], $0xC00  }
0x2d7: {  	s28 =	sld [smem:$0x7F2]  }
0x2d8: {  	[sflag:s12] =	ssyncset.done $0x0  }
0x2d9: {  	[sflag:s12] =	ssyncadd.s32 $0xFFFFF400  }
0x2da: {  	[spmem:s10], [sflag:s29] =	dma.local [hbm:s28], $0xC00  }
0x2db: {  	_ =	swait.ge [sflag:s6], $0x6000  }
0x2dc: {  	s28 =	sld [smem:$0x7F3]  }
0x2dd: {  	[sflag:s6] =	ssyncset.done $0x0  }
0x2de: {  	[sflag:s6] =	ssyncadd.s32 $0xFFFFA000  }
0x2df: {  	[tilespmem:s7], [sflag:$0x6] =	stream.linear.gather [hbm4b:s28+s2], $0x6000, $0x38;
	[tilespmem:$0x18000] =	vst v63  }
0x2e0: {  	_ =	swait.ge [sflag:s23], $0xC00  }
0x2e1: {  	s28 =	sld [smem:$0x7F4]  }
0x2e2: {  	[sflag:s23] =	ssyncset.done $0x0  }
0x2e3: {  	[sflag:s23] =	ssyncadd.s32 $0xFFFFF400  }
0x2e4: {  	[hbm:s28], [sflag:s30] =	dma.local [spmem:s15], $0xC00  }
0x2e5: {  	_ =	swait.ge [sflag:s20], $0x6000  }
0x2e6: {  	s28 =	sld [smem:$0x7F5]  }
0x2e7: {  	[sflag:s20] =	ssyncset.done $0x0  }
0x2e8: {  	[sflag:s20] =	ssyncadd.s32 $0xFFFFA000  }
0x2e9: {  	[hbm4b:s28+s2] =	stream.linear.scatter [tilespmem:s13], [sflag:$0x7], $0x6000, $0x38;
	[tilespmem:$0x18000] =	vst v63  }
0x2ea: {  	_ =	swait.ge [sflag:s8], $0xC00  }
0x2eb: {  	s28 =	sld [smem:$0x7F6]  }
0x2ec: {  	[sflag:s8] =	ssyncset.done $0x0  }
0x2ed: {  	[sflag:s8] =	ssyncadd.s32 $0xFFFFF400  }
0x2ee: {  	[spmem:s15], [sflag:s16] =	dma.local [hbm:s28], $0xC00  }
0x2ef: {  	_ =	swait.ge [sflag:s4], $0x6000  }
0x2f0: {  	s28 =	sld [smem:$0x7F7]  }
0x2f1: {  	[sflag:s4] =	ssyncset.done $0x0  }
0x2f2: {  	[sflag:s4] =	ssyncadd.s32 $0xFFFFA000  }
0x2f3: {  	[tilespmem:s13], [sflag:$0x5] =	stream.linear.gather [hbm4b:s28+s2], $0x6000, $0x38;
	[tilespmem:$0x18000] =	vst v63  }
0x2f4: {  	_ =	swait.ge [sflag:s18], $0xC00  }
0x2f5: {  	s28 =	sld [smem:$0x7F8]  }
0x2f6: {  	[sflag:s18] =	ssyncset.done $0x0  }
0x2f7: {  	[sflag:s18] =	ssyncadd.s32 $0xFFFFF400  }
0x2f8: {  	[hbm:s28], [sflag:s31] =	dma.local [spmem:s10], $0xC00  }
0x2f9: {  	_ =	swait.ge [sflag:s19], $0x6000  }
0x2fa: {  	s28 =	sld [smem:$0x7F9]  }
0x2fb: {  	[sflag:s19] =	ssyncset.done $0x0  }
0x2fc: {  	[sflag:s19] =	ssyncadd.s32 $0xFFFFA000  }
0x2fd: {  	[hbm4b:s28+s2] =	stream.linear.scatter [tilespmem:s7], [sflag:$0x8], $0x6000, $0x38;
	[tilespmem:$0x18000] =	vst v63  }
0x2fe: {  	_ =	swait.ge [sflag:s12], $0xC00  }
0x2ff: {  	s28 =	sld [smem:$0x7FA]  }
0x300: {  	[sflag:s12] =	ssyncset.done $0x0  }
0x301: {  	[sflag:s12] =	ssyncadd.s32 $0xFFFFF400  }
0x302: {  	[spmem:s10], [sflag:s29] =	dma.local [hbm:s28], $0xC00  }
0x303: {  	_ =	swait.ge [sflag:s6], $0x6000  }
0x304: {  	s28 =	sld [smem:$0x7FB]  }
0x305: {  	[sflag:s6] =	ssyncset.done $0x0  }
0x306: {  	[sflag:s6] =	ssyncadd.s32 $0xFFFFA000  }
0x307: {  	[tilespmem:s7], [sflag:$0x6] =	stream.linear.gather [hbm4b:s28+s2], $0x6000, $0x38;
	[tilespmem:$0x18000] =	vst v63  }
0x308: {  	_ =	swait.ge [sflag:s23], $0xC00  }
0x309: {  	s28 =	sld [smem:$0x7FC]  }
0x30a: {  	[sflag:s23] =	ssyncset.done $0x0  }
0x30b: {  	[sflag:s23] =	ssyncadd.s32 $0xFFFFF400  }
0x30c: {  	[hbm:s28], [sflag:s30] =	dma.local [spmem:s15], $0xC00  }
0x30d: {  	_ =	swait.ge [sflag:s20], $0x6000  }
0x30e: {  	[sflag:s20] =	ssyncset.done $0x0  }
0x30f: {  	[sflag:s20] =	ssyncadd.s32 $0xFFFFA000  }
0x310: {  	[hbm4b:s26+s2] =	stream.linear.scatter [tilespmem:s13], [sflag:$0x7], $0x6000, $0x38;
	[tilespmem:$0x18000] =	vst v63  }
0x311: {  	_ =	swait.ge [sflag:s8], $0xC00  }
0x312: {  	[sflag:s8] =	ssyncset.done $0x0  }
0x313: {  	[sflag:s8] =	ssyncadd.s32 $0xFFFFF400  }
0x314: {  	[spmem:s15], [sflag:s16] =	dma.local [hbm:s25], $0xC00  }
0x315: {  	_ =	swait.ge [sflag:s4], $0x6000  }
0x316: {  	[sflag:s4] =	ssyncset.done $0x0  }
0x317: {  	[sflag:s4] =	ssyncadd.s32 $0xFFFFA000  }
0x318: {  	[tilespmem:s13], [sflag:$0x5] =	stream.linear.gather [hbm4b:s24+s2], $0x6000, $0x38;
	[tilespmem:$0x18000] =	vst v63  }
0x319: {  	_ =	swait.ge [sflag:s18], $0xC00  }
0x31a: {  	[sflag:s18] =	ssyncset.done $0x0  }
0x31b: {  	[sflag:s18] =	ssyncadd.s32 $0xFFFFF400  }
0x31c: {  	[hbm:s22], [sflag:s31] =	dma.local [spmem:s10], $0xC00  }
0x31d: {  	_ =	swait.ge [sflag:s19], $0x6000  }
0x31e: {  	[sflag:s19] =	ssyncset.done $0x0  }
0x31f: {  	[sflag:s19] =	ssyncadd.s32 $0xFFFFA000  }
0x320: {  	[hbm4b:s21+s2] =	stream.linear.scatter [tilespmem:s7], [sflag:$0x8], $0x6000, $0x38;
	[tilespmem:$0x18000] =	vst v63  }
0x321: {  	_ =	swait.ge [sflag:s12], $0xC00  }
0x322: {  	[sflag:s12] =	ssyncset.done $0x0  }
0x323: {  	[sflag:s12] =	ssyncadd.s32 $0xFFFFF400  }
0x324: {  	[spmem:s10], [sflag:s29] =	dma.local [hbm:s17], $0xC00  }
0x325: {  	_ =	swait.ge [sflag:s6], $0x6000  }
0x326: {  	[sflag:s6] =	ssyncset.done $0x0  }
0x327: {  	[sflag:s6] =	ssyncadd.s32 $0xFFFFA000  }
0x328: {  	[tilespmem:s7], [sflag:$0x6] =	stream.linear.gather [hbm4b:s14+s2], $0x6000, $0x38;
	[tilespmem:$0x18000] =	vst v63  }
0x329: {  	_ =	swait.ge [sflag:s23], $0xC00  }
0x32a: {  	[sflag:s23] =	ssyncset.done $0x0  }
0x32b: {  	[sflag:s23] =	ssyncadd.s32 $0xFFFFF400  }
0x32c: {  	[hbm:s11], [sflag:s30] =	dma.local [spmem:s15], $0xC00  }
0x32d: {  	_ =	swait.ge [sflag:s20], $0x6000  }
0x32e: {  	[sflag:s20] =	ssyncset.done $0x0  }
0x32f: {  	[sflag:s20] =	ssyncadd.s32 $0xFFFFA000  }
0x330: {  	[hbm4b:s9+s2] =	stream.linear.scatter [tilespmem:s13], [sflag:$0x7], $0x6000, $0x38;
	[tilespmem:$0x18000] =	vst v63  }
0x331: {  	_ =	swait.ge [sflag:s18], $0xC00  }
0x332: {  	[sflag:s18] =	ssyncset.done $0x0  }
0x333: {  	[sflag:s18] =	ssyncadd.s32 $0xFFFFF400  }
0x334: {  	[hbm:s5], [sflag:s31] =	dma.local [spmem:s10], $0xC00  }
0x335: {  	_ =	swait.ge [sflag:s19], $0x6000  }
0x336: {  	[sflag:s19] =	ssyncset.done $0x0  }
0x337: {  	[sflag:s19] =	ssyncadd.s32 $0xFFFFA000  }
0x338: {  	[hbm4b:s3+s2] =	stream.linear.scatter [tilespmem:s7], [sflag:$0x8], $0x6000, $0x38;
	[tilespmem:$0x18000] =	vst v63  }
0x339: {  	_ =	swait.ge [sflag:s8], $0xC00  }
0x33a: {  	[sflag:s8] =	ssyncset.done $0x0  }
0x33b: {  	[sflag:s8] =	ssyncadd.s32 $0xFFFFF400  }
0x33c: {  	_ =	swait.ge [sflag:s12], $0xC00  }
0x33d: {  	[sflag:s12] =	ssyncset.done $0x0  }
0x33e: {  	p1 =	sne.s32 s1, $0x1;
	[sflag:s12] =	ssyncadd.s32 $0xFFFFF400  }
.Ltmp1:
0x33f: {  	_ =	swait.ge [sflag:s4], $0x6000;
	(pc) =	sbr.rel @!p1 .LBB2_2-.Ltmp1, $4  }
0x340: {  	[sflag:s4] =	ssyncset.done $0x0  }
0x341: {  	[sflag:s4] =	ssyncadd.s32 $0xFFFFA000  }
0x342: {  	s1 =	sadd.s32 $0xFFFFFFFF, s1;
	_ =	swait.ge [sflag:s6], $0x6000  }
0x343: {  	p0 =	por $0x1, $0x1;
	s0 =	rddreg [dreg:$0x5];
	[sflag:s6] =	ssyncset.done $0x0  }
.LBB2_3:
0x344: {  	[sflag:s6] =	ssyncadd.s32 $0xFFFFA000  }
0x345: {  	[spmem:s15], [sflag:s16] =	dma.local [hbm:s0], $0xC00  }
0x346: {  	s0 =	rddreg [dreg:$0x6]  }
0x347: {  	s28 =	rddreg [dreg:$0x7]  }
0x348: {  	[tilespmem:s13], [sflag:$0x5] =	stream.linear.gather [hbm4b:s0+s2], $0x6000, $0x38;
	[tilespmem:$0x18000] =	vst v63  }
0x349: {  	[spmem:s10], [sflag:s29] =	dma.local [hbm:s28], $0xC00  }
0x34a: {  	s28 =	rddreg [dreg:$0x8]  }
0x34b: {  	[tilespmem:s7], [sflag:$0x6] =	stream.linear.gather [hbm4b:s28+s2], $0x6000, $0x38;
	[tilespmem:$0x18000] =	vst v63  }
0x34c: {  	_ =	swait.ge [sflag:s23], $0xC00  }
0x34d: {  	[sflag:s23] =	ssyncset.done $0x0  }
0x34e: {  	s28 =	rddreg [dreg:$0x9];
	[sflag:s23] =	ssyncadd.s32 $0xFFFFF400  }
0x34f: {  	[hbm:s28], [sflag:s30] =	dma.local [spmem:s15], $0xC00  }
0x350: {  	_ =	swait.ge [sflag:s20], $0x6000  }
0x351: {  	[sflag:s20] =	ssyncset.done $0x0  }
0x352: {  	s28 =	rddreg [dreg:$0xa];
	[sflag:s20] =	ssyncadd.s32 $0xFFFFA000  }
0x353: {  	[hbm4b:s28+s2] =	stream.linear.scatter [tilespmem:s13], [sflag:$0x7], $0x6000, $0x38;
	[tilespmem:$0x18000] =	vst v63  }
0x354: {  	_ =	swait.ge [sflag:s8], $0xC00  }
0x355: {  	[sflag:s8] =	ssyncset.done $0x0  }
0x356: {  	s28 =	rddreg [dreg:$0xb];
	[sflag:s8] =	ssyncadd.s32 $0xFFFFF400  }
0x357: {  	[spmem:s15], [sflag:s16] =	dma.local [hbm:s28], $0xC00  }
0x358: {  	_ =	swait.ge [sflag:s4], $0x6000  }
0x359: {  	[sflag:s4] =	ssyncset.done $0x0  }
0x35a: {  	s28 =	rddreg [dreg:$0xc];
	[sflag:s4] =	ssyncadd.s32 $0xFFFFA000  }
0x35b: {  	[tilespmem:s13], [sflag:$0x5] =	stream.linear.gather [hbm4b:s28+s2], $0x6000, $0x38;
	[tilespmem:$0x18000] =	vst v63  }
0x35c: {  	_ =	swait.ge [sflag:s18], $0xC00  }
0x35d: {  	[sflag:s18] =	ssyncset.done $0x0  }
0x35e: {  	s28 =	rddreg [dreg:$0xd];
	[sflag:s18] =	ssyncadd.s32 $0xFFFFF400  }
0x35f: {  	[hbm:s28], [sflag:s31] =	dma.local [spmem:s10], $0xC00  }
0x360: {  	_ =	swait.ge [sflag:s19], $0x6000  }
0x361: {  	[sflag:s19] =	ssyncset.done $0x0  }
0x362: {  	s28 =	rddreg [dreg:$0xe];
	[sflag:s19] =	ssyncadd.s32 $0xFFFFA000  }
0x363: {  	[hbm4b:s28+s2] =	stream.linear.scatter [tilespmem:s7], [sflag:$0x8], $0x6000, $0x38;
	[tilespmem:$0x18000] =	vst v63  }
0x364: {  	_ =	swait.ge [sflag:s12], $0xC00  }
0x365: {  	[sflag:s12] =	ssyncset.done $0x0  }
0x366: {  	s28 =	rddreg [dreg:$0xf];
	[sflag:s12] =	ssyncadd.s32 $0xFFFFF400  }
0x367: {  	[spmem:s10], [sflag:s29] =	dma.local [hbm:s28], $0xC00  }
0x368: {  	_ =	swait.ge [sflag:s6], $0x6000  }
0x369: {  	[sflag:s6] =	ssyncset.done $0x0  }
0x36a: {  	s28 =	rddreg [dreg:$0x10];
	[sflag:s6] =	ssyncadd.s32 $0xFFFFA000  }
0x36b: {  	[tilespmem:s7], [sflag:$0x6] =	stream.linear.gather [hbm4b:s28+s2], $0x6000, $0x38;
	[tilespmem:$0x18000] =	vst v63  }
0x36c: {  	_ =	swait.ge [sflag:s23], $0xC00  }
0x36d: {  	[sflag:s23] =	ssyncset.done $0x0  }
0x36e: {  	s28 =	rddreg [dreg:$0x11];
	[sflag:s23] =	ssyncadd.s32 $0xFFFFF400  }
0x36f: {  	[hbm:s28], [sflag:s30] =	dma.local [spmem:s15], $0xC00  }
0x370: {  	_ =	swait.ge [sflag:s20], $0x6000  }
0x371: {  	[sflag:s20] =	ssyncset.done $0x0  }
0x372: {  	s28 =	rddreg [dreg:$0x12];
	[sflag:s20] =	ssyncadd.s32 $0xFFFFA000  }
0x373: {  	[hbm4b:s28+s2] =	stream.linear.scatter [tilespmem:s13], [sflag:$0x7], $0x6000, $0x38;
	[tilespmem:$0x18000] =	vst v63  }
0x374: {  	_ =	swait.ge [sflag:s8], $0xC00  }
0x375: {  	[sflag:s8] =	ssyncset.done $0x0  }
0x376: {  	s28 =	rddreg [dreg:$0x13];
	[sflag:s8] =	ssyncadd.s32 $0xFFFFF400  }
0x377: {  	[spmem:s15], [sflag:s16] =	dma.local [hbm:s28], $0xC00  }
0x378: {  	_ =	swait.ge [sflag:s4], $0x6000  }
0x379: {  	[sflag:s4] =	ssyncset.done $0x0  }
0x37a: {  	s28 =	rddreg [dreg:$0x14];
	[sflag:s4] =	ssyncadd.s32 $0xFFFFA000  }
0x37b: {  	[tilespmem:s13], [sflag:$0x5] =	stream.linear.gather [hbm4b:s28+s2], $0x6000, $0x38;
	[tilespmem:$0x18000] =	vst v63  }
0x37c: {  	_ =	swait.ge [sflag:s18], $0xC00  }
0x37d: {  	[sflag:s18] =	ssyncset.done $0x0  }
0x37e: {  	s28 =	rddreg [dreg:$0x15];
	[sflag:s18] =	ssyncadd.s32 $0xFFFFF400  }
0x37f: {  	[hbm:s28], [sflag:s31] =	dma.local [spmem:s10], $0xC00  }
0x380: {  	_ =	swait.ge [sflag:s19], $0x6000  }
0x381: {  	[sflag:s19] =	ssyncset.done $0x0  }
0x382: {  	s28 =	rddreg [dreg:$0x16];
	[sflag:s19] =	ssyncadd.s32 $0xFFFFA000  }
0x383: {  	[hbm4b:s28+s2] =	stream.linear.scatter [tilespmem:s7], [sflag:$0x8], $0x6000, $0x38;
	[tilespmem:$0x18000] =	vst v63  }
0x384: {  	_ =	swait.ge [sflag:s12], $0xC00  }
0x385: {  	[sflag:s12] =	ssyncset.done $0x0  }
0x386: {  	s28 =	rddreg [dreg:$0x17];
	[sflag:s12] =	ssyncadd.s32 $0xFFFFF400  }
0x387: {  	[spmem:s10], [sflag:s29] =	dma.local [hbm:s28], $0xC00  }
0x388: {  	_ =	swait.ge [sflag:s6], $0x6000  }
0x389: {  	[sflag:s6] =	ssyncset.done $0x0  }
0x38a: {  	s28 =	rddreg [dreg:$0x18];
	[sflag:s6] =	ssyncadd.s32 $0xFFFFA000  }
0x38b: {  	[tilespmem:s7], [sflag:$0x6] =	stream.linear.gather [hbm4b:s28+s2], $0x6000, $0x38;
	[tilespmem:$0x18000] =	vst v63  }
0x38c: {  	_ =	swait.ge [sflag:s23], $0xC00  }
0x38d: {  	[sflag:s23] =	ssyncset.done $0x0  }
0x38e: {  	s28 =	rddreg [dreg:$0x19];
	[sflag:s23] =	ssyncadd.s32 $0xFFFFF400  }
0x38f: {  	[hbm:s28], [sflag:s30] =	dma.local [spmem:s15], $0xC00  }
0x390: {  	_ =	swait.ge [sflag:s20], $0x6000  }
0x391: {  	[sflag:s20] =	ssyncset.done $0x0  }
0x392: {  	s28 =	rddreg [dreg:$0x1a];
	[sflag:s20] =	ssyncadd.s32 $0xFFFFA000  }
0x393: {  	[hbm4b:s28+s2] =	stream.linear.scatter [tilespmem:s13], [sflag:$0x7], $0x6000, $0x38;
	[tilespmem:$0x18000] =	vst v63  }
0x394: {  	_ =	swait.ge [sflag:s8], $0xC00  }
0x395: {  	[sflag:s8] =	ssyncset.done $0x0  }
0x396: {  	s28 =	rddreg [dreg:$0x1b];
	[sflag:s8] =	ssyncadd.s32 $0xFFFFF400  }
0x397: {  	[spmem:s15], [sflag:s16] =	dma.local [hbm:s28], $0xC00  }
0x398: {  	_ =	swait.ge [sflag:s4], $0x6000  }
0x399: {  	[sflag:s4] =	ssyncset.done $0x0  }
0x39a: {  	s28 =	rddreg [dreg:$0x1c];
	[sflag:s4] =	ssyncadd.s32 $0xFFFFA000  }
0x39b: {  	[tilespmem:s13], [sflag:$0x5] =	stream.linear.gather [hbm4b:s28+s2], $0x6000, $0x38;
	[tilespmem:$0x18000] =	vst v63  }
0x39c: {  	_ =	swait.ge [sflag:s18], $0xC00  }
0x39d: {  	[sflag:s18] =	ssyncset.done $0x0  }
0x39e: {  	s28 =	rddreg [dreg:$0x1d];
	[sflag:s18] =	ssyncadd.s32 $0xFFFFF400  }
0x39f: {  	[hbm:s28], [sflag:s31] =	dma.local [spmem:s10], $0xC00  }
0x3a0: {  	_ =	swait.ge [sflag:s19], $0x6000  }
0x3a1: {  	[sflag:s19] =	ssyncset.done $0x0  }
0x3a2: {  	s28 =	rddreg [dreg:$0x1e];
	[sflag:s19] =	ssyncadd.s32 $0xFFFFA000  }
0x3a3: {  	[hbm4b:s28+s2] =	stream.linear.scatter [tilespmem:s7], [sflag:$0x8], $0x6000, $0x38;
	[tilespmem:$0x18000] =	vst v63  }
0x3a4: {  	_ =	swait.ge [sflag:s12], $0xC00  }
0x3a5: {  	[sflag:s12] =	ssyncset.done $0x0  }
0x3a6: {  	s28 =	rddreg [dreg:$0x1f];
	[sflag:s12] =	ssyncadd.s32 $0xFFFFF400  }
0x3a7: {  	[spmem:s10], [sflag:s29] =	dma.local [hbm:s28], $0xC00  }
0x3a8: {  	_ =	swait.ge [sflag:s6], $0x6000  }
0x3a9: {  	s28 =	sld [smem:$0x793]  }
0x3aa: {  	[sflag:s6] =	ssyncset.done $0x0  }
0x3ab: {  	[sflag:s6] =	ssyncadd.s32 $0xFFFFA000  }
0x3ac: {  	[tilespmem:s7], [sflag:$0x6] =	stream.linear.gather [hbm4b:s28+s2], $0x6000, $0x38;
	[tilespmem:$0x18000] =	vst v63  }
0x3ad: {  	_ =	swait.ge [sflag:s23], $0xC00  }
0x3ae: {  	s28 =	sld [smem:$0x794]  }
0x3af: {  	[sflag:s23] =	ssyncset.done $0x0  }
0x3b0: {  	[sflag:s23] =	ssyncadd.s32 $0xFFFFF400  }
0x3b1: {  	[hbm:s28], [sflag:s30] =	dma.local [spmem:s15], $0xC00  }
0x3b2: {  	_ =	swait.ge [sflag:s20], $0x6000  }
0x3b3: {  	s28 =	sld [smem:$0x795]  }
0x3b4: {  	[sflag:s20] =	ssyncset.done $0x0  }
0x3b5: {  	[sflag:s20] =	ssyncadd.s32 $0xFFFFA000  }
0x3b6: {  	[hbm4b:s28+s2] =	stream.linear.scatter [tilespmem:s13], [sflag:$0x7], $0x6000, $0x38;
	[tilespmem:$0x18000] =	vst v63  }
0x3b7: {  	_ =	swait.ge [sflag:s8], $0xC00  }
0x3b8: {  	s28 =	sld [smem:$0x796]  }
0x3b9: {  	[sflag:s8] =	ssyncset.done $0x0  }
0x3ba: {  	[sflag:s8] =	ssyncadd.s32 $0xFFFFF400  }
0x3bb: {  	[spmem:s15], [sflag:s16] =	dma.local [hbm:s28], $0xC00  }
0x3bc: {  	_ =	swait.ge [sflag:s4], $0x6000  }
0x3bd: {  	s28 =	sld [smem:$0x797]  }
0x3be: {  	[sflag:s4] =	ssyncset.done $0x0  }
0x3bf: {  	[sflag:s4] =	ssyncadd.s32 $0xFFFFA000  }
0x3c0: {  	[tilespmem:s13], [sflag:$0x5] =	stream.linear.gather [hbm4b:s28+s2], $0x6000, $0x38;
	[tilespmem:$0x18000] =	vst v63  }
0x3c1: {  	_ =	swait.ge [sflag:s18], $0xC00  }
0x3c2: {  	s28 =	sld [smem:$0x798]  }
0x3c3: {  	[sflag:s18] =	ssyncset.done $0x0  }
0x3c4: {  	[sflag:s18] =	ssyncadd.s32 $0xFFFFF400  }
0x3c5: {  	[hbm:s28], [sflag:s31] =	dma.local [spmem:s10], $0xC00  }
0x3c6: {  	_ =	swait.ge [sflag:s19], $0x6000  }
0x3c7: {  	s28 =	sld [smem:$0x799]  }
0x3c8: {  	[sflag:s19] =	ssyncset.done $0x0  }
0x3c9: {  	[sflag:s19] =	ssyncadd.s32 $0xFFFFA000  }
0x3ca: {  	[hbm4b:s28+s2] =	stream.linear.scatter [tilespmem:s7], [sflag:$0x8], $0x6000, $0x38;
	[tilespmem:$0x18000] =	vst v63  }
0x3cb: {  	_ =	swait.ge [sflag:s12], $0xC00  }
0x3cc: {  	s28 =	sld [smem:$0x79A]  }
0x3cd: {  	[sflag:s12] =	ssyncset.done $0x0  }
0x3ce: {  	[sflag:s12] =	ssyncadd.s32 $0xFFFFF400  }
0x3cf: {  	[spmem:s10], [sflag:s29] =	dma.local [hbm:s28], $0xC00  }
0x3d0: {  	_ =	swait.ge [sflag:s6], $0x6000  }
0x3d1: {  	s28 =	sld [smem:$0x79B]  }
0x3d2: {  	[sflag:s6] =	ssyncset.done $0x0  }
0x3d3: {  	[sflag:s6] =	ssyncadd.s32 $0xFFFFA000  }
0x3d4: {  	[tilespmem:s7], [sflag:$0x6] =	stream.linear.gather [hbm4b:s28+s2], $0x6000, $0x38;
	[tilespmem:$0x18000] =	vst v63  }
0x3d5: {  	_ =	swait.ge [sflag:s23], $0xC00  }
0x3d6: {  	s28 =	sld [smem:$0x79C]  }
0x3d7: {  	[sflag:s23] =	ssyncset.done $0x0  }
0x3d8: {  	[sflag:s23] =	ssyncadd.s32 $0xFFFFF400  }
0x3d9: {  	[hbm:s28], [sflag:s30] =	dma.local [spmem:s15], $0xC00  }
0x3da: {  	_ =	swait.ge [sflag:s20], $0x6000  }
0x3db: {  	s28 =	sld [smem:$0x79D]  }
0x3dc: {  	[sflag:s20] =	ssyncset.done $0x0  }
0x3dd: {  	[sflag:s20] =	ssyncadd.s32 $0xFFFFA000  }
0x3de: {  	[hbm4b:s28+s2] =	stream.linear.scatter [tilespmem:s13], [sflag:$0x7], $0x6000, $0x38;
	[tilespmem:$0x18000] =	vst v63  }
0x3df: {  	_ =	swait.ge [sflag:s8], $0xC00  }
0x3e0: {  	s28 =	sld [smem:$0x79E]  }
0x3e1: {  	[sflag:s8] =	ssyncset.done $0x0  }
0x3e2: {  	[sflag:s8] =	ssyncadd.s32 $0xFFFFF400  }
0x3e3: {  	[spmem:s15], [sflag:s16] =	dma.local [hbm:s28], $0xC00  }
0x3e4: {  	_ =	swait.ge [sflag:s4], $0x6000  }
0x3e5: {  	s28 =	sld [smem:$0x79F]  }
0x3e6: {  	[sflag:s4] =	ssyncset.done $0x0  }
0x3e7: {  	[sflag:s4] =	ssyncadd.s32 $0xFFFFA000  }
0x3e8: {  	[tilespmem:s13], [sflag:$0x5] =	stream.linear.gather [hbm4b:s28+s2], $0x6000, $0x38;
	[tilespmem:$0x18000] =	vst v63  }
0x3e9: {  	_ =	swait.ge [sflag:s18], $0xC00  }
0x3ea: {  	s28 =	sld [smem:$0x7A0]  }
0x3eb: {  	[sflag:s18] =	ssyncset.done $0x0  }
0x3ec: {  	[sflag:s18] =	ssyncadd.s32 $0xFFFFF400  }
0x3ed: {  	[hbm:s28], [sflag:s31] =	dma.local [spmem:s10], $0xC00  }
0x3ee: {  	_ =	swait.ge [sflag:s19], $0x6000  }
0x3ef: {  	s28 =	sld [smem:$0x7A1]  }
0x3f0: {  	[sflag:s19] =	ssyncset.done $0x0  }
0x3f1: {  	[sflag:s19] =	ssyncadd.s32 $0xFFFFA000  }
0x3f2: {  	[hbm4b:s28+s2] =	stream.linear.scatter [tilespmem:s7], [sflag:$0x8], $0x6000, $0x38;
	[tilespmem:$0x18000] =	vst v63  }
0x3f3: {  	_ =	swait.ge [sflag:s12], $0xC00  }
0x3f4: {  	s28 =	sld [smem:$0x7A2]  }
0x3f5: {  	[sflag:s12] =	ssyncset.done $0x0  }
0x3f6: {  	[sflag:s12] =	ssyncadd.s32 $0xFFFFF400  }
0x3f7: {  	[spmem:s10], [sflag:s29] =	dma.local [hbm:s28], $0xC00  }
0x3f8: {  	_ =	swait.ge [sflag:s6], $0x6000  }
0x3f9: {  	s28 =	sld [smem:$0x7A3]  }
0x3fa: {  	[sflag:s6] =	ssyncset.done $0x0  }
0x3fb: {  	[sflag:s6] =	ssyncadd.s32 $0xFFFFA000  }
0x3fc: {  	[tilespmem:s7], [sflag:$0x6] =	stream.linear.gather [hbm4b:s28+s2], $0x6000, $0x38;
	[tilespmem:$0x18000] =	vst v63  }
0x3fd: {  	_ =	swait.ge [sflag:s23], $0xC00  }
0x3fe: {  	s28 =	sld [smem:$0x7A4]  }
0x3ff: {  	[sflag:s23] =	ssyncset.done $0x0  }
0x400: {  	[sflag:s23] =	ssyncadd.s32 $0xFFFFF400  }
0x401: {  	[hbm:s28], [sflag:s30] =	dma.local [spmem:s15], $0xC00  }
0x402: {  	_ =	swait.ge [sflag:s20], $0x6000  }
0x403: {  	s28 =	sld [smem:$0x7A5]  }
0x404: {  	[sflag:s20] =	ssyncset.done $0x0  }
0x405: {  	[sflag:s20] =	ssyncadd.s32 $0xFFFFA000  }
0x406: {  	[hbm4b:s28+s2] =	stream.linear.scatter [tilespmem:s13], [sflag:$0x7], $0x6000, $0x38;
	[tilespmem:$0x18000] =	vst v63  }
0x407: {  	_ =	swait.ge [sflag:s8], $0xC00  }
0x408: {  	s28 =	sld [smem:$0x7A6]  }
0x409: {  	[sflag:s8] =	ssyncset.done $0x0  }
0x40a: {  	[sflag:s8] =	ssyncadd.s32 $0xFFFFF400  }
0x40b: {  	[spmem:s15], [sflag:s16] =	dma.local [hbm:s28], $0xC00  }
0x40c: {  	_ =	swait.ge [sflag:s4], $0x6000  }
0x40d: {  	s28 =	sld [smem:$0x7A7]  }
0x40e: {  	[sflag:s4] =	ssyncset.done $0x0  }
0x40f: {  	[sflag:s4] =	ssyncadd.s32 $0xFFFFA000  }
0x410: {  	[tilespmem:s13], [sflag:$0x5] =	stream.linear.gather [hbm4b:s28+s2], $0x6000, $0x38;
	[tilespmem:$0x18000] =	vst v63  }
0x411: {  	_ =	swait.ge [sflag:s18], $0xC00  }
0x412: {  	s28 =	sld [smem:$0x7A8]  }
0x413: {  	[sflag:s18] =	ssyncset.done $0x0  }
0x414: {  	[sflag:s18] =	ssyncadd.s32 $0xFFFFF400  }
0x415: {  	[hbm:s28], [sflag:s31] =	dma.local [spmem:s10], $0xC00  }
0x416: {  	_ =	swait.ge [sflag:s19], $0x6000  }
0x417: {  	s28 =	sld [smem:$0x7A9]  }
0x418: {  	[sflag:s19] =	ssyncset.done $0x0  }
0x419: {  	[sflag:s19] =	ssyncadd.s32 $0xFFFFA000  }
0x41a: {  	[hbm4b:s28+s2] =	stream.linear.scatter [tilespmem:s7], [sflag:$0x8], $0x6000, $0x38;
	[tilespmem:$0x18000] =	vst v63  }
0x41b: {  	_ =	swait.ge [sflag:s12], $0xC00  }
0x41c: {  	s28 =	sld [smem:$0x7AA]  }
0x41d: {  	[sflag:s12] =	ssyncset.done $0x0  }
0x41e: {  	[sflag:s12] =	ssyncadd.s32 $0xFFFFF400  }
0x41f: {  	[spmem:s10], [sflag:s29] =	dma.local [hbm:s28], $0xC00  }
0x420: {  	_ =	swait.ge [sflag:s6], $0x6000  }
0x421: {  	s28 =	sld [smem:$0x7AB]  }
0x422: {  	[sflag:s6] =	ssyncset.done $0x0  }
0x423: {  	[sflag:s6] =	ssyncadd.s32 $0xFFFFA000  }
0x424: {  	[tilespmem:s7], [sflag:$0x6] =	stream.linear.gather [hbm4b:s28+s2], $0x6000, $0x38;
	[tilespmem:$0x18000] =	vst v63  }
0x425: {  	_ =	swait.ge [sflag:s23], $0xC00  }
0x426: {  	s28 =	sld [smem:$0x7AC]  }
0x427: {  	[sflag:s23] =	ssyncset.done $0x0  }
0x428: {  	[sflag:s23] =	ssyncadd.s32 $0xFFFFF400  }
0x429: {  	[hbm:s28], [sflag:s30] =	dma.local [spmem:s15], $0xC00  }
0x42a: {  	_ =	swait.ge [sflag:s20], $0x6000  }
0x42b: {  	s28 =	sld [smem:$0x7AD]  }
0x42c: {  	[sflag:s20] =	ssyncset.done $0x0  }
0x42d: {  	[sflag:s20] =	ssyncadd.s32 $0xFFFFA000  }
0x42e: {  	[hbm4b:s28+s2] =	stream.linear.scatter [tilespmem:s13], [sflag:$0x7], $0x6000, $0x38;
	[tilespmem:$0x18000] =	vst v63  }
0x42f: {  	_ =	swait.ge [sflag:s8], $0xC00  }
0x430: {  	s28 =	sld [smem:$0x7AE]  }
0x431: {  	[sflag:s8] =	ssyncset.done $0x0  }
0x432: {  	[sflag:s8] =	ssyncadd.s32 $0xFFFFF400  }
0x433: {  	[spmem:s15], [sflag:s16] =	dma.local [hbm:s28], $0xC00  }
0x434: {  	_ =	swait.ge [sflag:s4], $0x6000  }
0x435: {  	s28 =	sld [smem:$0x7AF]  }
0x436: {  	[sflag:s4] =	ssyncset.done $0x0  }
0x437: {  	[sflag:s4] =	ssyncadd.s32 $0xFFFFA000  }
0x438: {  	[tilespmem:s13], [sflag:$0x5] =	stream.linear.gather [hbm4b:s28+s2], $0x6000, $0x38;
	[tilespmem:$0x18000] =	vst v63  }
0x439: {  	_ =	swait.ge [sflag:s18], $0xC00  }
0x43a: {  	s28 =	sld [smem:$0x7B0]  }
0x43b: {  	[sflag:s18] =	ssyncset.done $0x0  }
0x43c: {  	[sflag:s18] =	ssyncadd.s32 $0xFFFFF400  }
0x43d: {  	[hbm:s28], [sflag:s31] =	dma.local [spmem:s10], $0xC00  }
0x43e: {  	_ =	swait.ge [sflag:s19], $0x6000  }
0x43f: {  	s28 =	sld [smem:$0x7B1]  }
0x440: {  	[sflag:s19] =	ssyncset.done $0x0  }
0x441: {  	[sflag:s19] =	ssyncadd.s32 $0xFFFFA000  }
0x442: {  	[hbm4b:s28+s2] =	stream.linear.scatter [tilespmem:s7], [sflag:$0x8], $0x6000, $0x38;
	[tilespmem:$0x18000] =	vst v63  }
0x443: {  	_ =	swait.ge [sflag:s12], $0xC00  }
0x444: {  	s28 =	sld [smem:$0x7B2]  }
0x445: {  	[sflag:s12] =	ssyncset.done $0x0  }
0x446: {  	[sflag:s12] =	ssyncadd.s32 $0xFFFFF400  }
0x447: {  	[spmem:s10], [sflag:s29] =	dma.local [hbm:s28], $0xC00  }
0x448: {  	_ =	swait.ge [sflag:s6], $0x6000  }
0x449: {  	s28 =	sld [smem:$0x7B3]  }
0x44a: {  	[sflag:s6] =	ssyncset.done $0x0  }
0x44b: {  	[sflag:s6] =	ssyncadd.s32 $0xFFFFA000  }
0x44c: {  	[tilespmem:s7], [sflag:$0x6] =	stream.linear.gather [hbm4b:s28+s2], $0x6000, $0x38;
	[tilespmem:$0x18000] =	vst v63  }
0x44d: {  	_ =	swait.ge [sflag:s23], $0xC00  }
0x44e: {  	s28 =	sld [smem:$0x7B4]  }
0x44f: {  	[sflag:s23] =	ssyncset.done $0x0  }
0x450: {  	[sflag:s23] =	ssyncadd.s32 $0xFFFFF400  }
0x451: {  	[hbm:s28], [sflag:s30] =	dma.local [spmem:s15], $0xC00  }
0x452: {  	_ =	swait.ge [sflag:s20], $0x6000  }
0x453: {  	s28 =	sld [smem:$0x7B5]  }
0x454: {  	[sflag:s20] =	ssyncset.done $0x0  }
0x455: {  	[sflag:s20] =	ssyncadd.s32 $0xFFFFA000  }
0x456: {  	[hbm4b:s28+s2] =	stream.linear.scatter [tilespmem:s13], [sflag:$0x7], $0x6000, $0x38;
	[tilespmem:$0x18000] =	vst v63  }
0x457: {  	_ =	swait.ge [sflag:s8], $0xC00  }
0x458: {  	s28 =	sld [smem:$0x7B6]  }
0x459: {  	[sflag:s8] =	ssyncset.done $0x0  }
0x45a: {  	[sflag:s8] =	ssyncadd.s32 $0xFFFFF400  }
0x45b: {  	[spmem:s15], [sflag:s16] =	dma.local [hbm:s28], $0xC00  }
0x45c: {  	_ =	swait.ge [sflag:s4], $0x6000  }
0x45d: {  	s28 =	sld [smem:$0x7B7]  }
0x45e: {  	[sflag:s4] =	ssyncset.done $0x0  }
0x45f: {  	[sflag:s4] =	ssyncadd.s32 $0xFFFFA000  }
0x460: {  	[tilespmem:s13], [sflag:$0x5] =	stream.linear.gather [hbm4b:s28+s2], $0x6000, $0x38;
	[tilespmem:$0x18000] =	vst v63  }
0x461: {  	_ =	swait.ge [sflag:s18], $0xC00  }
0x462: {  	s28 =	sld [smem:$0x7B8]  }
0x463: {  	[sflag:s18] =	ssyncset.done $0x0  }
0x464: {  	[sflag:s18] =	ssyncadd.s32 $0xFFFFF400  }
0x465: {  	[hbm:s28], [sflag:s31] =	dma.local [spmem:s10], $0xC00  }
0x466: {  	_ =	swait.ge [sflag:s19], $0x6000  }
0x467: {  	s28 =	sld [smem:$0x7B9]  }
0x468: {  	[sflag:s19] =	ssyncset.done $0x0  }
0x469: {  	[sflag:s19] =	ssyncadd.s32 $0xFFFFA000  }
0x46a: {  	[hbm4b:s28+s2] =	stream.linear.scatter [tilespmem:s7], [sflag:$0x8], $0x6000, $0x38;
	[tilespmem:$0x18000] =	vst v63  }
0x46b: {  	_ =	swait.ge [sflag:s12], $0xC00  }
0x46c: {  	s28 =	sld [smem:$0x7BA]  }
0x46d: {  	[sflag:s12] =	ssyncset.done $0x0  }
0x46e: {  	[sflag:s12] =	ssyncadd.s32 $0xFFFFF400  }
0x46f: {  	[spmem:s10], [sflag:s29] =	dma.local [hbm:s28], $0xC00  }
0x470: {  	_ =	swait.ge [sflag:s6], $0x6000  }
0x471: {  	s28 =	sld [smem:$0x7BB]  }
0x472: {  	[sflag:s6] =	ssyncset.done $0x0  }
0x473: {  	[sflag:s6] =	ssyncadd.s32 $0xFFFFA000  }
0x474: {  	[tilespmem:s7], [sflag:$0x6] =	stream.linear.gather [hbm4b:s28+s2], $0x6000, $0x38;
	[tilespmem:$0x18000] =	vst v63  }
0x475: {  	_ =	swait.ge [sflag:s23], $0xC00  }
0x476: {  	s28 =	sld [smem:$0x7BC]  }
0x477: {  	[sflag:s23] =	ssyncset.done $0x0  }
0x478: {  	[sflag:s23] =	ssyncadd.s32 $0xFFFFF400  }
0x479: {  	[hbm:s28], [sflag:s30] =	dma.local [spmem:s15], $0xC00  }
0x47a: {  	_ =	swait.ge [sflag:s20], $0x6000  }
0x47b: {  	s28 =	sld [smem:$0x7BD]  }
0x47c: {  	[sflag:s20] =	ssyncset.done $0x0  }
0x47d: {  	[sflag:s20] =	ssyncadd.s32 $0xFFFFA000  }
0x47e: {  	[hbm4b:s28+s2] =	stream.linear.scatter [tilespmem:s13], [sflag:$0x7], $0x6000, $0x38;
	[tilespmem:$0x18000] =	vst v63  }
0x47f: {  	_ =	swait.ge [sflag:s8], $0xC00  }
0x480: {  	s28 =	sld [smem:$0x7BE]  }
0x481: {  	[sflag:s8] =	ssyncset.done $0x0  }
0x482: {  	[sflag:s8] =	ssyncadd.s32 $0xFFFFF400  }
0x483: {  	[spmem:s15], [sflag:s16] =	dma.local [hbm:s28], $0xC00  }
0x484: {  	_ =	swait.ge [sflag:s4], $0x6000  }
0x485: {  	s28 =	sld [smem:$0x7BF]  }
0x486: {  	[sflag:s4] =	ssyncset.done $0x0  }
0x487: {  	[sflag:s4] =	ssyncadd.s32 $0xFFFFA000  }
0x488: {  	[tilespmem:s13], [sflag:$0x5] =	stream.linear.gather [hbm4b:s28+s2], $0x6000, $0x38;
	[tilespmem:$0x18000] =	vst v63  }
0x489: {  	_ =	swait.ge [sflag:s18], $0xC00  }
0x48a: {  	s28 =	sld [smem:$0x7C0]  }
0x48b: {  	[sflag:s18] =	ssyncset.done $0x0  }
0x48c: {  	[sflag:s18] =	ssyncadd.s32 $0xFFFFF400  }
0x48d: {  	[hbm:s28], [sflag:s31] =	dma.local [spmem:s10], $0xC00  }
0x48e: {  	_ =	swait.ge [sflag:s19], $0x6000  }
0x48f: {  	s28 =	sld [smem:$0x7C1]  }
0x490: {  	[sflag:s19] =	ssyncset.done $0x0  }
0x491: {  	[sflag:s19] =	ssyncadd.s32 $0xFFFFA000  }
0x492: {  	[hbm4b:s28+s2] =	stream.linear.scatter [tilespmem:s7], [sflag:$0x8], $0x6000, $0x38;
	[tilespmem:$0x18000] =	vst v63  }
0x493: {  	_ =	swait.ge [sflag:s12], $0xC00  }
0x494: {  	s28 =	sld [smem:$0x7C2]  }
0x495: {  	[sflag:s12] =	ssyncset.done $0x0  }
0x496: {  	[sflag:s12] =	ssyncadd.s32 $0xFFFFF400  }
0x497: {  	[spmem:s10], [sflag:s29] =	dma.local [hbm:s28], $0xC00  }
0x498: {  	_ =	swait.ge [sflag:s6], $0x6000  }
0x499: {  	s28 =	sld [smem:$0x7C3]  }
0x49a: {  	[sflag:s6] =	ssyncset.done $0x0  }
0x49b: {  	[sflag:s6] =	ssyncadd.s32 $0xFFFFA000  }
0x49c: {  	[tilespmem:s7], [sflag:$0x6] =	stream.linear.gather [hbm4b:s28+s2], $0x6000, $0x38;
	[tilespmem:$0x18000] =	vst v63  }
0x49d: {  	_ =	swait.ge [sflag:s23], $0xC00  }
0x49e: {  	s28 =	sld [smem:$0x7C4]  }
0x49f: {  	[sflag:s23] =	ssyncset.done $0x0  }
0x4a0: {  	[sflag:s23] =	ssyncadd.s32 $0xFFFFF400  }
0x4a1: {  	[hbm:s28], [sflag:s30] =	dma.local [spmem:s15], $0xC00  }
0x4a2: {  	_ =	swait.ge [sflag:s20], $0x6000  }
0x4a3: {  	s28 =	sld [smem:$0x7C5]  }
0x4a4: {  	[sflag:s20] =	ssyncset.done $0x0  }
0x4a5: {  	[sflag:s20] =	ssyncadd.s32 $0xFFFFA000  }
0x4a6: {  	[hbm4b:s28+s2] =	stream.linear.scatter [tilespmem:s13], [sflag:$0x7], $0x6000, $0x38;
	[tilespmem:$0x18000] =	vst v63  }
0x4a7: {  	_ =	swait.ge [sflag:s8], $0xC00  }
0x4a8: {  	s28 =	sld [smem:$0x7C6]  }
0x4a9: {  	[sflag:s8] =	ssyncset.done $0x0  }
0x4aa: {  	[sflag:s8] =	ssyncadd.s32 $0xFFFFF400  }
0x4ab: {  	[spmem:s15], [sflag:s16] =	dma.local [hbm:s28], $0xC00  }
0x4ac: {  	_ =	swait.ge [sflag:s4], $0x6000  }
0x4ad: {  	s28 =	sld [smem:$0x7C7]  }
0x4ae: {  	[sflag:s4] =	ssyncset.done $0x0  }
0x4af: {  	[sflag:s4] =	ssyncadd.s32 $0xFFFFA000  }
0x4b0: {  	[tilespmem:s13], [sflag:$0x5] =	stream.linear.gather [hbm4b:s28+s2], $0x6000, $0x38;
	[tilespmem:$0x18000] =	vst v63  }
0x4b1: {  	_ =	swait.ge [sflag:s18], $0xC00  }
0x4b2: {  	s28 =	sld [smem:$0x7C8]  }
0x4b3: {  	[sflag:s18] =	ssyncset.done $0x0  }
0x4b4: {  	[sflag:s18] =	ssyncadd.s32 $0xFFFFF400  }
0x4b5: {  	[hbm:s28], [sflag:s31] =	dma.local [spmem:s10], $0xC00  }
0x4b6: {  	_ =	swait.ge [sflag:s19], $0x6000  }
0x4b7: {  	s28 =	sld [smem:$0x7C9]  }
0x4b8: {  	[sflag:s19] =	ssyncset.done $0x0  }
0x4b9: {  	[sflag:s19] =	ssyncadd.s32 $0xFFFFA000  }
0x4ba: {  	[hbm4b:s28+s2] =	stream.linear.scatter [tilespmem:s7], [sflag:$0x8], $0x6000, $0x38;
	[tilespmem:$0x18000] =	vst v63  }
0x4bb: {  	_ =	swait.ge [sflag:s12], $0xC00  }
0x4bc: {  	s28 =	sld [smem:$0x7CA]  }
0x4bd: {  	[sflag:s12] =	ssyncset.done $0x0  }
0x4be: {  	[sflag:s12] =	ssyncadd.s32 $0xFFFFF400  }
0x4bf: {  	[spmem:s10], [sflag:s29] =	dma.local [hbm:s28], $0xC00  }
0x4c0: {  	_ =	swait.ge [sflag:s6], $0x6000  }
0x4c1: {  	s28 =	sld [smem:$0x7CB]  }
0x4c2: {  	[sflag:s6] =	ssyncset.done $0x0  }
0x4c3: {  	[sflag:s6] =	ssyncadd.s32 $0xFFFFA000  }
0x4c4: {  	[tilespmem:s7], [sflag:$0x6] =	stream.linear.gather [hbm4b:s28+s2], $0x6000, $0x38;
	[tilespmem:$0x18000] =	vst v63  }
0x4c5: {  	_ =	swait.ge [sflag:s23], $0xC00  }
0x4c6: {  	s28 =	sld [smem:$0x7CC]  }
0x4c7: {  	[sflag:s23] =	ssyncset.done $0x0  }
0x4c8: {  	[sflag:s23] =	ssyncadd.s32 $0xFFFFF400  }
0x4c9: {  	[hbm:s28], [sflag:s30] =	dma.local [spmem:s15], $0xC00  }
0x4ca: {  	_ =	swait.ge [sflag:s20], $0x6000  }
0x4cb: {  	s28 =	sld [smem:$0x7CD]  }
0x4cc: {  	[sflag:s20] =	ssyncset.done $0x0  }
0x4cd: {  	[sflag:s20] =	ssyncadd.s32 $0xFFFFA000  }
0x4ce: {  	[hbm4b:s28+s2] =	stream.linear.scatter [tilespmem:s13], [sflag:$0x7], $0x6000, $0x38;
	[tilespmem:$0x18000] =	vst v63  }
0x4cf: {  	_ =	swait.ge [sflag:s8], $0xC00  }
0x4d0: {  	s28 =	sld [smem:$0x7CE]  }
0x4d1: {  	[sflag:s8] =	ssyncset.done $0x0  }
0x4d2: {  	[sflag:s8] =	ssyncadd.s32 $0xFFFFF400  }
0x4d3: {  	[spmem:s15], [sflag:s16] =	dma.local [hbm:s28], $0xC00  }
0x4d4: {  	_ =	swait.ge [sflag:s4], $0x6000  }
0x4d5: {  	s28 =	sld [smem:$0x7CF]  }
0x4d6: {  	[sflag:s4] =	ssyncset.done $0x0  }
0x4d7: {  	[sflag:s4] =	ssyncadd.s32 $0xFFFFA000  }
0x4d8: {  	[tilespmem:s13], [sflag:$0x5] =	stream.linear.gather [hbm4b:s28+s2], $0x6000, $0x38;
	[tilespmem:$0x18000] =	vst v63  }
0x4d9: {  	_ =	swait.ge [sflag:s18], $0xC00  }
0x4da: {  	s28 =	sld [smem:$0x7D0]  }
0x4db: {  	[sflag:s18] =	ssyncset.done $0x0  }
0x4dc: {  	[sflag:s18] =	ssyncadd.s32 $0xFFFFF400  }
0x4dd: {  	[hbm:s28], [sflag:s31] =	dma.local [spmem:s10], $0xC00  }
0x4de: {  	_ =	swait.ge [sflag:s19], $0x6000  }
0x4df: {  	s28 =	sld [smem:$0x7D1]  }
0x4e0: {  	[sflag:s19] =	ssyncset.done $0x0  }
0x4e1: {  	[sflag:s19] =	ssyncadd.s32 $0xFFFFA000  }
0x4e2: {  	[hbm4b:s28+s2] =	stream.linear.scatter [tilespmem:s7], [sflag:$0x8], $0x6000, $0x38;
	[tilespmem:$0x18000] =	vst v63  }
0x4e3: {  	_ =	swait.ge [sflag:s12], $0xC00  }
0x4e4: {  	s28 =	sld [smem:$0x7D2]  }
0x4e5: {  	[sflag:s12] =	ssyncset.done $0x0  }
0x4e6: {  	[sflag:s12] =	ssyncadd.s32 $0xFFFFF400  }
0x4e7: {  	[spmem:s10], [sflag:s29] =	dma.local [hbm:s28], $0xC00  }
0x4e8: {  	_ =	swait.ge [sflag:s6], $0x6000  }
0x4e9: {  	s28 =	sld [smem:$0x7D3]  }
0x4ea: {  	[sflag:s6] =	ssyncset.done $0x0  }
0x4eb: {  	[sflag:s6] =	ssyncadd.s32 $0xFFFFA000  }
0x4ec: {  	[tilespmem:s7], [sflag:$0x6] =	stream.linear.gather [hbm4b:s28+s2], $0x6000, $0x38;
	[tilespmem:$0x18000] =	vst v63  }
0x4ed: {  	_ =	swait.ge [sflag:s23], $0xC00  }
0x4ee: {  	s28 =	sld [smem:$0x7D4]  }
0x4ef: {  	[sflag:s23] =	ssyncset.done $0x0  }
0x4f0: {  	[sflag:s23] =	ssyncadd.s32 $0xFFFFF400  }
0x4f1: {  	[hbm:s28], [sflag:s30] =	dma.local [spmem:s15], $0xC00  }
0x4f2: {  	_ =	swait.ge [sflag:s20], $0x6000  }
0x4f3: {  	s28 =	sld [smem:$0x7D5]  }
0x4f4: {  	[sflag:s20] =	ssyncset.done $0x0  }
0x4f5: {  	[sflag:s20] =	ssyncadd.s32 $0xFFFFA000  }
0x4f6: {  	[hbm4b:s28+s2] =	stream.linear.scatter [tilespmem:s13], [sflag:$0x7], $0x6000, $0x38;
	[tilespmem:$0x18000] =	vst v63  }
0x4f7: {  	_ =	swait.ge [sflag:s8], $0xC00  }
0x4f8: {  	s28 =	sld [smem:$0x7D6]  }
0x4f9: {  	[sflag:s8] =	ssyncset.done $0x0  }
0x4fa: {  	[sflag:s8] =	ssyncadd.s32 $0xFFFFF400  }
0x4fb: {  	[spmem:s15], [sflag:s16] =	dma.local [hbm:s28], $0xC00  }
0x4fc: {  	_ =	swait.ge [sflag:s4], $0x6000  }
0x4fd: {  	s28 =	sld [smem:$0x7D7]  }
0x4fe: {  	[sflag:s4] =	ssyncset.done $0x0  }
0x4ff: {  	[sflag:s4] =	ssyncadd.s32 $0xFFFFA000  }
0x500: {  	[tilespmem:s13], [sflag:$0x5] =	stream.linear.gather [hbm4b:s28+s2], $0x6000, $0x38;
	[tilespmem:$0x18000] =	vst v63  }
0x501: {  	_ =	swait.ge [sflag:s18], $0xC00  }
0x502: {  	s28 =	sld [smem:$0x7D8]  }
0x503: {  	[sflag:s18] =	ssyncset.done $0x0  }
0x504: {  	[sflag:s18] =	ssyncadd.s32 $0xFFFFF400  }
0x505: {  	[hbm:s28], [sflag:s31] =	dma.local [spmem:s10], $0xC00  }
0x506: {  	_ =	swait.ge [sflag:s19], $0x6000  }
0x507: {  	s28 =	sld [smem:$0x7D9]  }
0x508: {  	[sflag:s19] =	ssyncset.done $0x0  }
0x509: {  	[sflag:s19] =	ssyncadd.s32 $0xFFFFA000  }
0x50a: {  	[hbm4b:s28+s2] =	stream.linear.scatter [tilespmem:s7], [sflag:$0x8], $0x6000, $0x38;
	[tilespmem:$0x18000] =	vst v63  }
0x50b: {  	_ =	swait.ge [sflag:s12], $0xC00  }
0x50c: {  	s28 =	sld [smem:$0x7DA]  }
0x50d: {  	[sflag:s12] =	ssyncset.done $0x0  }
0x50e: {  	[sflag:s12] =	ssyncadd.s32 $0xFFFFF400  }
0x50f: {  	[spmem:s10], [sflag:s29] =	dma.local [hbm:s28], $0xC00  }
0x510: {  	_ =	swait.ge [sflag:s6], $0x6000  }
0x511: {  	s28 =	sld [smem:$0x7DB]  }
0x512: {  	[sflag:s6] =	ssyncset.done $0x0  }
0x513: {  	[sflag:s6] =	ssyncadd.s32 $0xFFFFA000  }
0x514: {  	[tilespmem:s7], [sflag:$0x6] =	stream.linear.gather [hbm4b:s28+s2], $0x6000, $0x38;
	[tilespmem:$0x18000] =	vst v63  }
0x515: {  	_ =	swait.ge [sflag:s23], $0xC00  }
0x516: {  	s28 =	sld [smem:$0x7DC]  }
0x517: {  	[sflag:s23] =	ssyncset.done $0x0  }
0x518: {  	[sflag:s23] =	ssyncadd.s32 $0xFFFFF400  }
0x519: {  	[hbm:s28], [sflag:s30] =	dma.local [spmem:s15], $0xC00  }
0x51a: {  	_ =	swait.ge [sflag:s20], $0x6000  }
0x51b: {  	s28 =	sld [smem:$0x7DD]  }
0x51c: {  	[sflag:s20] =	ssyncset.done $0x0  }
0x51d: {  	[sflag:s20] =	ssyncadd.s32 $0xFFFFA000  }
0x51e: {  	[hbm4b:s28+s2] =	stream.linear.scatter [tilespmem:s13], [sflag:$0x7], $0x6000, $0x38;
	[tilespmem:$0x18000] =	vst v63  }
0x51f: {  	_ =	swait.ge [sflag:s8], $0xC00  }
0x520: {  	s28 =	sld [smem:$0x7DE]  }
0x521: {  	[sflag:s8] =	ssyncset.done $0x0  }
0x522: {  	[sflag:s8] =	ssyncadd.s32 $0xFFFFF400  }
0x523: {  	[spmem:s15], [sflag:s16] =	dma.local [hbm:s28], $0xC00  }
0x524: {  	_ =	swait.ge [sflag:s4], $0x6000  }
0x525: {  	s28 =	sld [smem:$0x7DF]  }
0x526: {  	[sflag:s4] =	ssyncset.done $0x0  }
0x527: {  	[sflag:s4] =	ssyncadd.s32 $0xFFFFA000  }
0x528: {  	[tilespmem:s13], [sflag:$0x5] =	stream.linear.gather [hbm4b:s28+s2], $0x6000, $0x38;
	[tilespmem:$0x18000] =	vst v63  }
0x529: {  	_ =	swait.ge [sflag:s18], $0xC00  }
0x52a: {  	s28 =	sld [smem:$0x7E0]  }
0x52b: {  	[sflag:s18] =	ssyncset.done $0x0  }
0x52c: {  	[sflag:s18] =	ssyncadd.s32 $0xFFFFF400  }
0x52d: {  	[hbm:s28], [sflag:s31] =	dma.local [spmem:s10], $0xC00  }
0x52e: {  	_ =	swait.ge [sflag:s19], $0x6000  }
0x52f: {  	s28 =	sld [smem:$0x7E1]  }
0x530: {  	[sflag:s19] =	ssyncset.done $0x0  }
0x531: {  	[sflag:s19] =	ssyncadd.s32 $0xFFFFA000  }
0x532: {  	[hbm4b:s28+s2] =	stream.linear.scatter [tilespmem:s7], [sflag:$0x8], $0x6000, $0x38;
	[tilespmem:$0x18000] =	vst v63  }
0x533: {  	_ =	swait.ge [sflag:s12], $0xC00  }
0x534: {  	s28 =	sld [smem:$0x7E2]  }
0x535: {  	[sflag:s12] =	ssyncset.done $0x0  }
0x536: {  	[sflag:s12] =	ssyncadd.s32 $0xFFFFF400  }
0x537: {  	[spmem:s10], [sflag:s29] =	dma.local [hbm:s28], $0xC00  }
0x538: {  	_ =	swait.ge [sflag:s6], $0x6000  }
0x539: {  	s28 =	sld [smem:$0x7E3]  }
0x53a: {  	[sflag:s6] =	ssyncset.done $0x0  }
0x53b: {  	[sflag:s6] =	ssyncadd.s32 $0xFFFFA000  }
0x53c: {  	[tilespmem:s7], [sflag:$0x6] =	stream.linear.gather [hbm4b:s28+s2], $0x6000, $0x38;
	[tilespmem:$0x18000] =	vst v63  }
0x53d: {  	_ =	swait.ge [sflag:s23], $0xC00  }
0x53e: {  	s28 =	sld [smem:$0x7E4]  }
0x53f: {  	[sflag:s23] =	ssyncset.done $0x0  }
0x540: {  	[sflag:s23] =	ssyncadd.s32 $0xFFFFF400  }
0x541: {  	[hbm:s28], [sflag:s30] =	dma.local [spmem:s15], $0xC00  }
0x542: {  	_ =	swait.ge [sflag:s20], $0x6000  }
0x543: {  	s28 =	sld [smem:$0x7E5]  }
0x544: {  	[sflag:s20] =	ssyncset.done $0x0  }
0x545: {  	[sflag:s20] =	ssyncadd.s32 $0xFFFFA000  }
0x546: {  	[hbm4b:s28+s2] =	stream.linear.scatter [tilespmem:s13], [sflag:$0x7], $0x6000, $0x38;
	[tilespmem:$0x18000] =	vst v63  }
0x547: {  	_ =	swait.ge [sflag:s8], $0xC00  }
0x548: {  	s28 =	sld [smem:$0x7E6]  }
0x549: {  	[sflag:s8] =	ssyncset.done $0x0  }
0x54a: {  	[sflag:s8] =	ssyncadd.s32 $0xFFFFF400  }
0x54b: {  	[spmem:s15], [sflag:s16] =	dma.local [hbm:s28], $0xC00  }
0x54c: {  	_ =	swait.ge [sflag:s4], $0x6000  }
0x54d: {  	s28 =	sld [smem:$0x7E7]  }
0x54e: {  	[sflag:s4] =	ssyncset.done $0x0  }
0x54f: {  	[sflag:s4] =	ssyncadd.s32 $0xFFFFA000  }
0x550: {  	[tilespmem:s13], [sflag:$0x5] =	stream.linear.gather [hbm4b:s28+s2], $0x6000, $0x38;
	[tilespmem:$0x18000] =	vst v63  }
0x551: {  	_ =	swait.ge [sflag:s18], $0xC00  }
0x552: {  	s28 =	sld [smem:$0x7E8]  }
0x553: {  	[sflag:s18] =	ssyncset.done $0x0  }
0x554: {  	[sflag:s18] =	ssyncadd.s32 $0xFFFFF400  }
0x555: {  	[hbm:s28], [sflag:s31] =	dma.local [spmem:s10], $0xC00  }
0x556: {  	_ =	swait.ge [sflag:s19], $0x6000  }
0x557: {  	s28 =	sld [smem:$0x7E9]  }
0x558: {  	[sflag:s19] =	ssyncset.done $0x0  }
0x559: {  	[sflag:s19] =	ssyncadd.s32 $0xFFFFA000  }
0x55a: {  	[hbm4b:s28+s2] =	stream.linear.scatter [tilespmem:s7], [sflag:$0x8], $0x6000, $0x38;
	[tilespmem:$0x18000] =	vst v63  }
0x55b: {  	_ =	swait.ge [sflag:s12], $0xC00  }
0x55c: {  	s28 =	sld [smem:$0x7EA]  }
0x55d: {  	[sflag:s12] =	ssyncset.done $0x0  }
0x55e: {  	[sflag:s12] =	ssyncadd.s32 $0xFFFFF400  }
0x55f: {  	[spmem:s10], [sflag:s29] =	dma.local [hbm:s28], $0xC00  }
0x560: {  	_ =	swait.ge [sflag:s6], $0x6000  }
0x561: {  	s28 =	sld [smem:$0x7EB]  }
0x562: {  	[sflag:s6] =	ssyncset.done $0x0  }
0x563: {  	[sflag:s6] =	ssyncadd.s32 $0xFFFFA000  }
0x564: {  	[tilespmem:s7], [sflag:$0x6] =	stream.linear.gather [hbm4b:s28+s2], $0x6000, $0x38;
	[tilespmem:$0x18000] =	vst v63  }
0x565: {  	_ =	swait.ge [sflag:s23], $0xC00  }
0x566: {  	s28 =	sld [smem:$0x7EC]  }
0x567: {  	[sflag:s23] =	ssyncset.done $0x0  }
0x568: {  	[sflag:s23] =	ssyncadd.s32 $0xFFFFF400  }
0x569: {  	[hbm:s28], [sflag:s30] =	dma.local [spmem:s15], $0xC00  }
0x56a: {  	_ =	swait.ge [sflag:s20], $0x6000  }
0x56b: {  	s28 =	sld [smem:$0x7ED]  }
0x56c: {  	[sflag:s20] =	ssyncset.done $0x0  }
0x56d: {  	[sflag:s20] =	ssyncadd.s32 $0xFFFFA000  }
0x56e: {  	[hbm4b:s28+s2] =	stream.linear.scatter [tilespmem:s13], [sflag:$0x7], $0x6000, $0x38;
	[tilespmem:$0x18000] =	vst v63  }
0x56f: {  	_ =	swait.ge [sflag:s8], $0xC00  }
0x570: {  	s28 =	sld [smem:$0x7EE]  }
0x571: {  	[sflag:s8] =	ssyncset.done $0x0  }
0x572: {  	[sflag:s8] =	ssyncadd.s32 $0xFFFFF400  }
0x573: {  	[spmem:s15], [sflag:s16] =	dma.local [hbm:s28], $0xC00  }
0x574: {  	_ =	swait.ge [sflag:s4], $0x6000  }
0x575: {  	s28 =	sld [smem:$0x7EF]  }
0x576: {  	[sflag:s4] =	ssyncset.done $0x0  }
0x577: {  	[sflag:s4] =	ssyncadd.s32 $0xFFFFA000  }
0x578: {  	[tilespmem:s13], [sflag:$0x5] =	stream.linear.gather [hbm4b:s28+s2], $0x6000, $0x38;
	[tilespmem:$0x18000] =	vst v63  }
0x579: {  	_ =	swait.ge [sflag:s18], $0xC00  }
0x57a: {  	s28 =	sld [smem:$0x7F0]  }
0x57b: {  	[sflag:s18] =	ssyncset.done $0x0  }
0x57c: {  	[sflag:s18] =	ssyncadd.s32 $0xFFFFF400  }
0x57d: {  	[hbm:s28], [sflag:s31] =	dma.local [spmem:s10], $0xC00  }
0x57e: {  	_ =	swait.ge [sflag:s19], $0x6000  }
0x57f: {  	s28 =	sld [smem:$0x7F1]  }
0x580: {  	[sflag:s19] =	ssyncset.done $0x0  }
0x581: {  	[sflag:s19] =	ssyncadd.s32 $0xFFFFA000  }
0x582: {  	[hbm4b:s28+s2] =	stream.linear.scatter [tilespmem:s7], [sflag:$0x8], $0x6000, $0x38;
	[tilespmem:$0x18000] =	vst v63  }
0x583: {  	_ =	swait.ge [sflag:s12], $0xC00  }
0x584: {  	s28 =	sld [smem:$0x7F2]  }
0x585: {  	[sflag:s12] =	ssyncset.done $0x0  }
0x586: {  	[sflag:s12] =	ssyncadd.s32 $0xFFFFF400  }
0x587: {  	[spmem:s10], [sflag:s29] =	dma.local [hbm:s28], $0xC00  }
0x588: {  	_ =	swait.ge [sflag:s6], $0x6000  }
0x589: {  	s28 =	sld [smem:$0x7F3]  }
0x58a: {  	[sflag:s6] =	ssyncset.done $0x0  }
0x58b: {  	[sflag:s6] =	ssyncadd.s32 $0xFFFFA000  }
0x58c: {  	[tilespmem:s7], [sflag:$0x6] =	stream.linear.gather [hbm4b:s28+s2], $0x6000, $0x38;
	[tilespmem:$0x18000] =	vst v63  }
0x58d: {  	_ =	swait.ge [sflag:s23], $0xC00  }
0x58e: {  	s28 =	sld [smem:$0x7F4]  }
0x58f: {  	[sflag:s23] =	ssyncset.done $0x0  }
0x590: {  	[sflag:s23] =	ssyncadd.s32 $0xFFFFF400  }
0x591: {  	[hbm:s28], [sflag:s30] =	dma.local [spmem:s15], $0xC00  }
0x592: {  	_ =	swait.ge [sflag:s20], $0x6000  }
0x593: {  	s28 =	sld [smem:$0x7F5]  }
0x594: {  	[sflag:s20] =	ssyncset.done $0x0  }
0x595: {  	[sflag:s20] =	ssyncadd.s32 $0xFFFFA000  }
0x596: {  	[hbm4b:s28+s2] =	stream.linear.scatter [tilespmem:s13], [sflag:$0x7], $0x6000, $0x38;
	[tilespmem:$0x18000] =	vst v63  }
0x597: {  	_ =	swait.ge [sflag:s8], $0xC00  }
0x598: {  	s28 =	sld [smem:$0x7F6]  }
0x599: {  	[sflag:s8] =	ssyncset.done $0x0  }
0x59a: {  	[sflag:s8] =	ssyncadd.s32 $0xFFFFF400  }
0x59b: {  	[spmem:s15], [sflag:s16] =	dma.local [hbm:s28], $0xC00  }
0x59c: {  	_ =	swait.ge [sflag:s4], $0x6000  }
0x59d: {  	s28 =	sld [smem:$0x7F7]  }
0x59e: {  	[sflag:s4] =	ssyncset.done $0x0  }
0x59f: {  	[sflag:s4] =	ssyncadd.s32 $0xFFFFA000  }
0x5a0: {  	[tilespmem:s13], [sflag:$0x5] =	stream.linear.gather [hbm4b:s28+s2], $0x6000, $0x38;
	[tilespmem:$0x18000] =	vst v63  }
0x5a1: {  	_ =	swait.ge [sflag:s18], $0xC00  }
0x5a2: {  	s28 =	sld [smem:$0x7F8]  }
0x5a3: {  	[sflag:s18] =	ssyncset.done $0x0  }
0x5a4: {  	[sflag:s18] =	ssyncadd.s32 $0xFFFFF400  }
0x5a5: {  	[hbm:s28], [sflag:s31] =	dma.local [spmem:s10], $0xC00  }
0x5a6: {  	_ =	swait.ge [sflag:s19], $0x6000  }
0x5a7: {  	s28 =	sld [smem:$0x7F9]  }
0x5a8: {  	[sflag:s19] =	ssyncset.done $0x0  }
0x5a9: {  	[sflag:s19] =	ssyncadd.s32 $0xFFFFA000  }
0x5aa: {  	[hbm4b:s28+s2] =	stream.linear.scatter [tilespmem:s7], [sflag:$0x8], $0x6000, $0x38;
	[tilespmem:$0x18000] =	vst v63  }
0x5ab: {  	_ =	swait.ge [sflag:s12], $0xC00  }
0x5ac: {  	s28 =	sld [smem:$0x7FA]  }
0x5ad: {  	[sflag:s12] =	ssyncset.done $0x0  }
0x5ae: {  	[sflag:s12] =	ssyncadd.s32 $0xFFFFF400  }
0x5af: {  	[spmem:s10], [sflag:s29] =	dma.local [hbm:s28], $0xC00  }
0x5b0: {  	_ =	swait.ge [sflag:s6], $0x6000  }
0x5b1: {  	s28 =	sld [smem:$0x7FB]  }
0x5b2: {  	[sflag:s6] =	ssyncset.done $0x0  }
0x5b3: {  	[sflag:s6] =	ssyncadd.s32 $0xFFFFA000  }
0x5b4: {  	[tilespmem:s7], [sflag:$0x6] =	stream.linear.gather [hbm4b:s28+s2], $0x6000, $0x38;
	[tilespmem:$0x18000] =	vst v63  }
0x5b5: {  	_ =	swait.ge [sflag:s23], $0xC00  }
0x5b6: {  	s28 =	sld [smem:$0x7FC]  }
0x5b7: {  	[sflag:s23] =	ssyncset.done $0x0  }
0x5b8: {  	[sflag:s23] =	ssyncadd.s32 $0xFFFFF400  }
0x5b9: {  	[hbm:s28], [sflag:s30] =	dma.local [spmem:s15], $0xC00  }
0x5ba: {  	_ =	swait.ge [sflag:s20], $0x6000  }
0x5bb: {  	[sflag:s20] =	ssyncset.done $0x0  }
0x5bc: {  	[sflag:s20] =	ssyncadd.s32 $0xFFFFA000  }
0x5bd: {  	[hbm4b:s26+s2] =	stream.linear.scatter [tilespmem:s13], [sflag:$0x7], $0x6000, $0x38;
	[tilespmem:$0x18000] =	vst v63  }
0x5be: {  	_ =	swait.ge [sflag:s8], $0xC00  }
0x5bf: {  	[sflag:s8] =	ssyncset.done $0x0  }
0x5c0: {  	[sflag:s8] =	ssyncadd.s32 $0xFFFFF400  }
0x5c1: {  	[spmem:s15], [sflag:s16] =	dma.local [hbm:s25], $0xC00  }
0x5c2: {  	_ =	swait.ge [sflag:s4], $0x6000  }
0x5c3: {  	[sflag:s4] =	ssyncset.done $0x0  }
0x5c4: {  	[sflag:s4] =	ssyncadd.s32 $0xFFFFA000  }
0x5c5: {  	[tilespmem:s13], [sflag:$0x5] =	stream.linear.gather [hbm4b:s24+s2], $0x6000, $0x38;
	[tilespmem:$0x18000] =	vst v63  }
0x5c6: {  	_ =	swait.ge [sflag:s18], $0xC00  }
0x5c7: {  	[sflag:s18] =	ssyncset.done $0x0  }
0x5c8: {  	[sflag:s18] =	ssyncadd.s32 $0xFFFFF400  }
0x5c9: {  	[hbm:s22], [sflag:s31] =	dma.local [spmem:s10], $0xC00  }
0x5ca: {  	_ =	swait.ge [sflag:s19], $0x6000  }
0x5cb: {  	[sflag:s19] =	ssyncset.done $0x0  }
0x5cc: {  	[sflag:s19] =	ssyncadd.s32 $0xFFFFA000  }
0x5cd: {  	[hbm4b:s21+s2] =	stream.linear.scatter [tilespmem:s7], [sflag:$0x8], $0x6000, $0x38;
	[tilespmem:$0x18000] =	vst v63  }
0x5ce: {  	_ =	swait.ge [sflag:s12], $0xC00  }
0x5cf: {  	[sflag:s12] =	ssyncset.done $0x0  }
0x5d0: {  	[sflag:s12] =	ssyncadd.s32 $0xFFFFF400  }
0x5d1: {  	[spmem:s10], [sflag:s29] =	dma.local [hbm:s17], $0xC00  }
0x5d2: {  	_ =	swait.ge [sflag:s6], $0x6000  }
0x5d3: {  	[sflag:s6] =	ssyncset.done $0x0  }
0x5d4: {  	[sflag:s6] =	ssyncadd.s32 $0xFFFFA000  }
0x5d5: {  	[tilespmem:s7], [sflag:$0x6] =	stream.linear.gather [hbm4b:s14+s2], $0x6000, $0x38;
	[tilespmem:$0x18000] =	vst v63  }
0x5d6: {  	_ =	swait.ge [sflag:s23], $0xC00  }
0x5d7: {  	[sflag:s23] =	ssyncset.done $0x0  }
0x5d8: {  	[sflag:s23] =	ssyncadd.s32 $0xFFFFF400  }
0x5d9: {  	[hbm:s11], [sflag:s30] =	dma.local [spmem:s15], $0xC00  }
0x5da: {  	_ =	swait.ge [sflag:s20], $0x6000  }
0x5db: {  	[sflag:s20] =	ssyncset.done $0x0  }
0x5dc: {  	[sflag:s20] =	ssyncadd.s32 $0xFFFFA000  }
0x5dd: {  	[hbm4b:s9+s2] =	stream.linear.scatter [tilespmem:s13], [sflag:$0x7], $0x6000, $0x38;
	[tilespmem:$0x18000] =	vst v63  }
0x5de: {  	_ =	swait.ge [sflag:s18], $0xC00  }
0x5df: {  	[sflag:s18] =	ssyncset.done $0x0  }
0x5e0: {  	[sflag:s18] =	ssyncadd.s32 $0xFFFFF400  }
0x5e1: {  	[hbm:s5], [sflag:s31] =	dma.local [spmem:s10], $0xC00  }
0x5e2: {  	_ =	swait.ge [sflag:s19], $0x6000  }
0x5e3: {  	[sflag:s19] =	ssyncset.done $0x0  }
0x5e4: {  	[sflag:s19] =	ssyncadd.s32 $0xFFFFA000  }
0x5e5: {  	[hbm4b:s3+s2] =	stream.linear.scatter [tilespmem:s7], [sflag:$0x8], $0x6000, $0x38;
	[tilespmem:$0x18000] =	vst v63  }
0x5e6: {  	_ =	swait.ge [sflag:s8], $0xC00  }
0x5e7: {  	[sflag:s8] =	ssyncset.done $0x0  }
0x5e8: {  	[sflag:s8] =	ssyncadd.s32 $0xFFFFF400  }
0x5e9: {  	_ =	swait.ge [sflag:s12], $0xC00  }
0x5ea: {  	[sflag:s12] =	ssyncset.done $0x0  }
0x5eb: {  	p1 =	sne.s32 s1, $0x1;
	[sflag:s12] =	ssyncadd.s32 $0xFFFFF400  }
.Ltmp2:
0x5ec: {  	_ =	swait.ge [sflag:s4], $0x6000;
	(pc) =	sbr.rel @p1 .LBB2_3-.Ltmp2, $4  }
0x5ed: {  	[sflag:s4] =	ssyncset.done $0x0  }
0x5ee: {  	[sflag:s4] =	ssyncadd.s32 $0xFFFFA000  }
0x5ef: {  	_ =	swait.ge [sflag:s6], $0x6000  }
0x5f0: {  	s1 =	sadd.s32 $0xFFFFFFFF, s1;
	s0 =	rddreg [dreg:$0x5];
	[sflag:s6] =	ssyncset.done $0x0  }
0x5f1: {  	s30 =	stileid.u32  }
.LBB2_5:
0x5f2: {  	[sflag:s6] =	ssyncadd.s32 @p0 $0xFFFFA000  }
0x5f3: {  	[spmem:s15], [sflag:s16] =	dma.local [hbm:s0], $0xC00  }
0x5f4: {  	s31 =	sld [smem:$0x7FD]  }
0x5f5: {  	s0 =	rddreg [dreg:$0x6]  }
0x5f6: {  	[tilespmem:s13], [sflag:$0x5] =	stream.linear.gather [hbm4b:s0+s2], $0x6000, $0x38;
	[tilespmem:$0x18000] =	vst v63  }
0x5f7: {  	s28 =	rddreg [dreg:$0x7];
	s1 =	sor.u32 $0x1C02, s31  }
0x5f8: {  	[spmem:s10], [sflag:s1] =	dma.local [hbm:s28], $0xC00  }
0x5f9: {  	s29 =	rddreg [dreg:$0x8]  }
0x5fa: {  	[tilespmem:s7], [sflag:$0x6] =	stream.linear.gather [hbm4b:s29+s2], $0x6000, $0x38;
	[tilespmem:$0x18000] =	vst v63  }
0x5fb: {  	_ =	swait.ge [sflag:s23], $0xC00  }
0x5fc: {  	[sflag:s23] =	ssyncset.done $0x0  }
0x5fd: {  	s29 =	sor.u32 $0x1C03, s31;
	s28 =	rddreg [dreg:$0x9];
	[sflag:s23] =	ssyncadd.s32 $0xFFFFF400  }
0x5fe: {  	[hbm:s28], [sflag:s29] =	dma.local [spmem:s15], $0xC00  }
0x5ff: {  	_ =	swait.ge [sflag:s20], $0x6000  }
0x600: {  	[sflag:s20] =	ssyncset.done $0x0  }
0x601: {  	s28 =	rddreg [dreg:$0xa];
	[sflag:s20] =	ssyncadd.s32 $0xFFFFA000  }
0x602: {  	[hbm4b:s28+s2] =	stream.linear.scatter [tilespmem:s13], [sflag:$0x7], $0x6000, $0x38;
	[tilespmem:$0x18000] =	vst v63  }
0x603: {  	_ =	swait.ge [sflag:s8], $0xC00  }
0x604: {  	[sflag:s8] =	ssyncset.done $0x0  }
0x605: {  	s28 =	rddreg [dreg:$0xb];
	[sflag:s8] =	ssyncadd.s32 $0xFFFFF400  }
0x606: {  	[spmem:s15], [sflag:s16] =	dma.local [hbm:s28], $0xC00  }
0x607: {  	_ =	swait.ge [sflag:s4], $0x6000  }
0x608: {  	[sflag:s4] =	ssyncset.done $0x0  }
0x609: {  	s28 =	rddreg [dreg:$0xc];
	[sflag:s4] =	ssyncadd.s32 $0xFFFFA000  }
0x60a: {  	[tilespmem:s13], [sflag:$0x5] =	stream.linear.gather [hbm4b:s28+s2], $0x6000, $0x38;
	[tilespmem:$0x18000] =	vst v63  }
0x60b: {  	_ =	swait.ge [sflag:s18], $0xC00  }
0x60c: {  	[sflag:s18] =	ssyncset.done $0x0  }
0x60d: {  	s28 =	sor.u32 $0x1C04, s31;
	s0 =	rddreg [dreg:$0xd];
	[sflag:s18] =	ssyncadd.s32 $0xFFFFF400  }
0x60e: {  	[hbm:s0], [sflag:s28] =	dma.local [spmem:s10], $0xC00  }
0x60f: {  	_ =	swait.ge [sflag:s19], $0x6000  }
0x610: {  	[sflag:s19] =	ssyncset.done $0x0  }
0x611: {  	s31 =	rddreg [dreg:$0xe];
	[sflag:s19] =	ssyncadd.s32 $0xFFFFA000  }
0x612: {  	[hbm4b:s31+s2] =	stream.linear.scatter [tilespmem:s7], [sflag:$0x8], $0x6000, $0x38;
	[tilespmem:$0x18000] =	vst v63  }
0x613: {  	_ =	swait.ge [sflag:s12], $0xC00  }
0x614: {  	[sflag:s12] =	ssyncset.done $0x0  }
0x615: {  	s31 =	rddreg [dreg:$0xf];
	[sflag:s12] =	ssyncadd.s32 $0xFFFFF400  }
0x616: {  	[spmem:s10], [sflag:s1] =	dma.local [hbm:s31], $0xC00  }
0x617: {  	_ =	swait.ge [sflag:s6], $0x6000  }
0x618: {  	[sflag:s6] =	ssyncset.done $0x0  }
0x619: {  	s31 =	rddreg [dreg:$0x10];
	[sflag:s6] =	ssyncadd.s32 $0xFFFFA000  }
0x61a: {  	[tilespmem:s7], [sflag:$0x6] =	stream.linear.gather [hbm4b:s31+s2], $0x6000, $0x38;
	[tilespmem:$0x18000] =	vst v63  }
0x61b: {  	_ =	swait.ge [sflag:s23], $0xC00  }
0x61c: {  	[sflag:s23] =	ssyncset.done $0x0  }
0x61d: {  	s31 =	rddreg [dreg:$0x11];
	[sflag:s23] =	ssyncadd.s32 $0xFFFFF400  }
0x61e: {  	[hbm:s31], [sflag:s29] =	dma.local [spmem:s15], $0xC00  }
0x61f: {  	_ =	swait.ge [sflag:s20], $0x6000  }
0x620: {  	[sflag:s20] =	ssyncset.done $0x0  }
0x621: {  	s31 =	rddreg [dreg:$0x12];
	[sflag:s20] =	ssyncadd.s32 $0xFFFFA000  }
0x622: {  	[hbm4b:s31+s2] =	stream.linear.scatter [tilespmem:s13], [sflag:$0x7], $0x6000, $0x38;
	[tilespmem:$0x18000] =	vst v63  }
0x623: {  	_ =	swait.ge [sflag:s8], $0xC00  }
0x624: {  	[sflag:s8] =	ssyncset.done $0x0  }
0x625: {  	s31 =	rddreg [dreg:$0x13];
	[sflag:s8] =	ssyncadd.s32 $0xFFFFF400  }
0x626: {  	[spmem:s15], [sflag:s16] =	dma.local [hbm:s31], $0xC00  }
0x627: {  	_ =	swait.ge [sflag:s4], $0x6000  }
0x628: {  	[sflag:s4] =	ssyncset.done $0x0  }
0x629: {  	s31 =	rddreg [dreg:$0x14];
	[sflag:s4] =	ssyncadd.s32 $0xFFFFA000  }
0x62a: {  	[tilespmem:s13], [sflag:$0x5] =	stream.linear.gather [hbm4b:s31+s2], $0x6000, $0x38;
	[tilespmem:$0x18000] =	vst v63  }
0x62b: {  	_ =	swait.ge [sflag:s18], $0xC00  }
0x62c: {  	[sflag:s18] =	ssyncset.done $0x0  }
0x62d: {  	s31 =	rddreg [dreg:$0x15];
	[sflag:s18] =	ssyncadd.s32 $0xFFFFF400  }
0x62e: {  	[hbm:s31], [sflag:s28] =	dma.local [spmem:s10], $0xC00  }
0x62f: {  	_ =	swait.ge [sflag:s19], $0x6000  }
0x630: {  	[sflag:s19] =	ssyncset.done $0x0  }
0x631: {  	s31 =	rddreg [dreg:$0x16];
	[sflag:s19] =	ssyncadd.s32 $0xFFFFA000  }
0x632: {  	[hbm4b:s31+s2] =	stream.linear.scatter [tilespmem:s7], [sflag:$0x8], $0x6000, $0x38;
	[tilespmem:$0x18000] =	vst v63  }
0x633: {  	_ =	swait.ge [sflag:s12], $0xC00  }
0x634: {  	[sflag:s12] =	ssyncset.done $0x0  }
0x635: {  	s31 =	rddreg [dreg:$0x17];
	[sflag:s12] =	ssyncadd.s32 $0xFFFFF400  }
0x636: {  	[spmem:s10], [sflag:s1] =	dma.local [hbm:s31], $0xC00  }
0x637: {  	_ =	swait.ge [sflag:s6], $0x6000  }
0x638: {  	[sflag:s6] =	ssyncset.done $0x0  }
0x639: {  	s31 =	rddreg [dreg:$0x18];
	[sflag:s6] =	ssyncadd.s32 $0xFFFFA000  }
0x63a: {  	[tilespmem:s7], [sflag:$0x6] =	stream.linear.gather [hbm4b:s31+s2], $0x6000, $0x38;
	[tilespmem:$0x18000] =	vst v63  }
0x63b: {  	_ =	swait.ge [sflag:s23], $0xC00  }
0x63c: {  	[sflag:s23] =	ssyncset.done $0x0  }
0x63d: {  	s31 =	rddreg [dreg:$0x19];
	[sflag:s23] =	ssyncadd.s32 $0xFFFFF400  }
0x63e: {  	[hbm:s31], [sflag:s29] =	dma.local [spmem:s15], $0xC00  }
0x63f: {  	_ =	swait.ge [sflag:s20], $0x6000  }
0x640: {  	[sflag:s20] =	ssyncset.done $0x0  }
0x641: {  	s31 =	rddreg [dreg:$0x1a];
	[sflag:s20] =	ssyncadd.s32 $0xFFFFA000  }
0x642: {  	[hbm4b:s31+s2] =	stream.linear.scatter [tilespmem:s13], [sflag:$0x7], $0x6000, $0x38;
	[tilespmem:$0x18000] =	vst v63  }
0x643: {  	_ =	swait.ge [sflag:s8], $0xC00  }
0x644: {  	[sflag:s8] =	ssyncset.done $0x0  }
0x645: {  	s31 =	rddreg [dreg:$0x1b];
	[sflag:s8] =	ssyncadd.s32 $0xFFFFF400  }
0x646: {  	[spmem:s15], [sflag:s16] =	dma.local [hbm:s31], $0xC00  }
0x647: {  	_ =	swait.ge [sflag:s4], $0x6000  }
0x648: {  	[sflag:s4] =	ssyncset.done $0x0  }
0x649: {  	s31 =	rddreg [dreg:$0x1c];
	[sflag:s4] =	ssyncadd.s32 $0xFFFFA000  }
0x64a: {  	[tilespmem:s13], [sflag:$0x5] =	stream.linear.gather [hbm4b:s31+s2], $0x6000, $0x38;
	[tilespmem:$0x18000] =	vst v63  }
0x64b: {  	_ =	swait.ge [sflag:s18], $0xC00  }
0x64c: {  	[sflag:s18] =	ssyncset.done $0x0  }
0x64d: {  	s31 =	rddreg [dreg:$0x1d];
	[sflag:s18] =	ssyncadd.s32 $0xFFFFF400  }
0x64e: {  	[hbm:s31], [sflag:s28] =	dma.local [spmem:s10], $0xC00  }
0x64f: {  	_ =	swait.ge [sflag:s19], $0x6000  }
0x650: {  	[sflag:s19] =	ssyncset.done $0x0  }
0x651: {  	s31 =	rddreg [dreg:$0x1e];
	[sflag:s19] =	ssyncadd.s32 $0xFFFFA000  }
0x652: {  	[hbm4b:s31+s2] =	stream.linear.scatter [tilespmem:s7], [sflag:$0x8], $0x6000, $0x38;
	[tilespmem:$0x18000] =	vst v63  }
0x653: {  	_ =	swait.ge [sflag:s12], $0xC00  }
0x654: {  	[sflag:s12] =	ssyncset.done $0x0  }
0x655: {  	s31 =	rddreg [dreg:$0x1f];
	[sflag:s12] =	ssyncadd.s32 $0xFFFFF400  }
0x656: {  	[spmem:s10], [sflag:s1] =	dma.local [hbm:s31], $0xC00  }
0x657: {  	_ =	swait.ge [sflag:s6], $0x6000  }
0x658: {  	s31 =	sld [smem:$0x793]  }
0x659: {  	[sflag:s6] =	ssyncset.done $0x0  }
0x65a: {  	[sflag:s6] =	ssyncadd.s32 $0xFFFFA000  }
0x65b: {  	[tilespmem:s7], [sflag:$0x6] =	stream.linear.gather [hbm4b:s31+s2], $0x6000, $0x38;
	[tilespmem:$0x18000] =	vst v63  }
0x65c: {  	_ =	swait.ge [sflag:s23], $0xC00  }
0x65d: {  	s31 =	sld [smem:$0x794]  }
0x65e: {  	[sflag:s23] =	ssyncset.done $0x0  }
0x65f: {  	[sflag:s23] =	ssyncadd.s32 $0xFFFFF400  }
0x660: {  	[hbm:s31], [sflag:s29] =	dma.local [spmem:s15], $0xC00  }
0x661: {  	_ =	swait.ge [sflag:s20], $0x6000  }
0x662: {  	s31 =	sld [smem:$0x795]  }
0x663: {  	[sflag:s20] =	ssyncset.done $0x0  }
0x664: {  	[sflag:s20] =	ssyncadd.s32 $0xFFFFA000  }
0x665: {  	[hbm4b:s31+s2] =	stream.linear.scatter [tilespmem:s13], [sflag:$0x7], $0x6000, $0x38;
	[tilespmem:$0x18000] =	vst v63  }
0x666: {  	_ =	swait.ge [sflag:s8], $0xC00  }
0x667: {  	s31 =	sld [smem:$0x796]  }
0x668: {  	[sflag:s8] =	ssyncset.done $0x0  }
0x669: {  	[sflag:s8] =	ssyncadd.s32 $0xFFFFF400  }
0x66a: {  	[spmem:s15], [sflag:s16] =	dma.local [hbm:s31], $0xC00  }
0x66b: {  	_ =	swait.ge [sflag:s4], $0x6000  }
0x66c: {  	s31 =	sld [smem:$0x797]  }
0x66d: {  	[sflag:s4] =	ssyncset.done $0x0  }
0x66e: {  	[sflag:s4] =	ssyncadd.s32 $0xFFFFA000  }
0x66f: {  	[tilespmem:s13], [sflag:$0x5] =	stream.linear.gather [hbm4b:s31+s2], $0x6000, $0x38;
	[tilespmem:$0x18000] =	vst v63  }
0x670: {  	_ =	swait.ge [sflag:s18], $0xC00  }
0x671: {  	s31 =	sld [smem:$0x798]  }
0x672: {  	[sflag:s18] =	ssyncset.done $0x0  }
0x673: {  	[sflag:s18] =	ssyncadd.s32 $0xFFFFF400  }
0x674: {  	[hbm:s31], [sflag:s28] =	dma.local [spmem:s10], $0xC00  }
0x675: {  	_ =	swait.ge [sflag:s19], $0x6000  }
0x676: {  	s31 =	sld [smem:$0x799]  }
0x677: {  	[sflag:s19] =	ssyncset.done $0x0  }
0x678: {  	[sflag:s19] =	ssyncadd.s32 $0xFFFFA000  }
0x679: {  	[hbm4b:s31+s2] =	stream.linear.scatter [tilespmem:s7], [sflag:$0x8], $0x6000, $0x38;
	[tilespmem:$0x18000] =	vst v63  }
0x67a: {  	_ =	swait.ge [sflag:s12], $0xC00  }
0x67b: {  	s31 =	sld [smem:$0x79A]  }
0x67c: {  	[sflag:s12] =	ssyncset.done $0x0  }
0x67d: {  	[sflag:s12] =	ssyncadd.s32 $0xFFFFF400  }
0x67e: {  	[spmem:s10], [sflag:s1] =	dma.local [hbm:s31], $0xC00  }
0x67f: {  	_ =	swait.ge [sflag:s6], $0x6000  }
0x680: {  	s31 =	sld [smem:$0x79B]  }
0x681: {  	[sflag:s6] =	ssyncset.done $0x0  }
0x682: {  	[sflag:s6] =	ssyncadd.s32 $0xFFFFA000  }
0x683: {  	[tilespmem:s7], [sflag:$0x6] =	stream.linear.gather [hbm4b:s31+s2], $0x6000, $0x38;
	[tilespmem:$0x18000] =	vst v63  }
0x684: {  	_ =	swait.ge [sflag:s23], $0xC00  }
0x685: {  	s31 =	sld [smem:$0x79C]  }
0x686: {  	[sflag:s23] =	ssyncset.done $0x0  }
0x687: {  	[sflag:s23] =	ssyncadd.s32 $0xFFFFF400  }
0x688: {  	[hbm:s31], [sflag:s29] =	dma.local [spmem:s15], $0xC00  }
0x689: {  	_ =	swait.ge [sflag:s20], $0x6000  }
0x68a: {  	s31 =	sld [smem:$0x79D]  }
0x68b: {  	[sflag:s20] =	ssyncset.done $0x0  }
0x68c: {  	[sflag:s20] =	ssyncadd.s32 $0xFFFFA000  }
0x68d: {  	[hbm4b:s31+s2] =	stream.linear.scatter [tilespmem:s13], [sflag:$0x7], $0x6000, $0x38;
	[tilespmem:$0x18000] =	vst v63  }
0x68e: {  	_ =	swait.ge [sflag:s8], $0xC00  }
0x68f: {  	s31 =	sld [smem:$0x79E]  }
0x690: {  	[sflag:s8] =	ssyncset.done $0x0  }
0x691: {  	[sflag:s8] =	ssyncadd.s32 $0xFFFFF400  }
0x692: {  	[spmem:s15], [sflag:s16] =	dma.local [hbm:s31], $0xC00  }
0x693: {  	_ =	swait.ge [sflag:s4], $0x6000  }
0x694: {  	s31 =	sld [smem:$0x79F]  }
0x695: {  	[sflag:s4] =	ssyncset.done $0x0  }
0x696: {  	[sflag:s4] =	ssyncadd.s32 $0xFFFFA000  }
0x697: {  	[tilespmem:s13], [sflag:$0x5] =	stream.linear.gather [hbm4b:s31+s2], $0x6000, $0x38;
	[tilespmem:$0x18000] =	vst v63  }
0x698: {  	_ =	swait.ge [sflag:s18], $0xC00  }
0x699: {  	s31 =	sld [smem:$0x7A0]  }
0x69a: {  	[sflag:s18] =	ssyncset.done $0x0  }
0x69b: {  	[sflag:s18] =	ssyncadd.s32 $0xFFFFF400  }
0x69c: {  	[hbm:s31], [sflag:s28] =	dma.local [spmem:s10], $0xC00  }
0x69d: {  	_ =	swait.ge [sflag:s19], $0x6000  }
0x69e: {  	s31 =	sld [smem:$0x7A1]  }
0x69f: {  	[sflag:s19] =	ssyncset.done $0x0  }
0x6a0: {  	[sflag:s19] =	ssyncadd.s32 $0xFFFFA000  }
0x6a1: {  	[hbm4b:s31+s2] =	stream.linear.scatter [tilespmem:s7], [sflag:$0x8], $0x6000, $0x38;
	[tilespmem:$0x18000] =	vst v63  }
0x6a2: {  	_ =	swait.ge [sflag:s12], $0xC00  }
0x6a3: {  	s31 =	sld [smem:$0x7A2]  }
0x6a4: {  	[sflag:s12] =	ssyncset.done $0x0  }
0x6a5: {  	[sflag:s12] =	ssyncadd.s32 $0xFFFFF400  }
0x6a6: {  	[spmem:s10], [sflag:s1] =	dma.local [hbm:s31], $0xC00  }
0x6a7: {  	_ =	swait.ge [sflag:s6], $0x6000  }
0x6a8: {  	s31 =	sld [smem:$0x7A3]  }
0x6a9: {  	[sflag:s6] =	ssyncset.done $0x0  }
0x6aa: {  	[sflag:s6] =	ssyncadd.s32 $0xFFFFA000  }
0x6ab: {  	[tilespmem:s7], [sflag:$0x6] =	stream.linear.gather [hbm4b:s31+s2], $0x6000, $0x38;
	[tilespmem:$0x18000] =	vst v63  }
0x6ac: {  	_ =	swait.ge [sflag:s23], $0xC00  }
0x6ad: {  	s31 =	sld [smem:$0x7A4]  }
0x6ae: {  	[sflag:s23] =	ssyncset.done $0x0  }
0x6af: {  	[sflag:s23] =	ssyncadd.s32 $0xFFFFF400  }
0x6b0: {  	[hbm:s31], [sflag:s29] =	dma.local [spmem:s15], $0xC00  }
0x6b1: {  	_ =	swait.ge [sflag:s20], $0x6000  }
0x6b2: {  	s31 =	sld [smem:$0x7A5]  }
0x6b3: {  	[sflag:s20] =	ssyncset.done $0x0  }
0x6b4: {  	[sflag:s20] =	ssyncadd.s32 $0xFFFFA000  }
0x6b5: {  	[hbm4b:s31+s2] =	stream.linear.scatter [tilespmem:s13], [sflag:$0x7], $0x6000, $0x38;
	[tilespmem:$0x18000] =	vst v63  }
0x6b6: {  	_ =	swait.ge [sflag:s8], $0xC00  }
0x6b7: {  	s31 =	sld [smem:$0x7A6]  }
0x6b8: {  	[sflag:s8] =	ssyncset.done $0x0  }
0x6b9: {  	[sflag:s8] =	ssyncadd.s32 $0xFFFFF400  }
0x6ba: {  	[spmem:s15], [sflag:s16] =	dma.local [hbm:s31], $0xC00  }
0x6bb: {  	_ =	swait.ge [sflag:s4], $0x6000  }
0x6bc: {  	s31 =	sld [smem:$0x7A7]  }
0x6bd: {  	[sflag:s4] =	ssyncset.done $0x0  }
0x6be: {  	[sflag:s4] =	ssyncadd.s32 $0xFFFFA000  }
0x6bf: {  	[tilespmem:s13], [sflag:$0x5] =	stream.linear.gather [hbm4b:s31+s2], $0x6000, $0x38;
	[tilespmem:$0x18000] =	vst v63  }
0x6c0: {  	_ =	swait.ge [sflag:s18], $0xC00  }
0x6c1: {  	s31 =	sld [smem:$0x7A8]  }
0x6c2: {  	[sflag:s18] =	ssyncset.done $0x0  }
0x6c3: {  	[sflag:s18] =	ssyncadd.s32 $0xFFFFF400  }
0x6c4: {  	[hbm:s31], [sflag:s28] =	dma.local [spmem:s10], $0xC00  }
0x6c5: {  	_ =	swait.ge [sflag:s19], $0x6000  }
0x6c6: {  	s31 =	sld [smem:$0x7A9]  }
0x6c7: {  	[sflag:s19] =	ssyncset.done $0x0  }
0x6c8: {  	[sflag:s19] =	ssyncadd.s32 $0xFFFFA000  }
0x6c9: {  	[hbm4b:s31+s2] =	stream.linear.scatter [tilespmem:s7], [sflag:$0x8], $0x6000, $0x38;
	[tilespmem:$0x18000] =	vst v63  }
0x6ca: {  	_ =	swait.ge [sflag:s12], $0xC00  }
0x6cb: {  	s31 =	sld [smem:$0x7AA]  }
0x6cc: {  	[sflag:s12] =	ssyncset.done $0x0  }
0x6cd: {  	[sflag:s12] =	ssyncadd.s32 $0xFFFFF400  }
0x6ce: {  	[spmem:s10], [sflag:s1] =	dma.local [hbm:s31], $0xC00  }
0x6cf: {  	_ =	swait.ge [sflag:s6], $0x6000  }
0x6d0: {  	s31 =	sld [smem:$0x7AB]  }
0x6d1: {  	[sflag:s6] =	ssyncset.done $0x0  }
0x6d2: {  	[sflag:s6] =	ssyncadd.s32 $0xFFFFA000  }
0x6d3: {  	[tilespmem:s7], [sflag:$0x6] =	stream.linear.gather [hbm4b:s31+s2], $0x6000, $0x38;
	[tilespmem:$0x18000] =	vst v63  }
0x6d4: {  	_ =	swait.ge [sflag:s23], $0xC00  }
0x6d5: {  	s31 =	sld [smem:$0x7AC]  }
0x6d6: {  	[sflag:s23] =	ssyncset.done $0x0  }
0x6d7: {  	[sflag:s23] =	ssyncadd.s32 $0xFFFFF400  }
0x6d8: {  	[hbm:s31], [sflag:s29] =	dma.local [spmem:s15], $0xC00  }
0x6d9: {  	_ =	swait.ge [sflag:s20], $0x6000  }
0x6da: {  	s31 =	sld [smem:$0x7AD]  }
0x6db: {  	[sflag:s20] =	ssyncset.done $0x0  }
0x6dc: {  	[sflag:s20] =	ssyncadd.s32 $0xFFFFA000  }
0x6dd: {  	[hbm4b:s31+s2] =	stream.linear.scatter [tilespmem:s13], [sflag:$0x7], $0x6000, $0x38;
	[tilespmem:$0x18000] =	vst v63  }
0x6de: {  	_ =	swait.ge [sflag:s8], $0xC00  }
0x6df: {  	s31 =	sld [smem:$0x7AE]  }
0x6e0: {  	[sflag:s8] =	ssyncset.done $0x0  }
0x6e1: {  	[sflag:s8] =	ssyncadd.s32 $0xFFFFF400  }
0x6e2: {  	[spmem:s15], [sflag:s16] =	dma.local [hbm:s31], $0xC00  }
0x6e3: {  	_ =	swait.ge [sflag:s4], $0x6000  }
0x6e4: {  	s31 =	sld [smem:$0x7AF]  }
0x6e5: {  	[sflag:s4] =	ssyncset.done $0x0  }
0x6e6: {  	[sflag:s4] =	ssyncadd.s32 $0xFFFFA000  }
0x6e7: {  	[tilespmem:s13], [sflag:$0x5] =	stream.linear.gather [hbm4b:s31+s2], $0x6000, $0x38;
	[tilespmem:$0x18000] =	vst v63  }
0x6e8: {  	_ =	swait.ge [sflag:s18], $0xC00  }
0x6e9: {  	s31 =	sld [smem:$0x7B0]  }
0x6ea: {  	[sflag:s18] =	ssyncset.done $0x0  }
0x6eb: {  	[sflag:s18] =	ssyncadd.s32 $0xFFFFF400  }
0x6ec: {  	[hbm:s31], [sflag:s28] =	dma.local [spmem:s10], $0xC00  }
0x6ed: {  	_ =	swait.ge [sflag:s19], $0x6000  }
0x6ee: {  	s31 =	sld [smem:$0x7B1]  }
0x6ef: {  	[sflag:s19] =	ssyncset.done $0x0  }
0x6f0: {  	[sflag:s19] =	ssyncadd.s32 $0xFFFFA000  }
0x6f1: {  	[hbm4b:s31+s2] =	stream.linear.scatter [tilespmem:s7], [sflag:$0x8], $0x6000, $0x38;
	[tilespmem:$0x18000] =	vst v63  }
0x6f2: {  	_ =	swait.ge [sflag:s12], $0xC00  }
0x6f3: {  	s31 =	sld [smem:$0x7B2]  }
0x6f4: {  	[sflag:s12] =	ssyncset.done $0x0  }
0x6f5: {  	[sflag:s12] =	ssyncadd.s32 $0xFFFFF400  }
0x6f6: {  	[spmem:s10], [sflag:s1] =	dma.local [hbm:s31], $0xC00  }
0x6f7: {  	_ =	swait.ge [sflag:s6], $0x6000  }
0x6f8: {  	s31 =	sld [smem:$0x7B3]  }
0x6f9: {  	[sflag:s6] =	ssyncset.done $0x0  }
0x6fa: {  	[sflag:s6] =	ssyncadd.s32 $0xFFFFA000  }
0x6fb: {  	[tilespmem:s7], [sflag:$0x6] =	stream.linear.gather [hbm4b:s31+s2], $0x6000, $0x38;
	[tilespmem:$0x18000] =	vst v63  }
0x6fc: {  	_ =	swait.ge [sflag:s23], $0xC00  }
0x6fd: {  	s31 =	sld [smem:$0x7B4]  }
0x6fe: {  	[sflag:s23] =	ssyncset.done $0x0  }
0x6ff: {  	[sflag:s23] =	ssyncadd.s32 $0xFFFFF400  }
0x700: {  	[hbm:s31], [sflag:s29] =	dma.local [spmem:s15], $0xC00  }
0x701: {  	_ =	swait.ge [sflag:s20], $0x6000  }
0x702: {  	s31 =	sld [smem:$0x7B5]  }
0x703: {  	[sflag:s20] =	ssyncset.done $0x0  }
0x704: {  	[sflag:s20] =	ssyncadd.s32 $0xFFFFA000  }
0x705: {  	[hbm4b:s31+s2] =	stream.linear.scatter [tilespmem:s13], [sflag:$0x7], $0x6000, $0x38;
	[tilespmem:$0x18000] =	vst v63  }
0x706: {  	_ =	swait.ge [sflag:s8], $0xC00  }
0x707: {  	s31 =	sld [smem:$0x7B6]  }
0x708: {  	[sflag:s8] =	ssyncset.done $0x0  }
0x709: {  	[sflag:s8] =	ssyncadd.s32 $0xFFFFF400  }
0x70a: {  	[spmem:s15], [sflag:s16] =	dma.local [hbm:s31], $0xC00  }
0x70b: {  	_ =	swait.ge [sflag:s4], $0x6000  }
0x70c: {  	s31 =	sld [smem:$0x7B7]  }
0x70d: {  	[sflag:s4] =	ssyncset.done $0x0  }
0x70e: {  	[sflag:s4] =	ssyncadd.s32 $0xFFFFA000  }
0x70f: {  	[tilespmem:s13], [sflag:$0x5] =	stream.linear.gather [hbm4b:s31+s2], $0x6000, $0x38;
	[tilespmem:$0x18000] =	vst v63  }
0x710: {  	_ =	swait.ge [sflag:s18], $0xC00  }
0x711: {  	s31 =	sld [smem:$0x7B8]  }
0x712: {  	[sflag:s18] =	ssyncset.done $0x0  }
0x713: {  	[sflag:s18] =	ssyncadd.s32 $0xFFFFF400  }
0x714: {  	[hbm:s31], [sflag:s28] =	dma.local [spmem:s10], $0xC00  }
0x715: {  	_ =	swait.ge [sflag:s19], $0x6000  }
0x716: {  	s31 =	sld [smem:$0x7B9]  }
0x717: {  	[sflag:s19] =	ssyncset.done $0x0  }
0x718: {  	[sflag:s19] =	ssyncadd.s32 $0xFFFFA000  }
0x719: {  	[hbm4b:s31+s2] =	stream.linear.scatter [tilespmem:s7], [sflag:$0x8], $0x6000, $0x38;
	[tilespmem:$0x18000] =	vst v63  }
0x71a: {  	_ =	swait.ge [sflag:s12], $0xC00  }
0x71b: {  	s31 =	sld [smem:$0x7BA]  }
0x71c: {  	[sflag:s12] =	ssyncset.done $0x0  }
0x71d: {  	[sflag:s12] =	ssyncadd.s32 $0xFFFFF400  }
0x71e: {  	[spmem:s10], [sflag:s1] =	dma.local [hbm:s31], $0xC00  }
0x71f: {  	_ =	swait.ge [sflag:s6], $0x6000  }
0x720: {  	s31 =	sld [smem:$0x7BB]  }
0x721: {  	[sflag:s6] =	ssyncset.done $0x0  }
0x722: {  	[sflag:s6] =	ssyncadd.s32 $0xFFFFA000  }
0x723: {  	[tilespmem:s7], [sflag:$0x6] =	stream.linear.gather [hbm4b:s31+s2], $0x6000, $0x38;
	[tilespmem:$0x18000] =	vst v63  }
0x724: {  	_ =	swait.ge [sflag:s23], $0xC00  }
0x725: {  	s31 =	sld [smem:$0x7BC]  }
0x726: {  	[sflag:s23] =	ssyncset.done $0x0  }
0x727: {  	[sflag:s23] =	ssyncadd.s32 $0xFFFFF400  }
0x728: {  	[hbm:s31], [sflag:s29] =	dma.local [spmem:s15], $0xC00  }
0x729: {  	_ =	swait.ge [sflag:s20], $0x6000  }
0x72a: {  	s31 =	sld [smem:$0x7BD]  }
0x72b: {  	[sflag:s20] =	ssyncset.done $0x0  }
0x72c: {  	[sflag:s20] =	ssyncadd.s32 $0xFFFFA000  }
0x72d: {  	[hbm4b:s31+s2] =	stream.linear.scatter [tilespmem:s13], [sflag:$0x7], $0x6000, $0x38;
	[tilespmem:$0x18000] =	vst v63  }
0x72e: {  	_ =	swait.ge [sflag:s8], $0xC00  }
0x72f: {  	s31 =	sld [smem:$0x7BE]  }
0x730: {  	[sflag:s8] =	ssyncset.done $0x0  }
0x731: {  	[sflag:s8] =	ssyncadd.s32 $0xFFFFF400  }
0x732: {  	[spmem:s15], [sflag:s16] =	dma.local [hbm:s31], $0xC00  }
0x733: {  	_ =	swait.ge [sflag:s4], $0x6000  }
0x734: {  	s31 =	sld [smem:$0x7BF]  }
0x735: {  	[sflag:s4] =	ssyncset.done $0x0  }
0x736: {  	[sflag:s4] =	ssyncadd.s32 $0xFFFFA000  }
0x737: {  	[tilespmem:s13], [sflag:$0x5] =	stream.linear.gather [hbm4b:s31+s2], $0x6000, $0x38;
	[tilespmem:$0x18000] =	vst v63  }
0x738: {  	_ =	swait.ge [sflag:s18], $0xC00  }
0x739: {  	s31 =	sld [smem:$0x7C0]  }
0x73a: {  	[sflag:s18] =	ssyncset.done $0x0  }
0x73b: {  	[sflag:s18] =	ssyncadd.s32 $0xFFFFF400  }
0x73c: {  	[hbm:s31], [sflag:s28] =	dma.local [spmem:s10], $0xC00  }
0x73d: {  	_ =	swait.ge [sflag:s19], $0x6000  }
0x73e: {  	s31 =	sld [smem:$0x7C1]  }
0x73f: {  	[sflag:s19] =	ssyncset.done $0x0  }
0x740: {  	[sflag:s19] =	ssyncadd.s32 $0xFFFFA000  }
0x741: {  	[hbm4b:s31+s2] =	stream.linear.scatter [tilespmem:s7], [sflag:$0x8], $0x6000, $0x38;
	[tilespmem:$0x18000] =	vst v63  }
0x742: {  	_ =	swait.ge [sflag:s12], $0xC00  }
0x743: {  	s31 =	sld [smem:$0x7C2]  }
0x744: {  	[sflag:s12] =	ssyncset.done $0x0  }
0x745: {  	[sflag:s12] =	ssyncadd.s32 $0xFFFFF400  }
0x746: {  	[spmem:s10], [sflag:s1] =	dma.local [hbm:s31], $0xC00  }
0x747: {  	_ =	swait.ge [sflag:s6], $0x6000  }
0x748: {  	s31 =	sld [smem:$0x7C3]  }
0x749: {  	[sflag:s6] =	ssyncset.done $0x0  }
0x74a: {  	[sflag:s6] =	ssyncadd.s32 $0xFFFFA000  }
0x74b: {  	[tilespmem:s7], [sflag:$0x6] =	stream.linear.gather [hbm4b:s31+s2], $0x6000, $0x38;
	[tilespmem:$0x18000] =	vst v63  }
0x74c: {  	_ =	swait.ge [sflag:s23], $0xC00  }
0x74d: {  	s31 =	sld [smem:$0x7C4]  }
0x74e: {  	[sflag:s23] =	ssyncset.done $0x0  }
0x74f: {  	[sflag:s23] =	ssyncadd.s32 $0xFFFFF400  }
0x750: {  	[hbm:s31], [sflag:s29] =	dma.local [spmem:s15], $0xC00  }
0x751: {  	_ =	swait.ge [sflag:s20], $0x6000  }
0x752: {  	s31 =	sld [smem:$0x7C5]  }
0x753: {  	[sflag:s20] =	ssyncset.done $0x0  }
0x754: {  	[sflag:s20] =	ssyncadd.s32 $0xFFFFA000  }
0x755: {  	[hbm4b:s31+s2] =	stream.linear.scatter [tilespmem:s13], [sflag:$0x7], $0x6000, $0x38;
	[tilespmem:$0x18000] =	vst v63  }
0x756: {  	_ =	swait.ge [sflag:s8], $0xC00  }
0x757: {  	s31 =	sld [smem:$0x7C6]  }
0x758: {  	[sflag:s8] =	ssyncset.done $0x0  }
0x759: {  	[sflag:s8] =	ssyncadd.s32 $0xFFFFF400  }
0x75a: {  	[spmem:s15], [sflag:s16] =	dma.local [hbm:s31], $0xC00  }
0x75b: {  	_ =	swait.ge [sflag:s4], $0x6000  }
0x75c: {  	s31 =	sld [smem:$0x7C7]  }
0x75d: {  	[sflag:s4] =	ssyncset.done $0x0  }
0x75e: {  	[sflag:s4] =	ssyncadd.s32 $0xFFFFA000  }
0x75f: {  	[tilespmem:s13], [sflag:$0x5] =	stream.linear.gather [hbm4b:s31+s2], $0x6000, $0x38;
	[tilespmem:$0x18000] =	vst v63  }
0x760: {  	_ =	swait.ge [sflag:s18], $0xC00  }
0x761: {  	s31 =	sld [smem:$0x7C8]  }
0x762: {  	[sflag:s18] =	ssyncset.done $0x0  }
0x763: {  	[sflag:s18] =	ssyncadd.s32 $0xFFFFF400  }
0x764: {  	[hbm:s31], [sflag:s28] =	dma.local [spmem:s10], $0xC00  }
0x765: {  	_ =	swait.ge [sflag:s19], $0x6000  }
0x766: {  	s31 =	sld [smem:$0x7C9]  }
0x767: {  	[sflag:s19] =	ssyncset.done $0x0  }
0x768: {  	[sflag:s19] =	ssyncadd.s32 $0xFFFFA000  }
0x769: {  	[hbm4b:s31+s2] =	stream.linear.scatter [tilespmem:s7], [sflag:$0x8], $0x6000, $0x38;
	[tilespmem:$0x18000] =	vst v63  }
0x76a: {  	_ =	swait.ge [sflag:s12], $0xC00  }
0x76b: {  	s31 =	sld [smem:$0x7CA]  }
0x76c: {  	[sflag:s12] =	ssyncset.done $0x0  }
0x76d: {  	[sflag:s12] =	ssyncadd.s32 $0xFFFFF400  }
0x76e: {  	[spmem:s10], [sflag:s1] =	dma.local [hbm:s31], $0xC00  }
0x76f: {  	_ =	swait.ge [sflag:s6], $0x6000  }
0x770: {  	s31 =	sld [smem:$0x7CB]  }
0x771: {  	[sflag:s6] =	ssyncset.done $0x0  }
0x772: {  	[sflag:s6] =	ssyncadd.s32 $0xFFFFA000  }
0x773: {  	[tilespmem:s7], [sflag:$0x6] =	stream.linear.gather [hbm4b:s31+s2], $0x6000, $0x38;
	[tilespmem:$0x18000] =	vst v63  }
0x774: {  	_ =	swait.ge [sflag:s23], $0xC00  }
0x775: {  	s31 =	sld [smem:$0x7CC]  }
0x776: {  	[sflag:s23] =	ssyncset.done $0x0  }
0x777: {  	[sflag:s23] =	ssyncadd.s32 $0xFFFFF400  }
0x778: {  	[hbm:s31], [sflag:s29] =	dma.local [spmem:s15], $0xC00  }
0x779: {  	_ =	swait.ge [sflag:s20], $0x6000  }
0x77a: {  	s31 =	sld [smem:$0x7CD]  }
0x77b: {  	[sflag:s20] =	ssyncset.done $0x0  }
0x77c: {  	[sflag:s20] =	ssyncadd.s32 $0xFFFFA000  }
0x77d: {  	[hbm4b:s31+s2] =	stream.linear.scatter [tilespmem:s13], [sflag:$0x7], $0x6000, $0x38;
	[tilespmem:$0x18000] =	vst v63  }
0x77e: {  	_ =	swait.ge [sflag:s8], $0xC00  }
0x77f: {  	s31 =	sld [smem:$0x7CE]  }
0x780: {  	[sflag:s8] =	ssyncset.done $0x0  }
0x781: {  	[sflag:s8] =	ssyncadd.s32 $0xFFFFF400  }
0x782: {  	[spmem:s15], [sflag:s16] =	dma.local [hbm:s31], $0xC00  }
0x783: {  	_ =	swait.ge [sflag:s4], $0x6000  }
0x784: {  	s31 =	sld [smem:$0x7CF]  }
0x785: {  	[sflag:s4] =	ssyncset.done $0x0  }
0x786: {  	[sflag:s4] =	ssyncadd.s32 $0xFFFFA000  }
0x787: {  	[tilespmem:s13], [sflag:$0x5] =	stream.linear.gather [hbm4b:s31+s2], $0x6000, $0x38;
	[tilespmem:$0x18000] =	vst v63  }
0x788: {  	_ =	swait.ge [sflag:s18], $0xC00  }
0x789: {  	s31 =	sld [smem:$0x7D0]  }
0x78a: {  	[sflag:s18] =	ssyncset.done $0x0  }
0x78b: {  	[sflag:s18] =	ssyncadd.s32 $0xFFFFF400  }
0x78c: {  	[hbm:s31], [sflag:s28] =	dma.local [spmem:s10], $0xC00  }
0x78d: {  	_ =	swait.ge [sflag:s19], $0x6000  }
0x78e: {  	s31 =	sld [smem:$0x7D1]  }
0x78f: {  	[sflag:s19] =	ssyncset.done $0x0  }
0x790: {  	[sflag:s19] =	ssyncadd.s32 $0xFFFFA000  }
0x791: {  	[hbm4b:s31+s2] =	stream.linear.scatter [tilespmem:s7], [sflag:$0x8], $0x6000, $0x38;
	[tilespmem:$0x18000] =	vst v63  }
0x792: {  	_ =	swait.ge [sflag:s12], $0xC00  }
0x793: {  	s31 =	sld [smem:$0x7D2]  }
0x794: {  	[sflag:s12] =	ssyncset.done $0x0  }
0x795: {  	[sflag:s12] =	ssyncadd.s32 $0xFFFFF400  }
0x796: {  	[spmem:s10], [sflag:s1] =	dma.local [hbm:s31], $0xC00  }
0x797: {  	_ =	swait.ge [sflag:s6], $0x6000  }
0x798: {  	s31 =	sld [smem:$0x7D3]  }
0x799: {  	[sflag:s6] =	ssyncset.done $0x0  }
0x79a: {  	[sflag:s6] =	ssyncadd.s32 $0xFFFFA000  }
0x79b: {  	[tilespmem:s7], [sflag:$0x6] =	stream.linear.gather [hbm4b:s31+s2], $0x6000, $0x38;
	[tilespmem:$0x18000] =	vst v63  }
0x79c: {  	_ =	swait.ge [sflag:s23], $0xC00  }
0x79d: {  	s31 =	sld [smem:$0x7D4]  }
0x79e: {  	[sflag:s23] =	ssyncset.done $0x0  }
0x79f: {  	[sflag:s23] =	ssyncadd.s32 $0xFFFFF400  }
0x7a0: {  	[hbm:s31], [sflag:s29] =	dma.local [spmem:s15], $0xC00  }
0x7a1: {  	_ =	swait.ge [sflag:s20], $0x6000  }
0x7a2: {  	s31 =	sld [smem:$0x7D5]  }
0x7a3: {  	[sflag:s20] =	ssyncset.done $0x0  }
0x7a4: {  	[sflag:s20] =	ssyncadd.s32 $0xFFFFA000  }
0x7a5: {  	[hbm4b:s31+s2] =	stream.linear.scatter [tilespmem:s13], [sflag:$0x7], $0x6000, $0x38;
	[tilespmem:$0x18000] =	vst v63  }
0x7a6: {  	_ =	swait.ge [sflag:s8], $0xC00  }
0x7a7: {  	s31 =	sld [smem:$0x7D6]  }
0x7a8: {  	[sflag:s8] =	ssyncset.done $0x0  }
0x7a9: {  	[sflag:s8] =	ssyncadd.s32 $0xFFFFF400  }
0x7aa: {  	[spmem:s15], [sflag:s16] =	dma.local [hbm:s31], $0xC00  }
0x7ab: {  	_ =	swait.ge [sflag:s4], $0x6000  }
0x7ac: {  	s31 =	sld [smem:$0x7D7]  }
0x7ad: {  	[sflag:s4] =	ssyncset.done $0x0  }
0x7ae: {  	[sflag:s4] =	ssyncadd.s32 $0xFFFFA000  }
0x7af: {  	[tilespmem:s13], [sflag:$0x5] =	stream.linear.gather [hbm4b:s31+s2], $0x6000, $0x38;
	[tilespmem:$0x18000] =	vst v63  }
0x7b0: {  	_ =	swait.ge [sflag:s18], $0xC00  }
0x7b1: {  	s31 =	sld [smem:$0x7D8]  }
0x7b2: {  	[sflag:s18] =	ssyncset.done $0x0  }
0x7b3: {  	[sflag:s18] =	ssyncadd.s32 $0xFFFFF400  }
0x7b4: {  	[hbm:s31], [sflag:s28] =	dma.local [spmem:s10], $0xC00  }
0x7b5: {  	_ =	swait.ge [sflag:s19], $0x6000  }
0x7b6: {  	s31 =	sld [smem:$0x7D9]  }
0x7b7: {  	[sflag:s19] =	ssyncset.done $0x0  }
0x7b8: {  	[sflag:s19] =	ssyncadd.s32 $0xFFFFA000  }
0x7b9: {  	[hbm4b:s31+s2] =	stream.linear.scatter [tilespmem:s7], [sflag:$0x8], $0x6000, $0x38;
	[tilespmem:$0x18000] =	vst v63  }
0x7ba: {  	_ =	swait.ge [sflag:s12], $0xC00  }
0x7bb: {  	s31 =	sld [smem:$0x7DA]  }
0x7bc: {  	[sflag:s12] =	ssyncset.done $0x0  }
0x7bd: {  	[sflag:s12] =	ssyncadd.s32 $0xFFFFF400  }
0x7be: {  	[spmem:s10], [sflag:s1] =	dma.local [hbm:s31], $0xC00  }
0x7bf: {  	_ =	swait.ge [sflag:s6], $0x6000  }
0x7c0: {  	s31 =	sld [smem:$0x7DB]  }
0x7c1: {  	[sflag:s6] =	ssyncset.done $0x0  }
0x7c2: {  	[sflag:s6] =	ssyncadd.s32 $0xFFFFA000  }
0x7c3: {  	[tilespmem:s7], [sflag:$0x6] =	stream.linear.gather [hbm4b:s31+s2], $0x6000, $0x38;
	[tilespmem:$0x18000] =	vst v63  }
0x7c4: {  	_ =	swait.ge [sflag:s23], $0xC00  }
0x7c5: {  	s31 =	sld [smem:$0x7DC]  }
0x7c6: {  	[sflag:s23] =	ssyncset.done $0x0  }
0x7c7: {  	[sflag:s23] =	ssyncadd.s32 $0xFFFFF400  }
0x7c8: {  	[hbm:s31], [sflag:s29] =	dma.local [spmem:s15], $0xC00  }
0x7c9: {  	_ =	swait.ge [sflag:s20], $0x6000  }
0x7ca: {  	s31 =	sld [smem:$0x7DD]  }
0x7cb: {  	[sflag:s20] =	ssyncset.done $0x0  }
0x7cc: {  	[sflag:s20] =	ssyncadd.s32 $0xFFFFA000  }
0x7cd: {  	[hbm4b:s31+s2] =	stream.linear.scatter [tilespmem:s13], [sflag:$0x7], $0x6000, $0x38;
	[tilespmem:$0x18000] =	vst v63  }
0x7ce: {  	_ =	swait.ge [sflag:s8], $0xC00  }
0x7cf: {  	s31 =	sld [smem:$0x7DE]  }
0x7d0: {  	[sflag:s8] =	ssyncset.done $0x0  }
0x7d1: {  	[sflag:s8] =	ssyncadd.s32 $0xFFFFF400  }
0x7d2: {  	[spmem:s15], [sflag:s16] =	dma.local [hbm:s31], $0xC00  }
0x7d3: {  	_ =	swait.ge [sflag:s4], $0x6000  }
0x7d4: {  	s31 =	sld [smem:$0x7DF]  }
0x7d5: {  	[sflag:s4] =	ssyncset.done $0x0  }
0x7d6: {  	[sflag:s4] =	ssyncadd.s32 $0xFFFFA000  }
0x7d7: {  	[tilespmem:s13], [sflag:$0x5] =	stream.linear.gather [hbm4b:s31+s2], $0x6000, $0x38;
	[tilespmem:$0x18000] =	vst v63  }
0x7d8: {  	_ =	swait.ge [sflag:s18], $0xC00  }
0x7d9: {  	s31 =	sld [smem:$0x7E0]  }
0x7da: {  	[sflag:s18] =	ssyncset.done $0x0  }
0x7db: {  	[sflag:s18] =	ssyncadd.s32 $0xFFFFF400  }
0x7dc: {  	[hbm:s31], [sflag:s28] =	dma.local [spmem:s10], $0xC00  }
0x7dd: {  	_ =	swait.ge [sflag:s19], $0x6000  }
0x7de: {  	s31 =	sld [smem:$0x7E1]  }
0x7df: {  	[sflag:s19] =	ssyncset.done $0x0  }
0x7e0: {  	[sflag:s19] =	ssyncadd.s32 $0xFFFFA000  }
0x7e1: {  	[hbm4b:s31+s2] =	stream.linear.scatter [tilespmem:s7], [sflag:$0x8], $0x6000, $0x38;
	[tilespmem:$0x18000] =	vst v63  }
0x7e2: {  	_ =	swait.ge [sflag:s12], $0xC00  }
0x7e3: {  	s31 =	sld [smem:$0x7E2]  }
0x7e4: {  	[sflag:s12] =	ssyncset.done $0x0  }
0x7e5: {  	[sflag:s12] =	ssyncadd.s32 $0xFFFFF400  }
0x7e6: {  	[spmem:s10], [sflag:s1] =	dma.local [hbm:s31], $0xC00  }
0x7e7: {  	_ =	swait.ge [sflag:s6], $0x6000  }
0x7e8: {  	s31 =	sld [smem:$0x7E3]  }
0x7e9: {  	[sflag:s6] =	ssyncset.done $0x0  }
0x7ea: {  	[sflag:s6] =	ssyncadd.s32 $0xFFFFA000  }
0x7eb: {  	[tilespmem:s7], [sflag:$0x6] =	stream.linear.gather [hbm4b:s31+s2], $0x6000, $0x38;
	[tilespmem:$0x18000] =	vst v63  }
0x7ec: {  	_ =	swait.ge [sflag:s23], $0xC00  }
0x7ed: {  	s31 =	sld [smem:$0x7E4]  }
0x7ee: {  	[sflag:s23] =	ssyncset.done $0x0  }
0x7ef: {  	[sflag:s23] =	ssyncadd.s32 $0xFFFFF400  }
0x7f0: {  	[hbm:s31], [sflag:s29] =	dma.local [spmem:s15], $0xC00  }
0x7f1: {  	_ =	swait.ge [sflag:s20], $0x6000  }
0x7f2: {  	s31 =	sld [smem:$0x7E5]  }
0x7f3: {  	[sflag:s20] =	ssyncset.done $0x0  }
0x7f4: {  	[sflag:s20] =	ssyncadd.s32 $0xFFFFA000  }
0x7f5: {  	[hbm4b:s31+s2] =	stream.linear.scatter [tilespmem:s13], [sflag:$0x7], $0x6000, $0x38;
	[tilespmem:$0x18000] =	vst v63  }
0x7f6: {  	_ =	swait.ge [sflag:s8], $0xC00  }
0x7f7: {  	s31 =	sld [smem:$0x7E6]  }
0x7f8: {  	[sflag:s8] =	ssyncset.done $0x0  }
0x7f9: {  	[sflag:s8] =	ssyncadd.s32 $0xFFFFF400  }
0x7fa: {  	[spmem:s15], [sflag:s16] =	dma.local [hbm:s31], $0xC00  }
0x7fb: {  	_ =	swait.ge [sflag:s4], $0x6000  }
0x7fc: {  	s31 =	sld [smem:$0x7E7]  }
0x7fd: {  	[sflag:s4] =	ssyncset.done $0x0  }
0x7fe: {  	[sflag:s4] =	ssyncadd.s32 $0xFFFFA000  }
0x7ff: {  	[tilespmem:s13], [sflag:$0x5] =	stream.linear.gather [hbm4b:s31+s2], $0x6000, $0x38;
	[tilespmem:$0x18000] =	vst v63  }
0x800: {  	_ =	swait.ge [sflag:s18], $0xC00  }
0x801: {  	s31 =	sld [smem:$0x7E8]  }
0x802: {  	[sflag:s18] =	ssyncset.done $0x0  }
0x803: {  	[sflag:s18] =	ssyncadd.s32 $0xFFFFF400  }
0x804: {  	[hbm:s31], [sflag:s28] =	dma.local [spmem:s10], $0xC00  }
0x805: {  	_ =	swait.ge [sflag:s19], $0x6000  }
0x806: {  	s31 =	sld [smem:$0x7E9]  }
0x807: {  	[sflag:s19] =	ssyncset.done $0x0  }
0x808: {  	[sflag:s19] =	ssyncadd.s32 $0xFFFFA000  }
0x809: {  	[hbm4b:s31+s2] =	stream.linear.scatter [tilespmem:s7], [sflag:$0x8], $0x6000, $0x38;
	[tilespmem:$0x18000] =	vst v63  }
0x80a: {  	_ =	swait.ge [sflag:s12], $0xC00  }
0x80b: {  	s31 =	sld [smem:$0x7EA]  }
0x80c: {  	[sflag:s12] =	ssyncset.done $0x0  }
0x80d: {  	[sflag:s12] =	ssyncadd.s32 $0xFFFFF400  }
0x80e: {  	[spmem:s10], [sflag:s1] =	dma.local [hbm:s31], $0xC00  }
0x80f: {  	_ =	swait.ge [sflag:s6], $0x6000  }
0x810: {  	s31 =	sld [smem:$0x7EB]  }
0x811: {  	[sflag:s6] =	ssyncset.done $0x0  }
0x812: {  	[sflag:s6] =	ssyncadd.s32 $0xFFFFA000  }
0x813: {  	[tilespmem:s7], [sflag:$0x6] =	stream.linear.gather [hbm4b:s31+s2], $0x6000, $0x38;
	[tilespmem:$0x18000] =	vst v63  }
0x814: {  	_ =	swait.ge [sflag:s23], $0xC00  }
0x815: {  	s31 =	sld [smem:$0x7EC]  }
0x816: {  	[sflag:s23] =	ssyncset.done $0x0  }
0x817: {  	[sflag:s23] =	ssyncadd.s32 $0xFFFFF400  }
0x818: {  	[hbm:s31], [sflag:s29] =	dma.local [spmem:s15], $0xC00  }
0x819: {  	_ =	swait.ge [sflag:s20], $0x6000  }
0x81a: {  	s31 =	sld [smem:$0x7ED]  }
0x81b: {  	[sflag:s20] =	ssyncset.done $0x0  }
0x81c: {  	[sflag:s20] =	ssyncadd.s32 $0xFFFFA000  }
0x81d: {  	[hbm4b:s31+s2] =	stream.linear.scatter [tilespmem:s13], [sflag:$0x7], $0x6000, $0x38;
	[tilespmem:$0x18000] =	vst v63  }
0x81e: {  	_ =	swait.ge [sflag:s8], $0xC00  }
0x81f: {  	s31 =	sld [smem:$0x7EE]  }
0x820: {  	[sflag:s8] =	ssyncset.done $0x0  }
0x821: {  	[sflag:s8] =	ssyncadd.s32 $0xFFFFF400  }
0x822: {  	[spmem:s15], [sflag:s16] =	dma.local [hbm:s31], $0xC00  }
0x823: {  	_ =	swait.ge [sflag:s4], $0x6000  }
0x824: {  	s31 =	sld [smem:$0x7EF]  }
0x825: {  	[sflag:s4] =	ssyncset.done $0x0  }
0x826: {  	[sflag:s4] =	ssyncadd.s32 $0xFFFFA000  }
0x827: {  	[tilespmem:s13], [sflag:$0x5] =	stream.linear.gather [hbm4b:s31+s2], $0x6000, $0x38;
	[tilespmem:$0x18000] =	vst v63  }
0x828: {  	_ =	swait.ge [sflag:s18], $0xC00  }
0x829: {  	s31 =	sld [smem:$0x7F0]  }
0x82a: {  	[sflag:s18] =	ssyncset.done $0x0  }
0x82b: {  	[sflag:s18] =	ssyncadd.s32 $0xFFFFF400  }
0x82c: {  	[hbm:s31], [sflag:s28] =	dma.local [spmem:s10], $0xC00  }
0x82d: {  	_ =	swait.ge [sflag:s19], $0x6000  }
0x82e: {  	s31 =	sld [smem:$0x7F1]  }
0x82f: {  	[sflag:s19] =	ssyncset.done $0x0  }
0x830: {  	[sflag:s19] =	ssyncadd.s32 $0xFFFFA000  }
0x831: {  	[hbm4b:s31+s2] =	stream.linear.scatter [tilespmem:s7], [sflag:$0x8], $0x6000, $0x38;
	[tilespmem:$0x18000] =	vst v63  }
0x832: {  	_ =	swait.ge [sflag:s12], $0xC00  }
0x833: {  	s31 =	sld [smem:$0x7F2]  }
0x834: {  	[sflag:s12] =	ssyncset.done $0x0  }
0x835: {  	[sflag:s12] =	ssyncadd.s32 $0xFFFFF400  }
0x836: {  	[spmem:s10], [sflag:s1] =	dma.local [hbm:s31], $0xC00  }
0x837: {  	_ =	swait.ge [sflag:s6], $0x6000  }
0x838: {  	s31 =	sld [smem:$0x7F3]  }
0x839: {  	[sflag:s6] =	ssyncset.done $0x0  }
0x83a: {  	[sflag:s6] =	ssyncadd.s32 $0xFFFFA000  }
0x83b: {  	[tilespmem:s7], [sflag:$0x6] =	stream.linear.gather [hbm4b:s31+s2], $0x6000, $0x38;
	[tilespmem:$0x18000] =	vst v63  }
0x83c: {  	_ =	swait.ge [sflag:s23], $0xC00  }
0x83d: {  	s31 =	sld [smem:$0x7F4]  }
0x83e: {  	[sflag:s23] =	ssyncset.done $0x0  }
0x83f: {  	[sflag:s23] =	ssyncadd.s32 $0xFFFFF400  }
0x840: {  	[hbm:s31], [sflag:s29] =	dma.local [spmem:s15], $0xC00  }
0x841: {  	_ =	swait.ge [sflag:s20], $0x6000  }
0x842: {  	s31 =	sld [smem:$0x7F5]  }
0x843: {  	[sflag:s20] =	ssyncset.done $0x0  }
0x844: {  	[sflag:s20] =	ssyncadd.s32 $0xFFFFA000  }
0x845: {  	[hbm4b:s31+s2] =	stream.linear.scatter [tilespmem:s13], [sflag:$0x7], $0x6000, $0x38;
	[tilespmem:$0x18000] =	vst v63  }
0x846: {  	_ =	swait.ge [sflag:s8], $0xC00  }
0x847: {  	s31 =	sld [smem:$0x7F6]  }
0x848: {  	[sflag:s8] =	ssyncset.done $0x0  }
0x849: {  	[sflag:s8] =	ssyncadd.s32 $0xFFFFF400  }
0x84a: {  	[spmem:s15], [sflag:s16] =	dma.local [hbm:s31], $0xC00  }
0x84b: {  	_ =	swait.ge [sflag:s4], $0x6000  }
0x84c: {  	s31 =	sld [smem:$0x7F7]  }
0x84d: {  	[sflag:s4] =	ssyncset.done $0x0  }
0x84e: {  	[sflag:s4] =	ssyncadd.s32 $0xFFFFA000  }
0x84f: {  	[tilespmem:s13], [sflag:$0x5] =	stream.linear.gather [hbm4b:s31+s2], $0x6000, $0x38;
	[tilespmem:$0x18000] =	vst v63  }
0x850: {  	_ =	swait.ge [sflag:s18], $0xC00  }
0x851: {  	s31 =	sld [smem:$0x7F8]  }
0x852: {  	[sflag:s18] =	ssyncset.done $0x0  }
0x853: {  	[sflag:s18] =	ssyncadd.s32 $0xFFFFF400  }
0x854: {  	[hbm:s31], [sflag:s28] =	dma.local [spmem:s10], $0xC00  }
0x855: {  	_ =	swait.ge [sflag:s19], $0x6000  }
0x856: {  	s31 =	sld [smem:$0x7F9]  }
0x857: {  	[sflag:s19] =	ssyncset.done $0x0  }
0x858: {  	[sflag:s19] =	ssyncadd.s32 $0xFFFFA000  }
0x859: {  	[hbm4b:s31+s2] =	stream.linear.scatter [tilespmem:s7], [sflag:$0x8], $0x6000, $0x38;
	[tilespmem:$0x18000] =	vst v63  }
0x85a: {  	_ =	swait.ge [sflag:s12], $0xC00  }
0x85b: {  	s31 =	sld [smem:$0x7FA]  }
0x85c: {  	[sflag:s12] =	ssyncset.done $0x0  }
0x85d: {  	[sflag:s12] =	ssyncadd.s32 $0xFFFFF400  }
0x85e: {  	[spmem:s10], [sflag:s1] =	dma.local [hbm:s31], $0xC00  }
0x85f: {  	_ =	swait.ge [sflag:s6], $0x6000  }
0x860: {  	s31 =	sld [smem:$0x7FB]  }
0x861: {  	[sflag:s6] =	ssyncset.done $0x0  }
0x862: {  	[sflag:s6] =	ssyncadd.s32 $0xFFFFA000  }
0x863: {  	[tilespmem:s7], [sflag:$0x6] =	stream.linear.gather [hbm4b:s31+s2], $0x6000, $0x38;
	[tilespmem:$0x18000] =	vst v63  }
0x864: {  	_ =	swait.ge [sflag:s23], $0xC00  }
0x865: {  	s31 =	sld [smem:$0x7FC]  }
0x866: {  	[sflag:s23] =	ssyncset.done $0x0  }
0x867: {  	[sflag:s23] =	ssyncadd.s32 $0xFFFFF400  }
0x868: {  	[hbm:s31], [sflag:s29] =	dma.local [spmem:s15], $0xC00  }
0x869: {  	_ =	swait.ge [sflag:s20], $0x6000  }
0x86a: {  	[sflag:s20] =	ssyncset.done $0x0  }
0x86b: {  	[sflag:s20] =	ssyncadd.s32 $0xFFFFA000  }
0x86c: {  	[hbm4b:s26+s2] =	stream.linear.scatter [tilespmem:s13], [sflag:$0x7], $0x6000, $0x38;
	[tilespmem:$0x18000] =	vst v63  }
0x86d: {  	_ =	swait.ge [sflag:s8], $0xC00  }
0x86e: {  	[sflag:s8] =	ssyncset.done $0x0  }
0x86f: {  	[sflag:s8] =	ssyncadd.s32 $0xFFFFF400  }
0x870: {  	[spmem:s15], [sflag:s16] =	dma.local [hbm:s25], $0xC00  }
0x871: {  	_ =	swait.ge [sflag:s4], $0x6000  }
0x872: {  	[sflag:s4] =	ssyncset.done $0x0  }
0x873: {  	[sflag:s4] =	ssyncadd.s32 $0xFFFFA000  }
0x874: {  	[tilespmem:s13], [sflag:$0x5] =	stream.linear.gather [hbm4b:s24+s2], $0x6000, $0x38;
	[tilespmem:$0x18000] =	vst v63  }
0x875: {  	_ =	swait.ge [sflag:s18], $0xC00  }
0x876: {  	[sflag:s18] =	ssyncset.done $0x0  }
0x877: {  	[sflag:s18] =	ssyncadd.s32 $0xFFFFF400  }
0x878: {  	[hbm:s22], [sflag:s28] =	dma.local [spmem:s10], $0xC00  }
0x879: {  	_ =	swait.ge [sflag:s19], $0x6000  }
0x87a: {  	[sflag:s19] =	ssyncset.done $0x0  }
0x87b: {  	[sflag:s19] =	ssyncadd.s32 $0xFFFFA000  }
0x87c: {  	[hbm4b:s21+s2] =	stream.linear.scatter [tilespmem:s7], [sflag:$0x8], $0x6000, $0x38;
	[tilespmem:$0x18000] =	vst v63  }
0x87d: {  	_ =	swait.ge [sflag:s12], $0xC00  }
0x87e: {  	[sflag:s12] =	ssyncset.done $0x0  }
0x87f: {  	[sflag:s12] =	ssyncadd.s32 $0xFFFFF400  }
0x880: {  	[spmem:s10], [sflag:s1] =	dma.local [hbm:s17], $0xC00  }
0x881: {  	_ =	swait.ge [sflag:s6], $0x6000  }
0x882: {  	[sflag:s6] =	ssyncset.done $0x0  }
0x883: {  	[sflag:s6] =	ssyncadd.s32 $0xFFFFA000  }
0x884: {  	[tilespmem:s7], [sflag:$0x6] =	stream.linear.gather [hbm4b:s14+s2], $0x6000, $0x38;
	[tilespmem:$0x18000] =	vst v63  }
0x885: {  	_ =	swait.ge [sflag:s23], $0xC00  }
0x886: {  	[sflag:s23] =	ssyncset.done $0x0  }
0x887: {  	[sflag:s23] =	ssyncadd.s32 $0xFFFFF400  }
0x888: {  	[hbm:s11], [sflag:s29] =	dma.local [spmem:s15], $0xC00  }
0x889: {  	_ =	swait.ge [sflag:s20], $0x6000  }
0x88a: {  	[sflag:s20] =	ssyncset.done $0x0  }
0x88b: {  	[sflag:s20] =	ssyncadd.s32 $0xFFFFA000  }
0x88c: {  	[hbm4b:s9+s2] =	stream.linear.scatter [tilespmem:s13], [sflag:$0x7], $0x6000, $0x38;
	[tilespmem:$0x18000] =	vst v63  }
0x88d: {  	_ =	swait.ge [sflag:s18], $0xC00  }
0x88e: {  	[sflag:s18] =	ssyncset.done $0x0  }
0x88f: {  	[sflag:s18] =	ssyncadd.s32 $0xFFFFF400  }
0x890: {  	[hbm:s5], [sflag:s28] =	dma.local [spmem:s10], $0xC00  }
0x891: {  	_ =	swait.ge [sflag:s19], $0x6000  }
0x892: {  	[sflag:s19] =	ssyncset.done $0x0  }
0x893: {  	[sflag:s19] =	ssyncadd.s32 $0xFFFFA000  }
0x894: {  	[hbm4b:s3+s2] =	stream.linear.scatter [tilespmem:s7], [sflag:$0x8], $0x6000, $0x38;
	[tilespmem:$0x18000] =	vst v63  }
0x895: {  	_ =	swait.ge [sflag:s8], $0xC00  }
0x896: {  	[sflag:s8] =	ssyncset.done $0x0  }
0x897: {  	[sflag:s8] =	ssyncadd.s32 $0xFFFFF400  }
0x898: {  	_ =	swait.ge [sflag:s12], $0xC00  }
0x899: {  	[sflag:s12] =	ssyncset.done $0x0  }
0x89a: {  	[sflag:s12] =	ssyncadd.s32 $0xFFFFF400  }
0x89b: {  	_ =	swait.ge [sflag:s4], $0x6000  }
0x89c: {  	[sflag:s4] =	ssyncset.done $0x0  }
0x89d: {  	[sflag:s4] =	ssyncadd.s32 $0xFFFFA000  }
0x89e: {  	_ =	swait.ge [sflag:s6], $0x6000  }
0x89f: {  	[sflag:s6] =	ssyncset.done $0x0  }
0x8a0: {  	[sflag:s6] =	ssyncadd.s32 $0xFFFFA000  }
0x8a1: {  	_ =	sfence.sel $0x180000  }
0x8a2: {  	[bflag:$0x0] =	sbarrier.arrive $0xFFFF  }
0x8a3: {  	_ =	strace $0x90000047  }
0x8a4: {  	[bflag:$0x2] =	sbarrier.arrive $0xFFFF  }
0x8a5: {  	p0 =	sne.s32 s30, $0x0;
	s0 =	rddreg [dreg:$0x4]  }
0x8a6: {  	s0 =	sadd.s32 @!p0 $0x100000, s0  }
0x8a7: {  	[sflag:s0] =	ssyncadd.tile.s32 @!p0 $0x1;
	_ =	shalt  }
.LBB2_2:
.Ltmp3:
0x8a8: {  	(pc) =	sbr.rel .LBB2_5-.Ltmp3, $2  }
0x8a9: {  	_ =	sdelay $0x2  }
0x8aa: {  	s30 =	stileid.u32  }
.Lfunc_end2:
_tile_overlayer_lowered:
.L_overlay_start_2:
0x8ab: {  	(tag) =	ssettag $0x2  }
0x8ac: {  	s0 =	rddreg [dreg:$0x0];
	s2 =	stileid.u32  }
0x8ad: {  	s1 =	rddreg [dreg:$0x1];
	p0 =	sne.s32 s2, $0x0  }
0x8ae: {  	s3 =	rddreg [dreg:$0x2];
	[bflag:$0x3] =	sbarrier.arrive $0xFFFF;
	s2 =	simm.s32 @!p0 $0x1C09  }
0x8af: {  	[timem:s3], [sflag:s2] =	dma.local @!p0 [hbm:s0], s1  }
0x8b0: {  	s0 =	simm.s32 @!p0 $0x9  }
0x8b1: {  	_ =	swait.ge @!p0 [sflag:s0], s1  }
0x8b2: {  	s1 =	ssub.s32 @!p0 $0x0, s1;
	[sflag:s0] =	ssyncset.done @!p0 $0x0  }
0x8b3: {  	[sflag:s0] =	ssyncadd.s32 @!p0 s1  }
0x8b4: {  	[bflag:$0x3] =	sbarrier.arrive $0xFFFF  }
0x8b5: {  	_ =	shalt  }

</sc_bundles>
